<compile_context>
chip_gen: v7x
topology: tpu7x:2x2x1
jax: 0.10.2.dev20260603
libtpu: 0.0.44.dev20260713+nightly
codegen_flags: <defaults>
</compile_context>

<pallas_src>
import functools

import jax
import jax.numpy as jnp
from jax import lax
from jax.experimental import pallas as pl
from jax.experimental.pallas import tpu as pltpu
from jax.experimental.pallas import tpu_sc as plsc

N = 10000
E = 160000
D = 256
STEPS = 5
ET = 4

HALF = 128
B = 128
NSUB = 16
NCORE = 2
NB = 80
E_PAD = NSUB * B * NB
NBUF = 2
ROWS_PER_SUB = 632
ACC_ROWS = 10008
OUT_PER_SUB = 624
OUT_TAIL = N - NSUB * OUT_PER_SUB
BN = 1000



def _transform_body(h_ref, w_ref, b_ref, out_ref):
    res = lax.dot_general(h_ref[...], w_ref[0],
                          (((1,), (1,)), ((), ())),
                          preferred_element_type=jnp.float32)
    res = res + b_ref[0]
    out_ref[0] = res[:, :HALF]
    out_ref[1] = res[:, HALF:]


def _transform(h, W_e, b_e):
    nblk = N // BN
    return pl.pallas_call(
        _transform_body,
        grid=(ET, nblk),
        in_specs=[
            pl.BlockSpec((BN, D), lambda e, i: (i, 0)),
            pl.BlockSpec((1, D, D), lambda e, i: (e, 0, 0)),
            pl.BlockSpec((1, 1, D), lambda e, i: (e, 0, 0)),
        ],
        out_specs=pl.BlockSpec((2, BN, HALF), lambda e, i: (0, e * nblk + i, 0)),
        out_shape=jax.ShapeDtypeStruct((2, ET * N, HALF), jnp.float32),
    )(h, W_e, b_e.reshape(ET, 1, D))



def _sc_body(table, gidx, dstv, zrows, out, idxb, dstb, rowsb, acc,
             gsem0, gsem1, dsem0, dsem1):
    c = lax.axis_index("c")
    s = lax.axis_index("s")
    gsems = (gsem0, gsem1)
    dsems = (dsem0, dsem1)

    icp = pltpu.async_copy(
        gidx.at[pl.ds((c * NSUB + s) * NB * B, NB * B)], idxb, gsem0)

    @pl.when(s < NSUB - 1)
    def _():
        pltpu.sync_copy(zrows, acc.at[pl.ds(s * ROWS_PER_SUB, ROWS_PER_SUB)])

    @pl.when(s == NSUB - 1)
    def _():
        tail = ACC_ROWS - (NSUB - 1) * ROWS_PER_SUB
        pltpu.sync_copy(zrows.at[pl.ds(0, tail)],
                        acc.at[pl.ds((NSUB - 1) * ROWS_PER_SUB, tail)])

    icp.wait()
    plsc.subcore_barrier()

    dbase = s * (NB * B)

    for j in range(NBUF):
        pltpu.async_copy(table.at[idxb.at[pl.ds(j * B, B)]], rowsb.at[j],
                         gsems[j])
        pltpu.async_copy(dstv.at[pl.ds(dbase + j * B, B)], dstb.at[j],
                         dsems[j])

    def body(i, carry):
        for j in range(NBUF):
            b = i * NBUF + j
            pltpu.make_async_copy(dstv.at[pl.ds(dbase + b * B, B)],
                                  dstb.at[j], dsems[j]).wait()
            pltpu.make_async_copy(table.at[idxb.at[pl.ds(b * B, B)]],
                                  rowsb.at[j], gsems[j]).wait()
            pltpu.sync_copy(rowsb.at[j], acc.at[dstb.at[j]], add=True)

            @pl.when(b + NBUF < NB)
            def _():
                pltpu.async_copy(table.at[idxb.at[pl.ds((b + NBUF) * B, B)]],
                                 rowsb.at[j], gsems[j])
                pltpu.async_copy(dstv.at[pl.ds(dbase + (b + NBUF) * B, B)],
                                 dstb.at[j], dsems[j])
        return carry

    lax.fori_loop(0, NB // NBUF, body, 0)
    plsc.subcore_barrier()

    pltpu.sync_copy(acc.at[pl.ds(s * OUT_PER_SUB, OUT_PER_SUB)],
                    out.at[pl.ds(c * N + s * OUT_PER_SUB, OUT_PER_SUB)])

    @pl.when(s == 0)
    def _():
        pltpu.sync_copy(acc.at[pl.ds(NSUB * OUT_PER_SUB, OUT_TAIL)],
                        out.at[pl.ds(c * N + NSUB * OUT_PER_SUB, OUT_TAIL)])


@functools.cache
def _sc_segsum():
    return pl.kernel(
        _sc_body,
        mesh=plsc.VectorSubcoreMesh(core_axis_name="c", subcore_axis_name="s"),
        out_type=jax.ShapeDtypeStruct((NCORE * N, HALF), jnp.float32),
        scratch_types=[
            pltpu.VMEM((NB * B,), jnp.int32),
            pltpu.VMEM((NBUF, B), jnp.int32),
            pltpu.VMEM((NBUF, B, HALF), jnp.float32),
            pltpu.VMEM_SHARED((ACC_ROWS, HALF), jnp.float32),
            pltpu.SemaphoreType.DMA,
            pltpu.SemaphoreType.DMA,
            pltpu.SemaphoreType.DMA,
            pltpu.SemaphoreType.DMA,
        ],
    )



def _gh_body(h_ref, whh_ref, bhh_ref, out_ref):
    dn = (((1,), (1,)), ((), ()))
    out_ref[...] = (lax.dot_general(h_ref[...], whh_ref[...], dn,
                                    preferred_element_type=jnp.float32)
                    + bhh_ref[0][None, :])


def _gh(h, W_hh, b_hh2):
    nblk = N // BN
    return pl.pallas_call(
        _gh_body,
        grid=(nblk,),
        in_specs=[
            pl.BlockSpec((BN, D), lambda i: (i, 0)),
            pl.BlockSpec((3 * D, D), lambda i: (0, 0)),
            pl.BlockSpec((1, 3 * D), lambda i: (0, 0)),
        ],
        out_specs=pl.BlockSpec((BN, 3 * D), lambda i: (i, 0)),
        out_shape=jax.ShapeDtypeStruct((N, 3 * D), jnp.float32),
    )(h, W_hh, b_hh2)


def _gru_body(a_ref, h_ref, gh_ref, wih_ref, bih_ref, out_ref):
    a0 = a_ref[0]
    a1 = a_ref[1]
    h = h_ref[...]
    dn = (((1,), (1,)), ((), ()))
    gi = (lax.dot_general(a0, wih_ref[:, :HALF], dn,
                          preferred_element_type=jnp.float32)
          + lax.dot_general(a1, wih_ref[:, HALF:], dn,
                            preferred_element_type=jnp.float32)
          + bih_ref[0][None, :])
    gh = gh_ref[...]
    r = jax.nn.sigmoid(gi[:, :D] + gh[:, :D])
    z = jax.nn.sigmoid(gi[:, D:2 * D] + gh[:, D:2 * D])
    n = jnp.tanh(gi[:, 2 * D:] + r * gh[:, 2 * D:])
    out_ref[...] = (1.0 - z) * n + z * h


def _gru(a2, h, gh, W_ih, b_ih2):
    nblk = N // BN
    return pl.pallas_call(
        _gru_body,
        grid=(nblk,),
        in_specs=[
            pl.BlockSpec((2, BN, HALF), lambda i: (0, i, 0)),
            pl.BlockSpec((BN, D), lambda i: (i, 0)),
            pl.BlockSpec((BN, 3 * D), lambda i: (i, 0)),
            pl.BlockSpec((3 * D, D), lambda i: (0, 0)),
            pl.BlockSpec((1, 3 * D), lambda i: (0, 0)),
        ],
        out_specs=pl.BlockSpec((BN, D), lambda i: (i, 0)),
        out_shape=jax.ShapeDtypeStruct((N, D), jnp.float32),
    )(a2, h, gh, W_ih, b_ih2)



def kernel(x, edge_index, etypes, W_e, b_e, W_ih, W_hh, b_ih, b_hh):
    src = edge_index[0]
    dst = edge_index[1]

    g = etypes * N + src
    pad = max(E_PAD - E, 0)
    g_p = jnp.concatenate([g, jnp.zeros((pad,), jnp.int32)])[:E_PAD]
    dst_p = jnp.concatenate([dst, jnp.full((pad,), N, jnp.int32)])[:E_PAD]
    gidx2 = jnp.concatenate([g_p, g_p + ET * N])
    zrows = jnp.zeros((ROWS_PER_SUB, HALF), jnp.float32)
    b_ih2 = b_ih.reshape(1, 3 * D)
    b_hh2 = b_hh.reshape(1, 3 * D)

    h = x
    for _ in range(STEPS):
        tbl = _transform(h, W_e, b_e).reshape(NCORE * ET * N, HALF)
        gh = _gh(h, W_hh, b_hh2)
        aout = _sc_segsum()(tbl, gidx2, dst_p, zrows)
        h = _gru(aout.reshape(NCORE, N, HALF), h, gh, W_ih, b_ih2)
    return h

# --- scband reference (transcript-rebuilt; emitter-appended) ---
"""Pipeline reference for scband-ggnn-40295383171533 (READ-ONLY COPY).

The authoritative reference and input builder live on the scoring server;
editing this copy changes nothing except your own understanding.
"""

import jax, jax.numpy as jnp
import numpy as np

N_NODES = 10000
N_EDGES = 160000
D = 256
N_STEPS = 5
N_ETYPES = 4


def setup_inputs(seed: int = 0) -> dict:
    key = jax.random.key(seed)
    ks = jax.random.split(key, 10)
    x = jax.random.normal(ks[0], (N_NODES, D), dtype=jnp.float32) * 0.1
    edge_index = jax.random.randint(ks[1], (2, N_EDGES), 0, N_NODES, dtype=jnp.int32)
    etypes = jax.random.randint(ks[2], (N_EDGES,), 0, N_ETYPES, dtype=jnp.int32)
    s = 1.0 / np.sqrt(D)
    W_e = jax.random.uniform(ks[3], (N_ETYPES, D, D), dtype=jnp.float32, minval=-s, maxval=s)
    b_e = jax.random.uniform(ks[4], (N_ETYPES, D), dtype=jnp.float32, minval=-s, maxval=s)
    W_ih = jax.random.uniform(ks[5], (3 * D, D), dtype=jnp.float32, minval=-s, maxval=s)
    W_hh = jax.random.uniform(ks[6], (3 * D, D), dtype=jnp.float32, minval=-s, maxval=s)
    b_ih = jax.random.uniform(ks[7], (3 * D,), dtype=jnp.float32, minval=-s, maxval=s)
    b_hh = jax.random.uniform(ks[8], (3 * D,), dtype=jnp.float32, minval=-s, maxval=s)
    return {"x": x, "edge_index": edge_index, "etypes": etypes,
            "W_e": W_e, "b_e": b_e, "W_ih": W_ih, "W_hh": W_hh,
            "b_ih": b_ih, "b_hh": b_hh}


def _gru_cell(a, h, W_ih, W_hh, b_ih, b_hh):
    gi = a @ W_ih.T + b_ih
    gh = h @ W_hh.T + b_hh
    i_r, i_z, i_n = jnp.split(gi, 3, axis=-1)
    h_r, h_z, h_n = jnp.split(gh, 3, axis=-1)
    r = jax.nn.sigmoid(i_r + h_r)
    z = jax.nn.sigmoid(i_z + h_z)
    n = jnp.tanh(i_n + r * h_n)
    return (1.0 - z) * n + z * h


def reference(x, edge_index, etypes, W_e, b_e, W_ih, W_hh, b_ih, b_hh):
    # GatedGraphConv (DGL semantics): per-etype linear on source feats,
    # sum-aggregate to dst, then GRUCell update; repeated n_steps times.
    # in_feats == out_feats so no zero-padding of h is needed.
    src = edge_index[0]
    dst = edge_index[1]
    h = x
    for _ in range(N_STEPS):
        # transformed[e, n, :] = h[n] @ W_e[e].T + b_e[e]  (torch Linear convention)
        transformed = jnp.einsum('nd,efd->enf', h, W_e) + b_e[:, None, :]
        m = transformed[etypes, src]  # [E, D] per-edge messages (gather)
        a = jax.ops.segment_sum(m, dst, num_segments=N_NODES)  # scatter-add
        h = _gru_cell(a, h, W_ih, W_hh, b_ih, b_hh)
    return h

if __name__ == "__main__":
    import jax
    _d = setup_inputs()
    print(jax.jit(kernel)(*tuple(_d.values())))

</pallas_src>

<mosaic_0001>
#map = affine_map<(d0, d1) -> (0, 0)>
#map1 = affine_map<(d0, d1) -> (0)>
module attributes {stable_mosaic.version = 14 : i64} {
  func.func @_sc_body(%arg0: i32, %arg1: i32, %arg2: memref<80000x128xf32, #tpu.memory_space<hbm>>, %arg3: memref<327680xi32, #tpu.memory_space<hbm>>, %arg4: memref<163840xi32, #tpu.memory_space<hbm>>, %arg5: memref<632x128xf32, #tpu.memory_space<hbm>>, %arg6: memref<20000x128xf32, #tpu.memory_space<hbm>>, %arg7: memref<10240xi32, #tpu.memory_space<vmem>>, %arg8: memref<2x128xi32, #tpu.memory_space<vmem>>, %arg9: memref<2x128x128xf32, #tpu.memory_space<vmem>>, %arg10: memref<10008x128xf32, #tpu.memory_space<vmem_shared>>, %arg11: memref<!tpu.dma_semaphore, #tpu.memory_space<semaphore_mem>>, %arg12: memref<!tpu.dma_semaphore, #tpu.memory_space<semaphore_mem>>, %arg13: memref<!tpu.dma_semaphore, #tpu.memory_space<semaphore_mem>>, %arg14: memref<!tpu.dma_semaphore, #tpu.memory_space<semaphore_mem>>) attributes {dimension_semantics = [#tpu.dimension_semantics<core_parallel>, #tpu.dimension_semantics<subcore_parallel>], iteration_bounds = array<i64: 2, 16>, scalar_prefetch = 0 : i64, scratch_operands = 8 : i64, tpu.core_type = #tpu.core_type<sc_vector_subcore>, window_params = [{transform_indices = #map}, {transform_indices = #map1}, {transform_indices = #map1}, {transform_indices = #map}, {transform_indices = #map}]} {
    %mul3A = arith.constant 16 : i32
    %mul3A_0 = arith.muli %arg0, %mul3A : i32
    %add3A = arith.addi %mul3A_0, %arg1 : i32
    %mul3A_1 = arith.constant 80 : i32
    %mul3A_2 = arith.muli %add3A, %mul3A_1 : i32
    %mul3A_3 = arith.constant 128 : i32
    %mul3A_4 = arith.muli %mul3A_2, %mul3A_3 : i32
    %dma_start3A = tpu.memref_slice %arg3[%mul3A_4] : memref<327680xi32, #tpu.memory_space<hbm>> -> memref<10240xi32, #tpu.memory_space<hbm>>
    %dma_start3A_5 = tpu.memref_slice %arg3[%mul3A_4] : memref<327680xi32, #tpu.memory_space<hbm>> -> memref<10240xi32, #tpu.memory_space<hbm>>
    tpu.enqueue_dma source(%dma_start3A_5 : memref<10240xi32, #tpu.memory_space<hbm>>) target(%arg7 : memref<10240xi32, #tpu.memory_space<vmem>>) target_semaphore(%arg11 : memref<!tpu.dma_semaphore, #tpu.memory_space<semaphore_mem>>)
    %lt3A = arith.constant 15 : i32
    %lt3A_6 = arith.cmpi slt, %arg1, %lt3A : i32
    %convert_element_type3A = arith.extui %lt3A_6 : i1 to i32
    %cond3A = arith.constant 0 : i32
    %cond3A_7 = arith.cmpi ne, %convert_element_type3A, %cond3A : i32
    scf.if %cond3A_7 {
      %mul3A_75 = arith.constant 632 : i32
      %mul3A_76 = arith.muli %arg1, %mul3A_75 : i32
      "tpu.region"() ({
        %run_scoped3A = tpu.sem_alloc : memref<!tpu.dma_semaphore, #tpu.memory_space<semaphore_mem>>
        %dma_start3A_77 = arith.constant 0 : i32
        %dma_start3A_78 = tpu.memref_slice %arg10[%mul3A_76, %dma_start3A_77] : memref<10008x128xf32, #tpu.memory_space<vmem_shared>> -> memref<632x128xf32, #tpu.memory_space<vmem_shared>>
        tpu.enqueue_dma source(%arg5 : memref<632x128xf32, #tpu.memory_space<hbm>>) target(%dma_start3A_78 : memref<632x128xf32, #tpu.memory_space<vmem_shared>>) target_semaphore(%run_scoped3A : memref<!tpu.dma_semaphore, #tpu.memory_space<semaphore_mem>>)
        %dma_wait3A_79 = arith.constant 0 : i32
        %dma_wait3A_80 = tpu.memref_slice %arg10[%mul3A_76, %dma_wait3A_79] : memref<10008x128xf32, #tpu.memory_space<vmem_shared>> -> memref<632x128xf32, #tpu.memory_space<vmem_shared>>
        tpu.wait_dma2 semaphore(%run_scoped3A : memref<!tpu.dma_semaphore, #tpu.memory_space<semaphore_mem>>) src(%arg5 : memref<632x128xf32, #tpu.memory_space<hbm>>) dst(%dma_wait3A_80 : memref<632x128xf32, #tpu.memory_space<vmem_shared>>)
        tpu.yield
      }) : () -> ()
    } else {
    }
    %eq3A = arith.constant 15 : i32
    %eq3A_8 = arith.cmpi eq, %arg1, %eq3A : i32
    %convert_element_type3A_9 = arith.extui %eq3A_8 : i1 to i32
    %cond3A_10 = arith.constant 0 : i32
    %cond3A_11 = arith.cmpi ne, %convert_element_type3A_9, %cond3A_10 : i32
    scf.if %cond3A_11 {
      "tpu.region"() ({
        %run_scoped3A = tpu.sem_alloc : memref<!tpu.dma_semaphore, #tpu.memory_space<semaphore_mem>>
        %dma_start3A_75 = arith.constant 9480 : i32
        %dma_start3A_76 = arith.constant 0 : i32
        %dma_start3A_77 = tpu.memref_slice %arg10[%dma_start3A_75, %dma_start3A_76] : memref<10008x128xf32, #tpu.memory_space<vmem_shared>> -> memref<528x128xf32, #tpu.memory_space<vmem_shared>>
        %dma_start3A_78 = arith.constant 0 : i32
        %dma_start3A_79 = arith.constant 0 : i32
        %dma_start3A_80 = tpu.memref_slice %arg5[%dma_start3A_78, %dma_start3A_79] : memref<632x128xf32, #tpu.memory_space<hbm>> -> memref<528x128xf32, #tpu.memory_space<hbm>>
        tpu.enqueue_dma source(%dma_start3A_80 : memref<528x128xf32, #tpu.memory_space<hbm>>) target(%dma_start3A_77 : memref<528x128xf32, #tpu.memory_space<vmem_shared>>) target_semaphore(%run_scoped3A : memref<!tpu.dma_semaphore, #tpu.memory_space<semaphore_mem>>)
        %dma_wait3A_81 = arith.constant 9480 : i32
        %dma_wait3A_82 = arith.constant 0 : i32
        %dma_wait3A_83 = tpu.memref_slice %arg10[%dma_wait3A_81, %dma_wait3A_82] : memref<10008x128xf32, #tpu.memory_space<vmem_shared>> -> memref<528x128xf32, #tpu.memory_space<vmem_shared>>
        %dma_wait3A_84 = arith.constant 0 : i32
        %dma_wait3A_85 = arith.constant 0 : i32
        %dma_wait3A_86 = tpu.memref_slice %arg5[%dma_wait3A_84, %dma_wait3A_85] : memref<632x128xf32, #tpu.memory_space<hbm>> -> memref<528x128xf32, #tpu.memory_space<hbm>>
        tpu.wait_dma2 semaphore(%run_scoped3A : memref<!tpu.dma_semaphore, #tpu.memory_space<semaphore_mem>>) src(%dma_wait3A_86 : memref<528x128xf32, #tpu.memory_space<hbm>>) dst(%dma_wait3A_83 : memref<528x128xf32, #tpu.memory_space<vmem_shared>>)
        tpu.yield
      }) : () -> ()
    } else {
    }
    %dma_wait3A = tpu.memref_slice %arg3[%mul3A_4] : memref<327680xi32, #tpu.memory_space<hbm>> -> memref<10240xi32, #tpu.memory_space<hbm>>
    %dma_wait3A_12 = tpu.memref_slice %arg3[%mul3A_4] : memref<327680xi32, #tpu.memory_space<hbm>> -> memref<10240xi32, #tpu.memory_space<hbm>>
    tpu.wait_dma2 semaphore(%arg11 : memref<!tpu.dma_semaphore, #tpu.memory_space<semaphore_mem>>) src(%dma_wait3A_12 : memref<10240xi32, #tpu.memory_space<hbm>>) dst(%arg7 : memref<10240xi32, #tpu.memory_space<vmem>>)
    %barrier3A = arith.constant 0 : index
    tpu.barrier barrier_id(%barrier3A)
    %mul3A_13 = arith.constant 10240 : i32
    %mul3A_14 = arith.muli %arg1, %mul3A_13 : i32
    %dma_start3A_15 = arith.constant 0 : i32
    %dma_start3A_16 = arith.constant 0 : i32
    %dma_start3A_17 = arith.constant 0 : i32
    %dma_start3A_18 = tpu.memref_slice %arg9[%dma_start3A_15, %dma_start3A_16, %dma_start3A_17] : memref<2x128x128xf32, #tpu.memory_space<vmem>> -> memref<1x128x128xf32, #tpu.memory_space<vmem>>
    %dma_start3A_19 = tpu.memref_squeeze %dma_start3A_18 : memref<1x128x128xf32, #tpu.memory_space<vmem>> -> memref<128x128xf32, #tpu.memory_space<vmem>>
    %dma_start3A_20 = arith.constant 0 : i32
    %dma_start3A_21 = tpu.memref_slice %arg7[%dma_start3A_20] : memref<10240xi32, #tpu.memory_space<vmem>> -> memref<128xi32, #tpu.memory_space<vmem>>
    %dma_start3A_22 = arith.constant 0 : i32
    %dma_start3A_23 = arith.constant 0 : i32
    %dma_start3A_24 = tpu.memref_slice %arg2[%dma_start3A_22, %dma_start3A_23] : memref<80000x128xf32, #tpu.memory_space<hbm>> -> memref<80000x128xf32, #tpu.memory_space<hbm>>
    tpu.enqueue_indirect_dma source(%dma_start3A_24 : memref<80000x128xf32, #tpu.memory_space<hbm>>) target(%dma_start3A_19 : memref<128x128xf32, #tpu.memory_space<vmem>>) offsets(%dma_start3A_21 : memref<128xi32, #tpu.memory_space<vmem>>) semaphore(%arg11 : memref<!tpu.dma_semaphore, #tpu.memory_space<semaphore_mem>>)
    %add3A_25 = arith.constant 0 : i32
    %add3A_26 = arith.addi %mul3A_14, %add3A_25 : i32
    %dma_start3A_27 = arith.constant 0 : i32
    %dma_start3A_28 = arith.constant 0 : i32
    %dma_start3A_29 = tpu.memref_slice %arg8[%dma_start3A_27, %dma_start3A_28] : memref<2x128xi32, #tpu.memory_space<vmem>> -> memref<1x128xi32, #tpu.memory_space<vmem>>
    %dma_start3A_30 = tpu.memref_squeeze %dma_start3A_29 : memref<1x128xi32, #tpu.memory_space<vmem>> -> memref<128xi32, #tpu.memory_space<vmem>>
    %dma_start3A_31 = tpu.memref_slice %arg4[%add3A_26] : memref<163840xi32, #tpu.memory_space<hbm>> -> memref<128xi32, #tpu.memory_space<hbm>>
    %dma_start3A_32 = arith.constant 0 : i32
    %dma_start3A_33 = tpu.memref_slice %arg8[%dma_start3A_27, %dma_start3A_32] : memref<2x128xi32, #tpu.memory_space<vmem>> -> memref<1x128xi32, #tpu.memory_space<vmem>>
    %dma_start3A_34 = tpu.memref_squeeze %dma_start3A_33 : memref<1x128xi32, #tpu.memory_space<vmem>> -> memref<128xi32, #tpu.memory_space<vmem>>
    %dma_start3A_35 = tpu.memref_slice %arg4[%add3A_26] : memref<163840xi32, #tpu.memory_space<hbm>> -> memref<128xi32, #tpu.memory_space<hbm>>
    tpu.enqueue_dma source(%dma_start3A_35 : memref<128xi32, #tpu.memory_space<hbm>>) target(%dma_start3A_34 : memref<128xi32, #tpu.memory_space<vmem>>) target_semaphore(%arg13 : memref<!tpu.dma_semaphore, #tpu.memory_space<semaphore_mem>>)
    %dma_start3A_36 = arith.constant 1 : i32
    %dma_start3A_37 = arith.constant 0 : i32
    %dma_start3A_38 = arith.constant 0 : i32
    %dma_start3A_39 = tpu.memref_slice %arg9[%dma_start3A_36, %dma_start3A_37, %dma_start3A_38] : memref<2x128x128xf32, #tpu.memory_space<vmem>> -> memref<1x128x128xf32, #tpu.memory_space<vmem>>
    %dma_start3A_40 = tpu.memref_squeeze %dma_start3A_39 : memref<1x128x128xf32, #tpu.memory_space<vmem>> -> memref<128x128xf32, #tpu.memory_space<vmem>>
    %dma_start3A_41 = arith.constant 128 : i32
    %dma_start3A_42 = tpu.memref_slice %arg7[%dma_start3A_41] : memref<10240xi32, #tpu.memory_space<vmem>> -> memref<128xi32, #tpu.memory_space<vmem>>
    %dma_start3A_43 = arith.constant 0 : i32
    %dma_start3A_44 = arith.constant 0 : i32
    %dma_start3A_45 = tpu.memref_slice %arg2[%dma_start3A_43, %dma_start3A_44] : memref<80000x128xf32, #tpu.memory_space<hbm>> -> memref<80000x128xf32, #tpu.memory_space<hbm>>
    tpu.enqueue_indirect_dma source(%dma_start3A_45 : memref<80000x128xf32, #tpu.memory_space<hbm>>) target(%dma_start3A_40 : memref<128x128xf32, #tpu.memory_space<vmem>>) offsets(%dma_start3A_42 : memref<128xi32, #tpu.memory_space<vmem>>) semaphore(%arg12 : memref<!tpu.dma_semaphore, #tpu.memory_space<semaphore_mem>>)
    %add3A_46 = arith.constant 128 : i32
    %add3A_47 = arith.addi %mul3A_14, %add3A_46 : i32
    %dma_start3A_48 = arith.constant 1 : i32
    %dma_start3A_49 = arith.constant 0 : i32
    %dma_start3A_50 = tpu.memref_slice %arg8[%dma_start3A_48, %dma_start3A_49] : memref<2x128xi32, #tpu.memory_space<vmem>> -> memref<1x128xi32, #tpu.memory_space<vmem>>
    %dma_start3A_51 = tpu.memref_squeeze %dma_start3A_50 : memref<1x128xi32, #tpu.memory_space<vmem>> -> memref<128xi32, #tpu.memory_space<vmem>>
    %dma_start3A_52 = tpu.memref_slice %arg4[%add3A_47] : memref<163840xi32, #tpu.memory_space<hbm>> -> memref<128xi32, #tpu.memory_space<hbm>>
    %dma_start3A_53 = arith.constant 0 : i32
    %dma_start3A_54 = tpu.memref_slice %arg8[%dma_start3A_48, %dma_start3A_53] : memref<2x128xi32, #tpu.memory_space<vmem>> -> memref<1x128xi32, #tpu.memory_space<vmem>>
    %dma_start3A_55 = tpu.memref_squeeze %dma_start3A_54 : memref<1x128xi32, #tpu.memory_space<vmem>> -> memref<128xi32, #tpu.memory_space<vmem>>
    %dma_start3A_56 = tpu.memref_slice %arg4[%add3A_47] : memref<163840xi32, #tpu.memory_space<hbm>> -> memref<128xi32, #tpu.memory_space<hbm>>
    tpu.enqueue_dma source(%dma_start3A_56 : memref<128xi32, #tpu.memory_space<hbm>>) target(%dma_start3A_55 : memref<128xi32, #tpu.memory_space<vmem>>) target_semaphore(%arg14 : memref<!tpu.dma_semaphore, #tpu.memory_space<semaphore_mem>>)
    %scan3A = arith.constant 0 : i32
    %scan3A_57 = arith.constant 0 : i32
    %scan3A_58 = arith.constant 40 : i32
    %scan3A_59 = arith.addi %scan3A_57, %scan3A_58 : i32
    %scan3A_60 = arith.constant 1 : i32
    scf.for %scan3A_75 = %scan3A_57 to %scan3A_59 step %scan3A_60  : i32 {
      %mul3A_76 = arith.constant 2 : i32
      %mul3A_77 = arith.muli %scan3A_75, %mul3A_76 : i32
      %add3A_78 = arith.constant 0 : i32
      %add3A_79 = arith.addi %mul3A_77, %add3A_78 : i32
      %mul3A_80 = arith.constant 128 : i32
      %mul3A_81 = arith.muli %add3A_79, %mul3A_80 : i32
      %add3A_82 = arith.addi %mul3A_14, %mul3A_81 : i32
      %dma_wait3A_83 = arith.constant 0 : i32
      %dma_wait3A_84 = arith.constant 0 : i32
      %dma_wait3A_85 = tpu.memref_slice %arg8[%dma_wait3A_83, %dma_wait3A_84] : memref<2x128xi32, #tpu.memory_space<vmem>> -> memref<1x128xi32, #tpu.memory_space<vmem>>
      %dma_wait3A_86 = tpu.memref_squeeze %dma_wait3A_85 : memref<1x128xi32, #tpu.memory_space<vmem>> -> memref<128xi32, #tpu.memory_space<vmem>>
      %dma_wait3A_87 = tpu.memref_slice %arg4[%add3A_82] : memref<163840xi32, #tpu.memory_space<hbm>> -> memref<128xi32, #tpu.memory_space<hbm>>
      %dma_wait3A_88 = arith.constant 0 : i32
      %dma_wait3A_89 = tpu.memref_slice %arg8[%dma_wait3A_83, %dma_wait3A_88] : memref<2x128xi32, #tpu.memory_space<vmem>> -> memref<1x128xi32, #tpu.memory_space<vmem>>
      %dma_wait3A_90 = tpu.memref_squeeze %dma_wait3A_89 : memref<1x128xi32, #tpu.memory_space<vmem>> -> memref<128xi32, #tpu.memory_space<vmem>>
      %dma_wait3A_91 = tpu.memref_slice %arg4[%add3A_82] : memref<163840xi32, #tpu.memory_space<hbm>> -> memref<128xi32, #tpu.memory_space<hbm>>
      tpu.wait_dma2 semaphore(%arg13 : memref<!tpu.dma_semaphore, #tpu.memory_space<semaphore_mem>>) src(%dma_wait3A_91 : memref<128xi32, #tpu.memory_space<hbm>>) dst(%dma_wait3A_90 : memref<128xi32, #tpu.memory_space<vmem>>)
      %mul3A_92 = arith.constant 128 : i32
      %mul3A_93 = arith.muli %add3A_79, %mul3A_92 : i32
      %dma_wait3A_94 = arith.constant 0 : i32
      %dma_wait3A_95 = arith.constant 0 : i32
      %dma_wait3A_96 = arith.constant 0 : i32
      %dma_wait3A_97 = tpu.memref_slice %arg9[%dma_wait3A_94, %dma_wait3A_95, %dma_wait3A_96] : memref<2x128x128xf32, #tpu.memory_space<vmem>> -> memref<1x128x128xf32, #tpu.memory_space<vmem>>
      %dma_wait3A_98 = tpu.memref_squeeze %dma_wait3A_97 : memref<1x128x128xf32, #tpu.memory_space<vmem>> -> memref<128x128xf32, #tpu.memory_space<vmem>>
      %dma_wait3A_99 = tpu.memref_slice %arg7[%mul3A_93] : memref<10240xi32, #tpu.memory_space<vmem>> -> memref<128xi32, #tpu.memory_space<vmem>>
      %dma_wait3A_100 = arith.constant 0 : i32
      %dma_wait3A_101 = arith.constant 0 : i32
      %dma_wait3A_102 = tpu.memref_slice %arg2[%dma_wait3A_100, %dma_wait3A_101] : memref<80000x128xf32, #tpu.memory_space<hbm>> -> memref<80000x128xf32, #tpu.memory_space<hbm>>
      tpu.wait_indirect_dma semaphore(%arg11 : memref<!tpu.dma_semaphore, #tpu.memory_space<semaphore_mem>>) src(%dma_wait3A_102 : memref<80000x128xf32, #tpu.memory_space<hbm>>) dst(%dma_wait3A_98 : memref<128x128xf32, #tpu.memory_space<vmem>>)
      %run_scoped3A = arith.constant 0 : i32
      %run_scoped3A_103 = arith.constant 0 : i32
      "tpu.region"() ({
        %run_scoped3A_147 = tpu.sem_alloc : memref<!tpu.dma_semaphore, #tpu.memory_space<semaphore_mem>>
        %dma_start3A_148 = arith.constant 0 : i32
        %dma_start3A_149 = arith.constant 0 : i32
        %dma_start3A_150 = tpu.memref_slice %arg9[%run_scoped3A, %dma_start3A_148, %dma_start3A_149] : memref<2x128x128xf32, #tpu.memory_space<vmem>> -> memref<1x128x128xf32, #tpu.memory_space<vmem>>
        %dma_start3A_151 = tpu.memref_squeeze %dma_start3A_150 : memref<1x128x128xf32, #tpu.memory_space<vmem>> -> memref<128x128xf32, #tpu.memory_space<vmem>>
        %dma_start3A_152 = arith.constant 0 : i32
        %dma_start3A_153 = tpu.memref_slice %arg8[%run_scoped3A_103, %dma_start3A_152] : memref<2x128xi32, #tpu.memory_space<vmem>> -> memref<1x128xi32, #tpu.memory_space<vmem>>
        %dma_start3A_154 = tpu.memref_squeeze %dma_start3A_153 : memref<1x128xi32, #tpu.memory_space<vmem>> -> memref<128xi32, #tpu.memory_space<vmem>>
        %dma_start3A_155 = arith.constant 0 : i32
        %dma_start3A_156 = arith.constant 0 : i32
        %dma_start3A_157 = tpu.memref_slice %arg10[%dma_start3A_155, %dma_start3A_156] : memref<10008x128xf32, #tpu.memory_space<vmem_shared>> -> memref<10008x128xf32, #tpu.memory_space<vmem_shared>>
        tpu.enqueue_indirect_dma source(%dma_start3A_151 : memref<128x128xf32, #tpu.memory_space<vmem>>) target(%dma_start3A_157 : memref<10008x128xf32, #tpu.memory_space<vmem_shared>>) offsets(%dma_start3A_154 : memref<128xi32, #tpu.memory_space<vmem>>) semaphore(%run_scoped3A_147 : memref<!tpu.dma_semaphore, #tpu.memory_space<semaphore_mem>>) {add = true}
        %dma_wait3A_158 = arith.constant 0 : i32
        %dma_wait3A_159 = arith.constant 0 : i32
        %dma_wait3A_160 = tpu.memref_slice %arg9[%run_scoped3A, %dma_wait3A_158, %dma_wait3A_159] : memref<2x128x128xf32, #tpu.memory_space<vmem>> -> memref<1x128x128xf32, #tpu.memory_space<vmem>>
        %dma_wait3A_161 = tpu.memref_squeeze %dma_wait3A_160 : memref<1x128x128xf32, #tpu.memory_space<vmem>> -> memref<128x128xf32, #tpu.memory_space<vmem>>
        %dma_wait3A_162 = arith.constant 0 : i32
        %dma_wait3A_163 = tpu.memref_slice %arg8[%run_scoped3A_103, %dma_wait3A_162] : memref<2x128xi32, #tpu.memory_space<vmem>> -> memref<1x128xi32, #tpu.memory_space<vmem>>
        %dma_wait3A_164 = tpu.memref_squeeze %dma_wait3A_163 : memref<1x128xi32, #tpu.memory_space<vmem>> -> memref<128xi32, #tpu.memory_space<vmem>>
        %dma_wait3A_165 = arith.constant 0 : i32
        %dma_wait3A_166 = arith.constant 0 : i32
        %dma_wait3A_167 = tpu.memref_slice %arg10[%dma_wait3A_165, %dma_wait3A_166] : memref<10008x128xf32, #tpu.memory_space<vmem_shared>> -> memref<10008x128xf32, #tpu.memory_space<vmem_shared>>
        tpu.wait_indirect_dma semaphore(%run_scoped3A_147 : memref<!tpu.dma_semaphore, #tpu.memory_space<semaphore_mem>>) src(%dma_wait3A_161 : memref<128x128xf32, #tpu.memory_space<vmem>>) dst(%dma_wait3A_167 : memref<10008x128xf32, #tpu.memory_space<vmem_shared>>)
        tpu.yield
      }) : () -> ()
      %add3A_104 = arith.constant 2 : i32
      %add3A_105 = arith.addi %add3A_79, %add3A_104 : i32
      %lt3A_106 = arith.constant 80 : i32
      %lt3A_107 = arith.cmpi slt, %add3A_105, %lt3A_106 : i32
      %convert_element_type3A_108 = arith.extui %lt3A_107 : i1 to i32
      %cond3A_109 = arith.constant 0 : i32
      %cond3A_110 = arith.cmpi ne, %convert_element_type3A_108, %cond3A_109 : i32
      scf.if %cond3A_110 {
        %add3A_147 = arith.constant 2 : i32
        %add3A_148 = arith.addi %add3A_79, %add3A_147 : i32
        %mul3A_149 = arith.constant 128 : i32
        %mul3A_150 = arith.muli %add3A_148, %mul3A_149 : i32
        %dma_start3A_151 = arith.constant 0 : i32
        %dma_start3A_152 = arith.constant 0 : i32
        %dma_start3A_153 = arith.constant 0 : i32
        %dma_start3A_154 = tpu.memref_slice %arg9[%dma_start3A_151, %dma_start3A_152, %dma_start3A_153] : memref<2x128x128xf32, #tpu.memory_space<vmem>> -> memref<1x128x128xf32, #tpu.memory_space<vmem>>
        %dma_start3A_155 = tpu.memref_squeeze %dma_start3A_154 : memref<1x128x128xf32, #tpu.memory_space<vmem>> -> memref<128x128xf32, #tpu.memory_space<vmem>>
        %dma_start3A_156 = tpu.memref_slice %arg7[%mul3A_150] : memref<10240xi32, #tpu.memory_space<vmem>> -> memref<128xi32, #tpu.memory_space<vmem>>
        %dma_start3A_157 = arith.constant 0 : i32
        %dma_start3A_158 = arith.constant 0 : i32
        %dma_start3A_159 = tpu.memref_slice %arg2[%dma_start3A_157, %dma_start3A_158] : memref<80000x128xf32, #tpu.memory_space<hbm>> -> memref<80000x128xf32, #tpu.memory_space<hbm>>
        tpu.enqueue_indirect_dma source(%dma_start3A_159 : memref<80000x128xf32, #tpu.memory_space<hbm>>) target(%dma_start3A_155 : memref<128x128xf32, #tpu.memory_space<vmem>>) offsets(%dma_start3A_156 : memref<128xi32, #tpu.memory_space<vmem>>) semaphore(%arg11 : memref<!tpu.dma_semaphore, #tpu.memory_space<semaphore_mem>>)
        %add3A_160 = arith.constant 2 : i32
        %add3A_161 = arith.addi %add3A_79, %add3A_160 : i32
        %mul3A_162 = arith.constant 128 : i32
        %mul3A_163 = arith.muli %add3A_161, %mul3A_162 : i32
        %add3A_164 = arith.addi %mul3A_14, %mul3A_163 : i32
        %dma_start3A_165 = arith.constant 0 : i32
        %dma_start3A_166 = arith.constant 0 : i32
        %dma_start3A_167 = tpu.memref_slice %arg8[%dma_start3A_165, %dma_start3A_166] : memref<2x128xi32, #tpu.memory_space<vmem>> -> memref<1x128xi32, #tpu.memory_space<vmem>>
        %dma_start3A_168 = tpu.memref_squeeze %dma_start3A_167 : memref<1x128xi32, #tpu.memory_space<vmem>> -> memref<128xi32, #tpu.memory_space<vmem>>
        %dma_start3A_169 = tpu.memref_slice %arg4[%add3A_164] : memref<163840xi32, #tpu.memory_space<hbm>> -> memref<128xi32, #tpu.memory_space<hbm>>
        %dma_start3A_170 = arith.constant 0 : i32
        %dma_start3A_171 = tpu.memref_slice %arg8[%dma_start3A_165, %dma_start3A_170] : memref<2x128xi32, #tpu.memory_space<vmem>> -> memref<1x128xi32, #tpu.memory_space<vmem>>
        %dma_start3A_172 = tpu.memref_squeeze %dma_start3A_171 : memref<1x128xi32, #tpu.memory_space<vmem>> -> memref<128xi32, #tpu.memory_space<vmem>>
        %dma_start3A_173 = tpu.memref_slice %arg4[%add3A_164] : memref<163840xi32, #tpu.memory_space<hbm>> -> memref<128xi32, #tpu.memory_space<hbm>>
        tpu.enqueue_dma source(%dma_start3A_173 : memref<128xi32, #tpu.memory_space<hbm>>) target(%dma_start3A_172 : memref<128xi32, #tpu.memory_space<vmem>>) target_semaphore(%arg13 : memref<!tpu.dma_semaphore, #tpu.memory_space<semaphore_mem>>)
      } else {
      }
      %mul3A_111 = arith.constant 2 : i32
      %mul3A_112 = arith.muli %scan3A_75, %mul3A_111 : i32
      %add3A_113 = arith.constant 1 : i32
      %add3A_114 = arith.addi %mul3A_112, %add3A_113 : i32
      %mul3A_115 = arith.constant 128 : i32
      %mul3A_116 = arith.muli %add3A_114, %mul3A_115 : i32
      %add3A_117 = arith.addi %mul3A_14, %mul3A_116 : i32
      %dma_wait3A_118 = arith.constant 1 : i32
      %dma_wait3A_119 = arith.constant 0 : i32
      %dma_wait3A_120 = tpu.memref_slice %arg8[%dma_wait3A_118, %dma_wait3A_119] : memref<2x128xi32, #tpu.memory_space<vmem>> -> memref<1x128xi32, #tpu.memory_space<vmem>>
      %dma_wait3A_121 = tpu.memref_squeeze %dma_wait3A_120 : memref<1x128xi32, #tpu.memory_space<vmem>> -> memref<128xi32, #tpu.memory_space<vmem>>
      %dma_wait3A_122 = tpu.memref_slice %arg4[%add3A_117] : memref<163840xi32, #tpu.memory_space<hbm>> -> memref<128xi32, #tpu.memory_space<hbm>>
      %dma_wait3A_123 = arith.constant 0 : i32
      %dma_wait3A_124 = tpu.memref_slice %arg8[%dma_wait3A_118, %dma_wait3A_123] : memref<2x128xi32, #tpu.memory_space<vmem>> -> memref<1x128xi32, #tpu.memory_space<vmem>>
      %dma_wait3A_125 = tpu.memref_squeeze %dma_wait3A_124 : memref<1x128xi32, #tpu.memory_space<vmem>> -> memref<128xi32, #tpu.memory_space<vmem>>
      %dma_wait3A_126 = tpu.memref_slice %arg4[%add3A_117] : memref<163840xi32, #tpu.memory_space<hbm>> -> memref<128xi32, #tpu.memory_space<hbm>>
      tpu.wait_dma2 semaphore(%arg14 : memref<!tpu.dma_semaphore, #tpu.memory_space<semaphore_mem>>) src(%dma_wait3A_126 : memref<128xi32, #tpu.memory_space<hbm>>) dst(%dma_wait3A_125 : memref<128xi32, #tpu.memory_space<vmem>>)
      %mul3A_127 = arith.constant 128 : i32
      %mul3A_128 = arith.muli %add3A_114, %mul3A_127 : i32
      %dma_wait3A_129 = arith.constant 1 : i32
      %dma_wait3A_130 = arith.constant 0 : i32
      %dma_wait3A_131 = arith.constant 0 : i32
      %dma_wait3A_132 = tpu.memref_slice %arg9[%dma_wait3A_129, %dma_wait3A_130, %dma_wait3A_131] : memref<2x128x128xf32, #tpu.memory_space<vmem>> -> memref<1x128x128xf32, #tpu.memory_space<vmem>>
      %dma_wait3A_133 = tpu.memref_squeeze %dma_wait3A_132 : memref<1x128x128xf32, #tpu.memory_space<vmem>> -> memref<128x128xf32, #tpu.memory_space<vmem>>
      %dma_wait3A_134 = tpu.memref_slice %arg7[%mul3A_128] : memref<10240xi32, #tpu.memory_space<vmem>> -> memref<128xi32, #tpu.memory_space<vmem>>
      %dma_wait3A_135 = arith.constant 0 : i32
      %dma_wait3A_136 = arith.constant 0 : i32
      %dma_wait3A_137 = tpu.memref_slice %arg2[%dma_wait3A_135, %dma_wait3A_136] : memref<80000x128xf32, #tpu.memory_space<hbm>> -> memref<80000x128xf32, #tpu.memory_space<hbm>>
      tpu.wait_indirect_dma semaphore(%arg12 : memref<!tpu.dma_semaphore, #tpu.memory_space<semaphore_mem>>) src(%dma_wait3A_137 : memref<80000x128xf32, #tpu.memory_space<hbm>>) dst(%dma_wait3A_133 : memref<128x128xf32, #tpu.memory_space<vmem>>)
      %run_scoped3A_138 = arith.constant 1 : i32
      %run_scoped3A_139 = arith.constant 1 : i32
      "tpu.region"() ({
        %run_scoped3A_147 = tpu.sem_alloc : memref<!tpu.dma_semaphore, #tpu.memory_space<semaphore_mem>>
        %dma_start3A_148 = arith.constant 0 : i32
        %dma_start3A_149 = arith.constant 0 : i32
        %dma_start3A_150 = tpu.memref_slice %arg9[%run_scoped3A_138, %dma_start3A_148, %dma_start3A_149] : memref<2x128x128xf32, #tpu.memory_space<vmem>> -> memref<1x128x128xf32, #tpu.memory_space<vmem>>
        %dma_start3A_151 = tpu.memref_squeeze %dma_start3A_150 : memref<1x128x128xf32, #tpu.memory_space<vmem>> -> memref<128x128xf32, #tpu.memory_space<vmem>>
        %dma_start3A_152 = arith.constant 0 : i32
        %dma_start3A_153 = tpu.memref_slice %arg8[%run_scoped3A_139, %dma_start3A_152] : memref<2x128xi32, #tpu.memory_space<vmem>> -> memref<1x128xi32, #tpu.memory_space<vmem>>
        %dma_start3A_154 = tpu.memref_squeeze %dma_start3A_153 : memref<1x128xi32, #tpu.memory_space<vmem>> -> memref<128xi32, #tpu.memory_space<vmem>>
        %dma_start3A_155 = arith.constant 0 : i32
        %dma_start3A_156 = arith.constant 0 : i32
        %dma_start3A_157 = tpu.memref_slice %arg10[%dma_start3A_155, %dma_start3A_156] : memref<10008x128xf32, #tpu.memory_space<vmem_shared>> -> memref<10008x128xf32, #tpu.memory_space<vmem_shared>>
        tpu.enqueue_indirect_dma source(%dma_start3A_151 : memref<128x128xf32, #tpu.memory_space<vmem>>) target(%dma_start3A_157 : memref<10008x128xf32, #tpu.memory_space<vmem_shared>>) offsets(%dma_start3A_154 : memref<128xi32, #tpu.memory_space<vmem>>) semaphore(%run_scoped3A_147 : memref<!tpu.dma_semaphore, #tpu.memory_space<semaphore_mem>>) {add = true}
        %dma_wait3A_158 = arith.constant 0 : i32
        %dma_wait3A_159 = arith.constant 0 : i32
        %dma_wait3A_160 = tpu.memref_slice %arg9[%run_scoped3A_138, %dma_wait3A_158, %dma_wait3A_159] : memref<2x128x128xf32, #tpu.memory_space<vmem>> -> memref<1x128x128xf32, #tpu.memory_space<vmem>>
        %dma_wait3A_161 = tpu.memref_squeeze %dma_wait3A_160 : memref<1x128x128xf32, #tpu.memory_space<vmem>> -> memref<128x128xf32, #tpu.memory_space<vmem>>
        %dma_wait3A_162 = arith.constant 0 : i32
        %dma_wait3A_163 = tpu.memref_slice %arg8[%run_scoped3A_139, %dma_wait3A_162] : memref<2x128xi32, #tpu.memory_space<vmem>> -> memref<1x128xi32, #tpu.memory_space<vmem>>
        %dma_wait3A_164 = tpu.memref_squeeze %dma_wait3A_163 : memref<1x128xi32, #tpu.memory_space<vmem>> -> memref<128xi32, #tpu.memory_space<vmem>>
        %dma_wait3A_165 = arith.constant 0 : i32
        %dma_wait3A_166 = arith.constant 0 : i32
        %dma_wait3A_167 = tpu.memref_slice %arg10[%dma_wait3A_165, %dma_wait3A_166] : memref<10008x128xf32, #tpu.memory_space<vmem_shared>> -> memref<10008x128xf32, #tpu.memory_space<vmem_shared>>
        tpu.wait_indirect_dma semaphore(%run_scoped3A_147 : memref<!tpu.dma_semaphore, #tpu.memory_space<semaphore_mem>>) src(%dma_wait3A_161 : memref<128x128xf32, #tpu.memory_space<vmem>>) dst(%dma_wait3A_167 : memref<10008x128xf32, #tpu.memory_space<vmem_shared>>)
        tpu.yield
      }) : () -> ()
      %add3A_140 = arith.constant 2 : i32
      %add3A_141 = arith.addi %add3A_114, %add3A_140 : i32
      %lt3A_142 = arith.constant 80 : i32
      %lt3A_143 = arith.cmpi slt, %add3A_141, %lt3A_142 : i32
      %convert_element_type3A_144 = arith.extui %lt3A_143 : i1 to i32
      %cond3A_145 = arith.constant 0 : i32
      %cond3A_146 = arith.cmpi ne, %convert_element_type3A_144, %cond3A_145 : i32
      scf.if %cond3A_146 {
        %add3A_147 = arith.constant 2 : i32
        %add3A_148 = arith.addi %add3A_114, %add3A_147 : i32
        %mul3A_149 = arith.constant 128 : i32
        %mul3A_150 = arith.muli %add3A_148, %mul3A_149 : i32
        %dma_start3A_151 = arith.constant 1 : i32
        %dma_start3A_152 = arith.constant 0 : i32
        %dma_start3A_153 = arith.constant 0 : i32
        %dma_start3A_154 = tpu.memref_slice %arg9[%dma_start3A_151, %dma_start3A_152, %dma_start3A_153] : memref<2x128x128xf32, #tpu.memory_space<vmem>> -> memref<1x128x128xf32, #tpu.memory_space<vmem>>
        %dma_start3A_155 = tpu.memref_squeeze %dma_start3A_154 : memref<1x128x128xf32, #tpu.memory_space<vmem>> -> memref<128x128xf32, #tpu.memory_space<vmem>>
        %dma_start3A_156 = tpu.memref_slice %arg7[%mul3A_150] : memref<10240xi32, #tpu.memory_space<vmem>> -> memref<128xi32, #tpu.memory_space<vmem>>
        %dma_start3A_157 = arith.constant 0 : i32
        %dma_start3A_158 = arith.constant 0 : i32
        %dma_start3A_159 = tpu.memref_slice %arg2[%dma_start3A_157, %dma_start3A_158] : memref<80000x128xf32, #tpu.memory_space<hbm>> -> memref<80000x128xf32, #tpu.memory_space<hbm>>
        tpu.enqueue_indirect_dma source(%dma_start3A_159 : memref<80000x128xf32, #tpu.memory_space<hbm>>) target(%dma_start3A_155 : memref<128x128xf32, #tpu.memory_space<vmem>>) offsets(%dma_start3A_156 : memref<128xi32, #tpu.memory_space<vmem>>) semaphore(%arg12 : memref<!tpu.dma_semaphore, #tpu.memory_space<semaphore_mem>>)
        %add3A_160 = arith.constant 2 : i32
        %add3A_161 = arith.addi %add3A_114, %add3A_160 : i32
        %mul3A_162 = arith.constant 128 : i32
        %mul3A_163 = arith.muli %add3A_161, %mul3A_162 : i32
        %add3A_164 = arith.addi %mul3A_14, %mul3A_163 : i32
        %dma_start3A_165 = arith.constant 1 : i32
        %dma_start3A_166 = arith.constant 0 : i32
        %dma_start3A_167 = tpu.memref_slice %arg8[%dma_start3A_165, %dma_start3A_166] : memref<2x128xi32, #tpu.memory_space<vmem>> -> memref<1x128xi32, #tpu.memory_space<vmem>>
        %dma_start3A_168 = tpu.memref_squeeze %dma_start3A_167 : memref<1x128xi32, #tpu.memory_space<vmem>> -> memref<128xi32, #tpu.memory_space<vmem>>
        %dma_start3A_169 = tpu.memref_slice %arg4[%add3A_164] : memref<163840xi32, #tpu.memory_space<hbm>> -> memref<128xi32, #tpu.memory_space<hbm>>
        %dma_start3A_170 = arith.constant 0 : i32
        %dma_start3A_171 = tpu.memref_slice %arg8[%dma_start3A_165, %dma_start3A_170] : memref<2x128xi32, #tpu.memory_space<vmem>> -> memref<1x128xi32, #tpu.memory_space<vmem>>
        %dma_start3A_172 = tpu.memref_squeeze %dma_start3A_171 : memref<1x128xi32, #tpu.memory_space<vmem>> -> memref<128xi32, #tpu.memory_space<vmem>>
        %dma_start3A_173 = tpu.memref_slice %arg4[%add3A_164] : memref<163840xi32, #tpu.memory_space<hbm>> -> memref<128xi32, #tpu.memory_space<hbm>>
        tpu.enqueue_dma source(%dma_start3A_173 : memref<128xi32, #tpu.memory_space<hbm>>) target(%dma_start3A_172 : memref<128xi32, #tpu.memory_space<vmem>>) target_semaphore(%arg14 : memref<!tpu.dma_semaphore, #tpu.memory_space<semaphore_mem>>)
      } else {
      }
    }
    %scan3A_61 = arith.constant 40 : i32
    %barrier3A_62 = arith.constant 0 : index
    tpu.barrier barrier_id(%barrier3A_62)
    %mul3A_63 = arith.constant 624 : i32
    %mul3A_64 = arith.muli %arg1, %mul3A_63 : i32
    %mul3A_65 = arith.constant 10000 : i32
    %mul3A_66 = arith.muli %arg0, %mul3A_65 : i32
    %mul3A_67 = arith.constant 624 : i32
    %mul3A_68 = arith.muli %arg1, %mul3A_67 : i32
    %add3A_69 = arith.addi %mul3A_66, %mul3A_68 : i32
    "tpu.region"() ({
      %run_scoped3A = tpu.sem_alloc : memref<!tpu.dma_semaphore, #tpu.memory_space<semaphore_mem>>
      %dma_start3A_75 = arith.constant 0 : i32
      %dma_start3A_76 = tpu.memref_slice %arg6[%add3A_69, %dma_start3A_75] : memref<20000x128xf32, #tpu.memory_space<hbm>> -> memref<624x128xf32, #tpu.memory_space<hbm>>
      %dma_start3A_77 = arith.constant 0 : i32
      %dma_start3A_78 = tpu.memref_slice %arg10[%mul3A_64, %dma_start3A_77] : memref<10008x128xf32, #tpu.memory_space<vmem_shared>> -> memref<624x128xf32, #tpu.memory_space<vmem_shared>>
      tpu.enqueue_dma source(%dma_start3A_78 : memref<624x128xf32, #tpu.memory_space<vmem_shared>>) target(%dma_start3A_76 : memref<624x128xf32, #tpu.memory_space<hbm>>) target_semaphore(%run_scoped3A : memref<!tpu.dma_semaphore, #tpu.memory_space<semaphore_mem>>)
      %dma_wait3A_79 = arith.constant 0 : i32
      %dma_wait3A_80 = tpu.memref_slice %arg6[%add3A_69, %dma_wait3A_79] : memref<20000x128xf32, #tpu.memory_space<hbm>> -> memref<624x128xf32, #tpu.memory_space<hbm>>
      %dma_wait3A_81 = arith.constant 0 : i32
      %dma_wait3A_82 = tpu.memref_slice %arg10[%mul3A_64, %dma_wait3A_81] : memref<10008x128xf32, #tpu.memory_space<vmem_shared>> -> memref<624x128xf32, #tpu.memory_space<vmem_shared>>
      tpu.wait_dma2 semaphore(%run_scoped3A : memref<!tpu.dma_semaphore, #tpu.memory_space<semaphore_mem>>) src(%dma_wait3A_82 : memref<624x128xf32, #tpu.memory_space<vmem_shared>>) dst(%dma_wait3A_80 : memref<624x128xf32, #tpu.memory_space<hbm>>)
      tpu.yield
    }) : () -> ()
    %eq3A_70 = arith.constant 0 : i32
    %eq3A_71 = arith.cmpi eq, %arg1, %eq3A_70 : i32
    %convert_element_type3A_72 = arith.extui %eq3A_71 : i1 to i32
    %cond3A_73 = arith.constant 0 : i32
    %cond3A_74 = arith.cmpi ne, %convert_element_type3A_72, %cond3A_73 : i32
    scf.if %cond3A_74 {
      %mul3A_75 = arith.constant 10000 : i32
      %mul3A_76 = arith.muli %arg0, %mul3A_75 : i32
      %add3A_77 = arith.constant 9984 : i32
      %add3A_78 = arith.addi %mul3A_76, %add3A_77 : i32
      "tpu.region"() ({
        %run_scoped3A = tpu.sem_alloc : memref<!tpu.dma_semaphore, #tpu.memory_space<semaphore_mem>>
        %dma_start3A_79 = arith.constant 0 : i32
        %dma_start3A_80 = tpu.memref_slice %arg6[%add3A_78, %dma_start3A_79] : memref<20000x128xf32, #tpu.memory_space<hbm>> -> memref<16x128xf32, #tpu.memory_space<hbm>>
        %dma_start3A_81 = arith.constant 9984 : i32
        %dma_start3A_82 = arith.constant 0 : i32
        %dma_start3A_83 = tpu.memref_slice %arg10[%dma_start3A_81, %dma_start3A_82] : memref<10008x128xf32, #tpu.memory_space<vmem_shared>> -> memref<16x128xf32, #tpu.memory_space<vmem_shared>>
        tpu.enqueue_dma source(%dma_start3A_83 : memref<16x128xf32, #tpu.memory_space<vmem_shared>>) target(%dma_start3A_80 : memref<16x128xf32, #tpu.memory_space<hbm>>) target_semaphore(%run_scoped3A : memref<!tpu.dma_semaphore, #tpu.memory_space<semaphore_mem>>)
        %dma_wait3A_84 = arith.constant 0 : i32
        %dma_wait3A_85 = tpu.memref_slice %arg6[%add3A_78, %dma_wait3A_84] : memref<20000x128xf32, #tpu.memory_space<hbm>> -> memref<16x128xf32, #tpu.memory_space<hbm>>
        %dma_wait3A_86 = arith.constant 9984 : i32
        %dma_wait3A_87 = arith.constant 0 : i32
        %dma_wait3A_88 = tpu.memref_slice %arg10[%dma_wait3A_86, %dma_wait3A_87] : memref<10008x128xf32, #tpu.memory_space<vmem_shared>> -> memref<16x128xf32, #tpu.memory_space<vmem_shared>>
        tpu.wait_dma2 semaphore(%run_scoped3A : memref<!tpu.dma_semaphore, #tpu.memory_space<semaphore_mem>>) src(%dma_wait3A_88 : memref<16x128xf32, #tpu.memory_space<vmem_shared>>) dst(%dma_wait3A_85 : memref<16x128xf32, #tpu.memory_space<hbm>>)
        tpu.yield
      }) : () -> ()
    } else {
    }
    return
  }
}

#map = affine_map<(d0, d1) -> (0, 0)>
#map1 = affine_map<(d0, d1) -> (0)>
module attributes {stable_mosaic.version = 14 : i64} {
  func.func @_sc_body(%arg0: i32, %arg1: i32, %arg2: memref<80000x128xf32, #tpu.memory_space<hbm>>, %arg3: memref<327680xi32, #tpu.memory_space<hbm>>, %arg4: memref<163840xi32, #tpu.memory_space<hbm>>, %arg5: memref<632x128xf32, #tpu.memory_space<hbm>>, %arg6: memref<20000x128xf32, #tpu.memory_space<hbm>>, %arg7: memref<10240xi32, #tpu.memory_space<vmem>>, %arg8: memref<2x128xi32, #tpu.memory_space<vmem>>, %arg9: memref<2x128x128xf32, #tpu.memory_space<vmem>>, %arg10: memref<10008x128xf32, #tpu.memory_space<vmem_shared>>, %arg11: memref<!tpu.dma_semaphore, #tpu.memory_space<semaphore_mem>>, %arg12: memref<!tpu.dma_semaphore, #tpu.memory_space<semaphore_mem>>, %arg13: memref<!tpu.dma_semaphore, #tpu.memory_space<semaphore_mem>>, %arg14: memref<!tpu.dma_semaphore, #tpu.memory_space<semaphore_mem>>) attributes {dimension_semantics = [#tpu.dimension_semantics<core_parallel>, #tpu.dimension_semantics<subcore_parallel>], iteration_bounds = array<i64: 2, 16>, scalar_prefetch = 0 : i64, scratch_operands = 8 : i64, tpu.core_type = #tpu.core_type<sc_vector_subcore>, window_params = [{transform_indices = #map}, {transform_indices = #map1}, {transform_indices = #map1}, {transform_indices = #map}, {transform_indices = #map}]} {
    %mul3A = arith.constant 16 : i32
    %mul3A_0 = arith.muli %arg0, %mul3A : i32
    %add3A = arith.addi %mul3A_0, %arg1 : i32
    %mul3A_1 = arith.constant 80 : i32
    %mul3A_2 = arith.muli %add3A, %mul3A_1 : i32
    %mul3A_3 = arith.constant 128 : i32
    %mul3A_4 = arith.muli %mul3A_2, %mul3A_3 : i32
    %dma_start3A = tpu.memref_slice %arg3[%mul3A_4] : memref<327680xi32, #tpu.memory_space<hbm>> -> memref<10240xi32, #tpu.memory_space<hbm>>
    %dma_start3A_5 = tpu.memref_slice %arg3[%mul3A_4] : memref<327680xi32, #tpu.memory_space<hbm>> -> memref<10240xi32, #tpu.memory_space<hbm>>
    tpu.enqueue_dma source(%dma_start3A_5 : memref<10240xi32, #tpu.memory_space<hbm>>) target(%arg7 : memref<10240xi32, #tpu.memory_space<vmem>>) target_semaphore(%arg11 : memref<!tpu.dma_semaphore, #tpu.memory_space<semaphore_mem>>)
    %lt3A = arith.constant 15 : i32
    %lt3A_6 = arith.cmpi slt, %arg1, %lt3A : i32
    %convert_element_type3A = arith.extui %lt3A_6 : i1 to i32
    %cond3A = arith.constant 0 : i32
    %cond3A_7 = arith.cmpi ne, %convert_element_type3A, %cond3A : i32
    scf.if %cond3A_7 {
      %mul3A_75 = arith.constant 632 : i32
      %mul3A_76 = arith.muli %arg1, %mul3A_75 : i32
      "tpu.region"() ({
        %run_scoped3A = tpu.sem_alloc : memref<!tpu.dma_semaphore, #tpu.memory_space<semaphore_mem>>
        %dma_start3A_77 = arith.constant 0 : i32
        %dma_start3A_78 = tpu.memref_slice %arg10[%mul3A_76, %dma_start3A_77] : memref<10008x128xf32, #tpu.memory_space<vmem_shared>> -> memref<632x128xf32, #tpu.memory_space<vmem_shared>>
        tpu.enqueue_dma source(%arg5 : memref<632x128xf32, #tpu.memory_space<hbm>>) target(%dma_start3A_78 : memref<632x128xf32, #tpu.memory_space<vmem_shared>>) target_semaphore(%run_scoped3A : memref<!tpu.dma_semaphore, #tpu.memory_space<semaphore_mem>>)
        %dma_wait3A_79 = arith.constant 0 : i32
        %dma_wait3A_80 = tpu.memref_slice %arg10[%mul3A_76, %dma_wait3A_79] : memref<10008x128xf32, #tpu.memory_space<vmem_shared>> -> memref<632x128xf32, #tpu.memory_space<vmem_shared>>
        tpu.wait_dma2 semaphore(%run_scoped3A : memref<!tpu.dma_semaphore, #tpu.memory_space<semaphore_mem>>) src(%arg5 : memref<632x128xf32, #tpu.memory_space<hbm>>) dst(%dma_wait3A_80 : memref<632x128xf32, #tpu.memory_space<vmem_shared>>)
        tpu.yield
      }) : () -> ()
    } else {
    }
    %eq3A = arith.constant 15 : i32
    %eq3A_8 = arith.cmpi eq, %arg1, %eq3A : i32
    %convert_element_type3A_9 = arith.extui %eq3A_8 : i1 to i32
    %cond3A_10 = arith.constant 0 : i32
    %cond3A_11 = arith.cmpi ne, %convert_element_type3A_9, %cond3A_10 : i32
    scf.if %cond3A_11 {
      "tpu.region"() ({
        %run_scoped3A = tpu.sem_alloc : memref<!tpu.dma_semaphore, #tpu.memory_space<semaphore_mem>>
        %dma_start3A_75 = arith.constant 9480 : i32
        %dma_start3A_76 = arith.constant 0 : i32
        %dma_start3A_77 = tpu.memref_slice %arg10[%dma_start3A_75, %dma_start3A_76] : memref<10008x128xf32, #tpu.memory_space<vmem_shared>> -> memref<528x128xf32, #tpu.memory_space<vmem_shared>>
        %dma_start3A_78 = arith.constant 0 : i32
        %dma_start3A_79 = arith.constant 0 : i32
        %dma_start3A_80 = tpu.memref_slice %arg5[%dma_start3A_78, %dma_start3A_79] : memref<632x128xf32, #tpu.memory_space<hbm>> -> memref<528x128xf32, #tpu.memory_space<hbm>>
        tpu.enqueue_dma source(%dma_start3A_80 : memref<528x128xf32, #tpu.memory_space<hbm>>) target(%dma_start3A_77 : memref<528x128xf32, #tpu.memory_space<vmem_shared>>) target_semaphore(%run_scoped3A : memref<!tpu.dma_semaphore, #tpu.memory_space<semaphore_mem>>)
        %dma_wait3A_81 = arith.constant 9480 : i32
        %dma_wait3A_82 = arith.constant 0 : i32
        %dma_wait3A_83 = tpu.memref_slice %arg10[%dma_wait3A_81, %dma_wait3A_82] : memref<10008x128xf32, #tpu.memory_space<vmem_shared>> -> memref<528x128xf32, #tpu.memory_space<vmem_shared>>
        %dma_wait3A_84 = arith.constant 0 : i32
        %dma_wait3A_85 = arith.constant 0 : i32
        %dma_wait3A_86 = tpu.memref_slice %arg5[%dma_wait3A_84, %dma_wait3A_85] : memref<632x128xf32, #tpu.memory_space<hbm>> -> memref<528x128xf32, #tpu.memory_space<hbm>>
        tpu.wait_dma2 semaphore(%run_scoped3A : memref<!tpu.dma_semaphore, #tpu.memory_space<semaphore_mem>>) src(%dma_wait3A_86 : memref<528x128xf32, #tpu.memory_space<hbm>>) dst(%dma_wait3A_83 : memref<528x128xf32, #tpu.memory_space<vmem_shared>>)
        tpu.yield
      }) : () -> ()
    } else {
    }
    %dma_wait3A = tpu.memref_slice %arg3[%mul3A_4] : memref<327680xi32, #tpu.memory_space<hbm>> -> memref<10240xi32, #tpu.memory_space<hbm>>
    %dma_wait3A_12 = tpu.memref_slice %arg3[%mul3A_4] : memref<327680xi32, #tpu.memory_space<hbm>> -> memref<10240xi32, #tpu.memory_space<hbm>>
    tpu.wait_dma2 semaphore(%arg11 : memref<!tpu.dma_semaphore, #tpu.memory_space<semaphore_mem>>) src(%dma_wait3A_12 : memref<10240xi32, #tpu.memory_space<hbm>>) dst(%arg7 : memref<10240xi32, #tpu.memory_space<vmem>>)
    %barrier3A = arith.constant 0 : index
    tpu.barrier barrier_id(%barrier3A)
    %mul3A_13 = arith.constant 10240 : i32
    %mul3A_14 = arith.muli %arg1, %mul3A_13 : i32
    %dma_start3A_15 = arith.constant 0 : i32
    %dma_start3A_16 = arith.constant 0 : i32
    %dma_start3A_17 = arith.constant 0 : i32
    %dma_start3A_18 = tpu.memref_slice %arg9[%dma_start3A_15, %dma_start3A_16, %dma_start3A_17] : memref<2x128x128xf32, #tpu.memory_space<vmem>> -> memref<1x128x128xf32, #tpu.memory_space<vmem>>
    %dma_start3A_19 = tpu.memref_squeeze %dma_start3A_18 : memref<1x128x128xf32, #tpu.memory_space<vmem>> -> memref<128x128xf32, #tpu.memory_space<vmem>>
    %dma_start3A_20 = arith.constant 0 : i32
    %dma_start3A_21 = tpu.memref_slice %arg7[%dma_start3A_20] : memref<10240xi32, #tpu.memory_space<vmem>> -> memref<128xi32, #tpu.memory_space<vmem>>
    %dma_start3A_22 = arith.constant 0 : i32
    %dma_start3A_23 = arith.constant 0 : i32
    %dma_start3A_24 = tpu.memref_slice %arg2[%dma_start3A_22, %dma_start3A_23] : memref<80000x128xf32, #tpu.memory_space<hbm>> -> memref<80000x128xf32, #tpu.memory_space<hbm>>
    tpu.enqueue_indirect_dma source(%dma_start3A_24 : memref<80000x128xf32, #tpu.memory_space<hbm>>) target(%dma_start3A_19 : memref<128x128xf32, #tpu.memory_space<vmem>>) offsets(%dma_start3A_21 : memref<128xi32, #tpu.memory_space<vmem>>) semaphore(%arg11 : memref<!tpu.dma_semaphore, #tpu.memory_space<semaphore_mem>>)
    %add3A_25 = arith.constant 0 : i32
    %add3A_26 = arith.addi %mul3A_14, %add3A_25 : i32
    %dma_start3A_27 = arith.constant 0 : i32
    %dma_start3A_28 = arith.constant 0 : i32
    %dma_start3A_29 = tpu.memref_slice %arg8[%dma_start3A_27, %dma_start3A_28] : memref<2x128xi32, #tpu.memory_space<vmem>> -> memref<1x128xi32, #tpu.memory_space<vmem>>
    %dma_start3A_30 = tpu.memref_squeeze %dma_start3A_29 : memref<1x128xi32, #tpu.memory_space<vmem>> -> memref<128xi32, #tpu.memory_space<vmem>>
    %dma_start3A_31 = tpu.memref_slice %arg4[%add3A_26] : memref<163840xi32, #tpu.memory_space<hbm>> -> memref<128xi32, #tpu.memory_space<hbm>>
    %dma_start3A_32 = arith.constant 0 : i32
    %dma_start3A_33 = tpu.memref_slice %arg8[%dma_start3A_27, %dma_start3A_32] : memref<2x128xi32, #tpu.memory_space<vmem>> -> memref<1x128xi32, #tpu.memory_space<vmem>>
    %dma_start3A_34 = tpu.memref_squeeze %dma_start3A_33 : memref<1x128xi32, #tpu.memory_space<vmem>> -> memref<128xi32, #tpu.memory_space<vmem>>
    %dma_start3A_35 = tpu.memref_slice %arg4[%add3A_26] : memref<163840xi32, #tpu.memory_space<hbm>> -> memref<128xi32, #tpu.memory_space<hbm>>
    tpu.enqueue_dma source(%dma_start3A_35 : memref<128xi32, #tpu.memory_space<hbm>>) target(%dma_start3A_34 : memref<128xi32, #tpu.memory_space<vmem>>) target_semaphore(%arg13 : memref<!tpu.dma_semaphore, #tpu.memory_space<semaphore_mem>>)
    %dma_start3A_36 = arith.constant 1 : i32
    %dma_start3A_37 = arith.constant 0 : i32
    %dma_start3A_38 = arith.constant 0 : i32
    %dma_start3A_39 = tpu.memref_slice %arg9[%dma_start3A_36, %dma_start3A_37, %dma_start3A_38] : memref<2x128x128xf32, #tpu.memory_space<vmem>> -> memref<1x128x128xf32, #tpu.memory_space<vmem>>
    %dma_start3A_40 = tpu.memref_squeeze %dma_start3A_39 : memref<1x128x128xf32, #tpu.memory_space<vmem>> -> memref<128x128xf32, #tpu.memory_space<vmem>>
    %dma_start3A_41 = arith.constant 128 : i32
    %dma_start3A_42 = tpu.memref_slice %arg7[%dma_start3A_41] : memref<10240xi32, #tpu.memory_space<vmem>> -> memref<128xi32, #tpu.memory_space<vmem>>
    %dma_start3A_43 = arith.constant 0 : i32
    %dma_start3A_44 = arith.constant 0 : i32
    %dma_start3A_45 = tpu.memref_slice %arg2[%dma_start3A_43, %dma_start3A_44] : memref<80000x128xf32, #tpu.memory_space<hbm>> -> memref<80000x128xf32, #tpu.memory_space<hbm>>
    tpu.enqueue_indirect_dma source(%dma_start3A_45 : memref<80000x128xf32, #tpu.memory_space<hbm>>) target(%dma_start3A_40 : memref<128x128xf32, #tpu.memory_space<vmem>>) offsets(%dma_start3A_42 : memref<128xi32, #tpu.memory_space<vmem>>) semaphore(%arg12 : memref<!tpu.dma_semaphore, #tpu.memory_space<semaphore_mem>>)
    %add3A_46 = arith.constant 128 : i32
    %add3A_47 = arith.addi %mul3A_14, %add3A_46 : i32
    %dma_start3A_48 = arith.constant 1 : i32
    %dma_start3A_49 = arith.constant 0 : i32
    %dma_start3A_50 = tpu.memref_slice %arg8[%dma_start3A_48, %dma_start3A_49] : memref<2x128xi32, #tpu.memory_space<vmem>> -> memref<1x128xi32, #tpu.memory_space<vmem>>
    %dma_start3A_51 = tpu.memref_squeeze %dma_start3A_50 : memref<1x128xi32, #tpu.memory_space<vmem>> -> memref<128xi32, #tpu.memory_space<vmem>>
    %dma_start3A_52 = tpu.memref_slice %arg4[%add3A_47] : memref<163840xi32, #tpu.memory_space<hbm>> -> memref<128xi32, #tpu.memory_space<hbm>>
    %dma_start3A_53 = arith.constant 0 : i32
    %dma_start3A_54 = tpu.memref_slice %arg8[%dma_start3A_48, %dma_start3A_53] : memref<2x128xi32, #tpu.memory_space<vmem>> -> memref<1x128xi32, #tpu.memory_space<vmem>>
    %dma_start3A_55 = tpu.memref_squeeze %dma_start3A_54 : memref<1x128xi32, #tpu.memory_space<vmem>> -> memref<128xi32, #tpu.memory_space<vmem>>
    %dma_start3A_56 = tpu.memref_slice %arg4[%add3A_47] : memref<163840xi32, #tpu.memory_space<hbm>> -> memref<128xi32, #tpu.memory_space<hbm>>
    tpu.enqueue_dma source(%dma_start3A_56 : memref<128xi32, #tpu.memory_space<hbm>>) target(%dma_start3A_55 : memref<128xi32, #tpu.memory_space<vmem>>) target_semaphore(%arg14 : memref<!tpu.dma_semaphore, #tpu.memory_space<semaphore_mem>>)
    %scan3A = arith.constant 0 : i32
    %scan3A_57 = arith.constant 0 : i32
    %scan3A_58 = arith.constant 40 : i32
    %scan3A_59 = arith.addi %scan3A_57, %scan3A_58 : i32
    %scan3A_60 = arith.constant 1 : i32
    scf.for %scan3A_75 = %scan3A_57 to %scan3A_59 step %scan3A_60  : i32 {
      %mul3A_76 = arith.constant 2 : i32
      %mul3A_77 = arith.muli %scan3A_75, %mul3A_76 : i32
      %add3A_78 = arith.constant 0 : i32
      %add3A_79 = arith.addi %mul3A_77, %add3A_78 : i32
      %mul3A_80 = arith.constant 128 : i32
      %mul3A_81 = arith.muli %add3A_79, %mul3A_80 : i32
      %add3A_82 = arith.addi %mul3A_14, %mul3A_81 : i32
      %dma_wait3A_83 = arith.constant 0 : i32
      %dma_wait3A_84 = arith.constant 0 : i32
      %dma_wait3A_85 = tpu.memref_slice %arg8[%dma_wait3A_83, %dma_wait3A_84] : memref<2x128xi32, #tpu.memory_space<vmem>> -> memref<1x128xi32, #tpu.memory_space<vmem>>
      %dma_wait3A_86 = tpu.memref_squeeze %dma_wait3A_85 : memref<1x128xi32, #tpu.memory_space<vmem>> -> memref<128xi32, #tpu.memory_space<vmem>>
      %dma_wait3A_87 = tpu.memref_slice %arg4[%add3A_82] : memref<163840xi32, #tpu.memory_space<hbm>> -> memref<128xi32, #tpu.memory_space<hbm>>
      %dma_wait3A_88 = arith.constant 0 : i32
      %dma_wait3A_89 = tpu.memref_slice %arg8[%dma_wait3A_83, %dma_wait3A_88] : memref<2x128xi32, #tpu.memory_space<vmem>> -> memref<1x128xi32, #tpu.memory_space<vmem>>
      %dma_wait3A_90 = tpu.memref_squeeze %dma_wait3A_89 : memref<1x128xi32, #tpu.memory_space<vmem>> -> memref<128xi32, #tpu.memory_space<vmem>>
      %dma_wait3A_91 = tpu.memref_slice %arg4[%add3A_82] : memref<163840xi32, #tpu.memory_space<hbm>> -> memref<128xi32, #tpu.memory_space<hbm>>
      tpu.wait_dma2 semaphore(%arg13 : memref<!tpu.dma_semaphore, #tpu.memory_space<semaphore_mem>>) src(%dma_wait3A_91 : memref<128xi32, #tpu.memory_space<hbm>>) dst(%dma_wait3A_90 : memref<128xi32, #tpu.memory_space<vmem>>)
      %mul3A_92 = arith.constant 128 : i32
      %mul3A_93 = arith.muli %add3A_79, %mul3A_92 : i32
      %dma_wait3A_94 = arith.constant 0 : i32
      %dma_wait3A_95 = arith.constant 0 : i32
      %dma_wait3A_96 = arith.constant 0 : i32
      %dma_wait3A_97 = tpu.memref_slice %arg9[%dma_wait3A_94, %dma_wait3A_95, %dma_wait3A_96] : memref<2x128x128xf32, #tpu.memory_space<vmem>> -> memref<1x128x128xf32, #tpu.memory_space<vmem>>
      %dma_wait3A_98 = tpu.memref_squeeze %dma_wait3A_97 : memref<1x128x128xf32, #tpu.memory_space<vmem>> -> memref<128x128xf32, #tpu.memory_space<vmem>>
      %dma_wait3A_99 = tpu.memref_slice %arg7[%mul3A_93] : memref<10240xi32, #tpu.memory_space<vmem>> -> memref<128xi32, #tpu.memory_space<vmem>>
      %dma_wait3A_100 = arith.constant 0 : i32
      %dma_wait3A_101 = arith.constant 0 : i32
      %dma_wait3A_102 = tpu.memref_slice %arg2[%dma_wait3A_100, %dma_wait3A_101] : memref<80000x128xf32, #tpu.memory_space<hbm>> -> memref<80000x128xf32, #tpu.memory_space<hbm>>
      tpu.wait_indirect_dma semaphore(%arg11 : memref<!tpu.dma_semaphore, #tpu.memory_space<semaphore_mem>>) src(%dma_wait3A_102 : memref<80000x128xf32, #tpu.memory_space<hbm>>) dst(%dma_wait3A_98 : memref<128x128xf32, #tpu.memory_space<vmem>>)
      %run_scoped3A = arith.constant 0 : i32
      %run_scoped3A_103 = arith.constant 0 : i32
      "tpu.region"() ({
        %run_scoped3A_147 = tpu.sem_alloc : memref<!tpu.dma_semaphore, #tpu.memory_space<semaphore_mem>>
        %dma_start3A_148 = arith.constant 0 : i32
        %dma_start3A_149 = arith.constant 0 : i32
        %dma_start3A_150 = tpu.memref_slice %arg9[%run_scoped3A, %dma_start3A_148, %dma_start3A_149] : memref<2x128x128xf32, #tpu.memory_space<vmem>> -> memref<1x128x128xf32, #tpu.memory_space<vmem>>
        %dma_start3A_151 = tpu.memref_squeeze %dma_start3A_150 : memref<1x128x128xf32, #tpu.memory_space<vmem>> -> memref<128x128xf32, #tpu.memory_space<vmem>>
        %dma_start3A_152 = arith.constant 0 : i32
        %dma_start3A_153 = tpu.memref_slice %arg8[%run_scoped3A_103, %dma_start3A_152] : memref<2x128xi32, #tpu.memory_space<vmem>> -> memref<1x128xi32, #tpu.memory_space<vmem>>
        %dma_start3A_154 = tpu.memref_squeeze %dma_start3A_153 : memref<1x128xi32, #tpu.memory_space<vmem>> -> memref<128xi32, #tpu.memory_space<vmem>>
        %dma_start3A_155 = arith.constant 0 : i32
        %dma_start3A_156 = arith.constant 0 : i32
        %dma_start3A_157 = tpu.memref_slice %arg10[%dma_start3A_155, %dma_start3A_156] : memref<10008x128xf32, #tpu.memory_space<vmem_shared>> -> memref<10008x128xf32, #tpu.memory_space<vmem_shared>>
        tpu.enqueue_indirect_dma source(%dma_start3A_151 : memref<128x128xf32, #tpu.memory_space<vmem>>) target(%dma_start3A_157 : memref<10008x128xf32, #tpu.memory_space<vmem_shared>>) offsets(%dma_start3A_154 : memref<128xi32, #tpu.memory_space<vmem>>) semaphore(%run_scoped3A_147 : memref<!tpu.dma_semaphore, #tpu.memory_space<semaphore_mem>>) {add = true}
        %dma_wait3A_158 = arith.constant 0 : i32
        %dma_wait3A_159 = arith.constant 0 : i32
        %dma_wait3A_160 = tpu.memref_slice %arg9[%run_scoped3A, %dma_wait3A_158, %dma_wait3A_159] : memref<2x128x128xf32, #tpu.memory_space<vmem>> -> memref<1x128x128xf32, #tpu.memory_space<vmem>>
        %dma_wait3A_161 = tpu.memref_squeeze %dma_wait3A_160 : memref<1x128x128xf32, #tpu.memory_space<vmem>> -> memref<128x128xf32, #tpu.memory_space<vmem>>
        %dma_wait3A_162 = arith.constant 0 : i32
        %dma_wait3A_163 = tpu.memref_slice %arg8[%run_scoped3A_103, %dma_wait3A_162] : memref<2x128xi32, #tpu.memory_space<vmem>> -> memref<1x128xi32, #tpu.memory_space<vmem>>
        %dma_wait3A_164 = tpu.memref_squeeze %dma_wait3A_163 : memref<1x128xi32, #tpu.memory_space<vmem>> -> memref<128xi32, #tpu.memory_space<vmem>>
        %dma_wait3A_165 = arith.constant 0 : i32
        %dma_wait3A_166 = arith.constant 0 : i32
        %dma_wait3A_167 = tpu.memref_slice %arg10[%dma_wait3A_165, %dma_wait3A_166] : memref<10008x128xf32, #tpu.memory_space<vmem_shared>> -> memref<10008x128xf32, #tpu.memory_space<vmem_shared>>
        tpu.wait_indirect_dma semaphore(%run_scoped3A_147 : memref<!tpu.dma_semaphore, #tpu.memory_space<semaphore_mem>>) src(%dma_wait3A_161 : memref<128x128xf32, #tpu.memory_space<vmem>>) dst(%dma_wait3A_167 : memref<10008x128xf32, #tpu.memory_space<vmem_shared>>)
        tpu.yield
      }) : () -> ()
      %add3A_104 = arith.constant 2 : i32
      %add3A_105 = arith.addi %add3A_79, %add3A_104 : i32
      %lt3A_106 = arith.constant 80 : i32
      %lt3A_107 = arith.cmpi slt, %add3A_105, %lt3A_106 : i32
      %convert_element_type3A_108 = arith.extui %lt3A_107 : i1 to i32
      %cond3A_109 = arith.constant 0 : i32
      %cond3A_110 = arith.cmpi ne, %convert_element_type3A_108, %cond3A_109 : i32
      scf.if %cond3A_110 {
        %add3A_147 = arith.constant 2 : i32
        %add3A_148 = arith.addi %add3A_79, %add3A_147 : i32
        %mul3A_149 = arith.constant 128 : i32
        %mul3A_150 = arith.muli %add3A_148, %mul3A_149 : i32
        %dma_start3A_151 = arith.constant 0 : i32
        %dma_start3A_152 = arith.constant 0 : i32
        %dma_start3A_153 = arith.constant 0 : i32
        %dma_start3A_154 = tpu.memref_slice %arg9[%dma_start3A_151, %dma_start3A_152, %dma_start3A_153] : memref<2x128x128xf32, #tpu.memory_space<vmem>> -> memref<1x128x128xf32, #tpu.memory_space<vmem>>
        %dma_start3A_155 = tpu.memref_squeeze %dma_start3A_154 : memref<1x128x128xf32, #tpu.memory_space<vmem>> -> memref<128x128xf32, #tpu.memory_space<vmem>>
        %dma_start3A_156 = tpu.memref_slice %arg7[%mul3A_150] : memref<10240xi32, #tpu.memory_space<vmem>> -> memref<128xi32, #tpu.memory_space<vmem>>
        %dma_start3A_157 = arith.constant 0 : i32
        %dma_start3A_158 = arith.constant 0 : i32
        %dma_start3A_159 = tpu.memref_slice %arg2[%dma_start3A_157, %dma_start3A_158] : memref<80000x128xf32, #tpu.memory_space<hbm>> -> memref<80000x128xf32, #tpu.memory_space<hbm>>
        tpu.enqueue_indirect_dma source(%dma_start3A_159 : memref<80000x128xf32, #tpu.memory_space<hbm>>) target(%dma_start3A_155 : memref<128x128xf32, #tpu.memory_space<vmem>>) offsets(%dma_start3A_156 : memref<128xi32, #tpu.memory_space<vmem>>) semaphore(%arg11 : memref<!tpu.dma_semaphore, #tpu.memory_space<semaphore_mem>>)
        %add3A_160 = arith.constant 2 : i32
        %add3A_161 = arith.addi %add3A_79, %add3A_160 : i32
        %mul3A_162 = arith.constant 128 : i32
        %mul3A_163 = arith.muli %add3A_161, %mul3A_162 : i32
        %add3A_164 = arith.addi %mul3A_14, %mul3A_163 : i32
        %dma_start3A_165 = arith.constant 0 : i32
        %dma_start3A_166 = arith.constant 0 : i32
        %dma_start3A_167 = tpu.memref_slice %arg8[%dma_start3A_165, %dma_start3A_166] : memref<2x128xi32, #tpu.memory_space<vmem>> -> memref<1x128xi32, #tpu.memory_space<vmem>>
        %dma_start3A_168 = tpu.memref_squeeze %dma_start3A_167 : memref<1x128xi32, #tpu.memory_space<vmem>> -> memref<128xi32, #tpu.memory_space<vmem>>
        %dma_start3A_169 = tpu.memref_slice %arg4[%add3A_164] : memref<163840xi32, #tpu.memory_space<hbm>> -> memref<128xi32, #tpu.memory_space<hbm>>
        %dma_start3A_170 = arith.constant 0 : i32
        %dma_start3A_171 = tpu.memref_slice %arg8[%dma_start3A_165, %dma_start3A_170] : memref<2x128xi32, #tpu.memory_space<vmem>> -> memref<1x128xi32, #tpu.memory_space<vmem>>
        %dma_start3A_172 = tpu.memref_squeeze %dma_start3A_171 : memref<1x128xi32, #tpu.memory_space<vmem>> -> memref<128xi32, #tpu.memory_space<vmem>>
        %dma_start3A_173 = tpu.memref_slice %arg4[%add3A_164] : memref<163840xi32, #tpu.memory_space<hbm>> -> memref<128xi32, #tpu.memory_space<hbm>>
        tpu.enqueue_dma source(%dma_start3A_173 : memref<128xi32, #tpu.memory_space<hbm>>) target(%dma_start3A_172 : memref<128xi32, #tpu.memory_space<vmem>>) target_semaphore(%arg13 : memref<!tpu.dma_semaphore, #tpu.memory_space<semaphore_mem>>)
      } else {
      }
      %mul3A_111 = arith.constant 2 : i32
      %mul3A_112 = arith.muli %scan3A_75, %mul3A_111 : i32
      %add3A_113 = arith.constant 1 : i32
      %add3A_114 = arith.addi %mul3A_112, %add3A_113 : i32
      %mul3A_115 = arith.constant 128 : i32
      %mul3A_116 = arith.muli %add3A_114, %mul3A_115 : i32
      %add3A_117 = arith.addi %mul3A_14, %mul3A_116 : i32
      %dma_wait3A_118 = arith.constant 1 : i32
      %dma_wait3A_119 = arith.constant 0 : i32
      %dma_wait3A_120 = tpu.memref_slice %arg8[%dma_wait3A_118, %dma_wait3A_119] : memref<2x128xi32, #tpu.memory_space<vmem>> -> memref<1x128xi32, #tpu.memory_space<vmem>>
      %dma_wait3A_121 = tpu.memref_squeeze %dma_wait3A_120 : memref<1x128xi32, #tpu.memory_space<vmem>> -> memref<128xi32, #tpu.memory_space<vmem>>
      %dma_wait3A_122 = tpu.memref_slice %arg4[%add3A_117] : memref<163840xi32, #tpu.memory_space<hbm>> -> memref<128xi32, #tpu.memory_space<hbm>>
      %dma_wait3A_123 = arith.constant 0 : i32
      %dma_wait3A_124 = tpu.memref_slice %arg8[%dma_wait3A_118, %dma_wait3A_123] : memref<2x128xi32, #tpu.memory_space<vmem>> -> memref<1x128xi32, #tpu.memory_space<vmem>>
      %dma_wait3A_125 = tpu.memref_squeeze %dma_wait3A_124 : memref<1x128xi32, #tpu.memory_space<vmem>> -> memref<128xi32, #tpu.memory_space<vmem>>
      %dma_wait3A_126 = tpu.memref_slice %arg4[%add3A_117] : memref<163840xi32, #tpu.memory_space<hbm>> -> memref<128xi32, #tpu.memory_space<hbm>>
      tpu.wait_dma2 semaphore(%arg14 : memref<!tpu.dma_semaphore, #tpu.memory_space<semaphore_mem>>) src(%dma_wait3A_126 : memref<128xi32, #tpu.memory_space<hbm>>) dst(%dma_wait3A_125 : memref<128xi32, #tpu.memory_space<vmem>>)
      %mul3A_127 = arith.constant 128 : i32
      %mul3A_128 = arith.muli %add3A_114, %mul3A_127 : i32
      %dma_wait3A_129 = arith.constant 1 : i32
      %dma_wait3A_130 = arith.constant 0 : i32
      %dma_wait3A_131 = arith.constant 0 : i32
      %dma_wait3A_132 = tpu.memref_slice %arg9[%dma_wait3A_129, %dma_wait3A_130, %dma_wait3A_131] : memref<2x128x128xf32, #tpu.memory_space<vmem>> -> memref<1x128x128xf32, #tpu.memory_space<vmem>>
      %dma_wait3A_133 = tpu.memref_squeeze %dma_wait3A_132 : memref<1x128x128xf32, #tpu.memory_space<vmem>> -> memref<128x128xf32, #tpu.memory_space<vmem>>
      %dma_wait3A_134 = tpu.memref_slice %arg7[%mul3A_128] : memref<10240xi32, #tpu.memory_space<vmem>> -> memref<128xi32, #tpu.memory_space<vmem>>
      %dma_wait3A_135 = arith.constant 0 : i32
      %dma_wait3A_136 = arith.constant 0 : i32
      %dma_wait3A_137 = tpu.memref_slice %arg2[%dma_wait3A_135, %dma_wait3A_136] : memref<80000x128xf32, #tpu.memory_space<hbm>> -> memref<80000x128xf32, #tpu.memory_space<hbm>>
      tpu.wait_indirect_dma semaphore(%arg12 : memref<!tpu.dma_semaphore, #tpu.memory_space<semaphore_mem>>) src(%dma_wait3A_137 : memref<80000x128xf32, #tpu.memory_space<hbm>>) dst(%dma_wait3A_133 : memref<128x128xf32, #tpu.memory_space<vmem>>)
      %run_scoped3A_138 = arith.constant 1 : i32
      %run_scoped3A_139 = arith.constant 1 : i32
      "tpu.region"() ({
        %run_scoped3A_147 = tpu.sem_alloc : memref<!tpu.dma_semaphore, #tpu.memory_space<semaphore_mem>>
        %dma_start3A_148 = arith.constant 0 : i32
        %dma_start3A_149 = arith.constant 0 : i32
        %dma_start3A_150 = tpu.memref_slice %arg9[%run_scoped3A_138, %dma_start3A_148, %dma_start3A_149] : memref<2x128x128xf32, #tpu.memory_space<vmem>> -> memref<1x128x128xf32, #tpu.memory_space<vmem>>
        %dma_start3A_151 = tpu.memref_squeeze %dma_start3A_150 : memref<1x128x128xf32, #tpu.memory_space<vmem>> -> memref<128x128xf32, #tpu.memory_space<vmem>>
        %dma_start3A_152 = arith.constant 0 : i32
        %dma_start3A_153 = tpu.memref_slice %arg8[%run_scoped3A_139, %dma_start3A_152] : memref<2x128xi32, #tpu.memory_space<vmem>> -> memref<1x128xi32, #tpu.memory_space<vmem>>
        %dma_start3A_154 = tpu.memref_squeeze %dma_start3A_153 : memref<1x128xi32, #tpu.memory_space<vmem>> -> memref<128xi32, #tpu.memory_space<vmem>>
        %dma_start3A_155 = arith.constant 0 : i32
        %dma_start3A_156 = arith.constant 0 : i32
        %dma_start3A_157 = tpu.memref_slice %arg10[%dma_start3A_155, %dma_start3A_156] : memref<10008x128xf32, #tpu.memory_space<vmem_shared>> -> memref<10008x128xf32, #tpu.memory_space<vmem_shared>>
        tpu.enqueue_indirect_dma source(%dma_start3A_151 : memref<128x128xf32, #tpu.memory_space<vmem>>) target(%dma_start3A_157 : memref<10008x128xf32, #tpu.memory_space<vmem_shared>>) offsets(%dma_start3A_154 : memref<128xi32, #tpu.memory_space<vmem>>) semaphore(%run_scoped3A_147 : memref<!tpu.dma_semaphore, #tpu.memory_space<semaphore_mem>>) {add = true}
        %dma_wait3A_158 = arith.constant 0 : i32
        %dma_wait3A_159 = arith.constant 0 : i32
        %dma_wait3A_160 = tpu.memref_slice %arg9[%run_scoped3A_138, %dma_wait3A_158, %dma_wait3A_159] : memref<2x128x128xf32, #tpu.memory_space<vmem>> -> memref<1x128x128xf32, #tpu.memory_space<vmem>>
        %dma_wait3A_161 = tpu.memref_squeeze %dma_wait3A_160 : memref<1x128x128xf32, #tpu.memory_space<vmem>> -> memref<128x128xf32, #tpu.memory_space<vmem>>
        %dma_wait3A_162 = arith.constant 0 : i32
        %dma_wait3A_163 = tpu.memref_slice %arg8[%run_scoped3A_139, %dma_wait3A_162] : memref<2x128xi32, #tpu.memory_space<vmem>> -> memref<1x128xi32, #tpu.memory_space<vmem>>
        %dma_wait3A_164 = tpu.memref_squeeze %dma_wait3A_163 : memref<1x128xi32, #tpu.memory_space<vmem>> -> memref<128xi32, #tpu.memory_space<vmem>>
        %dma_wait3A_165 = arith.constant 0 : i32
        %dma_wait3A_166 = arith.constant 0 : i32
        %dma_wait3A_167 = tpu.memref_slice %arg10[%dma_wait3A_165, %dma_wait3A_166] : memref<10008x128xf32, #tpu.memory_space<vmem_shared>> -> memref<10008x128xf32, #tpu.memory_space<vmem_shared>>
        tpu.wait_indirect_dma semaphore(%run_scoped3A_147 : memref<!tpu.dma_semaphore, #tpu.memory_space<semaphore_mem>>) src(%dma_wait3A_161 : memref<128x128xf32, #tpu.memory_space<vmem>>) dst(%dma_wait3A_167 : memref<10008x128xf32, #tpu.memory_space<vmem_shared>>)
        tpu.yield
      }) : () -> ()
      %add3A_140 = arith.constant 2 : i32
      %add3A_141 = arith.addi %add3A_114, %add3A_140 : i32
      %lt3A_142 = arith.constant 80 : i32
      %lt3A_143 = arith.cmpi slt, %add3A_141, %lt3A_142 : i32
      %convert_element_type3A_144 = arith.extui %lt3A_143 : i1 to i32
      %cond3A_145 = arith.constant 0 : i32
      %cond3A_146 = arith.cmpi ne, %convert_element_type3A_144, %cond3A_145 : i32
      scf.if %cond3A_146 {
        %add3A_147 = arith.constant 2 : i32
        %add3A_148 = arith.addi %add3A_114, %add3A_147 : i32
        %mul3A_149 = arith.constant 128 : i32
        %mul3A_150 = arith.muli %add3A_148, %mul3A_149 : i32
        %dma_start3A_151 = arith.constant 1 : i32
        %dma_start3A_152 = arith.constant 0 : i32
        %dma_start3A_153 = arith.constant 0 : i32
        %dma_start3A_154 = tpu.memref_slice %arg9[%dma_start3A_151, %dma_start3A_152, %dma_start3A_153] : memref<2x128x128xf32, #tpu.memory_space<vmem>> -> memref<1x128x128xf32, #tpu.memory_space<vmem>>
        %dma_start3A_155 = tpu.memref_squeeze %dma_start3A_154 : memref<1x128x128xf32, #tpu.memory_space<vmem>> -> memref<128x128xf32, #tpu.memory_space<vmem>>
        %dma_start3A_156 = tpu.memref_slice %arg7[%mul3A_150] : memref<10240xi32, #tpu.memory_space<vmem>> -> memref<128xi32, #tpu.memory_space<vmem>>
        %dma_start3A_157 = arith.constant 0 : i32
        %dma_start3A_158 = arith.constant 0 : i32
        %dma_start3A_159 = tpu.memref_slice %arg2[%dma_start3A_157, %dma_start3A_158] : memref<80000x128xf32, #tpu.memory_space<hbm>> -> memref<80000x128xf32, #tpu.memory_space<hbm>>
        tpu.enqueue_indirect_dma source(%dma_start3A_159 : memref<80000x128xf32, #tpu.memory_space<hbm>>) target(%dma_start3A_155 : memref<128x128xf32, #tpu.memory_space<vmem>>) offsets(%dma_start3A_156 : memref<128xi32, #tpu.memory_space<vmem>>) semaphore(%arg12 : memref<!tpu.dma_semaphore, #tpu.memory_space<semaphore_mem>>)
        %add3A_160 = arith.constant 2 : i32
        %add3A_161 = arith.addi %add3A_114, %add3A_160 : i32
        %mul3A_162 = arith.constant 128 : i32
        %mul3A_163 = arith.muli %add3A_161, %mul3A_162 : i32
        %add3A_164 = arith.addi %mul3A_14, %mul3A_163 : i32
        %dma_start3A_165 = arith.constant 1 : i32
        %dma_start3A_166 = arith.constant 0 : i32
        %dma_start3A_167 = tpu.memref_slice %arg8[%dma_start3A_165, %dma_start3A_166] : memref<2x128xi32, #tpu.memory_space<vmem>> -> memref<1x128xi32, #tpu.memory_space<vmem>>
        %dma_start3A_168 = tpu.memref_squeeze %dma_start3A_167 : memref<1x128xi32, #tpu.memory_space<vmem>> -> memref<128xi32, #tpu.memory_space<vmem>>
        %dma_start3A_169 = tpu.memref_slice %arg4[%add3A_164] : memref<163840xi32, #tpu.memory_space<hbm>> -> memref<128xi32, #tpu.memory_space<hbm>>
        %dma_start3A_170 = arith.constant 0 : i32
        %dma_start3A_171 = tpu.memref_slice %arg8[%dma_start3A_165, %dma_start3A_170] : memref<2x128xi32, #tpu.memory_space<vmem>> -> memref<1x128xi32, #tpu.memory_space<vmem>>
        %dma_start3A_172 = tpu.memref_squeeze %dma_start3A_171 : memref<1x128xi32, #tpu.memory_space<vmem>> -> memref<128xi32, #tpu.memory_space<vmem>>
        %dma_start3A_173 = tpu.memref_slice %arg4[%add3A_164] : memref<163840xi32, #tpu.memory_space<hbm>> -> memref<128xi32, #tpu.memory_space<hbm>>
        tpu.enqueue_dma source(%dma_start3A_173 : memref<128xi32, #tpu.memory_space<hbm>>) target(%dma_start3A_172 : memref<128xi32, #tpu.memory_space<vmem>>) target_semaphore(%arg14 : memref<!tpu.dma_semaphore, #tpu.memory_space<semaphore_mem>>)
      } else {
      }
    }
    %scan3A_61 = arith.constant 40 : i32
    %barrier3A_62 = arith.constant 0 : index
    tpu.barrier barrier_id(%barrier3A_62)
    %mul3A_63 = arith.constant 624 : i32
    %mul3A_64 = arith.muli %arg1, %mul3A_63 : i32
    %mul3A_65 = arith.constant 10000 : i32
    %mul3A_66 = arith.muli %arg0, %mul3A_65 : i32
    %mul3A_67 = arith.constant 624 : i32
    %mul3A_68 = arith.muli %arg1, %mul3A_67 : i32
    %add3A_69 = arith.addi %mul3A_66, %mul3A_68 : i32
    "tpu.region"() ({
      %run_scoped3A = tpu.sem_alloc : memref<!tpu.dma_semaphore, #tpu.memory_space<semaphore_mem>>
      %dma_start3A_75 = arith.constant 0 : i32
      %dma_start3A_76 = tpu.memref_slice %arg6[%add3A_69, %dma_start3A_75] : memref<20000x128xf32, #tpu.memory_space<hbm>> -> memref<624x128xf32, #tpu.memory_space<hbm>>
      %dma_start3A_77 = arith.constant 0 : i32
      %dma_start3A_78 = tpu.memref_slice %arg10[%mul3A_64, %dma_start3A_77] : memref<10008x128xf32, #tpu.memory_space<vmem_shared>> -> memref<624x128xf32, #tpu.memory_space<vmem_shared>>
      tpu.enqueue_dma source(%dma_start3A_78 : memref<624x128xf32, #tpu.memory_space<vmem_shared>>) target(%dma_start3A_76 : memref<624x128xf32, #tpu.memory_space<hbm>>) target_semaphore(%run_scoped3A : memref<!tpu.dma_semaphore, #tpu.memory_space<semaphore_mem>>)
      %dma_wait3A_79 = arith.constant 0 : i32
      %dma_wait3A_80 = tpu.memref_slice %arg6[%add3A_69, %dma_wait3A_79] : memref<20000x128xf32, #tpu.memory_space<hbm>> -> memref<624x128xf32, #tpu.memory_space<hbm>>
      %dma_wait3A_81 = arith.constant 0 : i32
      %dma_wait3A_82 = tpu.memref_slice %arg10[%mul3A_64, %dma_wait3A_81] : memref<10008x128xf32, #tpu.memory_space<vmem_shared>> -> memref<624x128xf32, #tpu.memory_space<vmem_shared>>
      tpu.wait_dma2 semaphore(%run_scoped3A : memref<!tpu.dma_semaphore, #tpu.memory_space<semaphore_mem>>) src(%dma_wait3A_82 : memref<624x128xf32, #tpu.memory_space<vmem_shared>>) dst(%dma_wait3A_80 : memref<624x128xf32, #tpu.memory_space<hbm>>)
      tpu.yield
    }) : () -> ()
    %eq3A_70 = arith.constant 0 : i32
    %eq3A_71 = arith.cmpi eq, %arg1, %eq3A_70 : i32
    %convert_element_type3A_72 = arith.extui %eq3A_71 : i1 to i32
    %cond3A_73 = arith.constant 0 : i32
    %cond3A_74 = arith.cmpi ne, %convert_element_type3A_72, %cond3A_73 : i32
    scf.if %cond3A_74 {
      %mul3A_75 = arith.constant 10000 : i32
      %mul3A_76 = arith.muli %arg0, %mul3A_75 : i32
      %add3A_77 = arith.constant 9984 : i32
      %add3A_78 = arith.addi %mul3A_76, %add3A_77 : i32
      "tpu.region"() ({
        %run_scoped3A = tpu.sem_alloc : memref<!tpu.dma_semaphore, #tpu.memory_space<semaphore_mem>>
        %dma_start3A_79 = arith.constant 0 : i32
        %dma_start3A_80 = tpu.memref_slice %arg6[%add3A_78, %dma_start3A_79] : memref<20000x128xf32, #tpu.memory_space<hbm>> -> memref<16x128xf32, #tpu.memory_space<hbm>>
        %dma_start3A_81 = arith.constant 9984 : i32
        %dma_start3A_82 = arith.constant 0 : i32
        %dma_start3A_83 = tpu.memref_slice %arg10[%dma_start3A_81, %dma_start3A_82] : memref<10008x128xf32, #tpu.memory_space<vmem_shared>> -> memref<16x128xf32, #tpu.memory_space<vmem_shared>>
        tpu.enqueue_dma source(%dma_start3A_83 : memref<16x128xf32, #tpu.memory_space<vmem_shared>>) target(%dma_start3A_80 : memref<16x128xf32, #tpu.memory_space<hbm>>) target_semaphore(%run_scoped3A : memref<!tpu.dma_semaphore, #tpu.memory_space<semaphore_mem>>)
        %dma_wait3A_84 = arith.constant 0 : i32
        %dma_wait3A_85 = tpu.memref_slice %arg6[%add3A_78, %dma_wait3A_84] : memref<20000x128xf32, #tpu.memory_space<hbm>> -> memref<16x128xf32, #tpu.memory_space<hbm>>
        %dma_wait3A_86 = arith.constant 9984 : i32
        %dma_wait3A_87 = arith.constant 0 : i32
        %dma_wait3A_88 = tpu.memref_slice %arg10[%dma_wait3A_86, %dma_wait3A_87] : memref<10008x128xf32, #tpu.memory_space<vmem_shared>> -> memref<16x128xf32, #tpu.memory_space<vmem_shared>>
        tpu.wait_dma2 semaphore(%run_scoped3A : memref<!tpu.dma_semaphore, #tpu.memory_space<semaphore_mem>>) src(%dma_wait3A_88 : memref<16x128xf32, #tpu.memory_space<vmem_shared>>) dst(%dma_wait3A_85 : memref<16x128xf32, #tpu.memory_space<hbm>>)
        tpu.yield
      }) : () -> ()
    } else {
    }
    return
  }
}

#map = affine_map<(d0, d1) -> (0, 0)>
#map1 = affine_map<(d0, d1) -> (0)>
module attributes {stable_mosaic.version = 14 : i64} {
  func.func @_sc_body(%arg0: i32, %arg1: i32, %arg2: memref<80000x128xf32, #tpu.memory_space<hbm>>, %arg3: memref<327680xi32, #tpu.memory_space<hbm>>, %arg4: memref<163840xi32, #tpu.memory_space<hbm>>, %arg5: memref<632x128xf32, #tpu.memory_space<hbm>>, %arg6: memref<20000x128xf32, #tpu.memory_space<hbm>>, %arg7: memref<10240xi32, #tpu.memory_space<vmem>>, %arg8: memref<2x128xi32, #tpu.memory_space<vmem>>, %arg9: memref<2x128x128xf32, #tpu.memory_space<vmem>>, %arg10: memref<10008x128xf32, #tpu.memory_space<vmem_shared>>, %arg11: memref<!tpu.dma_semaphore, #tpu.memory_space<semaphore_mem>>, %arg12: memref<!tpu.dma_semaphore, #tpu.memory_space<semaphore_mem>>, %arg13: memref<!tpu.dma_semaphore, #tpu.memory_space<semaphore_mem>>, %arg14: memref<!tpu.dma_semaphore, #tpu.memory_space<semaphore_mem>>) attributes {dimension_semantics = [#tpu.dimension_semantics<core_parallel>, #tpu.dimension_semantics<subcore_parallel>], iteration_bounds = array<i64: 2, 16>, scalar_prefetch = 0 : i64, scratch_operands = 8 : i64, tpu.core_type = #tpu.core_type<sc_vector_subcore>, window_params = [{transform_indices = #map}, {transform_indices = #map1}, {transform_indices = #map1}, {transform_indices = #map}, {transform_indices = #map}]} {
    %mul3A = arith.constant 16 : i32
    %mul3A_0 = arith.muli %arg0, %mul3A : i32
    %add3A = arith.addi %mul3A_0, %arg1 : i32
    %mul3A_1 = arith.constant 80 : i32
    %mul3A_2 = arith.muli %add3A, %mul3A_1 : i32
    %mul3A_3 = arith.constant 128 : i32
    %mul3A_4 = arith.muli %mul3A_2, %mul3A_3 : i32
    %dma_start3A = tpu.memref_slice %arg3[%mul3A_4] : memref<327680xi32, #tpu.memory_space<hbm>> -> memref<10240xi32, #tpu.memory_space<hbm>>
    %dma_start3A_5 = tpu.memref_slice %arg3[%mul3A_4] : memref<327680xi32, #tpu.memory_space<hbm>> -> memref<10240xi32, #tpu.memory_space<hbm>>
    tpu.enqueue_dma source(%dma_start3A_5 : memref<10240xi32, #tpu.memory_space<hbm>>) target(%arg7 : memref<10240xi32, #tpu.memory_space<vmem>>) target_semaphore(%arg11 : memref<!tpu.dma_semaphore, #tpu.memory_space<semaphore_mem>>)
    %lt3A = arith.constant 15 : i32
    %lt3A_6 = arith.cmpi slt, %arg1, %lt3A : i32
    %convert_element_type3A = arith.extui %lt3A_6 : i1 to i32
    %cond3A = arith.constant 0 : i32
    %cond3A_7 = arith.cmpi ne, %convert_element_type3A, %cond3A : i32
    scf.if %cond3A_7 {
      %mul3A_75 = arith.constant 632 : i32
      %mul3A_76 = arith.muli %arg1, %mul3A_75 : i32
      "tpu.region"() ({
        %run_scoped3A = tpu.sem_alloc : memref<!tpu.dma_semaphore, #tpu.memory_space<semaphore_mem>>
        %dma_start3A_77 = arith.constant 0 : i32
        %dma_start3A_78 = tpu.memref_slice %arg10[%mul3A_76, %dma_start3A_77] : memref<10008x128xf32, #tpu.memory_space<vmem_shared>> -> memref<632x128xf32, #tpu.memory_space<vmem_shared>>
        tpu.enqueue_dma source(%arg5 : memref<632x128xf32, #tpu.memory_space<hbm>>) target(%dma_start3A_78 : memref<632x128xf32, #tpu.memory_space<vmem_shared>>) target_semaphore(%run_scoped3A : memref<!tpu.dma_semaphore, #tpu.memory_space<semaphore_mem>>)
        %dma_wait3A_79 = arith.constant 0 : i32
        %dma_wait3A_80 = tpu.memref_slice %arg10[%mul3A_76, %dma_wait3A_79] : memref<10008x128xf32, #tpu.memory_space<vmem_shared>> -> memref<632x128xf32, #tpu.memory_space<vmem_shared>>
        tpu.wait_dma2 semaphore(%run_scoped3A : memref<!tpu.dma_semaphore, #tpu.memory_space<semaphore_mem>>) src(%arg5 : memref<632x128xf32, #tpu.memory_space<hbm>>) dst(%dma_wait3A_80 : memref<632x128xf32, #tpu.memory_space<vmem_shared>>)
        tpu.yield
      }) : () -> ()
    } else {
    }
    %eq3A = arith.constant 15 : i32
    %eq3A_8 = arith.cmpi eq, %arg1, %eq3A : i32
    %convert_element_type3A_9 = arith.extui %eq3A_8 : i1 to i32
    %cond3A_10 = arith.constant 0 : i32
    %cond3A_11 = arith.cmpi ne, %convert_element_type3A_9, %cond3A_10 : i32
    scf.if %cond3A_11 {
      "tpu.region"() ({
        %run_scoped3A = tpu.sem_alloc : memref<!tpu.dma_semaphore, #tpu.memory_space<semaphore_mem>>
        %dma_start3A_75 = arith.constant 9480 : i32
        %dma_start3A_76 = arith.constant 0 : i32
        %dma_start3A_77 = tpu.memref_slice %arg10[%dma_start3A_75, %dma_start3A_76] : memref<10008x128xf32, #tpu.memory_space<vmem_shared>> -> memref<528x128xf32, #tpu.memory_space<vmem_shared>>
        %dma_start3A_78 = arith.constant 0 : i32
        %dma_start3A_79 = arith.constant 0 : i32
        %dma_start3A_80 = tpu.memref_slice %arg5[%dma_start3A_78, %dma_start3A_79] : memref<632x128xf32, #tpu.memory_space<hbm>> -> memref<528x128xf32, #tpu.memory_space<hbm>>
        tpu.enqueue_dma source(%dma_start3A_80 : memref<528x128xf32, #tpu.memory_space<hbm>>) target(%dma_start3A_77 : memref<528x128xf32, #tpu.memory_space<vmem_shared>>) target_semaphore(%run_scoped3A : memref<!tpu.dma_semaphore, #tpu.memory_space<semaphore_mem>>)
        %dma_wait3A_81 = arith.constant 9480 : i32
        %dma_wait3A_82 = arith.constant 0 : i32
        %dma_wait3A_83 = tpu.memref_slice %arg10[%dma_wait3A_81, %dma_wait3A_82] : memref<10008x128xf32, #tpu.memory_space<vmem_shared>> -> memref<528x128xf32, #tpu.memory_space<vmem_shared>>
        %dma_wait3A_84 = arith.constant 0 : i32
        %dma_wait3A_85 = arith.constant 0 : i32
        %dma_wait3A_86 = tpu.memref_slice %arg5[%dma_wait3A_84, %dma_wait3A_85] : memref<632x128xf32, #tpu.memory_space<hbm>> -> memref<528x128xf32, #tpu.memory_space<hbm>>
        tpu.wait_dma2 semaphore(%run_scoped3A : memref<!tpu.dma_semaphore, #tpu.memory_space<semaphore_mem>>) src(%dma_wait3A_86 : memref<528x128xf32, #tpu.memory_space<hbm>>) dst(%dma_wait3A_83 : memref<528x128xf32, #tpu.memory_space<vmem_shared>>)
        tpu.yield
      }) : () -> ()
    } else {
    }
    %dma_wait3A = tpu.memref_slice %arg3[%mul3A_4] : memref<327680xi32, #tpu.memory_space<hbm>> -> memref<10240xi32, #tpu.memory_space<hbm>>
    %dma_wait3A_12 = tpu.memref_slice %arg3[%mul3A_4] : memref<327680xi32, #tpu.memory_space<hbm>> -> memref<10240xi32, #tpu.memory_space<hbm>>
    tpu.wait_dma2 semaphore(%arg11 : memref<!tpu.dma_semaphore, #tpu.memory_space<semaphore_mem>>) src(%dma_wait3A_12 : memref<10240xi32, #tpu.memory_space<hbm>>) dst(%arg7 : memref<10240xi32, #tpu.memory_space<vmem>>)
    %barrier3A = arith.constant 0 : index
    tpu.barrier barrier_id(%barrier3A)
    %mul3A_13 = arith.constant 10240 : i32
    %mul3A_14 = arith.muli %arg1, %mul3A_13 : i32
    %dma_start3A_15 = arith.constant 0 : i32
    %dma_start3A_16 = arith.constant 0 : i32
    %dma_start3A_17 = arith.constant 0 : i32
    %dma_start3A_18 = tpu.memref_slice %arg9[%dma_start3A_15, %dma_start3A_16, %dma_start3A_17] : memref<2x128x128xf32, #tpu.memory_space<vmem>> -> memref<1x128x128xf32, #tpu.memory_space<vmem>>
    %dma_start3A_19 = tpu.memref_squeeze %dma_start3A_18 : memref<1x128x128xf32, #tpu.memory_space<vmem>> -> memref<128x128xf32, #tpu.memory_space<vmem>>
    %dma_start3A_20 = arith.constant 0 : i32
    %dma_start3A_21 = tpu.memref_slice %arg7[%dma_start3A_20] : memref<10240xi32, #tpu.memory_space<vmem>> -> memref<128xi32, #tpu.memory_space<vmem>>
    %dma_start3A_22 = arith.constant 0 : i32
    %dma_start3A_23 = arith.constant 0 : i32
    %dma_start3A_24 = tpu.memref_slice %arg2[%dma_start3A_22, %dma_start3A_23] : memref<80000x128xf32, #tpu.memory_space<hbm>> -> memref<80000x128xf32, #tpu.memory_space<hbm>>
    tpu.enqueue_indirect_dma source(%dma_start3A_24 : memref<80000x128xf32, #tpu.memory_space<hbm>>) target(%dma_start3A_19 : memref<128x128xf32, #tpu.memory_space<vmem>>) offsets(%dma_start3A_21 : memref<128xi32, #tpu.memory_space<vmem>>) semaphore(%arg11 : memref<!tpu.dma_semaphore, #tpu.memory_space<semaphore_mem>>)
    %add3A_25 = arith.constant 0 : i32
    %add3A_26 = arith.addi %mul3A_14, %add3A_25 : i32
    %dma_start3A_27 = arith.constant 0 : i32
    %dma_start3A_28 = arith.constant 0 : i32
    %dma_start3A_29 = tpu.memref_slice %arg8[%dma_start3A_27, %dma_start3A_28] : memref<2x128xi32, #tpu.memory_space<vmem>> -> memref<1x128xi32, #tpu.memory_space<vmem>>
    %dma_start3A_30 = tpu.memref_squeeze %dma_start3A_29 : memref<1x128xi32, #tpu.memory_space<vmem>> -> memref<128xi32, #tpu.memory_space<vmem>>
    %dma_start3A_31 = tpu.memref_slice %arg4[%add3A_26] : memref<163840xi32, #tpu.memory_space<hbm>> -> memref<128xi32, #tpu.memory_space<hbm>>
    %dma_start3A_32 = arith.constant 0 : i32
    %dma_start3A_33 = tpu.memref_slice %arg8[%dma_start3A_27, %dma_start3A_32] : memref<2x128xi32, #tpu.memory_space<vmem>> -> memref<1x128xi32, #tpu.memory_space<vmem>>
    %dma_start3A_34 = tpu.memref_squeeze %dma_start3A_33 : memref<1x128xi32, #tpu.memory_space<vmem>> -> memref<128xi32, #tpu.memory_space<vmem>>
    %dma_start3A_35 = tpu.memref_slice %arg4[%add3A_26] : memref<163840xi32, #tpu.memory_space<hbm>> -> memref<128xi32, #tpu.memory_space<hbm>>
    tpu.enqueue_dma source(%dma_start3A_35 : memref<128xi32, #tpu.memory_space<hbm>>) target(%dma_start3A_34 : memref<128xi32, #tpu.memory_space<vmem>>) target_semaphore(%arg13 : memref<!tpu.dma_semaphore, #tpu.memory_space<semaphore_mem>>)
    %dma_start3A_36 = arith.constant 1 : i32
    %dma_start3A_37 = arith.constant 0 : i32
    %dma_start3A_38 = arith.constant 0 : i32
    %dma_start3A_39 = tpu.memref_slice %arg9[%dma_start3A_36, %dma_start3A_37, %dma_start3A_38] : memref<2x128x128xf32, #tpu.memory_space<vmem>> -> memref<1x128x128xf32, #tpu.memory_space<vmem>>
    %dma_start3A_40 = tpu.memref_squeeze %dma_start3A_39 : memref<1x128x128xf32, #tpu.memory_space<vmem>> -> memref<128x128xf32, #tpu.memory_space<vmem>>
    %dma_start3A_41 = arith.constant 128 : i32
    %dma_start3A_42 = tpu.memref_slice %arg7[%dma_start3A_41] : memref<10240xi32, #tpu.memory_space<vmem>> -> memref<128xi32, #tpu.memory_space<vmem>>
    %dma_start3A_43 = arith.constant 0 : i32
    %dma_start3A_44 = arith.constant 0 : i32
    %dma_start3A_45 = tpu.memref_slice %arg2[%dma_start3A_43, %dma_start3A_44] : memref<80000x128xf32, #tpu.memory_space<hbm>> -> memref<80000x128xf32, #tpu.memory_space<hbm>>
    tpu.enqueue_indirect_dma source(%dma_start3A_45 : memref<80000x128xf32, #tpu.memory_space<hbm>>) target(%dma_start3A_40 : memref<128x128xf32, #tpu.memory_space<vmem>>) offsets(%dma_start3A_42 : memref<128xi32, #tpu.memory_space<vmem>>) semaphore(%arg12 : memref<!tpu.dma_semaphore, #tpu.memory_space<semaphore_mem>>)
    %add3A_46 = arith.constant 128 : i32
    %add3A_47 = arith.addi %mul3A_14, %add3A_46 : i32
    %dma_start3A_48 = arith.constant 1 : i32
    %dma_start3A_49 = arith.constant 0 : i32
    %dma_start3A_50 = tpu.memref_slice %arg8[%dma_start3A_48, %dma_start3A_49] : memref<2x128xi32, #tpu.memory_space<vmem>> -> memref<1x128xi32, #tpu.memory_space<vmem>>
    %dma_start3A_51 = tpu.memref_squeeze %dma_start3A_50 : memref<1x128xi32, #tpu.memory_space<vmem>> -> memref<128xi32, #tpu.memory_space<vmem>>
    %dma_start3A_52 = tpu.memref_slice %arg4[%add3A_47] : memref<163840xi32, #tpu.memory_space<hbm>> -> memref<128xi32, #tpu.memory_space<hbm>>
    %dma_start3A_53 = arith.constant 0 : i32
    %dma_start3A_54 = tpu.memref_slice %arg8[%dma_start3A_48, %dma_start3A_53] : memref<2x128xi32, #tpu.memory_space<vmem>> -> memref<1x128xi32, #tpu.memory_space<vmem>>
    %dma_start3A_55 = tpu.memref_squeeze %dma_start3A_54 : memref<1x128xi32, #tpu.memory_space<vmem>> -> memref<128xi32, #tpu.memory_space<vmem>>
    %dma_start3A_56 = tpu.memref_slice %arg4[%add3A_47] : memref<163840xi32, #tpu.memory_space<hbm>> -> memref<128xi32, #tpu.memory_space<hbm>>
    tpu.enqueue_dma source(%dma_start3A_56 : memref<128xi32, #tpu.memory_space<hbm>>) target(%dma_start3A_55 : memref<128xi32, #tpu.memory_space<vmem>>) target_semaphore(%arg14 : memref<!tpu.dma_semaphore, #tpu.memory_space<semaphore_mem>>)
    %scan3A = arith.constant 0 : i32
    %scan3A_57 = arith.constant 0 : i32
    %scan3A_58 = arith.constant 40 : i32
    %scan3A_59 = arith.addi %scan3A_57, %scan3A_58 : i32
    %scan3A_60 = arith.constant 1 : i32
    scf.for %scan3A_75 = %scan3A_57 to %scan3A_59 step %scan3A_60  : i32 {
      %mul3A_76 = arith.constant 2 : i32
      %mul3A_77 = arith.muli %scan3A_75, %mul3A_76 : i32
      %add3A_78 = arith.constant 0 : i32
      %add3A_79 = arith.addi %mul3A_77, %add3A_78 : i32
      %mul3A_80 = arith.constant 128 : i32
      %mul3A_81 = arith.muli %add3A_79, %mul3A_80 : i32
      %add3A_82 = arith.addi %mul3A_14, %mul3A_81 : i32
      %dma_wait3A_83 = arith.constant 0 : i32
      %dma_wait3A_84 = arith.constant 0 : i32
      %dma_wait3A_85 = tpu.memref_slice %arg8[%dma_wait3A_83, %dma_wait3A_84] : memref<2x128xi32, #tpu.memory_space<vmem>> -> memref<1x128xi32, #tpu.memory_space<vmem>>
      %dma_wait3A_86 = tpu.memref_squeeze %dma_wait3A_85 : memref<1x128xi32, #tpu.memory_space<vmem>> -> memref<128xi32, #tpu.memory_space<vmem>>
      %dma_wait3A_87 = tpu.memref_slice %arg4[%add3A_82] : memref<163840xi32, #tpu.memory_space<hbm>> -> memref<128xi32, #tpu.memory_space<hbm>>
      %dma_wait3A_88 = arith.constant 0 : i32
      %dma_wait3A_89 = tpu.memref_slice %arg8[%dma_wait3A_83, %dma_wait3A_88] : memref<2x128xi32, #tpu.memory_space<vmem>> -> memref<1x128xi32, #tpu.memory_space<vmem>>
      %dma_wait3A_90 = tpu.memref_squeeze %dma_wait3A_89 : memref<1x128xi32, #tpu.memory_space<vmem>> -> memref<128xi32, #tpu.memory_space<vmem>>
      %dma_wait3A_91 = tpu.memref_slice %arg4[%add3A_82] : memref<163840xi32, #tpu.memory_space<hbm>> -> memref<128xi32, #tpu.memory_space<hbm>>
      tpu.wait_dma2 semaphore(%arg13 : memref<!tpu.dma_semaphore, #tpu.memory_space<semaphore_mem>>) src(%dma_wait3A_91 : memref<128xi32, #tpu.memory_space<hbm>>) dst(%dma_wait3A_90 : memref<128xi32, #tpu.memory_space<vmem>>)
      %mul3A_92 = arith.constant 128 : i32
      %mul3A_93 = arith.muli %add3A_79, %mul3A_92 : i32
      %dma_wait3A_94 = arith.constant 0 : i32
      %dma_wait3A_95 = arith.constant 0 : i32
      %dma_wait3A_96 = arith.constant 0 : i32
      %dma_wait3A_97 = tpu.memref_slice %arg9[%dma_wait3A_94, %dma_wait3A_95, %dma_wait3A_96] : memref<2x128x128xf32, #tpu.memory_space<vmem>> -> memref<1x128x128xf32, #tpu.memory_space<vmem>>
      %dma_wait3A_98 = tpu.memref_squeeze %dma_wait3A_97 : memref<1x128x128xf32, #tpu.memory_space<vmem>> -> memref<128x128xf32, #tpu.memory_space<vmem>>
      %dma_wait3A_99 = tpu.memref_slice %arg7[%mul3A_93] : memref<10240xi32, #tpu.memory_space<vmem>> -> memref<128xi32, #tpu.memory_space<vmem>>
      %dma_wait3A_100 = arith.constant 0 : i32
      %dma_wait3A_101 = arith.constant 0 : i32
      %dma_wait3A_102 = tpu.memref_slice %arg2[%dma_wait3A_100, %dma_wait3A_101] : memref<80000x128xf32, #tpu.memory_space<hbm>> -> memref<80000x128xf32, #tpu.memory_space<hbm>>
      tpu.wait_indirect_dma semaphore(%arg11 : memref<!tpu.dma_semaphore, #tpu.memory_space<semaphore_mem>>) src(%dma_wait3A_102 : memref<80000x128xf32, #tpu.memory_space<hbm>>) dst(%dma_wait3A_98 : memref<128x128xf32, #tpu.memory_space<vmem>>)
      %run_scoped3A = arith.constant 0 : i32
      %run_scoped3A_103 = arith.constant 0 : i32
      "tpu.region"() ({
        %run_scoped3A_147 = tpu.sem_alloc : memref<!tpu.dma_semaphore, #tpu.memory_space<semaphore_mem>>
        %dma_start3A_148 = arith.constant 0 : i32
        %dma_start3A_149 = arith.constant 0 : i32
        %dma_start3A_150 = tpu.memref_slice %arg9[%run_scoped3A, %dma_start3A_148, %dma_start3A_149] : memref<2x128x128xf32, #tpu.memory_space<vmem>> -> memref<1x128x128xf32, #tpu.memory_space<vmem>>
        %dma_start3A_151 = tpu.memref_squeeze %dma_start3A_150 : memref<1x128x128xf32, #tpu.memory_space<vmem>> -> memref<128x128xf32, #tpu.memory_space<vmem>>
        %dma_start3A_152 = arith.constant 0 : i32
        %dma_start3A_153 = tpu.memref_slice %arg8[%run_scoped3A_103, %dma_start3A_152] : memref<2x128xi32, #tpu.memory_space<vmem>> -> memref<1x128xi32, #tpu.memory_space<vmem>>
        %dma_start3A_154 = tpu.memref_squeeze %dma_start3A_153 : memref<1x128xi32, #tpu.memory_space<vmem>> -> memref<128xi32, #tpu.memory_space<vmem>>
        %dma_start3A_155 = arith.constant 0 : i32
        %dma_start3A_156 = arith.constant 0 : i32
        %dma_start3A_157 = tpu.memref_slice %arg10[%dma_start3A_155, %dma_start3A_156] : memref<10008x128xf32, #tpu.memory_space<vmem_shared>> -> memref<10008x128xf32, #tpu.memory_space<vmem_shared>>
        tpu.enqueue_indirect_dma source(%dma_start3A_151 : memref<128x128xf32, #tpu.memory_space<vmem>>) target(%dma_start3A_157 : memref<10008x128xf32, #tpu.memory_space<vmem_shared>>) offsets(%dma_start3A_154 : memref<128xi32, #tpu.memory_space<vmem>>) semaphore(%run_scoped3A_147 : memref<!tpu.dma_semaphore, #tpu.memory_space<semaphore_mem>>) {add = true}
        %dma_wait3A_158 = arith.constant 0 : i32
        %dma_wait3A_159 = arith.constant 0 : i32
        %dma_wait3A_160 = tpu.memref_slice %arg9[%run_scoped3A, %dma_wait3A_158, %dma_wait3A_159] : memref<2x128x128xf32, #tpu.memory_space<vmem>> -> memref<1x128x128xf32, #tpu.memory_space<vmem>>
        %dma_wait3A_161 = tpu.memref_squeeze %dma_wait3A_160 : memref<1x128x128xf32, #tpu.memory_space<vmem>> -> memref<128x128xf32, #tpu.memory_space<vmem>>
        %dma_wait3A_162 = arith.constant 0 : i32
        %dma_wait3A_163 = tpu.memref_slice %arg8[%run_scoped3A_103, %dma_wait3A_162] : memref<2x128xi32, #tpu.memory_space<vmem>> -> memref<1x128xi32, #tpu.memory_space<vmem>>
        %dma_wait3A_164 = tpu.memref_squeeze %dma_wait3A_163 : memref<1x128xi32, #tpu.memory_space<vmem>> -> memref<128xi32, #tpu.memory_space<vmem>>
        %dma_wait3A_165 = arith.constant 0 : i32
        %dma_wait3A_166 = arith.constant 0 : i32
        %dma_wait3A_167 = tpu.memref_slice %arg10[%dma_wait3A_165, %dma_wait3A_166] : memref<10008x128xf32, #tpu.memory_space<vmem_shared>> -> memref<10008x128xf32, #tpu.memory_space<vmem_shared>>
        tpu.wait_indirect_dma semaphore(%run_scoped3A_147 : memref<!tpu.dma_semaphore, #tpu.memory_space<semaphore_mem>>) src(%dma_wait3A_161 : memref<128x128xf32, #tpu.memory_space<vmem>>) dst(%dma_wait3A_167 : memref<10008x128xf32, #tpu.memory_space<vmem_shared>>)
        tpu.yield
      }) : () -> ()
      %add3A_104 = arith.constant 2 : i32
      %add3A_105 = arith.addi %add3A_79, %add3A_104 : i32
      %lt3A_106 = arith.constant 80 : i32
      %lt3A_107 = arith.cmpi slt, %add3A_105, %lt3A_106 : i32
      %convert_element_type3A_108 = arith.extui %lt3A_107 : i1 to i32
      %cond3A_109 = arith.constant 0 : i32
      %cond3A_110 = arith.cmpi ne, %convert_element_type3A_108, %cond3A_109 : i32
      scf.if %cond3A_110 {
        %add3A_147 = arith.constant 2 : i32
        %add3A_148 = arith.addi %add3A_79, %add3A_147 : i32
        %mul3A_149 = arith.constant 128 : i32
        %mul3A_150 = arith.muli %add3A_148, %mul3A_149 : i32
        %dma_start3A_151 = arith.constant 0 : i32
        %dma_start3A_152 = arith.constant 0 : i32
        %dma_start3A_153 = arith.constant 0 : i32
        %dma_start3A_154 = tpu.memref_slice %arg9[%dma_start3A_151, %dma_start3A_152, %dma_start3A_153] : memref<2x128x128xf32, #tpu.memory_space<vmem>> -> memref<1x128x128xf32, #tpu.memory_space<vmem>>
        %dma_start3A_155 = tpu.memref_squeeze %dma_start3A_154 : memref<1x128x128xf32, #tpu.memory_space<vmem>> -> memref<128x128xf32, #tpu.memory_space<vmem>>
        %dma_start3A_156 = tpu.memref_slice %arg7[%mul3A_150] : memref<10240xi32, #tpu.memory_space<vmem>> -> memref<128xi32, #tpu.memory_space<vmem>>
        %dma_start3A_157 = arith.constant 0 : i32
        %dma_start3A_158 = arith.constant 0 : i32
        %dma_start3A_159 = tpu.memref_slice %arg2[%dma_start3A_157, %dma_start3A_158] : memref<80000x128xf32, #tpu.memory_space<hbm>> -> memref<80000x128xf32, #tpu.memory_space<hbm>>
        tpu.enqueue_indirect_dma source(%dma_start3A_159 : memref<80000x128xf32, #tpu.memory_space<hbm>>) target(%dma_start3A_155 : memref<128x128xf32, #tpu.memory_space<vmem>>) offsets(%dma_start3A_156 : memref<128xi32, #tpu.memory_space<vmem>>) semaphore(%arg11 : memref<!tpu.dma_semaphore, #tpu.memory_space<semaphore_mem>>)
        %add3A_160 = arith.constant 2 : i32
        %add3A_161 = arith.addi %add3A_79, %add3A_160 : i32
        %mul3A_162 = arith.constant 128 : i32
        %mul3A_163 = arith.muli %add3A_161, %mul3A_162 : i32
        %add3A_164 = arith.addi %mul3A_14, %mul3A_163 : i32
        %dma_start3A_165 = arith.constant 0 : i32
        %dma_start3A_166 = arith.constant 0 : i32
        %dma_start3A_167 = tpu.memref_slice %arg8[%dma_start3A_165, %dma_start3A_166] : memref<2x128xi32, #tpu.memory_space<vmem>> -> memref<1x128xi32, #tpu.memory_space<vmem>>
        %dma_start3A_168 = tpu.memref_squeeze %dma_start3A_167 : memref<1x128xi32, #tpu.memory_space<vmem>> -> memref<128xi32, #tpu.memory_space<vmem>>
        %dma_start3A_169 = tpu.memref_slice %arg4[%add3A_164] : memref<163840xi32, #tpu.memory_space<hbm>> -> memref<128xi32, #tpu.memory_space<hbm>>
        %dma_start3A_170 = arith.constant 0 : i32
        %dma_start3A_171 = tpu.memref_slice %arg8[%dma_start3A_165, %dma_start3A_170] : memref<2x128xi32, #tpu.memory_space<vmem>> -> memref<1x128xi32, #tpu.memory_space<vmem>>
        %dma_start3A_172 = tpu.memref_squeeze %dma_start3A_171 : memref<1x128xi32, #tpu.memory_space<vmem>> -> memref<128xi32, #tpu.memory_space<vmem>>
        %dma_start3A_173 = tpu.memref_slice %arg4[%add3A_164] : memref<163840xi32, #tpu.memory_space<hbm>> -> memref<128xi32, #tpu.memory_space<hbm>>
        tpu.enqueue_dma source(%dma_start3A_173 : memref<128xi32, #tpu.memory_space<hbm>>) target(%dma_start3A_172 : memref<128xi32, #tpu.memory_space<vmem>>) target_semaphore(%arg13 : memref<!tpu.dma_semaphore, #tpu.memory_space<semaphore_mem>>)
      } else {
      }
      %mul3A_111 = arith.constant 2 : i32
      %mul3A_112 = arith.muli %scan3A_75, %mul3A_111 : i32
      %add3A_113 = arith.constant 1 : i32
      %add3A_114 = arith.addi %mul3A_112, %add3A_113 : i32
      %mul3A_115 = arith.constant 128 : i32
      %mul3A_116 = arith.muli %add3A_114, %mul3A_115 : i32
      %add3A_117 = arith.addi %mul3A_14, %mul3A_116 : i32
      %dma_wait3A_118 = arith.constant 1 : i32
      %dma_wait3A_119 = arith.constant 0 : i32
      %dma_wait3A_120 = tpu.memref_slice %arg8[%dma_wait3A_118, %dma_wait3A_119] : memref<2x128xi32, #tpu.memory_space<vmem>> -> memref<1x128xi32, #tpu.memory_space<vmem>>
      %dma_wait3A_121 = tpu.memref_squeeze %dma_wait3A_120 : memref<1x128xi32, #tpu.memory_space<vmem>> -> memref<128xi32, #tpu.memory_space<vmem>>
      %dma_wait3A_122 = tpu.memref_slice %arg4[%add3A_117] : memref<163840xi32, #tpu.memory_space<hbm>> -> memref<128xi32, #tpu.memory_space<hbm>>
      %dma_wait3A_123 = arith.constant 0 : i32
      %dma_wait3A_124 = tpu.memref_slice %arg8[%dma_wait3A_118, %dma_wait3A_123] : memref<2x128xi32, #tpu.memory_space<vmem>> -> memref<1x128xi32, #tpu.memory_space<vmem>>
      %dma_wait3A_125 = tpu.memref_squeeze %dma_wait3A_124 : memref<1x128xi32, #tpu.memory_space<vmem>> -> memref<128xi32, #tpu.memory_space<vmem>>
      %dma_wait3A_126 = tpu.memref_slice %arg4[%add3A_117] : memref<163840xi32, #tpu.memory_space<hbm>> -> memref<128xi32, #tpu.memory_space<hbm>>
      tpu.wait_dma2 semaphore(%arg14 : memref<!tpu.dma_semaphore, #tpu.memory_space<semaphore_mem>>) src(%dma_wait3A_126 : memref<128xi32, #tpu.memory_space<hbm>>) dst(%dma_wait3A_125 : memref<128xi32, #tpu.memory_space<vmem>>)
      %mul3A_127 = arith.constant 128 : i32
      %mul3A_128 = arith.muli %add3A_114, %mul3A_127 : i32
      %dma_wait3A_129 = arith.constant 1 : i32
      %dma_wait3A_130 = arith.constant 0 : i32
      %dma_wait3A_131 = arith.constant 0 : i32
      %dma_wait3A_132 = tpu.memref_slice %arg9[%dma_wait3A_129, %dma_wait3A_130, %dma_wait3A_131] : memref<2x128x128xf32, #tpu.memory_space<vmem>> -> memref<1x128x128xf32, #tpu.memory_space<vmem>>
      %dma_wait3A_133 = tpu.memref_squeeze %dma_wait3A_132 : memref<1x128x128xf32, #tpu.memory_space<vmem>> -> memref<128x128xf32, #tpu.memory_space<vmem>>
      %dma_wait3A_134 = tpu.memref_slice %arg7[%mul3A_128] : memref<10240xi32, #tpu.memory_space<vmem>> -> memref<128xi32, #tpu.memory_space<vmem>>
      %dma_wait3A_135 = arith.constant 0 : i32
      %dma_wait3A_136 = arith.constant 0 : i32
      %dma_wait3A_137 = tpu.memref_slice %arg2[%dma_wait3A_135, %dma_wait3A_136] : memref<80000x128xf32, #tpu.memory_space<hbm>> -> memref<80000x128xf32, #tpu.memory_space<hbm>>
      tpu.wait_indirect_dma semaphore(%arg12 : memref<!tpu.dma_semaphore, #tpu.memory_space<semaphore_mem>>) src(%dma_wait3A_137 : memref<80000x128xf32, #tpu.memory_space<hbm>>) dst(%dma_wait3A_133 : memref<128x128xf32, #tpu.memory_space<vmem>>)
      %run_scoped3A_138 = arith.constant 1 : i32
      %run_scoped3A_139 = arith.constant 1 : i32
      "tpu.region"() ({
        %run_scoped3A_147 = tpu.sem_alloc : memref<!tpu.dma_semaphore, #tpu.memory_space<semaphore_mem>>
        %dma_start3A_148 = arith.constant 0 : i32
        %dma_start3A_149 = arith.constant 0 : i32
        %dma_start3A_150 = tpu.memref_slice %arg9[%run_scoped3A_138, %dma_start3A_148, %dma_start3A_149] : memref<2x128x128xf32, #tpu.memory_space<vmem>> -> memref<1x128x128xf32, #tpu.memory_space<vmem>>
        %dma_start3A_151 = tpu.memref_squeeze %dma_start3A_150 : memref<1x128x128xf32, #tpu.memory_space<vmem>> -> memref<128x128xf32, #tpu.memory_space<vmem>>
        %dma_start3A_152 = arith.constant 0 : i32
        %dma_start3A_153 = tpu.memref_slice %arg8[%run_scoped3A_139, %dma_start3A_152] : memref<2x128xi32, #tpu.memory_space<vmem>> -> memref<1x128xi32, #tpu.memory_space<vmem>>
        %dma_start3A_154 = tpu.memref_squeeze %dma_start3A_153 : memref<1x128xi32, #tpu.memory_space<vmem>> -> memref<128xi32, #tpu.memory_space<vmem>>
        %dma_start3A_155 = arith.constant 0 : i32
        %dma_start3A_156 = arith.constant 0 : i32
        %dma_start3A_157 = tpu.memref_slice %arg10[%dma_start3A_155, %dma_start3A_156] : memref<10008x128xf32, #tpu.memory_space<vmem_shared>> -> memref<10008x128xf32, #tpu.memory_space<vmem_shared>>
        tpu.enqueue_indirect_dma source(%dma_start3A_151 : memref<128x128xf32, #tpu.memory_space<vmem>>) target(%dma_start3A_157 : memref<10008x128xf32, #tpu.memory_space<vmem_shared>>) offsets(%dma_start3A_154 : memref<128xi32, #tpu.memory_space<vmem>>) semaphore(%run_scoped3A_147 : memref<!tpu.dma_semaphore, #tpu.memory_space<semaphore_mem>>) {add = true}
        %dma_wait3A_158 = arith.constant 0 : i32
        %dma_wait3A_159 = arith.constant 0 : i32
        %dma_wait3A_160 = tpu.memref_slice %arg9[%run_scoped3A_138, %dma_wait3A_158, %dma_wait3A_159] : memref<2x128x128xf32, #tpu.memory_space<vmem>> -> memref<1x128x128xf32, #tpu.memory_space<vmem>>
        %dma_wait3A_161 = tpu.memref_squeeze %dma_wait3A_160 : memref<1x128x128xf32, #tpu.memory_space<vmem>> -> memref<128x128xf32, #tpu.memory_space<vmem>>
        %dma_wait3A_162 = arith.constant 0 : i32
        %dma_wait3A_163 = tpu.memref_slice %arg8[%run_scoped3A_139, %dma_wait3A_162] : memref<2x128xi32, #tpu.memory_space<vmem>> -> memref<1x128xi32, #tpu.memory_space<vmem>>
        %dma_wait3A_164 = tpu.memref_squeeze %dma_wait3A_163 : memref<1x128xi32, #tpu.memory_space<vmem>> -> memref<128xi32, #tpu.memory_space<vmem>>
        %dma_wait3A_165 = arith.constant 0 : i32
        %dma_wait3A_166 = arith.constant 0 : i32
        %dma_wait3A_167 = tpu.memref_slice %arg10[%dma_wait3A_165, %dma_wait3A_166] : memref<10008x128xf32, #tpu.memory_space<vmem_shared>> -> memref<10008x128xf32, #tpu.memory_space<vmem_shared>>
        tpu.wait_indirect_dma semaphore(%run_scoped3A_147 : memref<!tpu.dma_semaphore, #tpu.memory_space<semaphore_mem>>) src(%dma_wait3A_161 : memref<128x128xf32, #tpu.memory_space<vmem>>) dst(%dma_wait3A_167 : memref<10008x128xf32, #tpu.memory_space<vmem_shared>>)
        tpu.yield
      }) : () -> ()
      %add3A_140 = arith.constant 2 : i32
      %add3A_141 = arith.addi %add3A_114, %add3A_140 : i32
      %lt3A_142 = arith.constant 80 : i32
      %lt3A_143 = arith.cmpi slt, %add3A_141, %lt3A_142 : i32
      %convert_element_type3A_144 = arith.extui %lt3A_143 : i1 to i32
      %cond3A_145 = arith.constant 0 : i32
      %cond3A_146 = arith.cmpi ne, %convert_element_type3A_144, %cond3A_145 : i32
      scf.if %cond3A_146 {
        %add3A_147 = arith.constant 2 : i32
        %add3A_148 = arith.addi %add3A_114, %add3A_147 : i32
        %mul3A_149 = arith.constant 128 : i32
        %mul3A_150 = arith.muli %add3A_148, %mul3A_149 : i32
        %dma_start3A_151 = arith.constant 1 : i32
        %dma_start3A_152 = arith.constant 0 : i32
        %dma_start3A_153 = arith.constant 0 : i32
        %dma_start3A_154 = tpu.memref_slice %arg9[%dma_start3A_151, %dma_start3A_152, %dma_start3A_153] : memref<2x128x128xf32, #tpu.memory_space<vmem>> -> memref<1x128x128xf32, #tpu.memory_space<vmem>>
        %dma_start3A_155 = tpu.memref_squeeze %dma_start3A_154 : memref<1x128x128xf32, #tpu.memory_space<vmem>> -> memref<128x128xf32, #tpu.memory_space<vmem>>
        %dma_start3A_156 = tpu.memref_slice %arg7[%mul3A_150] : memref<10240xi32, #tpu.memory_space<vmem>> -> memref<128xi32, #tpu.memory_space<vmem>>
        %dma_start3A_157 = arith.constant 0 : i32
        %dma_start3A_158 = arith.constant 0 : i32
        %dma_start3A_159 = tpu.memref_slice %arg2[%dma_start3A_157, %dma_start3A_158] : memref<80000x128xf32, #tpu.memory_space<hbm>> -> memref<80000x128xf32, #tpu.memory_space<hbm>>
        tpu.enqueue_indirect_dma source(%dma_start3A_159 : memref<80000x128xf32, #tpu.memory_space<hbm>>) target(%dma_start3A_155 : memref<128x128xf32, #tpu.memory_space<vmem>>) offsets(%dma_start3A_156 : memref<128xi32, #tpu.memory_space<vmem>>) semaphore(%arg12 : memref<!tpu.dma_semaphore, #tpu.memory_space<semaphore_mem>>)
        %add3A_160 = arith.constant 2 : i32
        %add3A_161 = arith.addi %add3A_114, %add3A_160 : i32
        %mul3A_162 = arith.constant 128 : i32
        %mul3A_163 = arith.muli %add3A_161, %mul3A_162 : i32
        %add3A_164 = arith.addi %mul3A_14, %mul3A_163 : i32
        %dma_start3A_165 = arith.constant 1 : i32
        %dma_start3A_166 = arith.constant 0 : i32
        %dma_start3A_167 = tpu.memref_slice %arg8[%dma_start3A_165, %dma_start3A_166] : memref<2x128xi32, #tpu.memory_space<vmem>> -> memref<1x128xi32, #tpu.memory_space<vmem>>
        %dma_start3A_168 = tpu.memref_squeeze %dma_start3A_167 : memref<1x128xi32, #tpu.memory_space<vmem>> -> memref<128xi32, #tpu.memory_space<vmem>>
        %dma_start3A_169 = tpu.memref_slice %arg4[%add3A_164] : memref<163840xi32, #tpu.memory_space<hbm>> -> memref<128xi32, #tpu.memory_space<hbm>>
        %dma_start3A_170 = arith.constant 0 : i32
        %dma_start3A_171 = tpu.memref_slice %arg8[%dma_start3A_165, %dma_start3A_170] : memref<2x128xi32, #tpu.memory_space<vmem>> -> memref<1x128xi32, #tpu.memory_space<vmem>>
        %dma_start3A_172 = tpu.memref_squeeze %dma_start3A_171 : memref<1x128xi32, #tpu.memory_space<vmem>> -> memref<128xi32, #tpu.memory_space<vmem>>
        %dma_start3A_173 = tpu.memref_slice %arg4[%add3A_164] : memref<163840xi32, #tpu.memory_space<hbm>> -> memref<128xi32, #tpu.memory_space<hbm>>
        tpu.enqueue_dma source(%dma_start3A_173 : memref<128xi32, #tpu.memory_space<hbm>>) target(%dma_start3A_172 : memref<128xi32, #tpu.memory_space<vmem>>) target_semaphore(%arg14 : memref<!tpu.dma_semaphore, #tpu.memory_space<semaphore_mem>>)
      } else {
      }
    }
    %scan3A_61 = arith.constant 40 : i32
    %barrier3A_62 = arith.constant 0 : index
    tpu.barrier barrier_id(%barrier3A_62)
    %mul3A_63 = arith.constant 624 : i32
    %mul3A_64 = arith.muli %arg1, %mul3A_63 : i32
    %mul3A_65 = arith.constant 10000 : i32
    %mul3A_66 = arith.muli %arg0, %mul3A_65 : i32
    %mul3A_67 = arith.constant 624 : i32
    %mul3A_68 = arith.muli %arg1, %mul3A_67 : i32
    %add3A_69 = arith.addi %mul3A_66, %mul3A_68 : i32
    "tpu.region"() ({
      %run_scoped3A = tpu.sem_alloc : memref<!tpu.dma_semaphore, #tpu.memory_space<semaphore_mem>>
      %dma_start3A_75 = arith.constant 0 : i32
      %dma_start3A_76 = tpu.memref_slice %arg6[%add3A_69, %dma_start3A_75] : memref<20000x128xf32, #tpu.memory_space<hbm>> -> memref<624x128xf32, #tpu.memory_space<hbm>>
      %dma_start3A_77 = arith.constant 0 : i32
      %dma_start3A_78 = tpu.memref_slice %arg10[%mul3A_64, %dma_start3A_77] : memref<10008x128xf32, #tpu.memory_space<vmem_shared>> -> memref<624x128xf32, #tpu.memory_space<vmem_shared>>
      tpu.enqueue_dma source(%dma_start3A_78 : memref<624x128xf32, #tpu.memory_space<vmem_shared>>) target(%dma_start3A_76 : memref<624x128xf32, #tpu.memory_space<hbm>>) target_semaphore(%run_scoped3A : memref<!tpu.dma_semaphore, #tpu.memory_space<semaphore_mem>>)
      %dma_wait3A_79 = arith.constant 0 : i32
      %dma_wait3A_80 = tpu.memref_slice %arg6[%add3A_69, %dma_wait3A_79] : memref<20000x128xf32, #tpu.memory_space<hbm>> -> memref<624x128xf32, #tpu.memory_space<hbm>>
      %dma_wait3A_81 = arith.constant 0 : i32
      %dma_wait3A_82 = tpu.memref_slice %arg10[%mul3A_64, %dma_wait3A_81] : memref<10008x128xf32, #tpu.memory_space<vmem_shared>> -> memref<624x128xf32, #tpu.memory_space<vmem_shared>>
      tpu.wait_dma2 semaphore(%run_scoped3A : memref<!tpu.dma_semaphore, #tpu.memory_space<semaphore_mem>>) src(%dma_wait3A_82 : memref<624x128xf32, #tpu.memory_space<vmem_shared>>) dst(%dma_wait3A_80 : memref<624x128xf32, #tpu.memory_space<hbm>>)
      tpu.yield
    }) : () -> ()
    %eq3A_70 = arith.constant 0 : i32
    %eq3A_71 = arith.cmpi eq, %arg1, %eq3A_70 : i32
    %convert_element_type3A_72 = arith.extui %eq3A_71 : i1 to i32
    %cond3A_73 = arith.constant 0 : i32
    %cond3A_74 = arith.cmpi ne, %convert_element_type3A_72, %cond3A_73 : i32
    scf.if %cond3A_74 {
      %mul3A_75 = arith.constant 10000 : i32
      %mul3A_76 = arith.muli %arg0, %mul3A_75 : i32
      %add3A_77 = arith.constant 9984 : i32
      %add3A_78 = arith.addi %mul3A_76, %add3A_77 : i32
      "tpu.region"() ({
        %run_scoped3A = tpu.sem_alloc : memref<!tpu.dma_semaphore, #tpu.memory_space<semaphore_mem>>
        %dma_start3A_79 = arith.constant 0 : i32
        %dma_start3A_80 = tpu.memref_slice %arg6[%add3A_78, %dma_start3A_79] : memref<20000x128xf32, #tpu.memory_space<hbm>> -> memref<16x128xf32, #tpu.memory_space<hbm>>
        %dma_start3A_81 = arith.constant 9984 : i32
        %dma_start3A_82 = arith.constant 0 : i32
        %dma_start3A_83 = tpu.memref_slice %arg10[%dma_start3A_81, %dma_start3A_82] : memref<10008x128xf32, #tpu.memory_space<vmem_shared>> -> memref<16x128xf32, #tpu.memory_space<vmem_shared>>
        tpu.enqueue_dma source(%dma_start3A_83 : memref<16x128xf32, #tpu.memory_space<vmem_shared>>) target(%dma_start3A_80 : memref<16x128xf32, #tpu.memory_space<hbm>>) target_semaphore(%run_scoped3A : memref<!tpu.dma_semaphore, #tpu.memory_space<semaphore_mem>>)
        %dma_wait3A_84 = arith.constant 0 : i32
        %dma_wait3A_85 = tpu.memref_slice %arg6[%add3A_78, %dma_wait3A_84] : memref<20000x128xf32, #tpu.memory_space<hbm>> -> memref<16x128xf32, #tpu.memory_space<hbm>>
        %dma_wait3A_86 = arith.constant 9984 : i32
        %dma_wait3A_87 = arith.constant 0 : i32
        %dma_wait3A_88 = tpu.memref_slice %arg10[%dma_wait3A_86, %dma_wait3A_87] : memref<10008x128xf32, #tpu.memory_space<vmem_shared>> -> memref<16x128xf32, #tpu.memory_space<vmem_shared>>
        tpu.wait_dma2 semaphore(%run_scoped3A : memref<!tpu.dma_semaphore, #tpu.memory_space<semaphore_mem>>) src(%dma_wait3A_88 : memref<16x128xf32, #tpu.memory_space<vmem_shared>>) dst(%dma_wait3A_85 : memref<16x128xf32, #tpu.memory_space<hbm>>)
        tpu.yield
      }) : () -> ()
    } else {
    }
    return
  }
}

#map = affine_map<(d0, d1) -> (0, 0)>
#map1 = affine_map<(d0, d1) -> (0)>
module attributes {stable_mosaic.version = 14 : i64} {
  func.func @_sc_body(%arg0: i32, %arg1: i32, %arg2: memref<80000x128xf32, #tpu.memory_space<hbm>>, %arg3: memref<327680xi32, #tpu.memory_space<hbm>>, %arg4: memref<163840xi32, #tpu.memory_space<hbm>>, %arg5: memref<632x128xf32, #tpu.memory_space<hbm>>, %arg6: memref<20000x128xf32, #tpu.memory_space<hbm>>, %arg7: memref<10240xi32, #tpu.memory_space<vmem>>, %arg8: memref<2x128xi32, #tpu.memory_space<vmem>>, %arg9: memref<2x128x128xf32, #tpu.memory_space<vmem>>, %arg10: memref<10008x128xf32, #tpu.memory_space<vmem_shared>>, %arg11: memref<!tpu.dma_semaphore, #tpu.memory_space<semaphore_mem>>, %arg12: memref<!tpu.dma_semaphore, #tpu.memory_space<semaphore_mem>>, %arg13: memref<!tpu.dma_semaphore, #tpu.memory_space<semaphore_mem>>, %arg14: memref<!tpu.dma_semaphore, #tpu.memory_space<semaphore_mem>>) attributes {dimension_semantics = [#tpu.dimension_semantics<core_parallel>, #tpu.dimension_semantics<subcore_parallel>], iteration_bounds = array<i64: 2, 16>, scalar_prefetch = 0 : i64, scratch_operands = 8 : i64, tpu.core_type = #tpu.core_type<sc_vector_subcore>, window_params = [{transform_indices = #map}, {transform_indices = #map1}, {transform_indices = #map1}, {transform_indices = #map}, {transform_indices = #map}]} {
    %mul3A = arith.constant 16 : i32
    %mul3A_0 = arith.muli %arg0, %mul3A : i32
    %add3A = arith.addi %mul3A_0, %arg1 : i32
    %mul3A_1 = arith.constant 80 : i32
    %mul3A_2 = arith.muli %add3A, %mul3A_1 : i32
    %mul3A_3 = arith.constant 128 : i32
    %mul3A_4 = arith.muli %mul3A_2, %mul3A_3 : i32
    %dma_start3A = tpu.memref_slice %arg3[%mul3A_4] : memref<327680xi32, #tpu.memory_space<hbm>> -> memref<10240xi32, #tpu.memory_space<hbm>>
    %dma_start3A_5 = tpu.memref_slice %arg3[%mul3A_4] : memref<327680xi32, #tpu.memory_space<hbm>> -> memref<10240xi32, #tpu.memory_space<hbm>>
    tpu.enqueue_dma source(%dma_start3A_5 : memref<10240xi32, #tpu.memory_space<hbm>>) target(%arg7 : memref<10240xi32, #tpu.memory_space<vmem>>) target_semaphore(%arg11 : memref<!tpu.dma_semaphore, #tpu.memory_space<semaphore_mem>>)
    %lt3A = arith.constant 15 : i32
    %lt3A_6 = arith.cmpi slt, %arg1, %lt3A : i32
    %convert_element_type3A = arith.extui %lt3A_6 : i1 to i32
    %cond3A = arith.constant 0 : i32
    %cond3A_7 = arith.cmpi ne, %convert_element_type3A, %cond3A : i32
    scf.if %cond3A_7 {
      %mul3A_75 = arith.constant 632 : i32
      %mul3A_76 = arith.muli %arg1, %mul3A_75 : i32
      "tpu.region"() ({
        %run_scoped3A = tpu.sem_alloc : memref<!tpu.dma_semaphore, #tpu.memory_space<semaphore_mem>>
        %dma_start3A_77 = arith.constant 0 : i32
        %dma_start3A_78 = tpu.memref_slice %arg10[%mul3A_76, %dma_start3A_77] : memref<10008x128xf32, #tpu.memory_space<vmem_shared>> -> memref<632x128xf32, #tpu.memory_space<vmem_shared>>
        tpu.enqueue_dma source(%arg5 : memref<632x128xf32, #tpu.memory_space<hbm>>) target(%dma_start3A_78 : memref<632x128xf32, #tpu.memory_space<vmem_shared>>) target_semaphore(%run_scoped3A : memref<!tpu.dma_semaphore, #tpu.memory_space<semaphore_mem>>)
        %dma_wait3A_79 = arith.constant 0 : i32
        %dma_wait3A_80 = tpu.memref_slice %arg10[%mul3A_76, %dma_wait3A_79] : memref<10008x128xf32, #tpu.memory_space<vmem_shared>> -> memref<632x128xf32, #tpu.memory_space<vmem_shared>>
        tpu.wait_dma2 semaphore(%run_scoped3A : memref<!tpu.dma_semaphore, #tpu.memory_space<semaphore_mem>>) src(%arg5 : memref<632x128xf32, #tpu.memory_space<hbm>>) dst(%dma_wait3A_80 : memref<632x128xf32, #tpu.memory_space<vmem_shared>>)
        tpu.yield
      }) : () -> ()
    } else {
    }
    %eq3A = arith.constant 15 : i32
    %eq3A_8 = arith.cmpi eq, %arg1, %eq3A : i32
    %convert_element_type3A_9 = arith.extui %eq3A_8 : i1 to i32
    %cond3A_10 = arith.constant 0 : i32
    %cond3A_11 = arith.cmpi ne, %convert_element_type3A_9, %cond3A_10 : i32
    scf.if %cond3A_11 {
      "tpu.region"() ({
        %run_scoped3A = tpu.sem_alloc : memref<!tpu.dma_semaphore, #tpu.memory_space<semaphore_mem>>
        %dma_start3A_75 = arith.constant 9480 : i32
        %dma_start3A_76 = arith.constant 0 : i32
        %dma_start3A_77 = tpu.memref_slice %arg10[%dma_start3A_75, %dma_start3A_76] : memref<10008x128xf32, #tpu.memory_space<vmem_shared>> -> memref<528x128xf32, #tpu.memory_space<vmem_shared>>
        %dma_start3A_78 = arith.constant 0 : i32
        %dma_start3A_79 = arith.constant 0 : i32
        %dma_start3A_80 = tpu.memref_slice %arg5[%dma_start3A_78, %dma_start3A_79] : memref<632x128xf32, #tpu.memory_space<hbm>> -> memref<528x128xf32, #tpu.memory_space<hbm>>
        tpu.enqueue_dma source(%dma_start3A_80 : memref<528x128xf32, #tpu.memory_space<hbm>>) target(%dma_start3A_77 : memref<528x128xf32, #tpu.memory_space<vmem_shared>>) target_semaphore(%run_scoped3A : memref<!tpu.dma_semaphore, #tpu.memory_space<semaphore_mem>>)
        %dma_wait3A_81 = arith.constant 9480 : i32
        %dma_wait3A_82 = arith.constant 0 : i32
        %dma_wait3A_83 = tpu.memref_slice %arg10[%dma_wait3A_81, %dma_wait3A_82] : memref<10008x128xf32, #tpu.memory_space<vmem_shared>> -> memref<528x128xf32, #tpu.memory_space<vmem_shared>>
        %dma_wait3A_84 = arith.constant 0 : i32
        %dma_wait3A_85 = arith.constant 0 : i32
        %dma_wait3A_86 = tpu.memref_slice %arg5[%dma_wait3A_84, %dma_wait3A_85] : memref<632x128xf32, #tpu.memory_space<hbm>> -> memref<528x128xf32, #tpu.memory_space<hbm>>
        tpu.wait_dma2 semaphore(%run_scoped3A : memref<!tpu.dma_semaphore, #tpu.memory_space<semaphore_mem>>) src(%dma_wait3A_86 : memref<528x128xf32, #tpu.memory_space<hbm>>) dst(%dma_wait3A_83 : memref<528x128xf32, #tpu.memory_space<vmem_shared>>)
        tpu.yield
      }) : () -> ()
    } else {
    }
    %dma_wait3A = tpu.memref_slice %arg3[%mul3A_4] : memref<327680xi32, #tpu.memory_space<hbm>> -> memref<10240xi32, #tpu.memory_space<hbm>>
    %dma_wait3A_12 = tpu.memref_slice %arg3[%mul3A_4] : memref<327680xi32, #tpu.memory_space<hbm>> -> memref<10240xi32, #tpu.memory_space<hbm>>
    tpu.wait_dma2 semaphore(%arg11 : memref<!tpu.dma_semaphore, #tpu.memory_space<semaphore_mem>>) src(%dma_wait3A_12 : memref<10240xi32, #tpu.memory_space<hbm>>) dst(%arg7 : memref<10240xi32, #tpu.memory_space<vmem>>)
    %barrier3A = arith.constant 0 : index
    tpu.barrier barrier_id(%barrier3A)
    %mul3A_13 = arith.constant 10240 : i32
    %mul3A_14 = arith.muli %arg1, %mul3A_13 : i32
    %dma_start3A_15 = arith.constant 0 : i32
    %dma_start3A_16 = arith.constant 0 : i32
    %dma_start3A_17 = arith.constant 0 : i32
    %dma_start3A_18 = tpu.memref_slice %arg9[%dma_start3A_15, %dma_start3A_16, %dma_start3A_17] : memref<2x128x128xf32, #tpu.memory_space<vmem>> -> memref<1x128x128xf32, #tpu.memory_space<vmem>>
    %dma_start3A_19 = tpu.memref_squeeze %dma_start3A_18 : memref<1x128x128xf32, #tpu.memory_space<vmem>> -> memref<128x128xf32, #tpu.memory_space<vmem>>
    %dma_start3A_20 = arith.constant 0 : i32
    %dma_start3A_21 = tpu.memref_slice %arg7[%dma_start3A_20] : memref<10240xi32, #tpu.memory_space<vmem>> -> memref<128xi32, #tpu.memory_space<vmem>>
    %dma_start3A_22 = arith.constant 0 : i32
    %dma_start3A_23 = arith.constant 0 : i32
    %dma_start3A_24 = tpu.memref_slice %arg2[%dma_start3A_22, %dma_start3A_23] : memref<80000x128xf32, #tpu.memory_space<hbm>> -> memref<80000x128xf32, #tpu.memory_space<hbm>>
    tpu.enqueue_indirect_dma source(%dma_start3A_24 : memref<80000x128xf32, #tpu.memory_space<hbm>>) target(%dma_start3A_19 : memref<128x128xf32, #tpu.memory_space<vmem>>) offsets(%dma_start3A_21 : memref<128xi32, #tpu.memory_space<vmem>>) semaphore(%arg11 : memref<!tpu.dma_semaphore, #tpu.memory_space<semaphore_mem>>)
    %add3A_25 = arith.constant 0 : i32
    %add3A_26 = arith.addi %mul3A_14, %add3A_25 : i32
    %dma_start3A_27 = arith.constant 0 : i32
    %dma_start3A_28 = arith.constant 0 : i32
    %dma_start3A_29 = tpu.memref_slice %arg8[%dma_start3A_27, %dma_start3A_28] : memref<2x128xi32, #tpu.memory_space<vmem>> -> memref<1x128xi32, #tpu.memory_space<vmem>>
    %dma_start3A_30 = tpu.memref_squeeze %dma_start3A_29 : memref<1x128xi32, #tpu.memory_space<vmem>> -> memref<128xi32, #tpu.memory_space<vmem>>
    %dma_start3A_31 = tpu.memref_slice %arg4[%add3A_26] : memref<163840xi32, #tpu.memory_space<hbm>> -> memref<128xi32, #tpu.memory_space<hbm>>
    %dma_start3A_32 = arith.constant 0 : i32
    %dma_start3A_33 = tpu.memref_slice %arg8[%dma_start3A_27, %dma_start3A_32] : memref<2x128xi32, #tpu.memory_space<vmem>> -> memref<1x128xi32, #tpu.memory_space<vmem>>
    %dma_start3A_34 = tpu.memref_squeeze %dma_start3A_33 : memref<1x128xi32, #tpu.memory_space<vmem>> -> memref<128xi32, #tpu.memory_space<vmem>>
    %dma_start3A_35 = tpu.memref_slice %arg4[%add3A_26] : memref<163840xi32, #tpu.memory_space<hbm>> -> memref<128xi32, #tpu.memory_space<hbm>>
    tpu.enqueue_dma source(%dma_start3A_35 : memref<128xi32, #tpu.memory_space<hbm>>) target(%dma_start3A_34 : memref<128xi32, #tpu.memory_space<vmem>>) target_semaphore(%arg13 : memref<!tpu.dma_semaphore, #tpu.memory_space<semaphore_mem>>)
    %dma_start3A_36 = arith.constant 1 : i32
    %dma_start3A_37 = arith.constant 0 : i32
    %dma_start3A_38 = arith.constant 0 : i32
    %dma_start3A_39 = tpu.memref_slice %arg9[%dma_start3A_36, %dma_start3A_37, %dma_start3A_38] : memref<2x128x128xf32, #tpu.memory_space<vmem>> -> memref<1x128x128xf32, #tpu.memory_space<vmem>>
    %dma_start3A_40 = tpu.memref_squeeze %dma_start3A_39 : memref<1x128x128xf32, #tpu.memory_space<vmem>> -> memref<128x128xf32, #tpu.memory_space<vmem>>
    %dma_start3A_41 = arith.constant 128 : i32
    %dma_start3A_42 = tpu.memref_slice %arg7[%dma_start3A_41] : memref<10240xi32, #tpu.memory_space<vmem>> -> memref<128xi32, #tpu.memory_space<vmem>>
    %dma_start3A_43 = arith.constant 0 : i32
    %dma_start3A_44 = arith.constant 0 : i32
    %dma_start3A_45 = tpu.memref_slice %arg2[%dma_start3A_43, %dma_start3A_44] : memref<80000x128xf32, #tpu.memory_space<hbm>> -> memref<80000x128xf32, #tpu.memory_space<hbm>>
    tpu.enqueue_indirect_dma source(%dma_start3A_45 : memref<80000x128xf32, #tpu.memory_space<hbm>>) target(%dma_start3A_40 : memref<128x128xf32, #tpu.memory_space<vmem>>) offsets(%dma_start3A_42 : memref<128xi32, #tpu.memory_space<vmem>>) semaphore(%arg12 : memref<!tpu.dma_semaphore, #tpu.memory_space<semaphore_mem>>)
    %add3A_46 = arith.constant 128 : i32
    %add3A_47 = arith.addi %mul3A_14, %add3A_46 : i32
    %dma_start3A_48 = arith.constant 1 : i32
    %dma_start3A_49 = arith.constant 0 : i32
    %dma_start3A_50 = tpu.memref_slice %arg8[%dma_start3A_48, %dma_start3A_49] : memref<2x128xi32, #tpu.memory_space<vmem>> -> memref<1x128xi32, #tpu.memory_space<vmem>>
    %dma_start3A_51 = tpu.memref_squeeze %dma_start3A_50 : memref<1x128xi32, #tpu.memory_space<vmem>> -> memref<128xi32, #tpu.memory_space<vmem>>
    %dma_start3A_52 = tpu.memref_slice %arg4[%add3A_47] : memref<163840xi32, #tpu.memory_space<hbm>> -> memref<128xi32, #tpu.memory_space<hbm>>
    %dma_start3A_53 = arith.constant 0 : i32
    %dma_start3A_54 = tpu.memref_slice %arg8[%dma_start3A_48, %dma_start3A_53] : memref<2x128xi32, #tpu.memory_space<vmem>> -> memref<1x128xi32, #tpu.memory_space<vmem>>
    %dma_start3A_55 = tpu.memref_squeeze %dma_start3A_54 : memref<1x128xi32, #tpu.memory_space<vmem>> -> memref<128xi32, #tpu.memory_space<vmem>>
    %dma_start3A_56 = tpu.memref_slice %arg4[%add3A_47] : memref<163840xi32, #tpu.memory_space<hbm>> -> memref<128xi32, #tpu.memory_space<hbm>>
    tpu.enqueue_dma source(%dma_start3A_56 : memref<128xi32, #tpu.memory_space<hbm>>) target(%dma_start3A_55 : memref<128xi32, #tpu.memory_space<vmem>>) target_semaphore(%arg14 : memref<!tpu.dma_semaphore, #tpu.memory_space<semaphore_mem>>)
    %scan3A = arith.constant 0 : i32
    %scan3A_57 = arith.constant 0 : i32
    %scan3A_58 = arith.constant 40 : i32
    %scan3A_59 = arith.addi %scan3A_57, %scan3A_58 : i32
    %scan3A_60 = arith.constant 1 : i32
    scf.for %scan3A_75 = %scan3A_57 to %scan3A_59 step %scan3A_60  : i32 {
      %mul3A_76 = arith.constant 2 : i32
      %mul3A_77 = arith.muli %scan3A_75, %mul3A_76 : i32
      %add3A_78 = arith.constant 0 : i32
      %add3A_79 = arith.addi %mul3A_77, %add3A_78 : i32
      %mul3A_80 = arith.constant 128 : i32
      %mul3A_81 = arith.muli %add3A_79, %mul3A_80 : i32
      %add3A_82 = arith.addi %mul3A_14, %mul3A_81 : i32
      %dma_wait3A_83 = arith.constant 0 : i32
      %dma_wait3A_84 = arith.constant 0 : i32
      %dma_wait3A_85 = tpu.memref_slice %arg8[%dma_wait3A_83, %dma_wait3A_84] : memref<2x128xi32, #tpu.memory_space<vmem>> -> memref<1x128xi32, #tpu.memory_space<vmem>>
      %dma_wait3A_86 = tpu.memref_squeeze %dma_wait3A_85 : memref<1x128xi32, #tpu.memory_space<vmem>> -> memref<128xi32, #tpu.memory_space<vmem>>
      %dma_wait3A_87 = tpu.memref_slice %arg4[%add3A_82] : memref<163840xi32, #tpu.memory_space<hbm>> -> memref<128xi32, #tpu.memory_space<hbm>>
      %dma_wait3A_88 = arith.constant 0 : i32
      %dma_wait3A_89 = tpu.memref_slice %arg8[%dma_wait3A_83, %dma_wait3A_88] : memref<2x128xi32, #tpu.memory_space<vmem>> -> memref<1x128xi32, #tpu.memory_space<vmem>>
      %dma_wait3A_90 = tpu.memref_squeeze %dma_wait3A_89 : memref<1x128xi32, #tpu.memory_space<vmem>> -> memref<128xi32, #tpu.memory_space<vmem>>
      %dma_wait3A_91 = tpu.memref_slice %arg4[%add3A_82] : memref<163840xi32, #tpu.memory_space<hbm>> -> memref<128xi32, #tpu.memory_space<hbm>>
      tpu.wait_dma2 semaphore(%arg13 : memref<!tpu.dma_semaphore, #tpu.memory_space<semaphore_mem>>) src(%dma_wait3A_91 : memref<128xi32, #tpu.memory_space<hbm>>) dst(%dma_wait3A_90 : memref<128xi32, #tpu.memory_space<vmem>>)
      %mul3A_92 = arith.constant 128 : i32
      %mul3A_93 = arith.muli %add3A_79, %mul3A_92 : i32
      %dma_wait3A_94 = arith.constant 0 : i32
      %dma_wait3A_95 = arith.constant 0 : i32
      %dma_wait3A_96 = arith.constant 0 : i32
      %dma_wait3A_97 = tpu.memref_slice %arg9[%dma_wait3A_94, %dma_wait3A_95, %dma_wait3A_96] : memref<2x128x128xf32, #tpu.memory_space<vmem>> -> memref<1x128x128xf32, #tpu.memory_space<vmem>>
      %dma_wait3A_98 = tpu.memref_squeeze %dma_wait3A_97 : memref<1x128x128xf32, #tpu.memory_space<vmem>> -> memref<128x128xf32, #tpu.memory_space<vmem>>
      %dma_wait3A_99 = tpu.memref_slice %arg7[%mul3A_93] : memref<10240xi32, #tpu.memory_space<vmem>> -> memref<128xi32, #tpu.memory_space<vmem>>
      %dma_wait3A_100 = arith.constant 0 : i32
      %dma_wait3A_101 = arith.constant 0 : i32
      %dma_wait3A_102 = tpu.memref_slice %arg2[%dma_wait3A_100, %dma_wait3A_101] : memref<80000x128xf32, #tpu.memory_space<hbm>> -> memref<80000x128xf32, #tpu.memory_space<hbm>>
      tpu.wait_indirect_dma semaphore(%arg11 : memref<!tpu.dma_semaphore, #tpu.memory_space<semaphore_mem>>) src(%dma_wait3A_102 : memref<80000x128xf32, #tpu.memory_space<hbm>>) dst(%dma_wait3A_98 : memref<128x128xf32, #tpu.memory_space<vmem>>)
      %run_scoped3A = arith.constant 0 : i32
      %run_scoped3A_103 = arith.constant 0 : i32
      "tpu.region"() ({
        %run_scoped3A_147 = tpu.sem_alloc : memref<!tpu.dma_semaphore, #tpu.memory_space<semaphore_mem>>
        %dma_start3A_148 = arith.constant 0 : i32
        %dma_start3A_149 = arith.constant 0 : i32
        %dma_start3A_150 = tpu.memref_slice %arg9[%run_scoped3A, %dma_start3A_148, %dma_start3A_149] : memref<2x128x128xf32, #tpu.memory_space<vmem>> -> memref<1x128x128xf32, #tpu.memory_space<vmem>>
        %dma_start3A_151 = tpu.memref_squeeze %dma_start3A_150 : memref<1x128x128xf32, #tpu.memory_space<vmem>> -> memref<128x128xf32, #tpu.memory_space<vmem>>
        %dma_start3A_152 = arith.constant 0 : i32
        %dma_start3A_153 = tpu.memref_slice %arg8[%run_scoped3A_103, %dma_start3A_152] : memref<2x128xi32, #tpu.memory_space<vmem>> -> memref<1x128xi32, #tpu.memory_space<vmem>>
        %dma_start3A_154 = tpu.memref_squeeze %dma_start3A_153 : memref<1x128xi32, #tpu.memory_space<vmem>> -> memref<128xi32, #tpu.memory_space<vmem>>
        %dma_start3A_155 = arith.constant 0 : i32
        %dma_start3A_156 = arith.constant 0 : i32
        %dma_start3A_157 = tpu.memref_slice %arg10[%dma_start3A_155, %dma_start3A_156] : memref<10008x128xf32, #tpu.memory_space<vmem_shared>> -> memref<10008x128xf32, #tpu.memory_space<vmem_shared>>
        tpu.enqueue_indirect_dma source(%dma_start3A_151 : memref<128x128xf32, #tpu.memory_space<vmem>>) target(%dma_start3A_157 : memref<10008x128xf32, #tpu.memory_space<vmem_shared>>) offsets(%dma_start3A_154 : memref<128xi32, #tpu.memory_space<vmem>>) semaphore(%run_scoped3A_147 : memref<!tpu.dma_semaphore, #tpu.memory_space<semaphore_mem>>) {add = true}
        %dma_wait3A_158 = arith.constant 0 : i32
        %dma_wait3A_159 = arith.constant 0 : i32
        %dma_wait3A_160 = tpu.memref_slice %arg9[%run_scoped3A, %dma_wait3A_158, %dma_wait3A_159] : memref<2x128x128xf32, #tpu.memory_space<vmem>> -> memref<1x128x128xf32, #tpu.memory_space<vmem>>
        %dma_wait3A_161 = tpu.memref_squeeze %dma_wait3A_160 : memref<1x128x128xf32, #tpu.memory_space<vmem>> -> memref<128x128xf32, #tpu.memory_space<vmem>>
        %dma_wait3A_162 = arith.constant 0 : i32
        %dma_wait3A_163 = tpu.memref_slice %arg8[%run_scoped3A_103, %dma_wait3A_162] : memref<2x128xi32, #tpu.memory_space<vmem>> -> memref<1x128xi32, #tpu.memory_space<vmem>>
        %dma_wait3A_164 = tpu.memref_squeeze %dma_wait3A_163 : memref<1x128xi32, #tpu.memory_space<vmem>> -> memref<128xi32, #tpu.memory_space<vmem>>
        %dma_wait3A_165 = arith.constant 0 : i32
        %dma_wait3A_166 = arith.constant 0 : i32
        %dma_wait3A_167 = tpu.memref_slice %arg10[%dma_wait3A_165, %dma_wait3A_166] : memref<10008x128xf32, #tpu.memory_space<vmem_shared>> -> memref<10008x128xf32, #tpu.memory_space<vmem_shared>>
        tpu.wait_indirect_dma semaphore(%run_scoped3A_147 : memref<!tpu.dma_semaphore, #tpu.memory_space<semaphore_mem>>) src(%dma_wait3A_161 : memref<128x128xf32, #tpu.memory_space<vmem>>) dst(%dma_wait3A_167 : memref<10008x128xf32, #tpu.memory_space<vmem_shared>>)
        tpu.yield
      }) : () -> ()
      %add3A_104 = arith.constant 2 : i32
      %add3A_105 = arith.addi %add3A_79, %add3A_104 : i32
      %lt3A_106 = arith.constant 80 : i32
      %lt3A_107 = arith.cmpi slt, %add3A_105, %lt3A_106 : i32
      %convert_element_type3A_108 = arith.extui %lt3A_107 : i1 to i32
      %cond3A_109 = arith.constant 0 : i32
      %cond3A_110 = arith.cmpi ne, %convert_element_type3A_108, %cond3A_109 : i32
      scf.if %cond3A_110 {
        %add3A_147 = arith.constant 2 : i32
        %add3A_148 = arith.addi %add3A_79, %add3A_147 : i32
        %mul3A_149 = arith.constant 128 : i32
        %mul3A_150 = arith.muli %add3A_148, %mul3A_149 : i32
        %dma_start3A_151 = arith.constant 0 : i32
        %dma_start3A_152 = arith.constant 0 : i32
        %dma_start3A_153 = arith.constant 0 : i32
        %dma_start3A_154 = tpu.memref_slice %arg9[%dma_start3A_151, %dma_start3A_152, %dma_start3A_153] : memref<2x128x128xf32, #tpu.memory_space<vmem>> -> memref<1x128x128xf32, #tpu.memory_space<vmem>>
        %dma_start3A_155 = tpu.memref_squeeze %dma_start3A_154 : memref<1x128x128xf32, #tpu.memory_space<vmem>> -> memref<128x128xf32, #tpu.memory_space<vmem>>
        %dma_start3A_156 = tpu.memref_slice %arg7[%mul3A_150] : memref<10240xi32, #tpu.memory_space<vmem>> -> memref<128xi32, #tpu.memory_space<vmem>>
        %dma_start3A_157 = arith.constant 0 : i32
        %dma_start3A_158 = arith.constant 0 : i32
        %dma_start3A_159 = tpu.memref_slice %arg2[%dma_start3A_157, %dma_start3A_158] : memref<80000x128xf32, #tpu.memory_space<hbm>> -> memref<80000x128xf32, #tpu.memory_space<hbm>>
        tpu.enqueue_indirect_dma source(%dma_start3A_159 : memref<80000x128xf32, #tpu.memory_space<hbm>>) target(%dma_start3A_155 : memref<128x128xf32, #tpu.memory_space<vmem>>) offsets(%dma_start3A_156 : memref<128xi32, #tpu.memory_space<vmem>>) semaphore(%arg11 : memref<!tpu.dma_semaphore, #tpu.memory_space<semaphore_mem>>)
        %add3A_160 = arith.constant 2 : i32
        %add3A_161 = arith.addi %add3A_79, %add3A_160 : i32
        %mul3A_162 = arith.constant 128 : i32
        %mul3A_163 = arith.muli %add3A_161, %mul3A_162 : i32
        %add3A_164 = arith.addi %mul3A_14, %mul3A_163 : i32
        %dma_start3A_165 = arith.constant 0 : i32
        %dma_start3A_166 = arith.constant 0 : i32
        %dma_start3A_167 = tpu.memref_slice %arg8[%dma_start3A_165, %dma_start3A_166] : memref<2x128xi32, #tpu.memory_space<vmem>> -> memref<1x128xi32, #tpu.memory_space<vmem>>
        %dma_start3A_168 = tpu.memref_squeeze %dma_start3A_167 : memref<1x128xi32, #tpu.memory_space<vmem>> -> memref<128xi32, #tpu.memory_space<vmem>>
        %dma_start3A_169 = tpu.memref_slice %arg4[%add3A_164] : memref<163840xi32, #tpu.memory_space<hbm>> -> memref<128xi32, #tpu.memory_space<hbm>>
        %dma_start3A_170 = arith.constant 0 : i32
        %dma_start3A_171 = tpu.memref_slice %arg8[%dma_start3A_165, %dma_start3A_170] : memref<2x128xi32, #tpu.memory_space<vmem>> -> memref<1x128xi32, #tpu.memory_space<vmem>>
        %dma_start3A_172 = tpu.memref_squeeze %dma_start3A_171 : memref<1x128xi32, #tpu.memory_space<vmem>> -> memref<128xi32, #tpu.memory_space<vmem>>
        %dma_start3A_173 = tpu.memref_slice %arg4[%add3A_164] : memref<163840xi32, #tpu.memory_space<hbm>> -> memref<128xi32, #tpu.memory_space<hbm>>
        tpu.enqueue_dma source(%dma_start3A_173 : memref<128xi32, #tpu.memory_space<hbm>>) target(%dma_start3A_172 : memref<128xi32, #tpu.memory_space<vmem>>) target_semaphore(%arg13 : memref<!tpu.dma_semaphore, #tpu.memory_space<semaphore_mem>>)
      } else {
      }
      %mul3A_111 = arith.constant 2 : i32
      %mul3A_112 = arith.muli %scan3A_75, %mul3A_111 : i32
      %add3A_113 = arith.constant 1 : i32
      %add3A_114 = arith.addi %mul3A_112, %add3A_113 : i32
      %mul3A_115 = arith.constant 128 : i32
      %mul3A_116 = arith.muli %add3A_114, %mul3A_115 : i32
      %add3A_117 = arith.addi %mul3A_14, %mul3A_116 : i32
      %dma_wait3A_118 = arith.constant 1 : i32
      %dma_wait3A_119 = arith.constant 0 : i32
      %dma_wait3A_120 = tpu.memref_slice %arg8[%dma_wait3A_118, %dma_wait3A_119] : memref<2x128xi32, #tpu.memory_space<vmem>> -> memref<1x128xi32, #tpu.memory_space<vmem>>
      %dma_wait3A_121 = tpu.memref_squeeze %dma_wait3A_120 : memref<1x128xi32, #tpu.memory_space<vmem>> -> memref<128xi32, #tpu.memory_space<vmem>>
      %dma_wait3A_122 = tpu.memref_slice %arg4[%add3A_117] : memref<163840xi32, #tpu.memory_space<hbm>> -> memref<128xi32, #tpu.memory_space<hbm>>
      %dma_wait3A_123 = arith.constant 0 : i32
      %dma_wait3A_124 = tpu.memref_slice %arg8[%dma_wait3A_118, %dma_wait3A_123] : memref<2x128xi32, #tpu.memory_space<vmem>> -> memref<1x128xi32, #tpu.memory_space<vmem>>
      %dma_wait3A_125 = tpu.memref_squeeze %dma_wait3A_124 : memref<1x128xi32, #tpu.memory_space<vmem>> -> memref<128xi32, #tpu.memory_space<vmem>>
      %dma_wait3A_126 = tpu.memref_slice %arg4[%add3A_117] : memref<163840xi32, #tpu.memory_space<hbm>> -> memref<128xi32, #tpu.memory_space<hbm>>
      tpu.wait_dma2 semaphore(%arg14 : memref<!tpu.dma_semaphore, #tpu.memory_space<semaphore_mem>>) src(%dma_wait3A_126 : memref<128xi32, #tpu.memory_space<hbm>>) dst(%dma_wait3A_125 : memref<128xi32, #tpu.memory_space<vmem>>)
      %mul3A_127 = arith.constant 128 : i32
      %mul3A_128 = arith.muli %add3A_114, %mul3A_127 : i32
      %dma_wait3A_129 = arith.constant 1 : i32
      %dma_wait3A_130 = arith.constant 0 : i32
      %dma_wait3A_131 = arith.constant 0 : i32
      %dma_wait3A_132 = tpu.memref_slice %arg9[%dma_wait3A_129, %dma_wait3A_130, %dma_wait3A_131] : memref<2x128x128xf32, #tpu.memory_space<vmem>> -> memref<1x128x128xf32, #tpu.memory_space<vmem>>
      %dma_wait3A_133 = tpu.memref_squeeze %dma_wait3A_132 : memref<1x128x128xf32, #tpu.memory_space<vmem>> -> memref<128x128xf32, #tpu.memory_space<vmem>>
      %dma_wait3A_134 = tpu.memref_slice %arg7[%mul3A_128] : memref<10240xi32, #tpu.memory_space<vmem>> -> memref<128xi32, #tpu.memory_space<vmem>>
      %dma_wait3A_135 = arith.constant 0 : i32
      %dma_wait3A_136 = arith.constant 0 : i32
      %dma_wait3A_137 = tpu.memref_slice %arg2[%dma_wait3A_135, %dma_wait3A_136] : memref<80000x128xf32, #tpu.memory_space<hbm>> -> memref<80000x128xf32, #tpu.memory_space<hbm>>
      tpu.wait_indirect_dma semaphore(%arg12 : memref<!tpu.dma_semaphore, #tpu.memory_space<semaphore_mem>>) src(%dma_wait3A_137 : memref<80000x128xf32, #tpu.memory_space<hbm>>) dst(%dma_wait3A_133 : memref<128x128xf32, #tpu.memory_space<vmem>>)
      %run_scoped3A_138 = arith.constant 1 : i32
      %run_scoped3A_139 = arith.constant 1 : i32
      "tpu.region"() ({
        %run_scoped3A_147 = tpu.sem_alloc : memref<!tpu.dma_semaphore, #tpu.memory_space<semaphore_mem>>
        %dma_start3A_148 = arith.constant 0 : i32
        %dma_start3A_149 = arith.constant 0 : i32
        %dma_start3A_150 = tpu.memref_slice %arg9[%run_scoped3A_138, %dma_start3A_148, %dma_start3A_149] : memref<2x128x128xf32, #tpu.memory_space<vmem>> -> memref<1x128x128xf32, #tpu.memory_space<vmem>>
        %dma_start3A_151 = tpu.memref_squeeze %dma_start3A_150 : memref<1x128x128xf32, #tpu.memory_space<vmem>> -> memref<128x128xf32, #tpu.memory_space<vmem>>
        %dma_start3A_152 = arith.constant 0 : i32
        %dma_start3A_153 = tpu.memref_slice %arg8[%run_scoped3A_139, %dma_start3A_152] : memref<2x128xi32, #tpu.memory_space<vmem>> -> memref<1x128xi32, #tpu.memory_space<vmem>>
        %dma_start3A_154 = tpu.memref_squeeze %dma_start3A_153 : memref<1x128xi32, #tpu.memory_space<vmem>> -> memref<128xi32, #tpu.memory_space<vmem>>
        %dma_start3A_155 = arith.constant 0 : i32
        %dma_start3A_156 = arith.constant 0 : i32
        %dma_start3A_157 = tpu.memref_slice %arg10[%dma_start3A_155, %dma_start3A_156] : memref<10008x128xf32, #tpu.memory_space<vmem_shared>> -> memref<10008x128xf32, #tpu.memory_space<vmem_shared>>
        tpu.enqueue_indirect_dma source(%dma_start3A_151 : memref<128x128xf32, #tpu.memory_space<vmem>>) target(%dma_start3A_157 : memref<10008x128xf32, #tpu.memory_space<vmem_shared>>) offsets(%dma_start3A_154 : memref<128xi32, #tpu.memory_space<vmem>>) semaphore(%run_scoped3A_147 : memref<!tpu.dma_semaphore, #tpu.memory_space<semaphore_mem>>) {add = true}
        %dma_wait3A_158 = arith.constant 0 : i32
        %dma_wait3A_159 = arith.constant 0 : i32
        %dma_wait3A_160 = tpu.memref_slice %arg9[%run_scoped3A_138, %dma_wait3A_158, %dma_wait3A_159] : memref<2x128x128xf32, #tpu.memory_space<vmem>> -> memref<1x128x128xf32, #tpu.memory_space<vmem>>
        %dma_wait3A_161 = tpu.memref_squeeze %dma_wait3A_160 : memref<1x128x128xf32, #tpu.memory_space<vmem>> -> memref<128x128xf32, #tpu.memory_space<vmem>>
        %dma_wait3A_162 = arith.constant 0 : i32
        %dma_wait3A_163 = tpu.memref_slice %arg8[%run_scoped3A_139, %dma_wait3A_162] : memref<2x128xi32, #tpu.memory_space<vmem>> -> memref<1x128xi32, #tpu.memory_space<vmem>>
        %dma_wait3A_164 = tpu.memref_squeeze %dma_wait3A_163 : memref<1x128xi32, #tpu.memory_space<vmem>> -> memref<128xi32, #tpu.memory_space<vmem>>
        %dma_wait3A_165 = arith.constant 0 : i32
        %dma_wait3A_166 = arith.constant 0 : i32
        %dma_wait3A_167 = tpu.memref_slice %arg10[%dma_wait3A_165, %dma_wait3A_166] : memref<10008x128xf32, #tpu.memory_space<vmem_shared>> -> memref<10008x128xf32, #tpu.memory_space<vmem_shared>>
        tpu.wait_indirect_dma semaphore(%run_scoped3A_147 : memref<!tpu.dma_semaphore, #tpu.memory_space<semaphore_mem>>) src(%dma_wait3A_161 : memref<128x128xf32, #tpu.memory_space<vmem>>) dst(%dma_wait3A_167 : memref<10008x128xf32, #tpu.memory_space<vmem_shared>>)
        tpu.yield
      }) : () -> ()
      %add3A_140 = arith.constant 2 : i32
      %add3A_141 = arith.addi %add3A_114, %add3A_140 : i32
      %lt3A_142 = arith.constant 80 : i32
      %lt3A_143 = arith.cmpi slt, %add3A_141, %lt3A_142 : i32
      %convert_element_type3A_144 = arith.extui %lt3A_143 : i1 to i32
      %cond3A_145 = arith.constant 0 : i32
      %cond3A_146 = arith.cmpi ne, %convert_element_type3A_144, %cond3A_145 : i32
      scf.if %cond3A_146 {
        %add3A_147 = arith.constant 2 : i32
        %add3A_148 = arith.addi %add3A_114, %add3A_147 : i32
        %mul3A_149 = arith.constant 128 : i32
        %mul3A_150 = arith.muli %add3A_148, %mul3A_149 : i32
        %dma_start3A_151 = arith.constant 1 : i32
        %dma_start3A_152 = arith.constant 0 : i32
        %dma_start3A_153 = arith.constant 0 : i32
        %dma_start3A_154 = tpu.memref_slice %arg9[%dma_start3A_151, %dma_start3A_152, %dma_start3A_153] : memref<2x128x128xf32, #tpu.memory_space<vmem>> -> memref<1x128x128xf32, #tpu.memory_space<vmem>>
        %dma_start3A_155 = tpu.memref_squeeze %dma_start3A_154 : memref<1x128x128xf32, #tpu.memory_space<vmem>> -> memref<128x128xf32, #tpu.memory_space<vmem>>
        %dma_start3A_156 = tpu.memref_slice %arg7[%mul3A_150] : memref<10240xi32, #tpu.memory_space<vmem>> -> memref<128xi32, #tpu.memory_space<vmem>>
        %dma_start3A_157 = arith.constant 0 : i32
        %dma_start3A_158 = arith.constant 0 : i32
        %dma_start3A_159 = tpu.memref_slice %arg2[%dma_start3A_157, %dma_start3A_158] : memref<80000x128xf32, #tpu.memory_space<hbm>> -> memref<80000x128xf32, #tpu.memory_space<hbm>>
        tpu.enqueue_indirect_dma source(%dma_start3A_159 : memref<80000x128xf32, #tpu.memory_space<hbm>>) target(%dma_start3A_155 : memref<128x128xf32, #tpu.memory_space<vmem>>) offsets(%dma_start3A_156 : memref<128xi32, #tpu.memory_space<vmem>>) semaphore(%arg12 : memref<!tpu.dma_semaphore, #tpu.memory_space<semaphore_mem>>)
        %add3A_160 = arith.constant 2 : i32
        %add3A_161 = arith.addi %add3A_114, %add3A_160 : i32
        %mul3A_162 = arith.constant 128 : i32
        %mul3A_163 = arith.muli %add3A_161, %mul3A_162 : i32
        %add3A_164 = arith.addi %mul3A_14, %mul3A_163 : i32
        %dma_start3A_165 = arith.constant 1 : i32
        %dma_start3A_166 = arith.constant 0 : i32
        %dma_start3A_167 = tpu.memref_slice %arg8[%dma_start3A_165, %dma_start3A_166] : memref<2x128xi32, #tpu.memory_space<vmem>> -> memref<1x128xi32, #tpu.memory_space<vmem>>
        %dma_start3A_168 = tpu.memref_squeeze %dma_start3A_167 : memref<1x128xi32, #tpu.memory_space<vmem>> -> memref<128xi32, #tpu.memory_space<vmem>>
        %dma_start3A_169 = tpu.memref_slice %arg4[%add3A_164] : memref<163840xi32, #tpu.memory_space<hbm>> -> memref<128xi32, #tpu.memory_space<hbm>>
        %dma_start3A_170 = arith.constant 0 : i32
        %dma_start3A_171 = tpu.memref_slice %arg8[%dma_start3A_165, %dma_start3A_170] : memref<2x128xi32, #tpu.memory_space<vmem>> -> memref<1x128xi32, #tpu.memory_space<vmem>>
        %dma_start3A_172 = tpu.memref_squeeze %dma_start3A_171 : memref<1x128xi32, #tpu.memory_space<vmem>> -> memref<128xi32, #tpu.memory_space<vmem>>
        %dma_start3A_173 = tpu.memref_slice %arg4[%add3A_164] : memref<163840xi32, #tpu.memory_space<hbm>> -> memref<128xi32, #tpu.memory_space<hbm>>
        tpu.enqueue_dma source(%dma_start3A_173 : memref<128xi32, #tpu.memory_space<hbm>>) target(%dma_start3A_172 : memref<128xi32, #tpu.memory_space<vmem>>) target_semaphore(%arg14 : memref<!tpu.dma_semaphore, #tpu.memory_space<semaphore_mem>>)
      } else {
      }
    }
    %scan3A_61 = arith.constant 40 : i32
    %barrier3A_62 = arith.constant 0 : index
    tpu.barrier barrier_id(%barrier3A_62)
    %mul3A_63 = arith.constant 624 : i32
    %mul3A_64 = arith.muli %arg1, %mul3A_63 : i32
    %mul3A_65 = arith.constant 10000 : i32
    %mul3A_66 = arith.muli %arg0, %mul3A_65 : i32
    %mul3A_67 = arith.constant 624 : i32
    %mul3A_68 = arith.muli %arg1, %mul3A_67 : i32
    %add3A_69 = arith.addi %mul3A_66, %mul3A_68 : i32
    "tpu.region"() ({
      %run_scoped3A = tpu.sem_alloc : memref<!tpu.dma_semaphore, #tpu.memory_space<semaphore_mem>>
      %dma_start3A_75 = arith.constant 0 : i32
      %dma_start3A_76 = tpu.memref_slice %arg6[%add3A_69, %dma_start3A_75] : memref<20000x128xf32, #tpu.memory_space<hbm>> -> memref<624x128xf32, #tpu.memory_space<hbm>>
      %dma_start3A_77 = arith.constant 0 : i32
      %dma_start3A_78 = tpu.memref_slice %arg10[%mul3A_64, %dma_start3A_77] : memref<10008x128xf32, #tpu.memory_space<vmem_shared>> -> memref<624x128xf32, #tpu.memory_space<vmem_shared>>
      tpu.enqueue_dma source(%dma_start3A_78 : memref<624x128xf32, #tpu.memory_space<vmem_shared>>) target(%dma_start3A_76 : memref<624x128xf32, #tpu.memory_space<hbm>>) target_semaphore(%run_scoped3A : memref<!tpu.dma_semaphore, #tpu.memory_space<semaphore_mem>>)
      %dma_wait3A_79 = arith.constant 0 : i32
      %dma_wait3A_80 = tpu.memref_slice %arg6[%add3A_69, %dma_wait3A_79] : memref<20000x128xf32, #tpu.memory_space<hbm>> -> memref<624x128xf32, #tpu.memory_space<hbm>>
      %dma_wait3A_81 = arith.constant 0 : i32
      %dma_wait3A_82 = tpu.memref_slice %arg10[%mul3A_64, %dma_wait3A_81] : memref<10008x128xf32, #tpu.memory_space<vmem_shared>> -> memref<624x128xf32, #tpu.memory_space<vmem_shared>>
      tpu.wait_dma2 semaphore(%run_scoped3A : memref<!tpu.dma_semaphore, #tpu.memory_space<semaphore_mem>>) src(%dma_wait3A_82 : memref<624x128xf32, #tpu.memory_space<vmem_shared>>) dst(%dma_wait3A_80 : memref<624x128xf32, #tpu.memory_space<hbm>>)
      tpu.yield
    }) : () -> ()
    %eq3A_70 = arith.constant 0 : i32
    %eq3A_71 = arith.cmpi eq, %arg1, %eq3A_70 : i32
    %convert_element_type3A_72 = arith.extui %eq3A_71 : i1 to i32
    %cond3A_73 = arith.constant 0 : i32
    %cond3A_74 = arith.cmpi ne, %convert_element_type3A_72, %cond3A_73 : i32
    scf.if %cond3A_74 {
      %mul3A_75 = arith.constant 10000 : i32
      %mul3A_76 = arith.muli %arg0, %mul3A_75 : i32
      %add3A_77 = arith.constant 9984 : i32
      %add3A_78 = arith.addi %mul3A_76, %add3A_77 : i32
      "tpu.region"() ({
        %run_scoped3A = tpu.sem_alloc : memref<!tpu.dma_semaphore, #tpu.memory_space<semaphore_mem>>
        %dma_start3A_79 = arith.constant 0 : i32
        %dma_start3A_80 = tpu.memref_slice %arg6[%add3A_78, %dma_start3A_79] : memref<20000x128xf32, #tpu.memory_space<hbm>> -> memref<16x128xf32, #tpu.memory_space<hbm>>
        %dma_start3A_81 = arith.constant 9984 : i32
        %dma_start3A_82 = arith.constant 0 : i32
        %dma_start3A_83 = tpu.memref_slice %arg10[%dma_start3A_81, %dma_start3A_82] : memref<10008x128xf32, #tpu.memory_space<vmem_shared>> -> memref<16x128xf32, #tpu.memory_space<vmem_shared>>
        tpu.enqueue_dma source(%dma_start3A_83 : memref<16x128xf32, #tpu.memory_space<vmem_shared>>) target(%dma_start3A_80 : memref<16x128xf32, #tpu.memory_space<hbm>>) target_semaphore(%run_scoped3A : memref<!tpu.dma_semaphore, #tpu.memory_space<semaphore_mem>>)
        %dma_wait3A_84 = arith.constant 0 : i32
        %dma_wait3A_85 = tpu.memref_slice %arg6[%add3A_78, %dma_wait3A_84] : memref<20000x128xf32, #tpu.memory_space<hbm>> -> memref<16x128xf32, #tpu.memory_space<hbm>>
        %dma_wait3A_86 = arith.constant 9984 : i32
        %dma_wait3A_87 = arith.constant 0 : i32
        %dma_wait3A_88 = tpu.memref_slice %arg10[%dma_wait3A_86, %dma_wait3A_87] : memref<10008x128xf32, #tpu.memory_space<vmem_shared>> -> memref<16x128xf32, #tpu.memory_space<vmem_shared>>
        tpu.wait_dma2 semaphore(%run_scoped3A : memref<!tpu.dma_semaphore, #tpu.memory_space<semaphore_mem>>) src(%dma_wait3A_88 : memref<16x128xf32, #tpu.memory_space<vmem_shared>>) dst(%dma_wait3A_85 : memref<16x128xf32, #tpu.memory_space<hbm>>)
        tpu.yield
      }) : () -> ()
    } else {
    }
    return
  }
}

#map = affine_map<(d0, d1) -> (0, 0)>
#map1 = affine_map<(d0, d1) -> (0)>
module attributes {stable_mosaic.version = 14 : i64} {
  func.func @_sc_body(%arg0: i32, %arg1: i32, %arg2: memref<80000x128xf32, #tpu.memory_space<hbm>>, %arg3: memref<327680xi32, #tpu.memory_space<hbm>>, %arg4: memref<163840xi32, #tpu.memory_space<hbm>>, %arg5: memref<632x128xf32, #tpu.memory_space<hbm>>, %arg6: memref<20000x128xf32, #tpu.memory_space<hbm>>, %arg7: memref<10240xi32, #tpu.memory_space<vmem>>, %arg8: memref<2x128xi32, #tpu.memory_space<vmem>>, %arg9: memref<2x128x128xf32, #tpu.memory_space<vmem>>, %arg10: memref<10008x128xf32, #tpu.memory_space<vmem_shared>>, %arg11: memref<!tpu.dma_semaphore, #tpu.memory_space<semaphore_mem>>, %arg12: memref<!tpu.dma_semaphore, #tpu.memory_space<semaphore_mem>>, %arg13: memref<!tpu.dma_semaphore, #tpu.memory_space<semaphore_mem>>, %arg14: memref<!tpu.dma_semaphore, #tpu.memory_space<semaphore_mem>>) attributes {dimension_semantics = [#tpu.dimension_semantics<core_parallel>, #tpu.dimension_semantics<subcore_parallel>], iteration_bounds = array<i64: 2, 16>, scalar_prefetch = 0 : i64, scratch_operands = 8 : i64, tpu.core_type = #tpu.core_type<sc_vector_subcore>, window_params = [{transform_indices = #map}, {transform_indices = #map1}, {transform_indices = #map1}, {transform_indices = #map}, {transform_indices = #map}]} {
    %mul3A = arith.constant 16 : i32
    %mul3A_0 = arith.muli %arg0, %mul3A : i32
    %add3A = arith.addi %mul3A_0, %arg1 : i32
    %mul3A_1 = arith.constant 80 : i32
    %mul3A_2 = arith.muli %add3A, %mul3A_1 : i32
    %mul3A_3 = arith.constant 128 : i32
    %mul3A_4 = arith.muli %mul3A_2, %mul3A_3 : i32
    %dma_start3A = tpu.memref_slice %arg3[%mul3A_4] : memref<327680xi32, #tpu.memory_space<hbm>> -> memref<10240xi32, #tpu.memory_space<hbm>>
    %dma_start3A_5 = tpu.memref_slice %arg3[%mul3A_4] : memref<327680xi32, #tpu.memory_space<hbm>> -> memref<10240xi32, #tpu.memory_space<hbm>>
    tpu.enqueue_dma source(%dma_start3A_5 : memref<10240xi32, #tpu.memory_space<hbm>>) target(%arg7 : memref<10240xi32, #tpu.memory_space<vmem>>) target_semaphore(%arg11 : memref<!tpu.dma_semaphore, #tpu.memory_space<semaphore_mem>>)
    %lt3A = arith.constant 15 : i32
    %lt3A_6 = arith.cmpi slt, %arg1, %lt3A : i32
    %convert_element_type3A = arith.extui %lt3A_6 : i1 to i32
    %cond3A = arith.constant 0 : i32
    %cond3A_7 = arith.cmpi ne, %convert_element_type3A, %cond3A : i32
    scf.if %cond3A_7 {
      %mul3A_75 = arith.constant 632 : i32
      %mul3A_76 = arith.muli %arg1, %mul3A_75 : i32
      "tpu.region"() ({
        %run_scoped3A = tpu.sem_alloc : memref<!tpu.dma_semaphore, #tpu.memory_space<semaphore_mem>>
        %dma_start3A_77 = arith.constant 0 : i32
        %dma_start3A_78 = tpu.memref_slice %arg10[%mul3A_76, %dma_start3A_77] : memref<10008x128xf32, #tpu.memory_space<vmem_shared>> -> memref<632x128xf32, #tpu.memory_space<vmem_shared>>
        tpu.enqueue_dma source(%arg5 : memref<632x128xf32, #tpu.memory_space<hbm>>) target(%dma_start3A_78 : memref<632x128xf32, #tpu.memory_space<vmem_shared>>) target_semaphore(%run_scoped3A : memref<!tpu.dma_semaphore, #tpu.memory_space<semaphore_mem>>)
        %dma_wait3A_79 = arith.constant 0 : i32
        %dma_wait3A_80 = tpu.memref_slice %arg10[%mul3A_76, %dma_wait3A_79] : memref<10008x128xf32, #tpu.memory_space<vmem_shared>> -> memref<632x128xf32, #tpu.memory_space<vmem_shared>>
        tpu.wait_dma2 semaphore(%run_scoped3A : memref<!tpu.dma_semaphore, #tpu.memory_space<semaphore_mem>>) src(%arg5 : memref<632x128xf32, #tpu.memory_space<hbm>>) dst(%dma_wait3A_80 : memref<632x128xf32, #tpu.memory_space<vmem_shared>>)
        tpu.yield
      }) : () -> ()
    } else {
    }
    %eq3A = arith.constant 15 : i32
    %eq3A_8 = arith.cmpi eq, %arg1, %eq3A : i32
    %convert_element_type3A_9 = arith.extui %eq3A_8 : i1 to i32
    %cond3A_10 = arith.constant 0 : i32
    %cond3A_11 = arith.cmpi ne, %convert_element_type3A_9, %cond3A_10 : i32
    scf.if %cond3A_11 {
      "tpu.region"() ({
        %run_scoped3A = tpu.sem_alloc : memref<!tpu.dma_semaphore, #tpu.memory_space<semaphore_mem>>
        %dma_start3A_75 = arith.constant 9480 : i32
        %dma_start3A_76 = arith.constant 0 : i32
        %dma_start3A_77 = tpu.memref_slice %arg10[%dma_start3A_75, %dma_start3A_76] : memref<10008x128xf32, #tpu.memory_space<vmem_shared>> -> memref<528x128xf32, #tpu.memory_space<vmem_shared>>
        %dma_start3A_78 = arith.constant 0 : i32
        %dma_start3A_79 = arith.constant 0 : i32
        %dma_start3A_80 = tpu.memref_slice %arg5[%dma_start3A_78, %dma_start3A_79] : memref<632x128xf32, #tpu.memory_space<hbm>> -> memref<528x128xf32, #tpu.memory_space<hbm>>
        tpu.enqueue_dma source(%dma_start3A_80 : memref<528x128xf32, #tpu.memory_space<hbm>>) target(%dma_start3A_77 : memref<528x128xf32, #tpu.memory_space<vmem_shared>>) target_semaphore(%run_scoped3A : memref<!tpu.dma_semaphore, #tpu.memory_space<semaphore_mem>>)
        %dma_wait3A_81 = arith.constant 9480 : i32
        %dma_wait3A_82 = arith.constant 0 : i32
        %dma_wait3A_83 = tpu.memref_slice %arg10[%dma_wait3A_81, %dma_wait3A_82] : memref<10008x128xf32, #tpu.memory_space<vmem_shared>> -> memref<528x128xf32, #tpu.memory_space<vmem_shared>>
        %dma_wait3A_84 = arith.constant 0 : i32
        %dma_wait3A_85 = arith.constant 0 : i32
        %dma_wait3A_86 = tpu.memref_slice %arg5[%dma_wait3A_84, %dma_wait3A_85] : memref<632x128xf32, #tpu.memory_space<hbm>> -> memref<528x128xf32, #tpu.memory_space<hbm>>
        tpu.wait_dma2 semaphore(%run_scoped3A : memref<!tpu.dma_semaphore, #tpu.memory_space<semaphore_mem>>) src(%dma_wait3A_86 : memref<528x128xf32, #tpu.memory_space<hbm>>) dst(%dma_wait3A_83 : memref<528x128xf32, #tpu.memory_space<vmem_shared>>)
        tpu.yield
      }) : () -> ()
    } else {
    }
    %dma_wait3A = tpu.memref_slice %arg3[%mul3A_4] : memref<327680xi32, #tpu.memory_space<hbm>> -> memref<10240xi32, #tpu.memory_space<hbm>>
    %dma_wait3A_12 = tpu.memref_slice %arg3[%mul3A_4] : memref<327680xi32, #tpu.memory_space<hbm>> -> memref<10240xi32, #tpu.memory_space<hbm>>
    tpu.wait_dma2 semaphore(%arg11 : memref<!tpu.dma_semaphore, #tpu.memory_space<semaphore_mem>>) src(%dma_wait3A_12 : memref<10240xi32, #tpu.memory_space<hbm>>) dst(%arg7 : memref<10240xi32, #tpu.memory_space<vmem>>)
    %barrier3A = arith.constant 0 : index
    tpu.barrier barrier_id(%barrier3A)
    %mul3A_13 = arith.constant 10240 : i32
    %mul3A_14 = arith.muli %arg1, %mul3A_13 : i32
    %dma_start3A_15 = arith.constant 0 : i32
    %dma_start3A_16 = arith.constant 0 : i32
    %dma_start3A_17 = arith.constant 0 : i32
    %dma_start3A_18 = tpu.memref_slice %arg9[%dma_start3A_15, %dma_start3A_16, %dma_start3A_17] : memref<2x128x128xf32, #tpu.memory_space<vmem>> -> memref<1x128x128xf32, #tpu.memory_space<vmem>>
    %dma_start3A_19 = tpu.memref_squeeze %dma_start3A_18 : memref<1x128x128xf32, #tpu.memory_space<vmem>> -> memref<128x128xf32, #tpu.memory_space<vmem>>
    %dma_start3A_20 = arith.constant 0 : i32
    %dma_start3A_21 = tpu.memref_slice %arg7[%dma_start3A_20] : memref<10240xi32, #tpu.memory_space<vmem>> -> memref<128xi32, #tpu.memory_space<vmem>>
    %dma_start3A_22 = arith.constant 0 : i32
    %dma_start3A_23 = arith.constant 0 : i32
    %dma_start3A_24 = tpu.memref_slice %arg2[%dma_start3A_22, %dma_start3A_23] : memref<80000x128xf32, #tpu.memory_space<hbm>> -> memref<80000x128xf32, #tpu.memory_space<hbm>>
    tpu.enqueue_indirect_dma source(%dma_start3A_24 : memref<80000x128xf32, #tpu.memory_space<hbm>>) target(%dma_start3A_19 : memref<128x128xf32, #tpu.memory_space<vmem>>) offsets(%dma_start3A_21 : memref<128xi32, #tpu.memory_space<vmem>>) semaphore(%arg11 : memref<!tpu.dma_semaphore, #tpu.memory_space<semaphore_mem>>)
    %add3A_25 = arith.constant 0 : i32
    %add3A_26 = arith.addi %mul3A_14, %add3A_25 : i32
    %dma_start3A_27 = arith.constant 0 : i32
    %dma_start3A_28 = arith.constant 0 : i32
    %dma_start3A_29 = tpu.memref_slice %arg8[%dma_start3A_27, %dma_start3A_28] : memref<2x128xi32, #tpu.memory_space<vmem>> -> memref<1x128xi32, #tpu.memory_space<vmem>>
    %dma_start3A_30 = tpu.memref_squeeze %dma_start3A_29 : memref<1x128xi32, #tpu.memory_space<vmem>> -> memref<128xi32, #tpu.memory_space<vmem>>
    %dma_start3A_31 = tpu.memref_slice %arg4[%add3A_26] : memref<163840xi32, #tpu.memory_space<hbm>> -> memref<128xi32, #tpu.memory_space<hbm>>
    %dma_start3A_32 = arith.constant 0 : i32
    %dma_start3A_33 = tpu.memref_slice %arg8[%dma_start3A_27, %dma_start3A_32] : memref<2x128xi32, #tpu.memory_space<vmem>> -> memref<1x128xi32, #tpu.memory_space<vmem>>
    %dma_start3A_34 = tpu.memref_squeeze %dma_start3A_33 : memref<1x128xi32, #tpu.memory_space<vmem>> -> memref<128xi32, #tpu.memory_space<vmem>>
    %dma_start3A_35 = tpu.memref_slice %arg4[%add3A_26] : memref<163840xi32, #tpu.memory_space<hbm>> -> memref<128xi32, #tpu.memory_space<hbm>>
    tpu.enqueue_dma source(%dma_start3A_35 : memref<128xi32, #tpu.memory_space<hbm>>) target(%dma_start3A_34 : memref<128xi32, #tpu.memory_space<vmem>>) target_semaphore(%arg13 : memref<!tpu.dma_semaphore, #tpu.memory_space<semaphore_mem>>)
    %dma_start3A_36 = arith.constant 1 : i32
    %dma_start3A_37 = arith.constant 0 : i32
    %dma_start3A_38 = arith.constant 0 : i32
    %dma_start3A_39 = tpu.memref_slice %arg9[%dma_start3A_36, %dma_start3A_37, %dma_start3A_38] : memref<2x128x128xf32, #tpu.memory_space<vmem>> -> memref<1x128x128xf32, #tpu.memory_space<vmem>>
    %dma_start3A_40 = tpu.memref_squeeze %dma_start3A_39 : memref<1x128x128xf32, #tpu.memory_space<vmem>> -> memref<128x128xf32, #tpu.memory_space<vmem>>
    %dma_start3A_41 = arith.constant 128 : i32
    %dma_start3A_42 = tpu.memref_slice %arg7[%dma_start3A_41] : memref<10240xi32, #tpu.memory_space<vmem>> -> memref<128xi32, #tpu.memory_space<vmem>>
    %dma_start3A_43 = arith.constant 0 : i32
    %dma_start3A_44 = arith.constant 0 : i32
    %dma_start3A_45 = tpu.memref_slice %arg2[%dma_start3A_43, %dma_start3A_44] : memref<80000x128xf32, #tpu.memory_space<hbm>> -> memref<80000x128xf32, #tpu.memory_space<hbm>>
    tpu.enqueue_indirect_dma source(%dma_start3A_45 : memref<80000x128xf32, #tpu.memory_space<hbm>>) target(%dma_start3A_40 : memref<128x128xf32, #tpu.memory_space<vmem>>) offsets(%dma_start3A_42 : memref<128xi32, #tpu.memory_space<vmem>>) semaphore(%arg12 : memref<!tpu.dma_semaphore, #tpu.memory_space<semaphore_mem>>)
    %add3A_46 = arith.constant 128 : i32
    %add3A_47 = arith.addi %mul3A_14, %add3A_46 : i32
    %dma_start3A_48 = arith.constant 1 : i32
    %dma_start3A_49 = arith.constant 0 : i32
    %dma_start3A_50 = tpu.memref_slice %arg8[%dma_start3A_48, %dma_start3A_49] : memref<2x128xi32, #tpu.memory_space<vmem>> -> memref<1x128xi32, #tpu.memory_space<vmem>>
    %dma_start3A_51 = tpu.memref_squeeze %dma_start3A_50 : memref<1x128xi32, #tpu.memory_space<vmem>> -> memref<128xi32, #tpu.memory_space<vmem>>
    %dma_start3A_52 = tpu.memref_slice %arg4[%add3A_47] : memref<163840xi32, #tpu.memory_space<hbm>> -> memref<128xi32, #tpu.memory_space<hbm>>
    %dma_start3A_53 = arith.constant 0 : i32
    %dma_start3A_54 = tpu.memref_slice %arg8[%dma_start3A_48, %dma_start3A_53] : memref<2x128xi32, #tpu.memory_space<vmem>> -> memref<1x128xi32, #tpu.memory_space<vmem>>
    %dma_start3A_55 = tpu.memref_squeeze %dma_start3A_54 : memref<1x128xi32, #tpu.memory_space<vmem>> -> memref<128xi32, #tpu.memory_space<vmem>>
    %dma_start3A_56 = tpu.memref_slice %arg4[%add3A_47] : memref<163840xi32, #tpu.memory_space<hbm>> -> memref<128xi32, #tpu.memory_space<hbm>>
    tpu.enqueue_dma source(%dma_start3A_56 : memref<128xi32, #tpu.memory_space<hbm>>) target(%dma_start3A_55 : memref<128xi32, #tpu.memory_space<vmem>>) target_semaphore(%arg14 : memref<!tpu.dma_semaphore, #tpu.memory_space<semaphore_mem>>)
    %scan3A = arith.constant 0 : i32
    %scan3A_57 = arith.constant 0 : i32
    %scan3A_58 = arith.constant 40 : i32
    %scan3A_59 = arith.addi %scan3A_57, %scan3A_58 : i32
    %scan3A_60 = arith.constant 1 : i32
    scf.for %scan3A_75 = %scan3A_57 to %scan3A_59 step %scan3A_60  : i32 {
      %mul3A_76 = arith.constant 2 : i32
      %mul3A_77 = arith.muli %scan3A_75, %mul3A_76 : i32
      %add3A_78 = arith.constant 0 : i32
      %add3A_79 = arith.addi %mul3A_77, %add3A_78 : i32
      %mul3A_80 = arith.constant 128 : i32
      %mul3A_81 = arith.muli %add3A_79, %mul3A_80 : i32
      %add3A_82 = arith.addi %mul3A_14, %mul3A_81 : i32
      %dma_wait3A_83 = arith.constant 0 : i32
      %dma_wait3A_84 = arith.constant 0 : i32
      %dma_wait3A_85 = tpu.memref_slice %arg8[%dma_wait3A_83, %dma_wait3A_84] : memref<2x128xi32, #tpu.memory_space<vmem>> -> memref<1x128xi32, #tpu.memory_space<vmem>>
      %dma_wait3A_86 = tpu.memref_squeeze %dma_wait3A_85 : memref<1x128xi32, #tpu.memory_space<vmem>> -> memref<128xi32, #tpu.memory_space<vmem>>
      %dma_wait3A_87 = tpu.memref_slice %arg4[%add3A_82] : memref<163840xi32, #tpu.memory_space<hbm>> -> memref<128xi32, #tpu.memory_space<hbm>>
      %dma_wait3A_88 = arith.constant 0 : i32
      %dma_wait3A_89 = tpu.memref_slice %arg8[%dma_wait3A_83, %dma_wait3A_88] : memref<2x128xi32, #tpu.memory_space<vmem>> -> memref<1x128xi32, #tpu.memory_space<vmem>>
      %dma_wait3A_90 = tpu.memref_squeeze %dma_wait3A_89 : memref<1x128xi32, #tpu.memory_space<vmem>> -> memref<128xi32, #tpu.memory_space<vmem>>
      %dma_wait3A_91 = tpu.memref_slice %arg4[%add3A_82] : memref<163840xi32, #tpu.memory_space<hbm>> -> memref<128xi32, #tpu.memory_space<hbm>>
      tpu.wait_dma2 semaphore(%arg13 : memref<!tpu.dma_semaphore, #tpu.memory_space<semaphore_mem>>) src(%dma_wait3A_91 : memref<128xi32, #tpu.memory_space<hbm>>) dst(%dma_wait3A_90 : memref<128xi32, #tpu.memory_space<vmem>>)
      %mul3A_92 = arith.constant 128 : i32
      %mul3A_93 = arith.muli %add3A_79, %mul3A_92 : i32
      %dma_wait3A_94 = arith.constant 0 : i32
      %dma_wait3A_95 = arith.constant 0 : i32
      %dma_wait3A_96 = arith.constant 0 : i32
      %dma_wait3A_97 = tpu.memref_slice %arg9[%dma_wait3A_94, %dma_wait3A_95, %dma_wait3A_96] : memref<2x128x128xf32, #tpu.memory_space<vmem>> -> memref<1x128x128xf32, #tpu.memory_space<vmem>>
      %dma_wait3A_98 = tpu.memref_squeeze %dma_wait3A_97 : memref<1x128x128xf32, #tpu.memory_space<vmem>> -> memref<128x128xf32, #tpu.memory_space<vmem>>
      %dma_wait3A_99 = tpu.memref_slice %arg7[%mul3A_93] : memref<10240xi32, #tpu.memory_space<vmem>> -> memref<128xi32, #tpu.memory_space<vmem>>
      %dma_wait3A_100 = arith.constant 0 : i32
      %dma_wait3A_101 = arith.constant 0 : i32
      %dma_wait3A_102 = tpu.memref_slice %arg2[%dma_wait3A_100, %dma_wait3A_101] : memref<80000x128xf32, #tpu.memory_space<hbm>> -> memref<80000x128xf32, #tpu.memory_space<hbm>>
      tpu.wait_indirect_dma semaphore(%arg11 : memref<!tpu.dma_semaphore, #tpu.memory_space<semaphore_mem>>) src(%dma_wait3A_102 : memref<80000x128xf32, #tpu.memory_space<hbm>>) dst(%dma_wait3A_98 : memref<128x128xf32, #tpu.memory_space<vmem>>)
      %run_scoped3A = arith.constant 0 : i32
      %run_scoped3A_103 = arith.constant 0 : i32
      "tpu.region"() ({
        %run_scoped3A_147 = tpu.sem_alloc : memref<!tpu.dma_semaphore, #tpu.memory_space<semaphore_mem>>
        %dma_start3A_148 = arith.constant 0 : i32
        %dma_start3A_149 = arith.constant 0 : i32
        %dma_start3A_150 = tpu.memref_slice %arg9[%run_scoped3A, %dma_start3A_148, %dma_start3A_149] : memref<2x128x128xf32, #tpu.memory_space<vmem>> -> memref<1x128x128xf32, #tpu.memory_space<vmem>>
        %dma_start3A_151 = tpu.memref_squeeze %dma_start3A_150 : memref<1x128x128xf32, #tpu.memory_space<vmem>> -> memref<128x128xf32, #tpu.memory_space<vmem>>
        %dma_start3A_152 = arith.constant 0 : i32
        %dma_start3A_153 = tpu.memref_slice %arg8[%run_scoped3A_103, %dma_start3A_152] : memref<2x128xi32, #tpu.memory_space<vmem>> -> memref<1x128xi32, #tpu.memory_space<vmem>>
        %dma_start3A_154 = tpu.memref_squeeze %dma_start3A_153 : memref<1x128xi32, #tpu.memory_space<vmem>> -> memref<128xi32, #tpu.memory_space<vmem>>
        %dma_start3A_155 = arith.constant 0 : i32
        %dma_start3A_156 = arith.constant 0 : i32
        %dma_start3A_157 = tpu.memref_slice %arg10[%dma_start3A_155, %dma_start3A_156] : memref<10008x128xf32, #tpu.memory_space<vmem_shared>> -> memref<10008x128xf32, #tpu.memory_space<vmem_shared>>
        tpu.enqueue_indirect_dma source(%dma_start3A_151 : memref<128x128xf32, #tpu.memory_space<vmem>>) target(%dma_start3A_157 : memref<10008x128xf32, #tpu.memory_space<vmem_shared>>) offsets(%dma_start3A_154 : memref<128xi32, #tpu.memory_space<vmem>>) semaphore(%run_scoped3A_147 : memref<!tpu.dma_semaphore, #tpu.memory_space<semaphore_mem>>) {add = true}
        %dma_wait3A_158 = arith.constant 0 : i32
        %dma_wait3A_159 = arith.constant 0 : i32
        %dma_wait3A_160 = tpu.memref_slice %arg9[%run_scoped3A, %dma_wait3A_158, %dma_wait3A_159] : memref<2x128x128xf32, #tpu.memory_space<vmem>> -> memref<1x128x128xf32, #tpu.memory_space<vmem>>
        %dma_wait3A_161 = tpu.memref_squeeze %dma_wait3A_160 : memref<1x128x128xf32, #tpu.memory_space<vmem>> -> memref<128x128xf32, #tpu.memory_space<vmem>>
        %dma_wait3A_162 = arith.constant 0 : i32
        %dma_wait3A_163 = tpu.memref_slice %arg8[%run_scoped3A_103, %dma_wait3A_162] : memref<2x128xi32, #tpu.memory_space<vmem>> -> memref<1x128xi32, #tpu.memory_space<vmem>>
        %dma_wait3A_164 = tpu.memref_squeeze %dma_wait3A_163 : memref<1x128xi32, #tpu.memory_space<vmem>> -> memref<128xi32, #tpu.memory_space<vmem>>
        %dma_wait3A_165 = arith.constant 0 : i32
        %dma_wait3A_166 = arith.constant 0 : i32
        %dma_wait3A_167 = tpu.memref_slice %arg10[%dma_wait3A_165, %dma_wait3A_166] : memref<10008x128xf32, #tpu.memory_space<vmem_shared>> -> memref<10008x128xf32, #tpu.memory_space<vmem_shared>>
        tpu.wait_indirect_dma semaphore(%run_scoped3A_147 : memref<!tpu.dma_semaphore, #tpu.memory_space<semaphore_mem>>) src(%dma_wait3A_161 : memref<128x128xf32, #tpu.memory_space<vmem>>) dst(%dma_wait3A_167 : memref<10008x128xf32, #tpu.memory_space<vmem_shared>>)
        tpu.yield
      }) : () -> ()
      %add3A_104 = arith.constant 2 : i32
      %add3A_105 = arith.addi %add3A_79, %add3A_104 : i32
      %lt3A_106 = arith.constant 80 : i32
      %lt3A_107 = arith.cmpi slt, %add3A_105, %lt3A_106 : i32
      %convert_element_type3A_108 = arith.extui %lt3A_107 : i1 to i32
      %cond3A_109 = arith.constant 0 : i32
      %cond3A_110 = arith.cmpi ne, %convert_element_type3A_108, %cond3A_109 : i32
      scf.if %cond3A_110 {
        %add3A_147 = arith.constant 2 : i32
        %add3A_148 = arith.addi %add3A_79, %add3A_147 : i32
        %mul3A_149 = arith.constant 128 : i32
        %mul3A_150 = arith.muli %add3A_148, %mul3A_149 : i32
        %dma_start3A_151 = arith.constant 0 : i32
        %dma_start3A_152 = arith.constant 0 : i32
        %dma_start3A_153 = arith.constant 0 : i32
        %dma_start3A_154 = tpu.memref_slice %arg9[%dma_start3A_151, %dma_start3A_152, %dma_start3A_153] : memref<2x128x128xf32, #tpu.memory_space<vmem>> -> memref<1x128x128xf32, #tpu.memory_space<vmem>>
        %dma_start3A_155 = tpu.memref_squeeze %dma_start3A_154 : memref<1x128x128xf32, #tpu.memory_space<vmem>> -> memref<128x128xf32, #tpu.memory_space<vmem>>
        %dma_start3A_156 = tpu.memref_slice %arg7[%mul3A_150] : memref<10240xi32, #tpu.memory_space<vmem>> -> memref<128xi32, #tpu.memory_space<vmem>>
        %dma_start3A_157 = arith.constant 0 : i32
        %dma_start3A_158 = arith.constant 0 : i32
        %dma_start3A_159 = tpu.memref_slice %arg2[%dma_start3A_157, %dma_start3A_158] : memref<80000x128xf32, #tpu.memory_space<hbm>> -> memref<80000x128xf32, #tpu.memory_space<hbm>>
        tpu.enqueue_indirect_dma source(%dma_start3A_159 : memref<80000x128xf32, #tpu.memory_space<hbm>>) target(%dma_start3A_155 : memref<128x128xf32, #tpu.memory_space<vmem>>) offsets(%dma_start3A_156 : memref<128xi32, #tpu.memory_space<vmem>>) semaphore(%arg11 : memref<!tpu.dma_semaphore, #tpu.memory_space<semaphore_mem>>)
        %add3A_160 = arith.constant 2 : i32
        %add3A_161 = arith.addi %add3A_79, %add3A_160 : i32
        %mul3A_162 = arith.constant 128 : i32
        %mul3A_163 = arith.muli %add3A_161, %mul3A_162 : i32
        %add3A_164 = arith.addi %mul3A_14, %mul3A_163 : i32
        %dma_start3A_165 = arith.constant 0 : i32
        %dma_start3A_166 = arith.constant 0 : i32
        %dma_start3A_167 = tpu.memref_slice %arg8[%dma_start3A_165, %dma_start3A_166] : memref<2x128xi32, #tpu.memory_space<vmem>> -> memref<1x128xi32, #tpu.memory_space<vmem>>
        %dma_start3A_168 = tpu.memref_squeeze %dma_start3A_167 : memref<1x128xi32, #tpu.memory_space<vmem>> -> memref<128xi32, #tpu.memory_space<vmem>>
        %dma_start3A_169 = tpu.memref_slice %arg4[%add3A_164] : memref<163840xi32, #tpu.memory_space<hbm>> -> memref<128xi32, #tpu.memory_space<hbm>>
        %dma_start3A_170 = arith.constant 0 : i32
        %dma_start3A_171 = tpu.memref_slice %arg8[%dma_start3A_165, %dma_start3A_170] : memref<2x128xi32, #tpu.memory_space<vmem>> -> memref<1x128xi32, #tpu.memory_space<vmem>>
        %dma_start3A_172 = tpu.memref_squeeze %dma_start3A_171 : memref<1x128xi32, #tpu.memory_space<vmem>> -> memref<128xi32, #tpu.memory_space<vmem>>
        %dma_start3A_173 = tpu.memref_slice %arg4[%add3A_164] : memref<163840xi32, #tpu.memory_space<hbm>> -> memref<128xi32, #tpu.memory_space<hbm>>
        tpu.enqueue_dma source(%dma_start3A_173 : memref<128xi32, #tpu.memory_space<hbm>>) target(%dma_start3A_172 : memref<128xi32, #tpu.memory_space<vmem>>) target_semaphore(%arg13 : memref<!tpu.dma_semaphore, #tpu.memory_space<semaphore_mem>>)
      } else {
      }
      %mul3A_111 = arith.constant 2 : i32
      %mul3A_112 = arith.muli %scan3A_75, %mul3A_111 : i32
      %add3A_113 = arith.constant 1 : i32
      %add3A_114 = arith.addi %mul3A_112, %add3A_113 : i32
      %mul3A_115 = arith.constant 128 : i32
      %mul3A_116 = arith.muli %add3A_114, %mul3A_115 : i32
      %add3A_117 = arith.addi %mul3A_14, %mul3A_116 : i32
      %dma_wait3A_118 = arith.constant 1 : i32
      %dma_wait3A_119 = arith.constant 0 : i32
      %dma_wait3A_120 = tpu.memref_slice %arg8[%dma_wait3A_118, %dma_wait3A_119] : memref<2x128xi32, #tpu.memory_space<vmem>> -> memref<1x128xi32, #tpu.memory_space<vmem>>
      %dma_wait3A_121 = tpu.memref_squeeze %dma_wait3A_120 : memref<1x128xi32, #tpu.memory_space<vmem>> -> memref<128xi32, #tpu.memory_space<vmem>>
      %dma_wait3A_122 = tpu.memref_slice %arg4[%add3A_117] : memref<163840xi32, #tpu.memory_space<hbm>> -> memref<128xi32, #tpu.memory_space<hbm>>
      %dma_wait3A_123 = arith.constant 0 : i32
      %dma_wait3A_124 = tpu.memref_slice %arg8[%dma_wait3A_118, %dma_wait3A_123] : memref<2x128xi32, #tpu.memory_space<vmem>> -> memref<1x128xi32, #tpu.memory_space<vmem>>
      %dma_wait3A_125 = tpu.memref_squeeze %dma_wait3A_124 : memref<1x128xi32, #tpu.memory_space<vmem>> -> memref<128xi32, #tpu.memory_space<vmem>>
      %dma_wait3A_126 = tpu.memref_slice %arg4[%add3A_117] : memref<163840xi32, #tpu.memory_space<hbm>> -> memref<128xi32, #tpu.memory_space<hbm>>
      tpu.wait_dma2 semaphore(%arg14 : memref<!tpu.dma_semaphore, #tpu.memory_space<semaphore_mem>>) src(%dma_wait3A_126 : memref<128xi32, #tpu.memory_space<hbm>>) dst(%dma_wait3A_125 : memref<128xi32, #tpu.memory_space<vmem>>)
      %mul3A_127 = arith.constant 128 : i32
      %mul3A_128 = arith.muli %add3A_114, %mul3A_127 : i32
      %dma_wait3A_129 = arith.constant 1 : i32
      %dma_wait3A_130 = arith.constant 0 : i32
      %dma_wait3A_131 = arith.constant 0 : i32
      %dma_wait3A_132 = tpu.memref_slice %arg9[%dma_wait3A_129, %dma_wait3A_130, %dma_wait3A_131] : memref<2x128x128xf32, #tpu.memory_space<vmem>> -> memref<1x128x128xf32, #tpu.memory_space<vmem>>
      %dma_wait3A_133 = tpu.memref_squeeze %dma_wait3A_132 : memref<1x128x128xf32, #tpu.memory_space<vmem>> -> memref<128x128xf32, #tpu.memory_space<vmem>>
      %dma_wait3A_134 = tpu.memref_slice %arg7[%mul3A_128] : memref<10240xi32, #tpu.memory_space<vmem>> -> memref<128xi32, #tpu.memory_space<vmem>>
      %dma_wait3A_135 = arith.constant 0 : i32
      %dma_wait3A_136 = arith.constant 0 : i32
      %dma_wait3A_137 = tpu.memref_slice %arg2[%dma_wait3A_135, %dma_wait3A_136] : memref<80000x128xf32, #tpu.memory_space<hbm>> -> memref<80000x128xf32, #tpu.memory_space<hbm>>
      tpu.wait_indirect_dma semaphore(%arg12 : memref<!tpu.dma_semaphore, #tpu.memory_space<semaphore_mem>>) src(%dma_wait3A_137 : memref<80000x128xf32, #tpu.memory_space<hbm>>) dst(%dma_wait3A_133 : memref<128x128xf32, #tpu.memory_space<vmem>>)
      %run_scoped3A_138 = arith.constant 1 : i32
      %run_scoped3A_139 = arith.constant 1 : i32
      "tpu.region"() ({
        %run_scoped3A_147 = tpu.sem_alloc : memref<!tpu.dma_semaphore, #tpu.memory_space<semaphore_mem>>
        %dma_start3A_148 = arith.constant 0 : i32
        %dma_start3A_149 = arith.constant 0 : i32
        %dma_start3A_150 = tpu.memref_slice %arg9[%run_scoped3A_138, %dma_start3A_148, %dma_start3A_149] : memref<2x128x128xf32, #tpu.memory_space<vmem>> -> memref<1x128x128xf32, #tpu.memory_space<vmem>>
        %dma_start3A_151 = tpu.memref_squeeze %dma_start3A_150 : memref<1x128x128xf32, #tpu.memory_space<vmem>> -> memref<128x128xf32, #tpu.memory_space<vmem>>
        %dma_start3A_152 = arith.constant 0 : i32
        %dma_start3A_153 = tpu.memref_slice %arg8[%run_scoped3A_139, %dma_start3A_152] : memref<2x128xi32, #tpu.memory_space<vmem>> -> memref<1x128xi32, #tpu.memory_space<vmem>>
        %dma_start3A_154 = tpu.memref_squeeze %dma_start3A_153 : memref<1x128xi32, #tpu.memory_space<vmem>> -> memref<128xi32, #tpu.memory_space<vmem>>
        %dma_start3A_155 = arith.constant 0 : i32
        %dma_start3A_156 = arith.constant 0 : i32
        %dma_start3A_157 = tpu.memref_slice %arg10[%dma_start3A_155, %dma_start3A_156] : memref<10008x128xf32, #tpu.memory_space<vmem_shared>> -> memref<10008x128xf32, #tpu.memory_space<vmem_shared>>
        tpu.enqueue_indirect_dma source(%dma_start3A_151 : memref<128x128xf32, #tpu.memory_space<vmem>>) target(%dma_start3A_157 : memref<10008x128xf32, #tpu.memory_space<vmem_shared>>) offsets(%dma_start3A_154 : memref<128xi32, #tpu.memory_space<vmem>>) semaphore(%run_scoped3A_147 : memref<!tpu.dma_semaphore, #tpu.memory_space<semaphore_mem>>) {add = true}
        %dma_wait3A_158 = arith.constant 0 : i32
        %dma_wait3A_159 = arith.constant 0 : i32
        %dma_wait3A_160 = tpu.memref_slice %arg9[%run_scoped3A_138, %dma_wait3A_158, %dma_wait3A_159] : memref<2x128x128xf32, #tpu.memory_space<vmem>> -> memref<1x128x128xf32, #tpu.memory_space<vmem>>
        %dma_wait3A_161 = tpu.memref_squeeze %dma_wait3A_160 : memref<1x128x128xf32, #tpu.memory_space<vmem>> -> memref<128x128xf32, #tpu.memory_space<vmem>>
        %dma_wait3A_162 = arith.constant 0 : i32
        %dma_wait3A_163 = tpu.memref_slice %arg8[%run_scoped3A_139, %dma_wait3A_162] : memref<2x128xi32, #tpu.memory_space<vmem>> -> memref<1x128xi32, #tpu.memory_space<vmem>>
        %dma_wait3A_164 = tpu.memref_squeeze %dma_wait3A_163 : memref<1x128xi32, #tpu.memory_space<vmem>> -> memref<128xi32, #tpu.memory_space<vmem>>
        %dma_wait3A_165 = arith.constant 0 : i32
        %dma_wait3A_166 = arith.constant 0 : i32
        %dma_wait3A_167 = tpu.memref_slice %arg10[%dma_wait3A_165, %dma_wait3A_166] : memref<10008x128xf32, #tpu.memory_space<vmem_shared>> -> memref<10008x128xf32, #tpu.memory_space<vmem_shared>>
        tpu.wait_indirect_dma semaphore(%run_scoped3A_147 : memref<!tpu.dma_semaphore, #tpu.memory_space<semaphore_mem>>) src(%dma_wait3A_161 : memref<128x128xf32, #tpu.memory_space<vmem>>) dst(%dma_wait3A_167 : memref<10008x128xf32, #tpu.memory_space<vmem_shared>>)
        tpu.yield
      }) : () -> ()
      %add3A_140 = arith.constant 2 : i32
      %add3A_141 = arith.addi %add3A_114, %add3A_140 : i32
      %lt3A_142 = arith.constant 80 : i32
      %lt3A_143 = arith.cmpi slt, %add3A_141, %lt3A_142 : i32
      %convert_element_type3A_144 = arith.extui %lt3A_143 : i1 to i32
      %cond3A_145 = arith.constant 0 : i32
      %cond3A_146 = arith.cmpi ne, %convert_element_type3A_144, %cond3A_145 : i32
      scf.if %cond3A_146 {
        %add3A_147 = arith.constant 2 : i32
        %add3A_148 = arith.addi %add3A_114, %add3A_147 : i32
        %mul3A_149 = arith.constant 128 : i32
        %mul3A_150 = arith.muli %add3A_148, %mul3A_149 : i32
        %dma_start3A_151 = arith.constant 1 : i32
        %dma_start3A_152 = arith.constant 0 : i32
        %dma_start3A_153 = arith.constant 0 : i32
        %dma_start3A_154 = tpu.memref_slice %arg9[%dma_start3A_151, %dma_start3A_152, %dma_start3A_153] : memref<2x128x128xf32, #tpu.memory_space<vmem>> -> memref<1x128x128xf32, #tpu.memory_space<vmem>>
        %dma_start3A_155 = tpu.memref_squeeze %dma_start3A_154 : memref<1x128x128xf32, #tpu.memory_space<vmem>> -> memref<128x128xf32, #tpu.memory_space<vmem>>
        %dma_start3A_156 = tpu.memref_slice %arg7[%mul3A_150] : memref<10240xi32, #tpu.memory_space<vmem>> -> memref<128xi32, #tpu.memory_space<vmem>>
        %dma_start3A_157 = arith.constant 0 : i32
        %dma_start3A_158 = arith.constant 0 : i32
        %dma_start3A_159 = tpu.memref_slice %arg2[%dma_start3A_157, %dma_start3A_158] : memref<80000x128xf32, #tpu.memory_space<hbm>> -> memref<80000x128xf32, #tpu.memory_space<hbm>>
        tpu.enqueue_indirect_dma source(%dma_start3A_159 : memref<80000x128xf32, #tpu.memory_space<hbm>>) target(%dma_start3A_155 : memref<128x128xf32, #tpu.memory_space<vmem>>) offsets(%dma_start3A_156 : memref<128xi32, #tpu.memory_space<vmem>>) semaphore(%arg12 : memref<!tpu.dma_semaphore, #tpu.memory_space<semaphore_mem>>)
        %add3A_160 = arith.constant 2 : i32
        %add3A_161 = arith.addi %add3A_114, %add3A_160 : i32
        %mul3A_162 = arith.constant 128 : i32
        %mul3A_163 = arith.muli %add3A_161, %mul3A_162 : i32
        %add3A_164 = arith.addi %mul3A_14, %mul3A_163 : i32
        %dma_start3A_165 = arith.constant 1 : i32
        %dma_start3A_166 = arith.constant 0 : i32
        %dma_start3A_167 = tpu.memref_slice %arg8[%dma_start3A_165, %dma_start3A_166] : memref<2x128xi32, #tpu.memory_space<vmem>> -> memref<1x128xi32, #tpu.memory_space<vmem>>
        %dma_start3A_168 = tpu.memref_squeeze %dma_start3A_167 : memref<1x128xi32, #tpu.memory_space<vmem>> -> memref<128xi32, #tpu.memory_space<vmem>>
        %dma_start3A_169 = tpu.memref_slice %arg4[%add3A_164] : memref<163840xi32, #tpu.memory_space<hbm>> -> memref<128xi32, #tpu.memory_space<hbm>>
        %dma_start3A_170 = arith.constant 0 : i32
        %dma_start3A_171 = tpu.memref_slice %arg8[%dma_start3A_165, %dma_start3A_170] : memref<2x128xi32, #tpu.memory_space<vmem>> -> memref<1x128xi32, #tpu.memory_space<vmem>>
        %dma_start3A_172 = tpu.memref_squeeze %dma_start3A_171 : memref<1x128xi32, #tpu.memory_space<vmem>> -> memref<128xi32, #tpu.memory_space<vmem>>
        %dma_start3A_173 = tpu.memref_slice %arg4[%add3A_164] : memref<163840xi32, #tpu.memory_space<hbm>> -> memref<128xi32, #tpu.memory_space<hbm>>
        tpu.enqueue_dma source(%dma_start3A_173 : memref<128xi32, #tpu.memory_space<hbm>>) target(%dma_start3A_172 : memref<128xi32, #tpu.memory_space<vmem>>) target_semaphore(%arg14 : memref<!tpu.dma_semaphore, #tpu.memory_space<semaphore_mem>>)
      } else {
      }
    }
    %scan3A_61 = arith.constant 40 : i32
    %barrier3A_62 = arith.constant 0 : index
    tpu.barrier barrier_id(%barrier3A_62)
    %mul3A_63 = arith.constant 624 : i32
    %mul3A_64 = arith.muli %arg1, %mul3A_63 : i32
    %mul3A_65 = arith.constant 10000 : i32
    %mul3A_66 = arith.muli %arg0, %mul3A_65 : i32
    %mul3A_67 = arith.constant 624 : i32
    %mul3A_68 = arith.muli %arg1, %mul3A_67 : i32
    %add3A_69 = arith.addi %mul3A_66, %mul3A_68 : i32
    "tpu.region"() ({
      %run_scoped3A = tpu.sem_alloc : memref<!tpu.dma_semaphore, #tpu.memory_space<semaphore_mem>>
      %dma_start3A_75 = arith.constant 0 : i32
      %dma_start3A_76 = tpu.memref_slice %arg6[%add3A_69, %dma_start3A_75] : memref<20000x128xf32, #tpu.memory_space<hbm>> -> memref<624x128xf32, #tpu.memory_space<hbm>>
      %dma_start3A_77 = arith.constant 0 : i32
      %dma_start3A_78 = tpu.memref_slice %arg10[%mul3A_64, %dma_start3A_77] : memref<10008x128xf32, #tpu.memory_space<vmem_shared>> -> memref<624x128xf32, #tpu.memory_space<vmem_shared>>
      tpu.enqueue_dma source(%dma_start3A_78 : memref<624x128xf32, #tpu.memory_space<vmem_shared>>) target(%dma_start3A_76 : memref<624x128xf32, #tpu.memory_space<hbm>>) target_semaphore(%run_scoped3A : memref<!tpu.dma_semaphore, #tpu.memory_space<semaphore_mem>>)
      %dma_wait3A_79 = arith.constant 0 : i32
      %dma_wait3A_80 = tpu.memref_slice %arg6[%add3A_69, %dma_wait3A_79] : memref<20000x128xf32, #tpu.memory_space<hbm>> -> memref<624x128xf32, #tpu.memory_space<hbm>>
      %dma_wait3A_81 = arith.constant 0 : i32
      %dma_wait3A_82 = tpu.memref_slice %arg10[%mul3A_64, %dma_wait3A_81] : memref<10008x128xf32, #tpu.memory_space<vmem_shared>> -> memref<624x128xf32, #tpu.memory_space<vmem_shared>>
      tpu.wait_dma2 semaphore(%run_scoped3A : memref<!tpu.dma_semaphore, #tpu.memory_space<semaphore_mem>>) src(%dma_wait3A_82 : memref<624x128xf32, #tpu.memory_space<vmem_shared>>) dst(%dma_wait3A_80 : memref<624x128xf32, #tpu.memory_space<hbm>>)
      tpu.yield
    }) : () -> ()
    %eq3A_70 = arith.constant 0 : i32
    %eq3A_71 = arith.cmpi eq, %arg1, %eq3A_70 : i32
    %convert_element_type3A_72 = arith.extui %eq3A_71 : i1 to i32
    %cond3A_73 = arith.constant 0 : i32
    %cond3A_74 = arith.cmpi ne, %convert_element_type3A_72, %cond3A_73 : i32
    scf.if %cond3A_74 {
      %mul3A_75 = arith.constant 10000 : i32
      %mul3A_76 = arith.muli %arg0, %mul3A_75 : i32
      %add3A_77 = arith.constant 9984 : i32
      %add3A_78 = arith.addi %mul3A_76, %add3A_77 : i32
      "tpu.region"() ({
        %run_scoped3A = tpu.sem_alloc : memref<!tpu.dma_semaphore, #tpu.memory_space<semaphore_mem>>
        %dma_start3A_79 = arith.constant 0 : i32
        %dma_start3A_80 = tpu.memref_slice %arg6[%add3A_78, %dma_start3A_79] : memref<20000x128xf32, #tpu.memory_space<hbm>> -> memref<16x128xf32, #tpu.memory_space<hbm>>
        %dma_start3A_81 = arith.constant 9984 : i32
        %dma_start3A_82 = arith.constant 0 : i32
        %dma_start3A_83 = tpu.memref_slice %arg10[%dma_start3A_81, %dma_start3A_82] : memref<10008x128xf32, #tpu.memory_space<vmem_shared>> -> memref<16x128xf32, #tpu.memory_space<vmem_shared>>
        tpu.enqueue_dma source(%dma_start3A_83 : memref<16x128xf32, #tpu.memory_space<vmem_shared>>) target(%dma_start3A_80 : memref<16x128xf32, #tpu.memory_space<hbm>>) target_semaphore(%run_scoped3A : memref<!tpu.dma_semaphore, #tpu.memory_space<semaphore_mem>>)
        %dma_wait3A_84 = arith.constant 0 : i32
        %dma_wait3A_85 = tpu.memref_slice %arg6[%add3A_78, %dma_wait3A_84] : memref<20000x128xf32, #tpu.memory_space<hbm>> -> memref<16x128xf32, #tpu.memory_space<hbm>>
        %dma_wait3A_86 = arith.constant 9984 : i32
        %dma_wait3A_87 = arith.constant 0 : i32
        %dma_wait3A_88 = tpu.memref_slice %arg10[%dma_wait3A_86, %dma_wait3A_87] : memref<10008x128xf32, #tpu.memory_space<vmem_shared>> -> memref<16x128xf32, #tpu.memory_space<vmem_shared>>
        tpu.wait_dma2 semaphore(%run_scoped3A : memref<!tpu.dma_semaphore, #tpu.memory_space<semaphore_mem>>) src(%dma_wait3A_88 : memref<16x128xf32, #tpu.memory_space<vmem_shared>>) dst(%dma_wait3A_85 : memref<16x128xf32, #tpu.memory_space<hbm>>)
        tpu.yield
      }) : () -> ()
    } else {
    }
    return
  }
}

module attributes {stable_mosaic.version = 14 : i64} {
  func.func @_transform_body(%arg0: i32, %arg1: i32, %arg2: memref<1000x256xf32, #tpu.memory_space<vmem>>, %arg3: memref<1x256x256xf32, #tpu.memory_space<vmem>>, %arg4: memref<1x1x256xf32, #tpu.memory_space<vmem>>, %arg5: memref<2x1000x128xf32, #tpu.memory_space<vmem>>) attributes {dimension_semantics = [#tpu.dimension_semantics<arbitrary>, #tpu.dimension_semantics<arbitrary>], iteration_bounds = array<i64: 4, 10>, scalar_prefetch = 0 : i64, scratch_operands = 0 : i64, tpu.core_type = #tpu.core_type<tc>, window_params = [{transform_indices = @transform_0, window_bounds = array<i64: 1000, 256>}, {transform_indices = @transform_1, window_bounds = array<i64: 1, 256, 256>}, {transform_indices = @transform_2, window_bounds = array<i64: 1, 1, 256>}, {transform_indices = @transform_3, window_bounds = array<i64: 2, 1000, 128>}]} {
    %get3A = arith.constant 0 : index
    %get3A_0 = arith.constant 0 : index
    %get3A_1 = vector.load %arg2[%get3A, %get3A_0] : memref<1000x256xf32, #tpu.memory_space<vmem>>, vector<1000x256xf32>
    %get3A_2 = arith.constant 0 : index
    %get3A_3 = arith.constant 0 : index
    %get3A_4 = arith.constant 0 : index
    %get3A_5 = vector.load %arg3[%get3A_2, %get3A_3, %get3A_4] : memref<1x256x256xf32, #tpu.memory_space<vmem>>, vector<1x256x256xf32>
    %get3A_6 = vector.shape_cast %get3A_5 : vector<1x256x256xf32> to vector<256x256xf32>
    %dot_general3A = arith.constant dense<0.000000e+00> : vector<1000x256xf32>
    %dot_general3A_7 = tpu.matmul %get3A_1, %get3A_6, %dot_general3A {dimension_numbers = #tpu.dot_dimension_numbers<[1], [1], [0], [0], [0, 0, 1, 0], [], []>, transpose_lhs_hint = false} : vector<1000x256xf32>, vector<256x256xf32>, vector<1000x256xf32> -> vector<1000x256xf32>
    %get3A_8 = arith.constant 0 : index
    %get3A_9 = arith.constant 0 : index
    %get3A_10 = arith.constant 0 : index
    %get3A_11 = vector.load %arg4[%get3A_8, %get3A_9, %get3A_10] : memref<1x1x256xf32, #tpu.memory_space<vmem>>, vector<1x1x256xf32>
    %get3A_12 = vector.shape_cast %get3A_11 : vector<1x1x256xf32> to vector<1x256xf32>
    %add3A = vector.broadcast %get3A_12 : vector<1x256xf32> to vector<1000x256xf32>
    %add3A_13 = arith.addf %dot_general3A_7, %add3A : vector<1000x256xf32>
    %slice3A = vector.extract_strided_slice %add3A_13 {offsets = [0, 0], sizes = [1000, 128], strides = [1, 1]} : vector<1000x256xf32> to vector<1000x128xf32>
    %swap3A = arith.constant 0 : index
    %swap3A_14 = arith.constant 0 : index
    %swap3A_15 = arith.constant 0 : index
    %swap3A_16 = vector.load %arg5[%swap3A, %swap3A_14, %swap3A_15] : memref<2x1000x128xf32, #tpu.memory_space<vmem>>, vector<1x1000x128xf32>
    %swap3A_17 = vector.shape_cast %swap3A_16 : vector<1x1000x128xf32> to vector<1000x128xf32>
    %swap3A_18 = vector.shape_cast %slice3A : vector<1000x128xf32> to vector<1x1000x128xf32>
    tpu.vector_store %arg5[%swap3A, %swap3A_14, %swap3A_15], %swap3A_18 {strides = array<i32>} : memref<2x1000x128xf32, #tpu.memory_space<vmem>>, vector<1x1000x128xf32>,
    %slice3A_19 = vector.extract_strided_slice %add3A_13 {offsets = [0, 128], sizes = [1000, 128], strides = [1, 1]} : vector<1000x256xf32> to vector<1000x128xf32>
    %swap3A_20 = arith.constant 1 : index
    %swap3A_21 = arith.constant 0 : index
    %swap3A_22 = arith.constant 0 : index
    %swap3A_23 = vector.load %arg5[%swap3A_20, %swap3A_21, %swap3A_22] : memref<2x1000x128xf32, #tpu.memory_space<vmem>>, vector<1x1000x128xf32>
    %swap3A_24 = vector.shape_cast %swap3A_23 : vector<1x1000x128xf32> to vector<1000x128xf32>
    %swap3A_25 = vector.shape_cast %slice3A_19 : vector<1000x128xf32> to vector<1x1000x128xf32>
    tpu.vector_store %arg5[%swap3A_20, %swap3A_21, %swap3A_22], %swap3A_25 {strides = array<i32>} : memref<2x1000x128xf32, #tpu.memory_space<vmem>>, vector<1x1000x128xf32>,
    return
  }
  func.func @transform_0(%arg0: i32, %arg1: i32) -> (i32, i32) {
    %c0_i32 = arith.constant 0 : i32
    %c0_i32_0 = arith.constant 0 : i32
    return %arg1, %c0_i32 : i32, i32
  }
  func.func @transform_1(%arg0: i32, %arg1: i32) -> (i32, i32, i32) {
    %c0_i32 = arith.constant 0 : i32
    %c0_i32_0 = arith.constant 0 : i32
    %c0_i32_1 = arith.constant 0 : i32
    return %arg0, %c0_i32, %c0_i32_0 : i32, i32, i32
  }
  func.func @transform_2(%arg0: i32, %arg1: i32) -> (i32, i32, i32) {
    %c0_i32 = arith.constant 0 : i32
    %c0_i32_0 = arith.constant 0 : i32
    %c0_i32_1 = arith.constant 0 : i32
    return %arg0, %c0_i32, %c0_i32_0 : i32, i32, i32
  }
  func.func @transform_3(%arg0: i32, %arg1: i32) -> (i32, i32, i32) {
    %mul3A = arith.constant 10 : i32
    %mul3A_0 = arith.muli %arg0, %mul3A : i32
    %add3A = arith.addi %mul3A_0, %arg1 : i32
    %c0_i32 = arith.constant 0 : i32
    %c0_i32_1 = arith.constant 0 : i32
    %c0_i32_2 = arith.constant 0 : i32
    return %c0_i32, %add3A, %c0_i32_1 : i32, i32, i32
  }
}

module attributes {stable_mosaic.version = 14 : i64} {
  func.func @_gru_body(%arg0: i32, %arg1: memref<2x1000x128xf32, #tpu.memory_space<vmem>>, %arg2: memref<1000x256xf32, #tpu.memory_space<vmem>>, %arg3: memref<1000x768xf32, #tpu.memory_space<vmem>>, %arg4: memref<768x256xf32, #tpu.memory_space<vmem>>, %arg5: memref<1x768xf32, #tpu.memory_space<vmem>>, %arg6: memref<1000x256xf32, #tpu.memory_space<vmem>>) attributes {dimension_semantics = [#tpu.dimension_semantics<arbitrary>], iteration_bounds = array<i64: 10>, scalar_prefetch = 0 : i64, scratch_operands = 0 : i64, tpu.core_type = #tpu.core_type<tc>, window_params = [{transform_indices = @transform_0, window_bounds = array<i64: 2, 1000, 128>}, {transform_indices = @transform_1, window_bounds = array<i64: 1000, 256>}, {transform_indices = @transform_2, window_bounds = array<i64: 1000, 768>}, {pipeline_mode = #tpu.pipeline_mode<synchronous>, transform_indices = @transform_3, window_bounds = array<i64: 768, 256>}, {pipeline_mode = #tpu.pipeline_mode<synchronous>, transform_indices = @transform_4, window_bounds = array<i64: 1, 768>}, {transform_indices = @transform_5, window_bounds = array<i64: 1000, 256>}]} {
    %get3A = arith.constant 0 : index
    %get3A_0 = arith.constant 0 : index
    %get3A_1 = arith.constant 0 : index
    %get3A_2 = vector.load %arg1[%get3A, %get3A_0, %get3A_1] : memref<2x1000x128xf32, #tpu.memory_space<vmem>>, vector<1x1000x128xf32>
    %get3A_3 = vector.shape_cast %get3A_2 : vector<1x1000x128xf32> to vector<1000x128xf32>
    %get3A_4 = arith.constant 1 : index
    %get3A_5 = arith.constant 0 : index
    %get3A_6 = arith.constant 0 : index
    %get3A_7 = vector.load %arg1[%get3A_4, %get3A_5, %get3A_6] : memref<2x1000x128xf32, #tpu.memory_space<vmem>>, vector<1x1000x128xf32>
    %get3A_8 = vector.shape_cast %get3A_7 : vector<1x1000x128xf32> to vector<1000x128xf32>
    %get3A_9 = arith.constant 0 : index
    %get3A_10 = arith.constant 0 : index
    %get3A_11 = vector.load %arg2[%get3A_9, %get3A_10] : memref<1000x256xf32, #tpu.memory_space<vmem>>, vector<1000x256xf32>
    %get3A_12 = arith.constant 0 : index
    %get3A_13 = arith.constant 0 : index
    %get3A_14 = vector.load %arg4[%get3A_12, %get3A_13] : memref<768x256xf32, #tpu.memory_space<vmem>>, vector<768x128xf32>
    %dot_general3A = arith.constant dense<0.000000e+00> : vector<1000x768xf32>
    %dot_general3A_15 = tpu.matmul %get3A_3, %get3A_14, %dot_general3A {dimension_numbers = #tpu.dot_dimension_numbers<[1], [1], [0], [0], [0, 0, 1, 0], [], []>, transpose_lhs_hint = false} : vector<1000x128xf32>, vector<768x128xf32>, vector<1000x768xf32> -> vector<1000x768xf32>
    %get3A_16 = arith.constant 0 : index
    %get3A_17 = arith.constant 128 : index
    %get3A_18 = vector.load %arg4[%get3A_16, %get3A_17] : memref<768x256xf32, #tpu.memory_space<vmem>>, vector<768x128xf32>
    %dot_general3A_19 = arith.constant dense<0.000000e+00> : vector<1000x768xf32>
    %dot_general3A_20 = tpu.matmul %get3A_8, %get3A_18, %dot_general3A_19 {dimension_numbers = #tpu.dot_dimension_numbers<[1], [1], [0], [0], [0, 0, 1, 0], [], []>, transpose_lhs_hint = false} : vector<1000x128xf32>, vector<768x128xf32>, vector<1000x768xf32> -> vector<1000x768xf32>
    %add3A = arith.addf %dot_general3A_15, %dot_general3A_20 : vector<1000x768xf32>
    %get3A_21 = arith.constant 0 : index
    %get3A_22 = arith.constant 0 : index
    %get3A_23 = vector.load %arg5[%get3A_21, %get3A_22] : memref<1x768xf32, #tpu.memory_space<vmem>>, vector<1x768xf32>
    %get3A_24 = vector.shape_cast %get3A_23 : vector<1x768xf32> to vector<768xf32>
    %broadcast_in_dim3A = vector.shape_cast %get3A_24 : vector<768xf32> to vector<1x768xf32>
    %add3A_25 = vector.broadcast %broadcast_in_dim3A : vector<1x768xf32> to vector<1000x768xf32>
    %add3A_26 = arith.addf %add3A, %add3A_25 : vector<1000x768xf32>
    %get3A_27 = arith.constant 0 : index
    %get3A_28 = arith.constant 0 : index
    %get3A_29 = vector.load %arg3[%get3A_27, %get3A_28] : memref<1000x768xf32, #tpu.memory_space<vmem>>, vector<1000x768xf32>
    %slice3A = vector.extract_strided_slice %add3A_26 {offsets = [0, 0], sizes = [1000, 256], strides = [1, 1]} : vector<1000x768xf32> to vector<1000x256xf32>
    %slice3A_30 = vector.extract_strided_slice %get3A_29 {offsets = [0, 0], sizes = [1000, 256], strides = [1, 1]} : vector<1000x768xf32> to vector<1000x256xf32>
    %add3A_31 = arith.addf %slice3A, %slice3A_30 : vector<1000x256xf32>
    %logistic3A = arith.negf %add3A_31 : vector<1000x256xf32>
    %logistic3A_32 = math.exp %logistic3A : vector<1000x256xf32>
    %logistic3A_33 = arith.constant 1.000000e+00 : f32
    %logistic3A_34 = vector.broadcast %logistic3A_33 : f32 to vector<1000x256xf32>
    %logistic3A_35 = arith.addf %logistic3A_34, %logistic3A_32 : vector<1000x256xf32>
    %logistic3A_36 = arith.divf %logistic3A_34, %logistic3A_35 : vector<1000x256xf32>
    %slice3A_37 = vector.extract_strided_slice %add3A_26 {offsets = [0, 256], sizes = [1000, 256], strides = [1, 1]} : vector<1000x768xf32> to vector<1000x256xf32>
    %slice3A_38 = vector.extract_strided_slice %get3A_29 {offsets = [0, 256], sizes = [1000, 256], strides = [1, 1]} : vector<1000x768xf32> to vector<1000x256xf32>
    %add3A_39 = arith.addf %slice3A_37, %slice3A_38 : vector<1000x256xf32>
    %logistic3A_40 = arith.negf %add3A_39 : vector<1000x256xf32>
    %logistic3A_41 = math.exp %logistic3A_40 : vector<1000x256xf32>
    %logistic3A_42 = arith.constant 1.000000e+00 : f32
    %logistic3A_43 = vector.broadcast %logistic3A_42 : f32 to vector<1000x256xf32>
    %logistic3A_44 = arith.addf %logistic3A_43, %logistic3A_41 : vector<1000x256xf32>
    %logistic3A_45 = arith.divf %logistic3A_43, %logistic3A_44 : vector<1000x256xf32>
    %slice3A_46 = vector.extract_strided_slice %add3A_26 {offsets = [0, 512], sizes = [1000, 256], strides = [1, 1]} : vector<1000x768xf32> to vector<1000x256xf32>
    %slice3A_47 = vector.extract_strided_slice %get3A_29 {offsets = [0, 512], sizes = [1000, 256], strides = [1, 1]} : vector<1000x768xf32> to vector<1000x256xf32>
    %mul3A = arith.mulf %logistic3A_36, %slice3A_47 : vector<1000x256xf32>
    %add3A_48 = arith.addf %slice3A_46, %mul3A : vector<1000x256xf32>
    %tanh3A = math.tanh %add3A_48 : vector<1000x256xf32>
    %sub3A = arith.constant 1.000000e+00 : f32
    %sub3A_49 = vector.broadcast %sub3A : f32 to vector<1000x256xf32>
    %sub3A_50 = arith.subf %sub3A_49, %logistic3A_45 : vector<1000x256xf32>
    %mul3A_51 = arith.mulf %sub3A_50, %tanh3A : vector<1000x256xf32>
    %mul3A_52 = arith.mulf %logistic3A_45, %get3A_11 : vector<1000x256xf32>
    %add3A_53 = arith.addf %mul3A_51, %mul3A_52 : vector<1000x256xf32>
    %swap3A = arith.constant 0 : index
    %swap3A_54 = arith.constant 0 : index
    %swap3A_55 = vector.load %arg6[%swap3A, %swap3A_54] : memref<1000x256xf32, #tpu.memory_space<vmem>>, vector<1000x256xf32>
    tpu.vector_store %arg6[%swap3A, %swap3A_54], %add3A_53 {strides = array<i32>} : memref<1000x256xf32, #tpu.memory_space<vmem>>, vector<1000x256xf32>,
    return
  }
  func.func @transform_0(%arg0: i32) -> (i32, i32, i32) {
    %c0_i32 = arith.constant 0 : i32
    %c0_i32_0 = arith.constant 0 : i32
    %c0_i32_1 = arith.constant 0 : i32
    return %c0_i32, %arg0, %c0_i32_0 : i32, i32, i32
  }
  func.func @transform_1(%arg0: i32) -> (i32, i32) {
    %c0_i32 = arith.constant 0 : i32
    %c0_i32_0 = arith.constant 0 : i32
    return %arg0, %c0_i32 : i32, i32
  }
  func.func @transform_2(%arg0: i32) -> (i32, i32) {
    %c0_i32 = arith.constant 0 : i32
    %c0_i32_0 = arith.constant 0 : i32
    return %arg0, %c0_i32 : i32, i32
  }
  func.func @transform_3(%arg0: i32) -> (i32, i32) {
    %c0_i32 = arith.constant 0 : i32
    %c0_i32_0 = arith.constant 0 : i32
    %c0_i32_1 = arith.constant 0 : i32
    return %c0_i32, %c0_i32_0 : i32, i32
  }
  func.func @transform_4(%arg0: i32) -> (i32, i32) {
    %c0_i32 = arith.constant 0 : i32
    %c0_i32_0 = arith.constant 0 : i32
    %c0_i32_1 = arith.constant 0 : i32
    return %c0_i32, %c0_i32_0 : i32, i32
  }
  func.func @transform_5(%arg0: i32) -> (i32, i32) {
    %c0_i32 = arith.constant 0 : i32
    %c0_i32_0 = arith.constant 0 : i32
    return %arg0, %c0_i32 : i32, i32
  }
}

module attributes {stable_mosaic.version = 14 : i64} {
  func.func @_gh_body(%arg0: i32, %arg1: memref<1000x256xf32, #tpu.memory_space<vmem>>, %arg2: memref<768x256xf32, #tpu.memory_space<vmem>>, %arg3: memref<1x768xf32, #tpu.memory_space<vmem>>, %arg4: memref<1000x768xf32, #tpu.memory_space<vmem>>) attributes {dimension_semantics = [#tpu.dimension_semantics<arbitrary>], iteration_bounds = array<i64: 10>, scalar_prefetch = 0 : i64, scratch_operands = 0 : i64, tpu.core_type = #tpu.core_type<tc>, window_params = [{transform_indices = @transform_0, window_bounds = array<i64: 1000, 256>}, {pipeline_mode = #tpu.pipeline_mode<synchronous>, transform_indices = @transform_1, window_bounds = array<i64: 768, 256>}, {pipeline_mode = #tpu.pipeline_mode<synchronous>, transform_indices = @transform_2, window_bounds = array<i64: 1, 768>}, {transform_indices = @transform_3, window_bounds = array<i64: 1000, 768>}]} {
    %get3A = arith.constant 0 : index
    %get3A_0 = arith.constant 0 : index
    %get3A_1 = vector.load %arg1[%get3A, %get3A_0] : memref<1000x256xf32, #tpu.memory_space<vmem>>, vector<1000x256xf32>
    %get3A_2 = arith.constant 0 : index
    %get3A_3 = arith.constant 0 : index
    %get3A_4 = vector.load %arg2[%get3A_2, %get3A_3] : memref<768x256xf32, #tpu.memory_space<vmem>>, vector<768x256xf32>
    %dot_general3A = arith.constant dense<0.000000e+00> : vector<1000x768xf32>
    %dot_general3A_5 = tpu.matmul %get3A_1, %get3A_4, %dot_general3A {dimension_numbers = #tpu.dot_dimension_numbers<[1], [1], [0], [0], [0, 0, 1, 0], [], []>, transpose_lhs_hint = false} : vector<1000x256xf32>, vector<768x256xf32>, vector<1000x768xf32> -> vector<1000x768xf32>
    %get3A_6 = arith.constant 0 : index
    %get3A_7 = arith.constant 0 : index
    %get3A_8 = vector.load %arg3[%get3A_6, %get3A_7] : memref<1x768xf32, #tpu.memory_space<vmem>>, vector<1x768xf32>
    %get3A_9 = vector.shape_cast %get3A_8 : vector<1x768xf32> to vector<768xf32>
    %broadcast_in_dim3A = vector.shape_cast %get3A_9 : vector<768xf32> to vector<1x768xf32>
    %add3A = vector.broadcast %broadcast_in_dim3A : vector<1x768xf32> to vector<1000x768xf32>
    %add3A_10 = arith.addf %dot_general3A_5, %add3A : vector<1000x768xf32>
    %swap3A = arith.constant 0 : index
    %swap3A_11 = arith.constant 0 : index
    %swap3A_12 = vector.load %arg4[%swap3A, %swap3A_11] : memref<1000x768xf32, #tpu.memory_space<vmem>>, vector<1000x768xf32>
    tpu.vector_store %arg4[%swap3A, %swap3A_11], %add3A_10 {strides = array<i32>} : memref<1000x768xf32, #tpu.memory_space<vmem>>, vector<1000x768xf32>,
    return
  }
  func.func @transform_0(%arg0: i32) -> (i32, i32) {
    %c0_i32 = arith.constant 0 : i32
    %c0_i32_0 = arith.constant 0 : i32
    return %arg0, %c0_i32 : i32, i32
  }
  func.func @transform_1(%arg0: i32) -> (i32, i32) {
    %c0_i32 = arith.constant 0 : i32
    %c0_i32_0 = arith.constant 0 : i32
    %c0_i32_1 = arith.constant 0 : i32
    return %c0_i32, %c0_i32_0 : i32, i32
  }
  func.func @transform_2(%arg0: i32) -> (i32, i32) {
    %c0_i32 = arith.constant 0 : i32
    %c0_i32_0 = arith.constant 0 : i32
    %c0_i32_1 = arith.constant 0 : i32
    return %c0_i32, %c0_i32_0 : i32, i32
  }
  func.func @transform_3(%arg0: i32) -> (i32, i32) {
    %c0_i32 = arith.constant 0 : i32
    %c0_i32_0 = arith.constant 0 : i32
    return %arg0, %c0_i32 : i32, i32
  }
}

module attributes {stable_mosaic.version = 14 : i64} {
  func.func @_gru_body(%arg0: i32, %arg1: memref<2x1000x128xf32, #tpu.memory_space<vmem>>, %arg2: memref<1000x256xf32, #tpu.memory_space<vmem>>, %arg3: memref<1000x768xf32, #tpu.memory_space<vmem>>, %arg4: memref<768x256xf32, #tpu.memory_space<vmem>>, %arg5: memref<1x768xf32, #tpu.memory_space<vmem>>, %arg6: memref<1000x256xf32, #tpu.memory_space<vmem>>) attributes {dimension_semantics = [#tpu.dimension_semantics<arbitrary>], iteration_bounds = array<i64: 10>, scalar_prefetch = 0 : i64, scratch_operands = 0 : i64, tpu.core_type = #tpu.core_type<tc>, window_params = [{transform_indices = @transform_0, window_bounds = array<i64: 2, 1000, 128>}, {transform_indices = @transform_1, window_bounds = array<i64: 1000, 256>}, {transform_indices = @transform_2, window_bounds = array<i64: 1000, 768>}, {pipeline_mode = #tpu.pipeline_mode<synchronous>, transform_indices = @transform_3, window_bounds = array<i64: 768, 256>}, {pipeline_mode = #tpu.pipeline_mode<synchronous>, transform_indices = @transform_4, window_bounds = array<i64: 1, 768>}, {transform_indices = @transform_5, window_bounds = array<i64: 1000, 256>}]} {
    %get3A = arith.constant 0 : index
    %get3A_0 = arith.constant 0 : index
    %get3A_1 = arith.constant 0 : index
    %get3A_2 = vector.load %arg1[%get3A, %get3A_0, %get3A_1] : memref<2x1000x128xf32, #tpu.memory_space<vmem>>, vector<1x1000x128xf32>
    %get3A_3 = vector.shape_cast %get3A_2 : vector<1x1000x128xf32> to vector<1000x128xf32>
    %get3A_4 = arith.constant 1 : index
    %get3A_5 = arith.constant 0 : index
    %get3A_6 = arith.constant 0 : index
    %get3A_7 = vector.load %arg1[%get3A_4, %get3A_5, %get3A_6] : memref<2x1000x128xf32, #tpu.memory_space<vmem>>, vector<1x1000x128xf32>
    %get3A_8 = vector.shape_cast %get3A_7 : vector<1x1000x128xf32> to vector<1000x128xf32>
    %get3A_9 = arith.constant 0 : index
    %get3A_10 = arith.constant 0 : index
    %get3A_11 = vector.load %arg2[%get3A_9, %get3A_10] : memref<1000x256xf32, #tpu.memory_space<vmem>>, vector<1000x256xf32>
    %get3A_12 = arith.constant 0 : index
    %get3A_13 = arith.constant 0 : index
    %get3A_14 = vector.load %arg4[%get3A_12, %get3A_13] : memref<768x256xf32, #tpu.memory_space<vmem>>, vector<768x128xf32>
    %dot_general3A = arith.constant dense<0.000000e+00> : vector<1000x768xf32>
    %dot_general3A_15 = tpu.matmul %get3A_3, %get3A_14, %dot_general3A {dimension_numbers = #tpu.dot_dimension_numbers<[1], [1], [0], [0], [0, 0, 1, 0], [], []>, transpose_lhs_hint = false} : vector<1000x128xf32>, vector<768x128xf32>, vector<1000x768xf32> -> vector<1000x768xf32>
    %get3A_16 = arith.constant 0 : index
    %get3A_17 = arith.constant 128 : index
    %get3A_18 = vector.load %arg4[%get3A_16, %get3A_17] : memref<768x256xf32, #tpu.memory_space<vmem>>, vector<768x128xf32>
    %dot_general3A_19 = arith.constant dense<0.000000e+00> : vector<1000x768xf32>
    %dot_general3A_20 = tpu.matmul %get3A_8, %get3A_18, %dot_general3A_19 {dimension_numbers = #tpu.dot_dimension_numbers<[1], [1], [0], [0], [0, 0, 1, 0], [], []>, transpose_lhs_hint = false} : vector<1000x128xf32>, vector<768x128xf32>, vector<1000x768xf32> -> vector<1000x768xf32>
    %add3A = arith.addf %dot_general3A_15, %dot_general3A_20 : vector<1000x768xf32>
    %get3A_21 = arith.constant 0 : index
    %get3A_22 = arith.constant 0 : index
    %get3A_23 = vector.load %arg5[%get3A_21, %get3A_22] : memref<1x768xf32, #tpu.memory_space<vmem>>, vector<1x768xf32>
    %get3A_24 = vector.shape_cast %get3A_23 : vector<1x768xf32> to vector<768xf32>
    %broadcast_in_dim3A = vector.shape_cast %get3A_24 : vector<768xf32> to vector<1x768xf32>
    %add3A_25 = vector.broadcast %broadcast_in_dim3A : vector<1x768xf32> to vector<1000x768xf32>
    %add3A_26 = arith.addf %add3A, %add3A_25 : vector<1000x768xf32>
    %get3A_27 = arith.constant 0 : index
    %get3A_28 = arith.constant 0 : index
    %get3A_29 = vector.load %arg3[%get3A_27, %get3A_28] : memref<1000x768xf32, #tpu.memory_space<vmem>>, vector<1000x768xf32>
    %slice3A = vector.extract_strided_slice %add3A_26 {offsets = [0, 0], sizes = [1000, 256], strides = [1, 1]} : vector<1000x768xf32> to vector<1000x256xf32>
    %slice3A_30 = vector.extract_strided_slice %get3A_29 {offsets = [0, 0], sizes = [1000, 256], strides = [1, 1]} : vector<1000x768xf32> to vector<1000x256xf32>
    %add3A_31 = arith.addf %slice3A, %slice3A_30 : vector<1000x256xf32>
    %logistic3A = arith.negf %add3A_31 : vector<1000x256xf32>
    %logistic3A_32 = math.exp %logistic3A : vector<1000x256xf32>
    %logistic3A_33 = arith.constant 1.000000e+00 : f32
    %logistic3A_34 = vector.broadcast %logistic3A_33 : f32 to vector<1000x256xf32>
    %logistic3A_35 = arith.addf %logistic3A_34, %logistic3A_32 : vector<1000x256xf32>
    %logistic3A_36 = arith.divf %logistic3A_34, %logistic3A_35 : vector<1000x256xf32>
    %slice3A_37 = vector.extract_strided_slice %add3A_26 {offsets = [0, 256], sizes = [1000, 256], strides = [1, 1]} : vector<1000x768xf32> to vector<1000x256xf32>
    %slice3A_38 = vector.extract_strided_slice %get3A_29 {offsets = [0, 256], sizes = [1000, 256], strides = [1, 1]} : vector<1000x768xf32> to vector<1000x256xf32>
    %add3A_39 = arith.addf %slice3A_37, %slice3A_38 : vector<1000x256xf32>
    %logistic3A_40 = arith.negf %add3A_39 : vector<1000x256xf32>
    %logistic3A_41 = math.exp %logistic3A_40 : vector<1000x256xf32>
    %logistic3A_42 = arith.constant 1.000000e+00 : f32
    %logistic3A_43 = vector.broadcast %logistic3A_42 : f32 to vector<1000x256xf32>
    %logistic3A_44 = arith.addf %logistic3A_43, %logistic3A_41 : vector<1000x256xf32>
    %logistic3A_45 = arith.divf %logistic3A_43, %logistic3A_44 : vector<1000x256xf32>
    %slice3A_46 = vector.extract_strided_slice %add3A_26 {offsets = [0, 512], sizes = [1000, 256], strides = [1, 1]} : vector<1000x768xf32> to vector<1000x256xf32>
    %slice3A_47 = vector.extract_strided_slice %get3A_29 {offsets = [0, 512], sizes = [1000, 256], strides = [1, 1]} : vector<1000x768xf32> to vector<1000x256xf32>
    %mul3A = arith.mulf %logistic3A_36, %slice3A_47 : vector<1000x256xf32>
    %add3A_48 = arith.addf %slice3A_46, %mul3A : vector<1000x256xf32>
    %tanh3A = math.tanh %add3A_48 : vector<1000x256xf32>
    %sub3A = arith.constant 1.000000e+00 : f32
    %sub3A_49 = vector.broadcast %sub3A : f32 to vector<1000x256xf32>
    %sub3A_50 = arith.subf %sub3A_49, %logistic3A_45 : vector<1000x256xf32>
    %mul3A_51 = arith.mulf %sub3A_50, %tanh3A : vector<1000x256xf32>
    %mul3A_52 = arith.mulf %logistic3A_45, %get3A_11 : vector<1000x256xf32>
    %add3A_53 = arith.addf %mul3A_51, %mul3A_52 : vector<1000x256xf32>
    %swap3A = arith.constant 0 : index
    %swap3A_54 = arith.constant 0 : index
    %swap3A_55 = vector.load %arg6[%swap3A, %swap3A_54] : memref<1000x256xf32, #tpu.memory_space<vmem>>, vector<1000x256xf32>
    tpu.vector_store %arg6[%swap3A, %swap3A_54], %add3A_53 {strides = array<i32>} : memref<1000x256xf32, #tpu.memory_space<vmem>>, vector<1000x256xf32>,
    return
  }
  func.func @transform_0(%arg0: i32) -> (i32, i32, i32) {
    %c0_i32 = arith.constant 0 : i32
    %c0_i32_0 = arith.constant 0 : i32
    %c0_i32_1 = arith.constant 0 : i32
    return %c0_i32, %arg0, %c0_i32_0 : i32, i32, i32
  }
  func.func @transform_1(%arg0: i32) -> (i32, i32) {
    %c0_i32 = arith.constant 0 : i32
    %c0_i32_0 = arith.constant 0 : i32
    return %arg0, %c0_i32 : i32, i32
  }
  func.func @transform_2(%arg0: i32) -> (i32, i32) {
    %c0_i32 = arith.constant 0 : i32
    %c0_i32_0 = arith.constant 0 : i32
    return %arg0, %c0_i32 : i32, i32
  }
  func.func @transform_3(%arg0: i32) -> (i32, i32) {
    %c0_i32 = arith.constant 0 : i32
    %c0_i32_0 = arith.constant 0 : i32
    %c0_i32_1 = arith.constant 0 : i32
    return %c0_i32, %c0_i32_0 : i32, i32
  }
  func.func @transform_4(%arg0: i32) -> (i32, i32) {
    %c0_i32 = arith.constant 0 : i32
    %c0_i32_0 = arith.constant 0 : i32
    %c0_i32_1 = arith.constant 0 : i32
    return %c0_i32, %c0_i32_0 : i32, i32
  }
  func.func @transform_5(%arg0: i32) -> (i32, i32) {
    %c0_i32 = arith.constant 0 : i32
    %c0_i32_0 = arith.constant 0 : i32
    return %arg0, %c0_i32 : i32, i32
  }
}

</mosaic_0001>

<sc_bundles>
// kernel: kernel.22.cloned.1.call-start
scs
__scs_entry_jumppad:
0x0: {  	(pc) =	sbr.rel $0x88, $3  }
0x1: {  	(tag) =	ssettag $0x0;
	lr =	simm.s32 $0x1  }
0x2: {  	[smem:$0x3F98] =	sst lr;
	_ =	strace $0xD0000000  }
0x3: {  	_ = 	snop  }
0x4: {  	_ = 	snop  }
0x5: {  	_ = 	snop  }
0x6: {  	_ = 	snop  }
0x7: {  	_ = 	snop  }
__scs_overlays_trampoline_lowered:
0x8: {  	[smem:$0x3FA7] =	sst s0  }
0x9: {  	[smem:$0x3FA8] =	sst s1  }
0xa: {  	[smem:$0x3FA9] =	sst s2  }
0xb: {  	[smem:$0x3FAA] =	sst s3  }
0xc: {  	[smem:$0x3FAB] =	sst s4  }
0xd: {  	[smem:$0x3FAC] =	sst s5  }
0xe: {  	[smem:$0x3FAD] =	sst s6  }
0xf: {  	[smem:$0x3FAE] =	sst s7  }
0x10: {  	[smem:$0x3FAF] =	sst s8  }
0x11: {  	[smem:$0x3FB0] =	sst s9;
	s0 =	simm.s32 @!p0 $0x0  }
0x12: {  	s1 =	sld [smem:$0x3F96];
	s0 =	simm.s32 @p0 $0x1  }
0x13: {  	[smem:$0x3FB1] =	sst s0;
	s0 =	simm.s32 @!p1 $0x0  }
0x14: {  	s2 =	sld [smem:$0x3F95];
	s0 =	simm.s32 @p1 $0x1  }
0x15: {  	[smem:$0x3FB2] =	sst s0;
	s0 =	simm.s32 @!p2 $0x0  }
0x16: {  	s3 =	sld [smem:$0x3FDB];
	s0 =	simm.s32 @p2 $0x1  }
0x17: {  	s4 =	simm.s32 $0x1BF5;
	[smem:$0x3FB4] =	sst s0  }
0x18: {  	s0 =	sld [smem:$0x3F97];
	_ =	swait.ge [sflag:s4], $0x0  }
0x19: {  	s7 =	sld [smem:$0x3F98]  }
0x1a: {  	s8 =	sadd.s32 $0xFFFFE003, lr  }
0x1b: {  	s9 =	sadd.s32 $0xFFFFFEF7, lr;
	s5 =	simm.s32 $0xFFFFFFFF;
	p2 =	slt.u32 s8, $0xFFFFF086  }
0x1c: {  	p1 =	slt.u32 s9, $0xF7A;
	s5 =	simm.s32 @!p2 $0x0  }
0x1d: {  	s5 =	simm.s32 @p1 $0x1;
	p0 =	seq.s32 s7, s2  }
0x1e: {  	s7 =	smul.u32 @!p0 $0xF7A, s2;
	p2 =	seq.s32 @!p0 s5, $0x0  }
0x1f: {  	s9 =	smul.u32 $0xF7A, s1;
	s8 =	simm.s32 @!p0 $0x1BF5;
	p2 =	por !p2, p0  }
0x20: {  	[sflag:s8] =	ssyncset.s32 @!p0 $0xFFFFF086;
	s6 =	sadd.s32 @!p0 s3, s7;
	s7 =	simm.s32 @!p0 $0x108  }
0x21: {  	s3 =	sadd.s32 s3, s9;
	s6 =	sadd.s32 @!p0 $0x88, s6;
	s7 =	simm.s32 @p2 $0x1082  }
0x22: {  	[simem:s7], [sflag:s8] =	dma.local @!p0 [hbm:s6], $0xF7A  }
0x23: {  	s9 =	sor.u32 $0xD0000000, s2;
	s6 =	simm.s32 $0x108;
	_ =	swait.ge @!p0 [sflag:s8], $0x0  }
0x24: {  	s3 =	sadd.s32 $0x88, s3;
	s6 =	simm.s32 @!p1 $0x1082;
	[sflag:s4] =	ssyncset.s32 $0xFFFFF086  }
0x25: {  	[simem:s6], [sflag:s4] =	dma.local [hbm:s3], $0xF7A  }
0x26: {  	[smem:$0x3F98] =	sst s1;
	(tag) =	ssettag s2;
	_ =	strace s9  }
0x27: {  	s1 =	sld [smem:$0x3FA8]  }
0x28: {  	s2 =	sld [smem:$0x3FA9]  }
0x29: {  	s4 =	sld [smem:$0x3FAB]  }
0x2a: {  	p0 =	seq.s32 s5, $0x0;
	s5 =	sld [smem:$0x3FAC]  }
0x2b: {  	s6 =	sld [smem:$0x3FAD]  }
0x2c: {  	s7 =	sld [smem:$0x3FAE]  }
0x2d: {  	s3 =	simm.s32 $0x108;
	s8 =	sld [smem:$0x3FAF]  }
0x2e: {  	s3 =	simm.s32 @!p0 $0x1082;
	s9 =	sld [smem:$0x3FB0]  }
0x2f: {  	lr =	sadd.s32 s0, s3;
	s0 =	sld [smem:$0x3FA7]  }
0x30: {  	s3 =	sld [smem:$0x3FAA]  }
0x31: {  	[smem:$0x3FB3] =	sst s10  }
0x32: {  	s10 =	sld [smem:$0x3FB1];
	_ =	sdelay $0x3  }
0x33: {  	p0 =	seq.s32 s10, $0x1;
	s10 =	sld [smem:$0x3FB3];
	_ =	sdelay $0x3  }
0x34: {  	[smem:$0x3FB3] =	sst s10  }
0x35: {  	s10 =	sld [smem:$0x3FB2];
	_ =	sdelay $0x3  }
0x36: {  	p1 =	seq.s32 s10, $0x1;
	s10 =	sld [smem:$0x3FB3];
	_ =	sdelay $0x3  }
0x37: {  	[smem:$0x3FB3] =	sst s10  }
0x38: {  	s10 =	sld [smem:$0x3FB4]  }
0x39: {  	_ = 	snop;
	(pc) =	sbr.ind lr, $3  }
0x3a: {  	_ = 	snop  }
0x3b: {  	_ = 	snop  }
0x3c: {  	p2 =	seq.s32 s10, $0x1;
	s10 =	sld [smem:$0x3FB3]  }
0x3d: {  	_ =	shalt  }
0x3e: {  	_ =	shalt  }
0x3f: {  	_ =	shalt  }
0x40: {  	_ =	shalt  }
0x41: {  	_ =	shalt  }
0x42: {  	_ =	shalt  }
0x43: {  	_ =	shalt  }
0x44: {  	_ =	shalt  }
0x45: {  	_ =	shalt  }
0x46: {  	_ =	shalt  }
0x47: {  	_ =	shalt  }
0x48: {  	_ =	shalt  }
0x49: {  	_ =	shalt  }
0x4a: {  	_ =	shalt  }
0x4b: {  	_ =	shalt  }
0x4c: {  	_ =	shalt  }
0x4d: {  	_ =	shalt  }
0x4e: {  	_ =	shalt  }
0x4f: {  	_ =	shalt  }
0x50: {  	_ =	shalt  }
0x51: {  	_ =	shalt  }
0x52: {  	_ =	shalt  }
0x53: {  	_ =	shalt  }
0x54: {  	_ =	shalt  }
0x55: {  	_ =	shalt  }
0x56: {  	_ =	shalt  }
0x57: {  	_ =	shalt  }
0x58: {  	_ =	shalt  }
0x59: {  	_ =	shalt  }
0x5a: {  	_ =	shalt  }
0x5b: {  	_ =	shalt  }
0x5c: {  	_ =	shalt  }
0x5d: {  	_ =	shalt  }
0x5e: {  	_ =	shalt  }
0x5f: {  	_ =	shalt  }
0x60: {  	_ =	shalt  }
0x61: {  	_ =	shalt  }
0x62: {  	_ =	shalt  }
0x63: {  	_ =	shalt  }
0x64: {  	_ =	shalt  }
0x65: {  	_ =	shalt  }
0x66: {  	_ =	shalt  }
0x67: {  	_ =	shalt  }
0x68: {  	_ =	shalt  }
0x69: {  	_ =	shalt  }
0x6a: {  	_ =	shalt  }
0x6b: {  	_ =	shalt  }
0x6c: {  	_ =	shalt  }
0x6d: {  	_ =	shalt  }
0x6e: {  	_ =	shalt  }
0x6f: {  	_ =	shalt  }
0x70: {  	_ =	shalt  }
0x71: {  	_ =	shalt  }
0x72: {  	_ =	shalt  }
0x73: {  	_ =	shalt  }
0x74: {  	_ =	shalt  }
0x75: {  	_ =	shalt  }
0x76: {  	_ =	shalt  }
0x77: {  	_ =	shalt  }
0x78: {  	_ =	shalt  }
0x79: {  	_ =	shalt  }
0x7a: {  	_ =	shalt  }
0x7b: {  	_ =	shalt  }
0x7c: {  	_ =	shalt  }
0x7d: {  	_ =	shalt  }
0x7e: {  	_ =	shalt  }
0x7f: {  	_ =	shalt  }
0x80: {  	_ =	shalt  }
0x81: {  	_ =	shalt  }
0x82: {  	_ =	shalt  }
0x83: {  	_ =	shalt  }
0x84: {  	_ =	shalt  }
0x85: {  	_ =	shalt  }
0x86: {  	_ =	shalt  }
0x87: {  	_ =	shalt  }
.Lfunc_end0:
.L_simem_size_0:
called_computation_lowered:
.L_overlay_start_0:
0x88: {  	s2 =	sld [smem:$0x3FD9]  }
0x89: {  	s3 =	sld [smem:$0x3FFE];
	_ =	sdelay $0x1  }
0x8a: {  	s1 =	srdreg.scid  }
0x8b: {  	s0 =	sand.u32 $0x1, s1  }
0x8c: {  	s17 =	sshll.u32 s0, $0xA;
	s2 =	sadd.s32 s3, s2  }
0x8d: {  	s2 =	sadd.s32 s2, s17  }
0x8e: {  	[smem:$0x3FBF] =	sst s2  }
0x8f: {  	_ = 	snop  }
0x90: {  	s2 =	sld [smem:$0x3FD0];
	(tm) =	ssettm $0x1  }
0x91: {  	s18 =	sld [smem:$0x3FFB];
	_ =	sdelay $0x3  }
0x92: {  	_ =	strace s18  }
0x93: {  	s3 =	sld [smem:$0x3FFC];
	_ =	sdelay $0x3  }
0x94: {  	_ =	strace s3  }
0x95: {  	s3 =	sld [smem:$0x3FFD];
	_ =	sdelay $0x3  }
0x96: {  	_ =	strace s3  }
0x97: {  	_ =	strace $0x8FFFFFFF  }
0x98: {  	s19 =	sld [smem:$0x3FDB];
	_ =	sdelay $0x1  }
0x99: {  	s4 =	simm.s32 $_scs_section_size  }
0x9a: {  	s5 =	simm.s32 $_size__tile_overlayer_lowered;
	s6 =	simm.s32 $_tile_overlayer_lowered  }
0x9b: {  	s22 =	simm.s32 $0x1BFF;
	s21 =	sshll.u32 s6, $0x1;
	s3 =	sadd.s32 s4, s19  }
0x9c: {  	s7 =	simm.s32 $0x0;
	s20 =	sshll.u32 s5, $0x1;
	s5 =	sadd.s32 s21, s3  }
0x9d: {  	[timem:s7], [sflag:s22] =	dma.local [hbm:s5], s20  }
0x9e: {  	_ =	swait.ge [sflag:s22], s20  }
0x9f: {  	s4 =	ssub.s32 $0x0, s20;
	[sflag:s22] =	ssyncset.done $0x0  }
0xa0: {  	[sflag:s22] =	ssyncadd.s32 s4;
	_ =	sdelay $0x1  }
0xa1: {  	s23 =	simm.s32 $0x1B8B  }
0xa2: {  	_ =	swait.ge [sflag:s23], $0x1  }
0xa3: {  	[sflag:s23] =	ssyncset.done $0x0  }
0xa4: {  	s25 =	simm.s32 $0x1B8E;
	s24 =	sld [smem:$0x3FFE];
	[sflag:s23] =	ssyncadd.s32 $0xFFFFFFFF  }
0xa5: {  	s26 =	simm.s32 $execute0_lowered;
	[smem:$0x3FD2] =	sst s25  }
0xa6: {  	s5 =	sshll.u32 s26, $0x1;
	_ =	strace $0x80000046;
	[dreg:$0x1] =	wrdreg $0xFFFFFFFF  }
0xa7: {  	s28 =	simm.s32 $_size_execute0_lowered;
	s3 =	sadd.s32 s3, s5;
	[dreg:$0x0] =	wrdreg $0x0  }
0xa8: {  	s5 =	sshll.u32 s28, $0x1;
	[dreg:$0x2] =	wrdreg s3  }
0xa9: {  	[dreg:$0x3] =	wrdreg s5  }
0xaa: {  	[dreg:$0x4] =	wrdreg $0xC0  }
0xab: {  	_ =	task [dreg:s7], $0x5FFFF  }
0xac: {  	[dreg:$0x1] =	wrdreg $0xFFFFFFFF  }
0xad: {  	[dreg:$0x0] =	wrdreg $0x60  }
0xae: {  	[dreg:$0x2] =	wrdreg s24  }
0xaf: {  	[dreg:$0x3] =	wrdreg s2  }
0xb0: {  	[dreg:$0x4] =	wrdreg $0xA9000  }
0xb1: {  	[dreg:$0x5] =	wrdreg $0x9  }
0xb2: {  	_ =	task.clear_ibuf [dreg:s7], $0x6FFFF;
	_ =	strace $0x90000046  }
0xb3: {  	s29 =	simm.s32 $0x9;
	_ =	strace $0x80000048  }
0xb4: {  	_ =	swait.ge [sflag:s29], $0x1  }
0xb5: {  	[sflag:s29] =	ssyncadd.s32 $0xFFFFFFFF  }
0xb6: {  	_ =	strace $0x90000048  }
0xb7: {  	_ =	sfence  }
0xb8: {  	s30 =	sld [smem:$0x0];
	_ =	sdelay $0x2  }
0xb9: {  	s31 =	sshll.u32 s1, $0xD;
	s1 =	sshrl.u32 s1, $0x2  }
0xba: {  	s3 =	sand.u32 $0x4000, s31;
	s1 =	sadd.s32 s1, s30  }
0xbb: {  	s0 =	sor.u32 s3, s0;
	s1 =	sshll.u32 s1, $0x11  }
0xbc: {  	s0 =	sor.u32 s1, s0  }
0xbd: {  	s0 =	sadd.s32 $0x8F2B, s0  }
0xbe: {  	[sflag:s0] =	ssyncadd.remote.s32 $0x1  }
0xbf: {  	_ =	sfence.sel $0xFFFF  }
0xc0: {  	[dreg:$0x0] =	wrdreg $0xFFFFFFFF;
	(pc) =	sbr.abs _section_cstart, $3  }
0xc1: {  	[dreg:$0x1] =	wrdreg $0xFFFFFFFF  }
0xc2: {  	_ =	task.clear_ibuf [dreg:s7], $0x2FFFF;
	_ =	strace $0x9FFFFFFF  }
0xc3: {  	(tm) =	ssettm $0x7FFFFFFF  }
tec
execute0_lowered:
.L_overlay_start_1:
0x0: {  	(tag) =	ssettag $0x1  }
0x1: {  	s5 =	rddreg [dreg:$0x0]  }
0x2: {  	s0 =	srdreg.scid;
	s10 =	rddreg [dreg:$0x1]  }
0x3: {  	s1 =	stileid.u32;
	s2 =	rddreg [dreg:$0x2]  }
0x4: {  	s17 =	simm.s32 $0x80;
	s18 =	simm.s32 $0x2900;
	s19 =	simm.s32 $0x2800  }
0x5: {  	s20 =	simm.s32 $0x6900;
	s21 =	simm.s32 $0x2880;
	s8 =	smul.u32 $0x4F000, s1  }
0x6: {  	s22 =	simm.s32 $0x3;
	s28 =	simm.s32 $0x2;
	s11 =	smul.u32 $0x2800, s1  }
0x7: {  	s29 =	simm.s32 $0x0;
	s0 =	sand.u32 $0x1, s0;
	s24 =	smul.u32 $0x4E000, s1  }
0x8: {  	s12 =	sadd.s32 $0xC800, s5;
	s14 =	sadd.s32 $0x128400, s2;
	s30 =	smul.u32 $0x2700, s1  }
0x9: {  	s31 =	smul.u32 $0x500, s1;
	p0 =	seq.s32 s1, $0xF;
	p1 =	sne.s32 s1, $0x0  }
0xa: {  	s3 =	sshll.u32 s0, $0x4;
	s7 =	ssub.s32 $0x2, s0;
	s25 =	smul.u32 $0x27100, s0  }
0xb: {  	s0 =	smul.u32 $0x138800, s0;
	s4 =	sor.u32 s1, s3;
	s3 =	simm.s32 $0x0  }
0xc: {  	s9 =	sshrl.u32 s7, $0x1;
	s23 =	sshrl.u32 s8, $0x2;
	s26 =	sshrl.u32 s11, $0x3  }
0xd: {  	s16 =	sshrl.u32 s24, $0x2;
	s6 =	smul.u32 $0x500, s4;
	[smem:$0x7FF] =	sst s3  }
0xe: {  	s4 =	sadd.s32 $0x11800, s5;
	s13 =	ssub.s32 s7, s9;
	s15 =	sadd.s32 s23, s2  }
0xf: {  	s7 =	sadd.s32 s12, s26;
	s24 =	sadd.s32 s16, s2;
	s9 =	sadd.s32 s30, s25  }
0x10: {  	s25 =	sadd.s32 $0x138000, s2;
	s0 =	sshrl.u32 s0, $0x3;
	s12 =	sadd.s32 s31, s12  }
0x11: {  	s16 =	simm.s32 $0x1;
	s23 =	simm.s32 $0x5;
	s26 =	simm.s32 $0x4  }
0x12: {  	_ =	strace $0x80000047;
	s8 =	sadd.s32 $0x10, s7;
	s9 =	sadd.s32 s10, s9  }
0x13: {  	s0 =	sadd.s32 s10, s0;
	s11 =	smax.u32 s13, $0x1;
	s13 =	sshrl.u32 @p0 s14, $0x3  }
0x14: {  	s15 =	sshrl.u32 @!p0 s15, $0x3;
	s24 =	sshrl.u32 s24, $0x3;
	s25 =	sshrl.u32 @!p1 s25, $0x3  }
0x15: {  	s6 =	sadd.s32 s6, s5;
	s10 =	sadd.s32 $0x27000, s0;
	s0 =	sshll.u32 @!p0 s1, $0x6  }
0x16: {  	s5 =	sadd.s32 $0x14A000, s5;
	s6 =	sadd.s32 $0x2800, s6;
	s14 =	sor.u32 @!p0 $0x1C05, s0  }
.LBB2_1:
0x17: {  	[tilespmem:s3], [sflag:$0x1] =	stream.linear.gather [hbm4b:s6+s3], $0x2800, $0x38;
	[tilespmem:$0x1E1C0] =	vst v63  }
0x18: {  	s0 =	simm.s32 @p0 $0x1FC5  }
0x19: {  	[spmem:s13], [sflag:s0] =	dma.local @p0 [hbm:s5], $0x2100  }
0x1a: {  	s0 =	simm.s32 @p0 $0x5  }
0x1b: {  	_ =	swait.ge @p0 [sflag:s0], $0x2100  }
0x1c: {  	[sflag:s0] =	ssyncset.done @p0 $0x0  }
0x1d: {  	[sflag:s0] =	ssyncadd.s32 @p0 $0xFFFFDF00;
	s0 =	simm.s32 @!p0 $0x5  }
0x1e: {  	[spmem:s15], [sflag:s14] =	dma.local @!p0 [hbm:s5], $0x2780  }
0x1f: {  	_ =	swait.ge @!p0 [sflag:s0], $0x2780  }
0x20: {  	[sflag:s0] =	ssyncset.done @!p0 $0x0  }
0x21: {  	[sflag:s0] =	ssyncadd.s32 @!p0 $0xFFFFD880  }
0x22: {  	_ =	swait.ge [sflag:s16], $0x2800  }
0x23: {  	[sflag:s16] =	ssyncset.done $0x0  }
0x24: {  	[sflag:s16] =	ssyncadd.s32 $0xFFFFD800  }
0x25: {  	[bflag:$0x0] =	sbarrier.arrive $0xFFFF  }
0x26: {  	[tilespmem:s18], [sflag:$0x1] =	stream.indirect.gather [hbm4b:s4+s17], $0x80, s3, s17, $0xb8;
	[tilespmem:$0x1E1C0] =	vst v63  }
0x27: {  	_ = 	snop  }
0x28: {  	[tilespmem:s19], [sflag:$0x3] =	stream.linear.gather [hbm4b:s7+s3], $0x80, $0x38;
	[tilespmem:$0x1E1C0] =	vst v63  }
0x29: {  	_ = 	snop  }
0x2a: {  	[tilespmem:s20], [sflag:$0x2] =	stream.indirect.gather [hbm4b:s4+s17], $0x80, s17, s17, $0xb8;
	[tilespmem:$0x1E1C0] =	vst v63  }
0x2b: {  	_ = 	snop  }
0x2c: {  	[tilespmem:s21], [sflag:$0x4] =	stream.linear.gather [hbm4b:s8+s3], $0x80, $0x38;
	[tilespmem:$0x1E1C0] =	vst v63  }
0x2d: {  	_ =	swait.ge [sflag:s22], $0x80  }
0x2e: {  	[sflag:s22] =	ssyncset.done $0x0  }
0x2f: {  	[sflag:s22] =	ssyncadd.s32 $0xFFFFFF80  }
0x30: {  	_ =	swait.ge [sflag:s16], $0x4000  }
0x31: {  	[sflag:s16] =	ssyncset.done $0x0  }
0x32: {  	[sflag:s16] =	ssyncadd.s32 $0xFFFFC000  }
0x33: {  	[spmem:s2] =	stream.indirect.scatter.add.f32 [tilespmem:s18], [sflag:$0x5], $0x80, s19, s17, $0xb8;
	[tilespmem:$0x1E1C0] =	vst v63  }
0x34: {  	_ =	swait.ge [sflag:s23], $0x4000  }
0x35: {  	[sflag:s23] =	ssyncset.done $0x0  }
0x36: {  	s1 =	simm.s32 $0x100;
	s31 =	sadd.s32 $0xFFFFFB20, s12;
	[sflag:s23] =	ssyncadd.s32 $0xFFFFC000  }
0x37: {  	[tilespmem:s18], [sflag:$0x1] =	stream.indirect.gather [hbm4b:s4+s17], $0x80, s1, s17, $0xb8;
	[tilespmem:$0x1E1C0] =	vst v63  }
0x38: {  	s1 =	sadd.s32 $0x500, s31  }
0x39: {  	[tilespmem:s19], [sflag:$0x3] =	stream.linear.gather [hbm4b:s1+s3], $0x80, $0x38;
	[tilespmem:$0x1E1C0] =	vst v63  }
0x3a: {  	_ =	swait.ge [sflag:s26], $0x80  }
0x3b: {  	[sflag:s26] =	ssyncset.done $0x0  }
0x3c: {  	[sflag:s26] =	ssyncadd.s32 $0xFFFFFF80  }
0x3d: {  	_ =	swait.ge [sflag:s28], $0x4000  }
0x3e: {  	[sflag:s28] =	ssyncset.done $0x0  }
0x3f: {  	[sflag:s28] =	ssyncadd.s32 $0xFFFFC000  }
0x40: {  	[spmem:s2] =	stream.indirect.scatter.add.f32 [tilespmem:s20], [sflag:$0x5], $0x80, s21, s17, $0xb8;
	[tilespmem:$0x1E1C0] =	vst v63  }
0x41: {  	_ =	swait.ge [sflag:s23], $0x4000  }
0x42: {  	s30 =	simm.s32 $0xFFFFFB40;
	s0 =	sadd.s32 $0x510, s31;
	[sflag:s23] =	ssyncset.done $0x0  }
0x43: {  	s31 =	simm.s32 $0x200;
	s1 =	simm.s32 $0x180;
	[sflag:s23] =	ssyncadd.s32 $0xFFFFC000  }
0x44: {  	[tilespmem:s20], [sflag:$0x2] =	stream.indirect.gather [hbm4b:s4+s17], $0x80, s1, s17, $0xb8;
	[tilespmem:$0x1E1C0] =	vst v63  }
.LBB2_2:
0x45: {  	[tilespmem:s21], [sflag:$0x4] =	stream.linear.gather [hbm4b:s0+s3], $0x80, $0x38;
	[tilespmem:$0x1E1C0] =	vst v63  }
0x46: {  	s0 =	smov.u32 s30  }
0x47: {  	p2 =	sne.s32 s30, $0xFFFFFFE0;
	s30 =	sadd.s32 $0x20, s30;
	_ =	swait.ge [sflag:s22], $0x80  }
0x48: {  	[sflag:s22] =	ssyncset.done $0x0  }
0x49: {  	[sflag:s22] =	ssyncadd.s32 $0xFFFFFF80  }
0x4a: {  	_ =	swait.ge [sflag:s16], $0x4000  }
0x4b: {  	[sflag:s16] =	ssyncset.done $0x0  }
0x4c: {  	[sflag:s16] =	ssyncadd.s32 $0xFFFFC000  }
0x4d: {  	[spmem:s2] =	stream.indirect.scatter.add.f32 [tilespmem:s18], [sflag:$0x5], $0x80, s19, s17, $0xb8;
	[tilespmem:$0x1E1C0] =	vst v63  }
0x4e: {  	_ =	swait.ge [sflag:s23], $0x4000  }
0x4f: {  	[sflag:s23] =	ssyncset.done $0x0  }
0x50: {  	s0 =	sadd.s32 s0, s12;
	[sflag:s23] =	ssyncadd.s32 $0xFFFFC000  }
0x51: {  	[tilespmem:s18], [sflag:$0x1] =	stream.indirect.gather [hbm4b:s4+s17], $0x80, s31, s17, $0xb8;
	[tilespmem:$0x1E1C0] =	vst v63  }
0x52: {  	s1 =	sadd.s32 $0x500, s0  }
0x53: {  	[tilespmem:s19], [sflag:$0x3] =	stream.linear.gather [hbm4b:s1+s3], $0x80, $0x38;
	[tilespmem:$0x1E1C0] =	vst v63  }
0x54: {  	_ =	swait.ge [sflag:s26], $0x80  }
0x55: {  	[sflag:s26] =	ssyncset.done $0x0  }
0x56: {  	[sflag:s26] =	ssyncadd.s32 $0xFFFFFF80  }
0x57: {  	_ =	swait.ge [sflag:s28], $0x4000  }
0x58: {  	[sflag:s28] =	ssyncset.done $0x0  }
0x59: {  	[sflag:s28] =	ssyncadd.s32 $0xFFFFC000  }
0x5a: {  	[spmem:s2] =	stream.indirect.scatter.add.f32 [tilespmem:s20], [sflag:$0x5], $0x80, s21, s17, $0xb8;
	[tilespmem:$0x1E1C0] =	vst v63  }
.Ltmp0:
0x5b: {  	_ =	swait.ge [sflag:s23], $0x4000;
	(pc) =	sbr.rel @p2 .LBB2_2-.Ltmp0, $4  }
0x5c: {  	[sflag:s23] =	ssyncset.done $0x0  }
0x5d: {  	s1 =	sadd.s32 $0x80, s31;
	[sflag:s23] =	ssyncadd.s32 $0xFFFFC000  }
0x5e: {  	[tilespmem:s20], [sflag:$0x2] =	stream.indirect.gather [hbm4b:s4+s17], $0x80, s1, s17, $0xb8;
	[tilespmem:$0x1E1C0] =	vst v63  }
0x5f: {  	s0 =	sadd.s32 $0x510, s0;
	s31 =	sadd.s32 $0x100, s31  }
0x60: {  	[tilespmem:s21], [sflag:$0x4] =	stream.linear.gather [hbm4b:s0+s3], $0x80, $0x38;
	[tilespmem:$0x1E1C0] =	vst v63  }
0x61: {  	_ =	swait.ge [sflag:s22], $0x80  }
0x62: {  	[sflag:s22] =	ssyncset.done $0x0  }
0x63: {  	[sflag:s22] =	ssyncadd.s32 $0xFFFFFF80  }
0x64: {  	_ =	swait.ge [sflag:s16], $0x4000  }
0x65: {  	[sflag:s16] =	ssyncset.done $0x0  }
0x66: {  	[sflag:s16] =	ssyncadd.s32 $0xFFFFC000  }
0x67: {  	[spmem:s2] =	stream.indirect.scatter.add.f32 [tilespmem:s18], [sflag:$0x5], $0x80, s19, s17, $0xb8;
	[tilespmem:$0x1E1C0] =	vst v63  }
0x68: {  	_ =	swait.ge [sflag:s23], $0x4000  }
0x69: {  	[sflag:s23] =	ssyncset.done $0x0  }
0x6a: {  	[sflag:s23] =	ssyncadd.s32 $0xFFFFC000  }
0x6b: {  	_ =	swait.ge [sflag:s26], $0x80  }
0x6c: {  	[sflag:s26] =	ssyncset.done $0x0  }
0x6d: {  	[sflag:s26] =	ssyncadd.s32 $0xFFFFFF80  }
0x6e: {  	_ =	swait.ge [sflag:s28], $0x4000  }
0x6f: {  	[sflag:s28] =	ssyncset.done $0x0  }
0x70: {  	[sflag:s28] =	ssyncadd.s32 $0xFFFFC000  }
0x71: {  	[spmem:s2] =	stream.indirect.scatter.add.f32 [tilespmem:s20], [sflag:$0x5], $0x80, s21, s17, $0xb8;
	[tilespmem:$0x1E1C0] =	vst v63  }
0x72: {  	_ =	swait.ge [sflag:s23], $0x4000  }
0x73: {  	s31 =	stileid.u32;
	[sflag:s23] =	ssyncset.done $0x0  }
0x74: {  	s0 =	sshll.u32 s31, $0x6;
	[sflag:s23] =	ssyncadd.s32 $0xFFFFC000  }
0x75: {  	s0 =	sor.u32 $0x1C05, s0;
	[bflag:$0x0] =	sbarrier.arrive $0xFFFF  }
0x76: {  	[hbm:s9], [sflag:s0] =	dma.local [spmem:s24], $0x2700  }
0x77: {  	_ =	swait.ge [sflag:s23], $0x2700  }
0x78: {  	s29 =	sadd.s32 $0x1, s29;
	[sflag:s23] =	ssyncset.done $0x0  }
0x79: {  	p2 =	sne.s32 s29, s11;
	[sflag:s23] =	ssyncadd.s32 $0xFFFFD900  }
0x7a: {  	[hbm:s10], [sflag:s0] =	dma.local @!p1 [spmem:s25], $0x100  }
.Ltmp1:
0x7b: {  	_ = 	snop;
	(pc) =	sbr.rel @p2 .LBB2_1-.Ltmp1, $4  }
0x7c: {  	s0 =	simm.s32 @!p1 $0x5  }
0x7d: {  	_ =	swait.ge @!p1 [sflag:s0], $0x100  }
0x7e: {  	[sflag:s0] =	ssyncset.done @!p1 $0x0  }
0x7f: {  	[sflag:s0] =	ssyncadd.s32 @!p1 $0xFFFFFF00  }
0x80: {  	_ =	sfence.sel $0x180000  }
0x81: {  	[bflag:$0x0] =	sbarrier.arrive $0xFFFF  }
0x82: {  	_ =	strace $0x90000047  }
0x83: {  	[bflag:$0x2] =	sbarrier.arrive $0xFFFF  }
0x84: {  	s0 =	rddreg [dreg:$0x3]  }
0x85: {  	s0 =	sadd.s32 @!p1 $0x100000, s0  }
0x86: {  	[sflag:s0] =	ssyncadd.tile.s32 @!p1 $0x1;
	_ =	shalt  }
.Lfunc_end2:
_tile_overlayer_lowered:
.L_overlay_start_2:
0x87: {  	(tag) =	ssettag $0x2  }
0x88: {  	s0 =	rddreg [dreg:$0x0];
	s2 =	stileid.u32  }
0x89: {  	s1 =	rddreg [dreg:$0x1];
	p0 =	sne.s32 s2, $0x0  }
0x8a: {  	s3 =	rddreg [dreg:$0x2];
	[bflag:$0x3] =	sbarrier.arrive $0xFFFF;
	s2 =	simm.s32 @!p0 $0x1C05  }
0x8b: {  	[timem:s3], [sflag:s2] =	dma.local @!p0 [hbm:s0], s1  }
0x8c: {  	s0 =	simm.s32 @!p0 $0x5  }
0x8d: {  	_ =	swait.ge @!p0 [sflag:s0], s1  }
0x8e: {  	s1 =	ssub.s32 @!p0 $0x0, s1;
	[sflag:s0] =	ssyncset.done @!p0 $0x0  }
0x8f: {  	[sflag:s0] =	ssyncadd.s32 @!p0 s1  }
0x90: {  	[bflag:$0x3] =	sbarrier.arrive $0xFFFF  }
0x91: {  	_ =	shalt  }

// kernel: kernel.25.cloned.1.call-start
scs
__scs_entry_jumppad:
0x0: {  	(pc) =	sbr.rel $0x88, $3  }
0x1: {  	(tag) =	ssettag $0x0;
	lr =	simm.s32 $0x1  }
0x2: {  	[smem:$0x3F98] =	sst lr;
	_ =	strace $0xD0000000  }
0x3: {  	_ = 	snop  }
0x4: {  	_ = 	snop  }
0x5: {  	_ = 	snop  }
0x6: {  	_ = 	snop  }
0x7: {  	_ = 	snop  }
__scs_overlays_trampoline_lowered:
0x8: {  	[smem:$0x3FA7] =	sst s0  }
0x9: {  	[smem:$0x3FA8] =	sst s1  }
0xa: {  	[smem:$0x3FA9] =	sst s2  }
0xb: {  	[smem:$0x3FAA] =	sst s3  }
0xc: {  	[smem:$0x3FAB] =	sst s4  }
0xd: {  	[smem:$0x3FAC] =	sst s5  }
0xe: {  	[smem:$0x3FAD] =	sst s6  }
0xf: {  	[smem:$0x3FAE] =	sst s7  }
0x10: {  	[smem:$0x3FAF] =	sst s8  }
0x11: {  	[smem:$0x3FB0] =	sst s9;
	s0 =	simm.s32 @!p0 $0x0  }
0x12: {  	s1 =	sld [smem:$0x3F96];
	s0 =	simm.s32 @p0 $0x1  }
0x13: {  	[smem:$0x3FB1] =	sst s0;
	s0 =	simm.s32 @!p1 $0x0  }
0x14: {  	s2 =	sld [smem:$0x3F95];
	s0 =	simm.s32 @p1 $0x1  }
0x15: {  	[smem:$0x3FB2] =	sst s0;
	s0 =	simm.s32 @!p2 $0x0  }
0x16: {  	s3 =	sld [smem:$0x3FDB];
	s0 =	simm.s32 @p2 $0x1  }
0x17: {  	s4 =	simm.s32 $0x1BF5;
	[smem:$0x3FB4] =	sst s0  }
0x18: {  	s0 =	sld [smem:$0x3F97];
	_ =	swait.ge [sflag:s4], $0x0  }
0x19: {  	s7 =	sld [smem:$0x3F98]  }
0x1a: {  	s8 =	sadd.s32 $0xFFFFE003, lr  }
0x1b: {  	s9 =	sadd.s32 $0xFFFFFEF7, lr;
	s5 =	simm.s32 $0xFFFFFFFF;
	p2 =	slt.u32 s8, $0xFFFFF086  }
0x1c: {  	p1 =	slt.u32 s9, $0xF7A;
	s5 =	simm.s32 @!p2 $0x0  }
0x1d: {  	s5 =	simm.s32 @p1 $0x1;
	p0 =	seq.s32 s7, s2  }
0x1e: {  	s7 =	smul.u32 @!p0 $0xF7A, s2;
	p2 =	seq.s32 @!p0 s5, $0x0  }
0x1f: {  	s9 =	smul.u32 $0xF7A, s1;
	s8 =	simm.s32 @!p0 $0x1BF5;
	p2 =	por !p2, p0  }
0x20: {  	[sflag:s8] =	ssyncset.s32 @!p0 $0xFFFFF086;
	s6 =	sadd.s32 @!p0 s3, s7;
	s7 =	simm.s32 @!p0 $0x108  }
0x21: {  	s3 =	sadd.s32 s3, s9;
	s6 =	sadd.s32 @!p0 $0x88, s6;
	s7 =	simm.s32 @p2 $0x1082  }
0x22: {  	[simem:s7], [sflag:s8] =	dma.local @!p0 [hbm:s6], $0xF7A  }
0x23: {  	s9 =	sor.u32 $0xD0000000, s2;
	s6 =	simm.s32 $0x108;
	_ =	swait.ge @!p0 [sflag:s8], $0x0  }
0x24: {  	s3 =	sadd.s32 $0x88, s3;
	s6 =	simm.s32 @!p1 $0x1082;
	[sflag:s4] =	ssyncset.s32 $0xFFFFF086  }
0x25: {  	[simem:s6], [sflag:s4] =	dma.local [hbm:s3], $0xF7A  }
0x26: {  	[smem:$0x3F98] =	sst s1;
	(tag) =	ssettag s2;
	_ =	strace s9  }
0x27: {  	s1 =	sld [smem:$0x3FA8]  }
0x28: {  	s2 =	sld [smem:$0x3FA9]  }
0x29: {  	s4 =	sld [smem:$0x3FAB]  }
0x2a: {  	p0 =	seq.s32 s5, $0x0;
	s5 =	sld [smem:$0x3FAC]  }
0x2b: {  	s6 =	sld [smem:$0x3FAD]  }
0x2c: {  	s7 =	sld [smem:$0x3FAE]  }
0x2d: {  	s3 =	simm.s32 $0x108;
	s8 =	sld [smem:$0x3FAF]  }
0x2e: {  	s3 =	simm.s32 @!p0 $0x1082;
	s9 =	sld [smem:$0x3FB0]  }
0x2f: {  	lr =	sadd.s32 s0, s3;
	s0 =	sld [smem:$0x3FA7]  }
0x30: {  	s3 =	sld [smem:$0x3FAA]  }
0x31: {  	[smem:$0x3FB3] =	sst s10  }
0x32: {  	s10 =	sld [smem:$0x3FB1];
	_ =	sdelay $0x3  }
0x33: {  	p0 =	seq.s32 s10, $0x1;
	s10 =	sld [smem:$0x3FB3];
	_ =	sdelay $0x3  }
0x34: {  	[smem:$0x3FB3] =	sst s10  }
0x35: {  	s10 =	sld [smem:$0x3FB2];
	_ =	sdelay $0x3  }
0x36: {  	p1 =	seq.s32 s10, $0x1;
	s10 =	sld [smem:$0x3FB3];
	_ =	sdelay $0x3  }
0x37: {  	[smem:$0x3FB3] =	sst s10  }
0x38: {  	s10 =	sld [smem:$0x3FB4]  }
0x39: {  	_ = 	snop;
	(pc) =	sbr.ind lr, $3  }
0x3a: {  	_ = 	snop  }
0x3b: {  	_ = 	snop  }
0x3c: {  	p2 =	seq.s32 s10, $0x1;
	s10 =	sld [smem:$0x3FB3]  }
0x3d: {  	_ =	shalt  }
0x3e: {  	_ =	shalt  }
0x3f: {  	_ =	shalt  }
0x40: {  	_ =	shalt  }
0x41: {  	_ =	shalt  }
0x42: {  	_ =	shalt  }
0x43: {  	_ =	shalt  }
0x44: {  	_ =	shalt  }
0x45: {  	_ =	shalt  }
0x46: {  	_ =	shalt  }
0x47: {  	_ =	shalt  }
0x48: {  	_ =	shalt  }
0x49: {  	_ =	shalt  }
0x4a: {  	_ =	shalt  }
0x4b: {  	_ =	shalt  }
0x4c: {  	_ =	shalt  }
0x4d: {  	_ =	shalt  }
0x4e: {  	_ =	shalt  }
0x4f: {  	_ =	shalt  }
0x50: {  	_ =	shalt  }
0x51: {  	_ =	shalt  }
0x52: {  	_ =	shalt  }
0x53: {  	_ =	shalt  }
0x54: {  	_ =	shalt  }
0x55: {  	_ =	shalt  }
0x56: {  	_ =	shalt  }
0x57: {  	_ =	shalt  }
0x58: {  	_ =	shalt  }
0x59: {  	_ =	shalt  }
0x5a: {  	_ =	shalt  }
0x5b: {  	_ =	shalt  }
0x5c: {  	_ =	shalt  }
0x5d: {  	_ =	shalt  }
0x5e: {  	_ =	shalt  }
0x5f: {  	_ =	shalt  }
0x60: {  	_ =	shalt  }
0x61: {  	_ =	shalt  }
0x62: {  	_ =	shalt  }
0x63: {  	_ =	shalt  }
0x64: {  	_ =	shalt  }
0x65: {  	_ =	shalt  }
0x66: {  	_ =	shalt  }
0x67: {  	_ =	shalt  }
0x68: {  	_ =	shalt  }
0x69: {  	_ =	shalt  }
0x6a: {  	_ =	shalt  }
0x6b: {  	_ =	shalt  }
0x6c: {  	_ =	shalt  }
0x6d: {  	_ =	shalt  }
0x6e: {  	_ =	shalt  }
0x6f: {  	_ =	shalt  }
0x70: {  	_ =	shalt  }
0x71: {  	_ =	shalt  }
0x72: {  	_ =	shalt  }
0x73: {  	_ =	shalt  }
0x74: {  	_ =	shalt  }
0x75: {  	_ =	shalt  }
0x76: {  	_ =	shalt  }
0x77: {  	_ =	shalt  }
0x78: {  	_ =	shalt  }
0x79: {  	_ =	shalt  }
0x7a: {  	_ =	shalt  }
0x7b: {  	_ =	shalt  }
0x7c: {  	_ =	shalt  }
0x7d: {  	_ =	shalt  }
0x7e: {  	_ =	shalt  }
0x7f: {  	_ =	shalt  }
0x80: {  	_ =	shalt  }
0x81: {  	_ =	shalt  }
0x82: {  	_ =	shalt  }
0x83: {  	_ =	shalt  }
0x84: {  	_ =	shalt  }
0x85: {  	_ =	shalt  }
0x86: {  	_ =	shalt  }
0x87: {  	_ =	shalt  }
.Lfunc_end0:
.L_simem_size_0:
called_computation.1_lowered:
.L_overlay_start_0:
0x88: {  	s2 =	sld [smem:$0x3FD9]  }
0x89: {  	s3 =	sld [smem:$0x3FFE];
	_ =	sdelay $0x1  }
0x8a: {  	s1 =	srdreg.scid  }
0x8b: {  	s0 =	sand.u32 $0x1, s1  }
0x8c: {  	s16 =	sshll.u32 s0, $0xA;
	s2 =	sadd.s32 s3, s2  }
0x8d: {  	s2 =	sadd.s32 s2, s16  }
0x8e: {  	[smem:$0x3FBF] =	sst s2  }
0x8f: {  	_ = 	snop  }
0x90: {  	(tm) =	ssettm $0x1  }
0x91: {  	s17 =	sld [smem:$0x3FFB];
	_ =	sdelay $0x3  }
0x92: {  	_ =	strace s17  }
0x93: {  	s2 =	sld [smem:$0x3FFC];
	_ =	sdelay $0x3  }
0x94: {  	_ =	strace s2  }
0x95: {  	s2 =	sld [smem:$0x3FFD];
	_ =	sdelay $0x3  }
0x96: {  	_ =	strace s2  }
0x97: {  	_ =	strace $0x8FFFFFFF  }
0x98: {  	s18 =	sld [smem:$0x3FDB];
	_ =	sdelay $0x1  }
0x99: {  	s19 =	simm.s32 $_scs_section_size  }
0x9a: {  	s4 =	simm.s32 $_size__tile_overlayer_lowered;
	s5 =	simm.s32 $_tile_overlayer_lowered  }
0x9b: {  	s22 =	simm.s32 $0x1BFF;
	s21 =	sshll.u32 s5, $0x1;
	s2 =	sadd.s32 s19, s18  }
0x9c: {  	s6 =	simm.s32 $0x0;
	s20 =	sshll.u32 s4, $0x1;
	s4 =	sadd.s32 s21, s2  }
0x9d: {  	[timem:s6], [sflag:s22] =	dma.local [hbm:s4], s20  }
0x9e: {  	_ =	swait.ge [sflag:s22], s20  }
0x9f: {  	s3 =	ssub.s32 $0x0, s20;
	[sflag:s22] =	ssyncset.done $0x0  }
0xa0: {  	[sflag:s22] =	ssyncadd.s32 s3;
	_ =	sdelay $0x1  }
0xa1: {  	s23 =	simm.s32 $0x1B8B  }
0xa2: {  	_ =	swait.ge [sflag:s23], $0x1  }
0xa3: {  	[sflag:s23] =	ssyncset.done $0x0  }
0xa4: {  	s25 =	simm.s32 $0x1B8E;
	s24 =	sld [smem:$0x3FFE];
	[sflag:s23] =	ssyncadd.s32 $0xFFFFFFFF  }
0xa5: {  	s26 =	simm.s32 $execute0_lowered;
	[smem:$0x3FD2] =	sst s25  }
0xa6: {  	s4 =	sshll.u32 s26, $0x1;
	_ =	strace $0x80000049;
	[dreg:$0x1] =	wrdreg $0xFFFFFFFF  }
0xa7: {  	s28 =	simm.s32 $_size_execute0_lowered;
	s2 =	sadd.s32 s2, s4;
	[dreg:$0x0] =	wrdreg $0x0  }
0xa8: {  	s4 =	sshll.u32 s28, $0x1;
	[dreg:$0x2] =	wrdreg s2  }
0xa9: {  	[dreg:$0x3] =	wrdreg s4  }
0xaa: {  	[dreg:$0x4] =	wrdreg $0xC0  }
0xab: {  	_ =	task [dreg:s6], $0x5FFFF  }
0xac: {  	[dreg:$0x1] =	wrdreg $0xFFFFFFFF  }
0xad: {  	[dreg:$0x0] =	wrdreg $0x60  }
0xae: {  	[dreg:$0x2] =	wrdreg s24  }
0xaf: {  	[dreg:$0x3] =	wrdreg $0xA9000  }
0xb0: {  	[dreg:$0x4] =	wrdreg $0x9  }
0xb1: {  	_ =	task.clear_ibuf [dreg:s6], $0x5FFFF;
	_ =	strace $0x90000049  }
0xb2: {  	s29 =	simm.s32 $0x9;
	_ =	strace $0x8000004B  }
0xb3: {  	_ =	swait.ge [sflag:s29], $0x1  }
0xb4: {  	[sflag:s29] =	ssyncadd.s32 $0xFFFFFFFF  }
0xb5: {  	_ =	strace $0x9000004B  }
0xb6: {  	_ =	sfence  }
0xb7: {  	s30 =	sld [smem:$0x0];
	_ =	sdelay $0x2  }
0xb8: {  	s31 =	sshll.u32 s1, $0xD;
	s1 =	sshrl.u32 s1, $0x2  }
0xb9: {  	s3 =	sand.u32 $0x4000, s31;
	s1 =	sadd.s32 s1, s30  }
0xba: {  	s0 =	sor.u32 s3, s0;
	s1 =	sshll.u32 s1, $0x11  }
0xbb: {  	s0 =	sor.u32 s1, s0  }
0xbc: {  	s0 =	sadd.s32 $0x8F2B, s0  }
0xbd: {  	[sflag:s0] =	ssyncadd.remote.s32 $0x1  }
0xbe: {  	_ =	sfence.sel $0xFFFF  }
0xbf: {  	[dreg:$0x0] =	wrdreg $0xFFFFFFFF;
	(pc) =	sbr.abs _section_cstart, $3  }
0xc0: {  	[dreg:$0x1] =	wrdreg $0xFFFFFFFF  }
0xc1: {  	_ =	task.clear_ibuf [dreg:s6], $0x2FFFF;
	_ =	strace $0x9FFFFFFF  }
0xc2: {  	(tm) =	ssettm $0x7FFFFFFF  }
0xc3: {  	_ =	shalt  }
tec
execute0_lowered:
.L_overlay_start_1:
0x0: {  	(tag) =	ssettag $0x1  }
0x1: {  	s0 =	srdreg.scid;
	s6 =	rddreg [dreg:$0x0]  }
0x2: {  	s1 =	rddreg [dreg:$0x1];
	s2 =	stileid.u32;
	s3 =	simm.s32 $0x0  }
0x3: {  	s17 =	simm.s32 $0x80;
	s18 =	simm.s32 $0x2900;
	s19 =	simm.s32 $0x2800  }
0x4: {  	s20 =	simm.s32 $0x6900;
	s21 =	simm.s32 $0x2880;
	s9 =	smul.u32 $0x4F000, s2  }
0x5: {  	s28 =	simm.s32 $0x2;
	s29 =	simm.s32 $0x0;
	s11 =	smul.u32 $0x2800, s2  }
0x6: {  	s0 =	sand.u32 $0x1, s0;
	[smem:$0x7FF] =	sst s3;
	s24 =	smul.u32 $0x4E000, s2  }
0x7: {  	s12 =	sadd.s32 $0xC800, s6;
	s10 =	sadd.s32 $0x14C800, s6;
	s26 =	smul.u32 $0x2700, s2  }
0x8: {  	s16 =	sadd.s32 $0x128400, s1;
	s31 =	smul.u32 $0x500, s2;
	p0 =	seq.s32 s2, $0xF  }
0x9: {  	p1 =	sne.s32 s2, $0x0;
	s4 =	sshll.u32 s0, $0x4;
	s14 =	smul.u32 $0x27100, s0  }
0xa: {  	_ =	strace $0x8000004A;
	s8 =	ssub.s32 $0x2, s0;
	s0 =	smul.u32 $0x138800, s0  }
0xb: {  	s4 =	sor.u32 s2, s4;
	s22 =	sshrl.u32 s8, $0x1;
	s23 =	sshrl.u32 s9, $0x2  }
0xc: {  	s25 =	sshrl.u32 s11, $0x3;
	s9 =	sshrl.u32 s24, $0x2;
	s5 =	smul.u32 $0x500, s4  }
0xd: {  	s4 =	sadd.s32 $0x11800, s6;
	s13 =	ssub.s32 s8, s22;
	s15 =	sadd.s32 s23, s1  }
0xe: {  	s24 =	sadd.s32 s9, s1;
	s30 =	sadd.s32 s26, s14;
	s0 =	sshrl.u32 s0, $0x3  }
0xf: {  	s22 =	simm.s32 $0x3;
	s23 =	simm.s32 $0x5;
	s26 =	simm.s32 $0x4  }
0x10: {  	s9 =	sadd.s32 s10, s30;
	s0 =	sadd.s32 s10, s0;
	s11 =	smax.u32 s13, $0x1  }
0x11: {  	s13 =	sshrl.u32 @p0 s16, $0x3;
	s15 =	sshrl.u32 @!p0 s15, $0x3;
	s16 =	simm.s32 $0x1  }
0x12: {  	s24 =	sshrl.u32 s24, $0x3;
	s7 =	sadd.s32 s5, s6;
	s5 =	sadd.s32 $0x14A000, s6  }
0x13: {  	s10 =	sadd.s32 $0x27000, s0;
	s0 =	sshll.u32 @!p0 s2, $0x6;
	s6 =	sadd.s32 $0x2800, s7  }
0x14: {  	s7 =	sadd.s32 s12, s25;
	s25 =	sadd.s32 $0x138000, s1;
	s12 =	sadd.s32 s31, s12  }
0x15: {  	s14 =	sor.u32 @!p0 $0x1C05, s0;
	s8 =	sadd.s32 $0x10, s7;
	s25 =	sshrl.u32 @!p1 s25, $0x3  }
.LBB2_1:
0x16: {  	[tilespmem:s3], [sflag:$0x1] =	stream.linear.gather [hbm4b:s6+s3], $0x2800, $0x38;
	[tilespmem:$0x1E1C0] =	vst v63  }
0x17: {  	s0 =	simm.s32 @p0 $0x1FC5  }
0x18: {  	[spmem:s13], [sflag:s0] =	dma.local @p0 [hbm:s5], $0x2100  }
0x19: {  	s0 =	simm.s32 @p0 $0x5  }
0x1a: {  	_ =	swait.ge @p0 [sflag:s0], $0x2100  }
0x1b: {  	[sflag:s0] =	ssyncset.done @p0 $0x0  }
0x1c: {  	[sflag:s0] =	ssyncadd.s32 @p0 $0xFFFFDF00;
	s0 =	simm.s32 @!p0 $0x5  }
0x1d: {  	[spmem:s15], [sflag:s14] =	dma.local @!p0 [hbm:s5], $0x2780  }
0x1e: {  	_ =	swait.ge @!p0 [sflag:s0], $0x2780  }
0x1f: {  	[sflag:s0] =	ssyncset.done @!p0 $0x0  }
0x20: {  	[sflag:s0] =	ssyncadd.s32 @!p0 $0xFFFFD880  }
0x21: {  	_ =	swait.ge [sflag:s16], $0x2800  }
0x22: {  	[sflag:s16] =	ssyncset.done $0x0  }
0x23: {  	[sflag:s16] =	ssyncadd.s32 $0xFFFFD800  }
0x24: {  	[bflag:$0x0] =	sbarrier.arrive $0xFFFF  }
0x25: {  	[tilespmem:s18], [sflag:$0x1] =	stream.indirect.gather [hbm4b:s4+s17], $0x80, s3, s17, $0xb8;
	[tilespmem:$0x1E1C0] =	vst v63  }
0x26: {  	_ = 	snop  }
0x27: {  	[tilespmem:s19], [sflag:$0x3] =	stream.linear.gather [hbm4b:s7+s3], $0x80, $0x38;
	[tilespmem:$0x1E1C0] =	vst v63  }
0x28: {  	_ = 	snop  }
0x29: {  	[tilespmem:s20], [sflag:$0x2] =	stream.indirect.gather [hbm4b:s4+s17], $0x80, s17, s17, $0xb8;
	[tilespmem:$0x1E1C0] =	vst v63  }
0x2a: {  	_ = 	snop  }
0x2b: {  	[tilespmem:s21], [sflag:$0x4] =	stream.linear.gather [hbm4b:s8+s3], $0x80, $0x38;
	[tilespmem:$0x1E1C0] =	vst v63  }
0x2c: {  	_ =	swait.ge [sflag:s22], $0x80  }
0x2d: {  	[sflag:s22] =	ssyncset.done $0x0  }
0x2e: {  	[sflag:s22] =	ssyncadd.s32 $0xFFFFFF80  }
0x2f: {  	_ =	swait.ge [sflag:s16], $0x4000  }
0x30: {  	[sflag:s16] =	ssyncset.done $0x0  }
0x31: {  	[sflag:s16] =	ssyncadd.s32 $0xFFFFC000  }
0x32: {  	[spmem:s1] =	stream.indirect.scatter.add.f32 [tilespmem:s18], [sflag:$0x5], $0x80, s19, s17, $0xb8;
	[tilespmem:$0x1E1C0] =	vst v63  }
0x33: {  	_ =	swait.ge [sflag:s23], $0x4000  }
0x34: {  	[sflag:s23] =	ssyncset.done $0x0  }
0x35: {  	s2 =	simm.s32 $0x100;
	s31 =	sadd.s32 $0xFFFFFB20, s12;
	[sflag:s23] =	ssyncadd.s32 $0xFFFFC000  }
0x36: {  	[tilespmem:s18], [sflag:$0x1] =	stream.indirect.gather [hbm4b:s4+s17], $0x80, s2, s17, $0xb8;
	[tilespmem:$0x1E1C0] =	vst v63  }
0x37: {  	s2 =	sadd.s32 $0x500, s31  }
0x38: {  	[tilespmem:s19], [sflag:$0x3] =	stream.linear.gather [hbm4b:s2+s3], $0x80, $0x38;
	[tilespmem:$0x1E1C0] =	vst v63  }
0x39: {  	_ =	swait.ge [sflag:s26], $0x80  }
0x3a: {  	[sflag:s26] =	ssyncset.done $0x0  }
0x3b: {  	[sflag:s26] =	ssyncadd.s32 $0xFFFFFF80  }
0x3c: {  	_ =	swait.ge [sflag:s28], $0x4000  }
0x3d: {  	[sflag:s28] =	ssyncset.done $0x0  }
0x3e: {  	[sflag:s28] =	ssyncadd.s32 $0xFFFFC000  }
0x3f: {  	[spmem:s1] =	stream.indirect.scatter.add.f32 [tilespmem:s20], [sflag:$0x5], $0x80, s21, s17, $0xb8;
	[tilespmem:$0x1E1C0] =	vst v63  }
0x40: {  	_ =	swait.ge [sflag:s23], $0x4000  }
0x41: {  	s30 =	simm.s32 $0xFFFFFB40;
	s0 =	sadd.s32 $0x510, s31;
	[sflag:s23] =	ssyncset.done $0x0  }
0x42: {  	s31 =	simm.s32 $0x200;
	s2 =	simm.s32 $0x180;
	[sflag:s23] =	ssyncadd.s32 $0xFFFFC000  }
0x43: {  	[tilespmem:s20], [sflag:$0x2] =	stream.indirect.gather [hbm4b:s4+s17], $0x80, s2, s17, $0xb8;
	[tilespmem:$0x1E1C0] =	vst v63  }
.LBB2_2:
0x44: {  	[tilespmem:s21], [sflag:$0x4] =	stream.linear.gather [hbm4b:s0+s3], $0x80, $0x38;
	[tilespmem:$0x1E1C0] =	vst v63  }
0x45: {  	s0 =	smov.u32 s30  }
0x46: {  	p2 =	sne.s32 s30, $0xFFFFFFE0;
	s30 =	sadd.s32 $0x20, s30;
	_ =	swait.ge [sflag:s22], $0x80  }
0x47: {  	[sflag:s22] =	ssyncset.done $0x0  }
0x48: {  	[sflag:s22] =	ssyncadd.s32 $0xFFFFFF80  }
0x49: {  	_ =	swait.ge [sflag:s16], $0x4000  }
0x4a: {  	[sflag:s16] =	ssyncset.done $0x0  }
0x4b: {  	[sflag:s16] =	ssyncadd.s32 $0xFFFFC000  }
0x4c: {  	[spmem:s1] =	stream.indirect.scatter.add.f32 [tilespmem:s18], [sflag:$0x5], $0x80, s19, s17, $0xb8;
	[tilespmem:$0x1E1C0] =	vst v63  }
0x4d: {  	_ =	swait.ge [sflag:s23], $0x4000  }
0x4e: {  	[sflag:s23] =	ssyncset.done $0x0  }
0x4f: {  	s0 =	sadd.s32 s0, s12;
	[sflag:s23] =	ssyncadd.s32 $0xFFFFC000  }
0x50: {  	[tilespmem:s18], [sflag:$0x1] =	stream.indirect.gather [hbm4b:s4+s17], $0x80, s31, s17, $0xb8;
	[tilespmem:$0x1E1C0] =	vst v63  }
0x51: {  	s2 =	sadd.s32 $0x500, s0  }
0x52: {  	[tilespmem:s19], [sflag:$0x3] =	stream.linear.gather [hbm4b:s2+s3], $0x80, $0x38;
	[tilespmem:$0x1E1C0] =	vst v63  }
0x53: {  	_ =	swait.ge [sflag:s26], $0x80  }
0x54: {  	[sflag:s26] =	ssyncset.done $0x0  }
0x55: {  	[sflag:s26] =	ssyncadd.s32 $0xFFFFFF80  }
0x56: {  	_ =	swait.ge [sflag:s28], $0x4000  }
0x57: {  	[sflag:s28] =	ssyncset.done $0x0  }
0x58: {  	[sflag:s28] =	ssyncadd.s32 $0xFFFFC000  }
0x59: {  	[spmem:s1] =	stream.indirect.scatter.add.f32 [tilespmem:s20], [sflag:$0x5], $0x80, s21, s17, $0xb8;
	[tilespmem:$0x1E1C0] =	vst v63  }
.Ltmp0:
0x5a: {  	_ =	swait.ge [sflag:s23], $0x4000;
	(pc) =	sbr.rel @p2 .LBB2_2-.Ltmp0, $4  }
0x5b: {  	[sflag:s23] =	ssyncset.done $0x0  }
0x5c: {  	s2 =	sadd.s32 $0x80, s31;
	[sflag:s23] =	ssyncadd.s32 $0xFFFFC000  }
0x5d: {  	[tilespmem:s20], [sflag:$0x2] =	stream.indirect.gather [hbm4b:s4+s17], $0x80, s2, s17, $0xb8;
	[tilespmem:$0x1E1C0] =	vst v63  }
0x5e: {  	s0 =	sadd.s32 $0x510, s0;
	s31 =	sadd.s32 $0x100, s31  }
0x5f: {  	[tilespmem:s21], [sflag:$0x4] =	stream.linear.gather [hbm4b:s0+s3], $0x80, $0x38;
	[tilespmem:$0x1E1C0] =	vst v63  }
0x60: {  	_ =	swait.ge [sflag:s22], $0x80  }
0x61: {  	[sflag:s22] =	ssyncset.done $0x0  }
0x62: {  	[sflag:s22] =	ssyncadd.s32 $0xFFFFFF80  }
0x63: {  	_ =	swait.ge [sflag:s16], $0x4000  }
0x64: {  	[sflag:s16] =	ssyncset.done $0x0  }
0x65: {  	[sflag:s16] =	ssyncadd.s32 $0xFFFFC000  }
0x66: {  	[spmem:s1] =	stream.indirect.scatter.add.f32 [tilespmem:s18], [sflag:$0x5], $0x80, s19, s17, $0xb8;
	[tilespmem:$0x1E1C0] =	vst v63  }
0x67: {  	_ =	swait.ge [sflag:s23], $0x4000  }
0x68: {  	[sflag:s23] =	ssyncset.done $0x0  }
0x69: {  	[sflag:s23] =	ssyncadd.s32 $0xFFFFC000  }
0x6a: {  	_ =	swait.ge [sflag:s26], $0x80  }
0x6b: {  	[sflag:s26] =	ssyncset.done $0x0  }
0x6c: {  	[sflag:s26] =	ssyncadd.s32 $0xFFFFFF80  }
0x6d: {  	_ =	swait.ge [sflag:s28], $0x4000  }
0x6e: {  	[sflag:s28] =	ssyncset.done $0x0  }
0x6f: {  	[sflag:s28] =	ssyncadd.s32 $0xFFFFC000  }
0x70: {  	[spmem:s1] =	stream.indirect.scatter.add.f32 [tilespmem:s20], [sflag:$0x5], $0x80, s21, s17, $0xb8;
	[tilespmem:$0x1E1C0] =	vst v63  }
0x71: {  	_ =	swait.ge [sflag:s23], $0x4000  }
0x72: {  	s31 =	stileid.u32;
	[sflag:s23] =	ssyncset.done $0x0  }
0x73: {  	s0 =	sshll.u32 s31, $0x6;
	[sflag:s23] =	ssyncadd.s32 $0xFFFFC000  }
0x74: {  	s0 =	sor.u32 $0x1C05, s0;
	[bflag:$0x0] =	sbarrier.arrive $0xFFFF  }
0x75: {  	[hbm:s9], [sflag:s0] =	dma.local [spmem:s24], $0x2700  }
0x76: {  	_ =	swait.ge [sflag:s23], $0x2700  }
0x77: {  	s29 =	sadd.s32 $0x1, s29;
	[sflag:s23] =	ssyncset.done $0x0  }
0x78: {  	p2 =	sne.s32 s29, s11;
	[sflag:s23] =	ssyncadd.s32 $0xFFFFD900  }
0x79: {  	[hbm:s10], [sflag:s0] =	dma.local @!p1 [spmem:s25], $0x100  }
.Ltmp1:
0x7a: {  	_ = 	snop;
	(pc) =	sbr.rel @p2 .LBB2_1-.Ltmp1, $4  }
0x7b: {  	s0 =	simm.s32 @!p1 $0x5  }
0x7c: {  	_ =	swait.ge @!p1 [sflag:s0], $0x100  }
0x7d: {  	[sflag:s0] =	ssyncset.done @!p1 $0x0  }
0x7e: {  	[sflag:s0] =	ssyncadd.s32 @!p1 $0xFFFFFF00  }
0x7f: {  	_ =	sfence.sel $0x180000  }
0x80: {  	[bflag:$0x0] =	sbarrier.arrive $0xFFFF  }
0x81: {  	_ =	strace $0x9000004A  }
0x82: {  	[bflag:$0x2] =	sbarrier.arrive $0xFFFF  }
0x83: {  	s0 =	rddreg [dreg:$0x2]  }
0x84: {  	s0 =	sadd.s32 @!p1 $0x100000, s0  }
0x85: {  	[sflag:s0] =	ssyncadd.tile.s32 @!p1 $0x1;
	_ =	shalt  }
.Lfunc_end2:
_tile_overlayer_lowered:
.L_overlay_start_2:
0x86: {  	(tag) =	ssettag $0x2  }
0x87: {  	s0 =	rddreg [dreg:$0x0];
	s2 =	stileid.u32  }
0x88: {  	s1 =	rddreg [dreg:$0x1];
	p0 =	sne.s32 s2, $0x0  }
0x89: {  	s3 =	rddreg [dreg:$0x2];
	[bflag:$0x3] =	sbarrier.arrive $0xFFFF;
	s2 =	simm.s32 @!p0 $0x1C05  }
0x8a: {  	[timem:s3], [sflag:s2] =	dma.local @!p0 [hbm:s0], s1  }
0x8b: {  	s0 =	simm.s32 @!p0 $0x5  }
0x8c: {  	_ =	swait.ge @!p0 [sflag:s0], s1  }
0x8d: {  	s1 =	ssub.s32 @!p0 $0x0, s1;
	[sflag:s0] =	ssyncset.done @!p0 $0x0  }
0x8e: {  	[sflag:s0] =	ssyncadd.s32 @!p0 s1  }
0x8f: {  	[bflag:$0x3] =	sbarrier.arrive $0xFFFF  }
0x90: {  	_ =	shalt  }

// kernel: kernel.28.cloned.1.call-start
scs
__scs_entry_jumppad:
0x0: {  	(pc) =	sbr.rel $0x88, $3  }
0x1: {  	(tag) =	ssettag $0x0;
	lr =	simm.s32 $0x1  }
0x2: {  	[smem:$0x3F98] =	sst lr;
	_ =	strace $0xD0000000  }
0x3: {  	_ = 	snop  }
0x4: {  	_ = 	snop  }
0x5: {  	_ = 	snop  }
0x6: {  	_ = 	snop  }
0x7: {  	_ = 	snop  }
__scs_overlays_trampoline_lowered:
0x8: {  	[smem:$0x3FA7] =	sst s0  }
0x9: {  	[smem:$0x3FA8] =	sst s1  }
0xa: {  	[smem:$0x3FA9] =	sst s2  }
0xb: {  	[smem:$0x3FAA] =	sst s3  }
0xc: {  	[smem:$0x3FAB] =	sst s4  }
0xd: {  	[smem:$0x3FAC] =	sst s5  }
0xe: {  	[smem:$0x3FAD] =	sst s6  }
0xf: {  	[smem:$0x3FAE] =	sst s7  }
0x10: {  	[smem:$0x3FAF] =	sst s8  }
0x11: {  	[smem:$0x3FB0] =	sst s9;
	s0 =	simm.s32 @!p0 $0x0  }
0x12: {  	s1 =	sld [smem:$0x3F96];
	s0 =	simm.s32 @p0 $0x1  }
0x13: {  	[smem:$0x3FB1] =	sst s0;
	s0 =	simm.s32 @!p1 $0x0  }
0x14: {  	s2 =	sld [smem:$0x3F95];
	s0 =	simm.s32 @p1 $0x1  }
0x15: {  	[smem:$0x3FB2] =	sst s0;
	s0 =	simm.s32 @!p2 $0x0  }
0x16: {  	s3 =	sld [smem:$0x3FDB];
	s0 =	simm.s32 @p2 $0x1  }
0x17: {  	s4 =	simm.s32 $0x1BF5;
	[smem:$0x3FB4] =	sst s0  }
0x18: {  	s0 =	sld [smem:$0x3F97];
	_ =	swait.ge [sflag:s4], $0x0  }
0x19: {  	s7 =	sld [smem:$0x3F98]  }
0x1a: {  	s8 =	sadd.s32 $0xFFFFE003, lr  }
0x1b: {  	s9 =	sadd.s32 $0xFFFFFEF7, lr;
	s5 =	simm.s32 $0xFFFFFFFF;
	p2 =	slt.u32 s8, $0xFFFFF086  }
0x1c: {  	p1 =	slt.u32 s9, $0xF7A;
	s5 =	simm.s32 @!p2 $0x0  }
0x1d: {  	s5 =	simm.s32 @p1 $0x1;
	p0 =	seq.s32 s7, s2  }
0x1e: {  	s7 =	smul.u32 @!p0 $0xF7A, s2;
	p2 =	seq.s32 @!p0 s5, $0x0  }
0x1f: {  	s9 =	smul.u32 $0xF7A, s1;
	s8 =	simm.s32 @!p0 $0x1BF5;
	p2 =	por !p2, p0  }
0x20: {  	[sflag:s8] =	ssyncset.s32 @!p0 $0xFFFFF086;
	s6 =	sadd.s32 @!p0 s3, s7;
	s7 =	simm.s32 @!p0 $0x108  }
0x21: {  	s3 =	sadd.s32 s3, s9;
	s6 =	sadd.s32 @!p0 $0x88, s6;
	s7 =	simm.s32 @p2 $0x1082  }
0x22: {  	[simem:s7], [sflag:s8] =	dma.local @!p0 [hbm:s6], $0xF7A  }
0x23: {  	s9 =	sor.u32 $0xD0000000, s2;
	s6 =	simm.s32 $0x108;
	_ =	swait.ge @!p0 [sflag:s8], $0x0  }
0x24: {  	s3 =	sadd.s32 $0x88, s3;
	s6 =	simm.s32 @!p1 $0x1082;
	[sflag:s4] =	ssyncset.s32 $0xFFFFF086  }
0x25: {  	[simem:s6], [sflag:s4] =	dma.local [hbm:s3], $0xF7A  }
0x26: {  	[smem:$0x3F98] =	sst s1;
	(tag) =	ssettag s2;
	_ =	strace s9  }
0x27: {  	s1 =	sld [smem:$0x3FA8]  }
0x28: {  	s2 =	sld [smem:$0x3FA9]  }
0x29: {  	s4 =	sld [smem:$0x3FAB]  }
0x2a: {  	p0 =	seq.s32 s5, $0x0;
	s5 =	sld [smem:$0x3FAC]  }
0x2b: {  	s6 =	sld [smem:$0x3FAD]  }
0x2c: {  	s7 =	sld [smem:$0x3FAE]  }
0x2d: {  	s3 =	simm.s32 $0x108;
	s8 =	sld [smem:$0x3FAF]  }
0x2e: {  	s3 =	simm.s32 @!p0 $0x1082;
	s9 =	sld [smem:$0x3FB0]  }
0x2f: {  	lr =	sadd.s32 s0, s3;
	s0 =	sld [smem:$0x3FA7]  }
0x30: {  	s3 =	sld [smem:$0x3FAA]  }
0x31: {  	[smem:$0x3FB3] =	sst s10  }
0x32: {  	s10 =	sld [smem:$0x3FB1];
	_ =	sdelay $0x3  }
0x33: {  	p0 =	seq.s32 s10, $0x1;
	s10 =	sld [smem:$0x3FB3];
	_ =	sdelay $0x3  }
0x34: {  	[smem:$0x3FB3] =	sst s10  }
0x35: {  	s10 =	sld [smem:$0x3FB2];
	_ =	sdelay $0x3  }
0x36: {  	p1 =	seq.s32 s10, $0x1;
	s10 =	sld [smem:$0x3FB3];
	_ =	sdelay $0x3  }
0x37: {  	[smem:$0x3FB3] =	sst s10  }
0x38: {  	s10 =	sld [smem:$0x3FB4]  }
0x39: {  	_ = 	snop;
	(pc) =	sbr.ind lr, $3  }
0x3a: {  	_ = 	snop  }
0x3b: {  	_ = 	snop  }
0x3c: {  	p2 =	seq.s32 s10, $0x1;
	s10 =	sld [smem:$0x3FB3]  }
0x3d: {  	_ =	shalt  }
0x3e: {  	_ =	shalt  }
0x3f: {  	_ =	shalt  }
0x40: {  	_ =	shalt  }
0x41: {  	_ =	shalt  }
0x42: {  	_ =	shalt  }
0x43: {  	_ =	shalt  }
0x44: {  	_ =	shalt  }
0x45: {  	_ =	shalt  }
0x46: {  	_ =	shalt  }
0x47: {  	_ =	shalt  }
0x48: {  	_ =	shalt  }
0x49: {  	_ =	shalt  }
0x4a: {  	_ =	shalt  }
0x4b: {  	_ =	shalt  }
0x4c: {  	_ =	shalt  }
0x4d: {  	_ =	shalt  }
0x4e: {  	_ =	shalt  }
0x4f: {  	_ =	shalt  }
0x50: {  	_ =	shalt  }
0x51: {  	_ =	shalt  }
0x52: {  	_ =	shalt  }
0x53: {  	_ =	shalt  }
0x54: {  	_ =	shalt  }
0x55: {  	_ =	shalt  }
0x56: {  	_ =	shalt  }
0x57: {  	_ =	shalt  }
0x58: {  	_ =	shalt  }
0x59: {  	_ =	shalt  }
0x5a: {  	_ =	shalt  }
0x5b: {  	_ =	shalt  }
0x5c: {  	_ =	shalt  }
0x5d: {  	_ =	shalt  }
0x5e: {  	_ =	shalt  }
0x5f: {  	_ =	shalt  }
0x60: {  	_ =	shalt  }
0x61: {  	_ =	shalt  }
0x62: {  	_ =	shalt  }
0x63: {  	_ =	shalt  }
0x64: {  	_ =	shalt  }
0x65: {  	_ =	shalt  }
0x66: {  	_ =	shalt  }
0x67: {  	_ =	shalt  }
0x68: {  	_ =	shalt  }
0x69: {  	_ =	shalt  }
0x6a: {  	_ =	shalt  }
0x6b: {  	_ =	shalt  }
0x6c: {  	_ =	shalt  }
0x6d: {  	_ =	shalt  }
0x6e: {  	_ =	shalt  }
0x6f: {  	_ =	shalt  }
0x70: {  	_ =	shalt  }
0x71: {  	_ =	shalt  }
0x72: {  	_ =	shalt  }
0x73: {  	_ =	shalt  }
0x74: {  	_ =	shalt  }
0x75: {  	_ =	shalt  }
0x76: {  	_ =	shalt  }
0x77: {  	_ =	shalt  }
0x78: {  	_ =	shalt  }
0x79: {  	_ =	shalt  }
0x7a: {  	_ =	shalt  }
0x7b: {  	_ =	shalt  }
0x7c: {  	_ =	shalt  }
0x7d: {  	_ =	shalt  }
0x7e: {  	_ =	shalt  }
0x7f: {  	_ =	shalt  }
0x80: {  	_ =	shalt  }
0x81: {  	_ =	shalt  }
0x82: {  	_ =	shalt  }
0x83: {  	_ =	shalt  }
0x84: {  	_ =	shalt  }
0x85: {  	_ =	shalt  }
0x86: {  	_ =	shalt  }
0x87: {  	_ =	shalt  }
.Lfunc_end0:
.L_simem_size_0:
called_computation.2_lowered:
.L_overlay_start_0:
0x88: {  	s2 =	sld [smem:$0x3FD9]  }
0x89: {  	s3 =	sld [smem:$0x3FFE];
	_ =	sdelay $0x1  }
0x8a: {  	s1 =	srdreg.scid  }
0x8b: {  	s0 =	sand.u32 $0x1, s1  }
0x8c: {  	s16 =	sshll.u32 s0, $0xA;
	s2 =	sadd.s32 s3, s2  }
0x8d: {  	s2 =	sadd.s32 s2, s16  }
0x8e: {  	[smem:$0x3FBF] =	sst s2  }
0x8f: {  	_ = 	snop  }
0x90: {  	(tm) =	ssettm $0x1  }
0x91: {  	s17 =	sld [smem:$0x3FFB];
	_ =	sdelay $0x3  }
0x92: {  	_ =	strace s17  }
0x93: {  	s2 =	sld [smem:$0x3FFC];
	_ =	sdelay $0x3  }
0x94: {  	_ =	strace s2  }
0x95: {  	s2 =	sld [smem:$0x3FFD];
	_ =	sdelay $0x3  }
0x96: {  	_ =	strace s2  }
0x97: {  	_ =	strace $0x8FFFFFFF  }
0x98: {  	s18 =	sld [smem:$0x3FDB];
	_ =	sdelay $0x1  }
0x99: {  	s19 =	simm.s32 $_scs_section_size  }
0x9a: {  	s4 =	simm.s32 $_size__tile_overlayer_lowered;
	s5 =	simm.s32 $_tile_overlayer_lowered  }
0x9b: {  	s22 =	simm.s32 $0x1BFF;
	s21 =	sshll.u32 s5, $0x1;
	s2 =	sadd.s32 s19, s18  }
0x9c: {  	s6 =	simm.s32 $0x0;
	s20 =	sshll.u32 s4, $0x1;
	s4 =	sadd.s32 s21, s2  }
0x9d: {  	[timem:s6], [sflag:s22] =	dma.local [hbm:s4], s20  }
0x9e: {  	_ =	swait.ge [sflag:s22], s20  }
0x9f: {  	s3 =	ssub.s32 $0x0, s20;
	[sflag:s22] =	ssyncset.done $0x0  }
0xa0: {  	[sflag:s22] =	ssyncadd.s32 s3;
	_ =	sdelay $0x1  }
0xa1: {  	s23 =	simm.s32 $0x1B8B  }
0xa2: {  	_ =	swait.ge [sflag:s23], $0x1  }
0xa3: {  	[sflag:s23] =	ssyncset.done $0x0  }
0xa4: {  	s25 =	simm.s32 $0x1B8E;
	s24 =	sld [smem:$0x3FFE];
	[sflag:s23] =	ssyncadd.s32 $0xFFFFFFFF  }
0xa5: {  	s26 =	simm.s32 $execute0_lowered;
	[smem:$0x3FD2] =	sst s25  }
0xa6: {  	s4 =	sshll.u32 s26, $0x1;
	_ =	strace $0x8000004C;
	[dreg:$0x1] =	wrdreg $0xFFFFFFFF  }
0xa7: {  	s28 =	simm.s32 $_size_execute0_lowered;
	s2 =	sadd.s32 s2, s4;
	[dreg:$0x0] =	wrdreg $0x0  }
0xa8: {  	s4 =	sshll.u32 s28, $0x1;
	[dreg:$0x2] =	wrdreg s2  }
0xa9: {  	[dreg:$0x3] =	wrdreg s4  }
0xaa: {  	[dreg:$0x4] =	wrdreg $0xC0  }
0xab: {  	_ =	task [dreg:s6], $0x5FFFF  }
0xac: {  	[dreg:$0x1] =	wrdreg $0xFFFFFFFF  }
0xad: {  	[dreg:$0x0] =	wrdreg $0x60  }
0xae: {  	[dreg:$0x2] =	wrdreg s24  }
0xaf: {  	[dreg:$0x3] =	wrdreg $0xA9000  }
0xb0: {  	[dreg:$0x4] =	wrdreg $0x9  }
0xb1: {  	_ =	task.clear_ibuf [dreg:s6], $0x5FFFF;
	_ =	strace $0x9000004C  }
0xb2: {  	s29 =	simm.s32 $0x9;
	_ =	strace $0x8000004E  }
0xb3: {  	_ =	swait.ge [sflag:s29], $0x1  }
0xb4: {  	[sflag:s29] =	ssyncadd.s32 $0xFFFFFFFF  }
0xb5: {  	_ =	strace $0x9000004E  }
0xb6: {  	_ =	sfence  }
0xb7: {  	s30 =	sld [smem:$0x0];
	_ =	sdelay $0x2  }
0xb8: {  	s31 =	sshll.u32 s1, $0xD;
	s1 =	sshrl.u32 s1, $0x2  }
0xb9: {  	s3 =	sand.u32 $0x4000, s31;
	s1 =	sadd.s32 s1, s30  }
0xba: {  	s0 =	sor.u32 s3, s0;
	s1 =	sshll.u32 s1, $0x11  }
0xbb: {  	s0 =	sor.u32 s1, s0  }
0xbc: {  	s0 =	sadd.s32 $0x8F2B, s0  }
0xbd: {  	[sflag:s0] =	ssyncadd.remote.s32 $0x1  }
0xbe: {  	_ =	sfence.sel $0xFFFF  }
0xbf: {  	[dreg:$0x0] =	wrdreg $0xFFFFFFFF;
	(pc) =	sbr.abs _section_cstart, $3  }
0xc0: {  	[dreg:$0x1] =	wrdreg $0xFFFFFFFF  }
0xc1: {  	_ =	task.clear_ibuf [dreg:s6], $0x2FFFF;
	_ =	strace $0x9FFFFFFF  }
0xc2: {  	(tm) =	ssettm $0x7FFFFFFF  }
0xc3: {  	_ =	shalt  }
tec
execute0_lowered:
.L_overlay_start_1:
0x0: {  	(tag) =	ssettag $0x1  }
0x1: {  	s0 =	srdreg.scid;
	s6 =	rddreg [dreg:$0x0]  }
0x2: {  	s1 =	rddreg [dreg:$0x1];
	s2 =	stileid.u32;
	s3 =	simm.s32 $0x0  }
0x3: {  	s17 =	simm.s32 $0x80;
	s18 =	simm.s32 $0x2900;
	s19 =	simm.s32 $0x2800  }
0x4: {  	s20 =	simm.s32 $0x6900;
	s21 =	simm.s32 $0x2880;
	s9 =	smul.u32 $0x4F000, s2  }
0x5: {  	s28 =	simm.s32 $0x2;
	s29 =	simm.s32 $0x0;
	s11 =	smul.u32 $0x2800, s2  }
0x6: {  	s0 =	sand.u32 $0x1, s0;
	[smem:$0x7FF] =	sst s3;
	s24 =	smul.u32 $0x4E000, s2  }
0x7: {  	s12 =	sadd.s32 $0xC800, s6;
	s10 =	sadd.s32 $0x14C800, s6;
	s26 =	smul.u32 $0x2700, s2  }
0x8: {  	s16 =	sadd.s32 $0x128400, s1;
	s31 =	smul.u32 $0x500, s2;
	p0 =	seq.s32 s2, $0xF  }
0x9: {  	p1 =	sne.s32 s2, $0x0;
	s4 =	sshll.u32 s0, $0x4;
	s14 =	smul.u32 $0x27100, s0  }
0xa: {  	_ =	strace $0x8000004D;
	s8 =	ssub.s32 $0x2, s0;
	s0 =	smul.u32 $0x138800, s0  }
0xb: {  	s4 =	sor.u32 s2, s4;
	s22 =	sshrl.u32 s8, $0x1;
	s23 =	sshrl.u32 s9, $0x2  }
0xc: {  	s25 =	sshrl.u32 s11, $0x3;
	s9 =	sshrl.u32 s24, $0x2;
	s5 =	smul.u32 $0x500, s4  }
0xd: {  	s4 =	sadd.s32 $0x11800, s6;
	s13 =	ssub.s32 s8, s22;
	s15 =	sadd.s32 s23, s1  }
0xe: {  	s24 =	sadd.s32 s9, s1;
	s30 =	sadd.s32 s26, s14;
	s0 =	sshrl.u32 s0, $0x3  }
0xf: {  	s22 =	simm.s32 $0x3;
	s23 =	simm.s32 $0x5;
	s26 =	simm.s32 $0x4  }
0x10: {  	s9 =	sadd.s32 s10, s30;
	s0 =	sadd.s32 s10, s0;
	s11 =	smax.u32 s13, $0x1  }
0x11: {  	s13 =	sshrl.u32 @p0 s16, $0x3;
	s15 =	sshrl.u32 @!p0 s15, $0x3;
	s16 =	simm.s32 $0x1  }
0x12: {  	s24 =	sshrl.u32 s24, $0x3;
	s7 =	sadd.s32 s5, s6;
	s5 =	sadd.s32 $0x14A000, s6  }
0x13: {  	s10 =	sadd.s32 $0x27000, s0;
	s0 =	sshll.u32 @!p0 s2, $0x6;
	s6 =	sadd.s32 $0x2800, s7  }
0x14: {  	s7 =	sadd.s32 s12, s25;
	s25 =	sadd.s32 $0x138000, s1;
	s12 =	sadd.s32 s31, s12  }
0x15: {  	s14 =	sor.u32 @!p0 $0x1C05, s0;
	s8 =	sadd.s32 $0x10, s7;
	s25 =	sshrl.u32 @!p1 s25, $0x3  }
.LBB2_1:
0x16: {  	[tilespmem:s3], [sflag:$0x1] =	stream.linear.gather [hbm4b:s6+s3], $0x2800, $0x38;
	[tilespmem:$0x1E1C0] =	vst v63  }
0x17: {  	s0 =	simm.s32 @p0 $0x1FC5  }
0x18: {  	[spmem:s13], [sflag:s0] =	dma.local @p0 [hbm:s5], $0x2100  }
0x19: {  	s0 =	simm.s32 @p0 $0x5  }
0x1a: {  	_ =	swait.ge @p0 [sflag:s0], $0x2100  }
0x1b: {  	[sflag:s0] =	ssyncset.done @p0 $0x0  }
0x1c: {  	[sflag:s0] =	ssyncadd.s32 @p0 $0xFFFFDF00;
	s0 =	simm.s32 @!p0 $0x5  }
0x1d: {  	[spmem:s15], [sflag:s14] =	dma.local @!p0 [hbm:s5], $0x2780  }
0x1e: {  	_ =	swait.ge @!p0 [sflag:s0], $0x2780  }
0x1f: {  	[sflag:s0] =	ssyncset.done @!p0 $0x0  }
0x20: {  	[sflag:s0] =	ssyncadd.s32 @!p0 $0xFFFFD880  }
0x21: {  	_ =	swait.ge [sflag:s16], $0x2800  }
0x22: {  	[sflag:s16] =	ssyncset.done $0x0  }
0x23: {  	[sflag:s16] =	ssyncadd.s32 $0xFFFFD800  }
0x24: {  	[bflag:$0x0] =	sbarrier.arrive $0xFFFF  }
0x25: {  	[tilespmem:s18], [sflag:$0x1] =	stream.indirect.gather [hbm4b:s4+s17], $0x80, s3, s17, $0xb8;
	[tilespmem:$0x1E1C0] =	vst v63  }
0x26: {  	_ = 	snop  }
0x27: {  	[tilespmem:s19], [sflag:$0x3] =	stream.linear.gather [hbm4b:s7+s3], $0x80, $0x38;
	[tilespmem:$0x1E1C0] =	vst v63  }
0x28: {  	_ = 	snop  }
0x29: {  	[tilespmem:s20], [sflag:$0x2] =	stream.indirect.gather [hbm4b:s4+s17], $0x80, s17, s17, $0xb8;
	[tilespmem:$0x1E1C0] =	vst v63  }
0x2a: {  	_ = 	snop  }
0x2b: {  	[tilespmem:s21], [sflag:$0x4] =	stream.linear.gather [hbm4b:s8+s3], $0x80, $0x38;
	[tilespmem:$0x1E1C0] =	vst v63  }
0x2c: {  	_ =	swait.ge [sflag:s22], $0x80  }
0x2d: {  	[sflag:s22] =	ssyncset.done $0x0  }
0x2e: {  	[sflag:s22] =	ssyncadd.s32 $0xFFFFFF80  }
0x2f: {  	_ =	swait.ge [sflag:s16], $0x4000  }
0x30: {  	[sflag:s16] =	ssyncset.done $0x0  }
0x31: {  	[sflag:s16] =	ssyncadd.s32 $0xFFFFC000  }
0x32: {  	[spmem:s1] =	stream.indirect.scatter.add.f32 [tilespmem:s18], [sflag:$0x5], $0x80, s19, s17, $0xb8;
	[tilespmem:$0x1E1C0] =	vst v63  }
0x33: {  	_ =	swait.ge [sflag:s23], $0x4000  }
0x34: {  	[sflag:s23] =	ssyncset.done $0x0  }
0x35: {  	s2 =	simm.s32 $0x100;
	s31 =	sadd.s32 $0xFFFFFB20, s12;
	[sflag:s23] =	ssyncadd.s32 $0xFFFFC000  }
0x36: {  	[tilespmem:s18], [sflag:$0x1] =	stream.indirect.gather [hbm4b:s4+s17], $0x80, s2, s17, $0xb8;
	[tilespmem:$0x1E1C0] =	vst v63  }
0x37: {  	s2 =	sadd.s32 $0x500, s31  }
0x38: {  	[tilespmem:s19], [sflag:$0x3] =	stream.linear.gather [hbm4b:s2+s3], $0x80, $0x38;
	[tilespmem:$0x1E1C0] =	vst v63  }
0x39: {  	_ =	swait.ge [sflag:s26], $0x80  }
0x3a: {  	[sflag:s26] =	ssyncset.done $0x0  }
0x3b: {  	[sflag:s26] =	ssyncadd.s32 $0xFFFFFF80  }
0x3c: {  	_ =	swait.ge [sflag:s28], $0x4000  }
0x3d: {  	[sflag:s28] =	ssyncset.done $0x0  }
0x3e: {  	[sflag:s28] =	ssyncadd.s32 $0xFFFFC000  }
0x3f: {  	[spmem:s1] =	stream.indirect.scatter.add.f32 [tilespmem:s20], [sflag:$0x5], $0x80, s21, s17, $0xb8;
	[tilespmem:$0x1E1C0] =	vst v63  }
0x40: {  	_ =	swait.ge [sflag:s23], $0x4000  }
0x41: {  	s30 =	simm.s32 $0xFFFFFB40;
	s0 =	sadd.s32 $0x510, s31;
	[sflag:s23] =	ssyncset.done $0x0  }
0x42: {  	s31 =	simm.s32 $0x200;
	s2 =	simm.s32 $0x180;
	[sflag:s23] =	ssyncadd.s32 $0xFFFFC000  }
0x43: {  	[tilespmem:s20], [sflag:$0x2] =	stream.indirect.gather [hbm4b:s4+s17], $0x80, s2, s17, $0xb8;
	[tilespmem:$0x1E1C0] =	vst v63  }
.LBB2_2:
0x44: {  	[tilespmem:s21], [sflag:$0x4] =	stream.linear.gather [hbm4b:s0+s3], $0x80, $0x38;
	[tilespmem:$0x1E1C0] =	vst v63  }
0x45: {  	s0 =	smov.u32 s30  }
0x46: {  	p2 =	sne.s32 s30, $0xFFFFFFE0;
	s30 =	sadd.s32 $0x20, s30;
	_ =	swait.ge [sflag:s22], $0x80  }
0x47: {  	[sflag:s22] =	ssyncset.done $0x0  }
0x48: {  	[sflag:s22] =	ssyncadd.s32 $0xFFFFFF80  }
0x49: {  	_ =	swait.ge [sflag:s16], $0x4000  }
0x4a: {  	[sflag:s16] =	ssyncset.done $0x0  }
0x4b: {  	[sflag:s16] =	ssyncadd.s32 $0xFFFFC000  }
0x4c: {  	[spmem:s1] =	stream.indirect.scatter.add.f32 [tilespmem:s18], [sflag:$0x5], $0x80, s19, s17, $0xb8;
	[tilespmem:$0x1E1C0] =	vst v63  }
0x4d: {  	_ =	swait.ge [sflag:s23], $0x4000  }
0x4e: {  	[sflag:s23] =	ssyncset.done $0x0  }
0x4f: {  	s0 =	sadd.s32 s0, s12;
	[sflag:s23] =	ssyncadd.s32 $0xFFFFC000  }
0x50: {  	[tilespmem:s18], [sflag:$0x1] =	stream.indirect.gather [hbm4b:s4+s17], $0x80, s31, s17, $0xb8;
	[tilespmem:$0x1E1C0] =	vst v63  }
0x51: {  	s2 =	sadd.s32 $0x500, s0  }
0x52: {  	[tilespmem:s19], [sflag:$0x3] =	stream.linear.gather [hbm4b:s2+s3], $0x80, $0x38;
	[tilespmem:$0x1E1C0] =	vst v63  }
0x53: {  	_ =	swait.ge [sflag:s26], $0x80  }
0x54: {  	[sflag:s26] =	ssyncset.done $0x0  }
0x55: {  	[sflag:s26] =	ssyncadd.s32 $0xFFFFFF80  }
0x56: {  	_ =	swait.ge [sflag:s28], $0x4000  }
0x57: {  	[sflag:s28] =	ssyncset.done $0x0  }
0x58: {  	[sflag:s28] =	ssyncadd.s32 $0xFFFFC000  }
0x59: {  	[spmem:s1] =	stream.indirect.scatter.add.f32 [tilespmem:s20], [sflag:$0x5], $0x80, s21, s17, $0xb8;
	[tilespmem:$0x1E1C0] =	vst v63  }
.Ltmp0:
0x5a: {  	_ =	swait.ge [sflag:s23], $0x4000;
	(pc) =	sbr.rel @p2 .LBB2_2-.Ltmp0, $4  }
0x5b: {  	[sflag:s23] =	ssyncset.done $0x0  }
0x5c: {  	s2 =	sadd.s32 $0x80, s31;
	[sflag:s23] =	ssyncadd.s32 $0xFFFFC000  }
0x5d: {  	[tilespmem:s20], [sflag:$0x2] =	stream.indirect.gather [hbm4b:s4+s17], $0x80, s2, s17, $0xb8;
	[tilespmem:$0x1E1C0] =	vst v63  }
0x5e: {  	s0 =	sadd.s32 $0x510, s0;
	s31 =	sadd.s32 $0x100, s31  }
0x5f: {  	[tilespmem:s21], [sflag:$0x4] =	stream.linear.gather [hbm4b:s0+s3], $0x80, $0x38;
	[tilespmem:$0x1E1C0] =	vst v63  }
0x60: {  	_ =	swait.ge [sflag:s22], $0x80  }
0x61: {  	[sflag:s22] =	ssyncset.done $0x0  }
0x62: {  	[sflag:s22] =	ssyncadd.s32 $0xFFFFFF80  }
0x63: {  	_ =	swait.ge [sflag:s16], $0x4000  }
0x64: {  	[sflag:s16] =	ssyncset.done $0x0  }
0x65: {  	[sflag:s16] =	ssyncadd.s32 $0xFFFFC000  }
0x66: {  	[spmem:s1] =	stream.indirect.scatter.add.f32 [tilespmem:s18], [sflag:$0x5], $0x80, s19, s17, $0xb8;
	[tilespmem:$0x1E1C0] =	vst v63  }
0x67: {  	_ =	swait.ge [sflag:s23], $0x4000  }
0x68: {  	[sflag:s23] =	ssyncset.done $0x0  }
0x69: {  	[sflag:s23] =	ssyncadd.s32 $0xFFFFC000  }
0x6a: {  	_ =	swait.ge [sflag:s26], $0x80  }
0x6b: {  	[sflag:s26] =	ssyncset.done $0x0  }
0x6c: {  	[sflag:s26] =	ssyncadd.s32 $0xFFFFFF80  }
0x6d: {  	_ =	swait.ge [sflag:s28], $0x4000  }
0x6e: {  	[sflag:s28] =	ssyncset.done $0x0  }
0x6f: {  	[sflag:s28] =	ssyncadd.s32 $0xFFFFC000  }
0x70: {  	[spmem:s1] =	stream.indirect.scatter.add.f32 [tilespmem:s20], [sflag:$0x5], $0x80, s21, s17, $0xb8;
	[tilespmem:$0x1E1C0] =	vst v63  }
0x71: {  	_ =	swait.ge [sflag:s23], $0x4000  }
0x72: {  	s31 =	stileid.u32;
	[sflag:s23] =	ssyncset.done $0x0  }
0x73: {  	s0 =	sshll.u32 s31, $0x6;
	[sflag:s23] =	ssyncadd.s32 $0xFFFFC000  }
0x74: {  	s0 =	sor.u32 $0x1C05, s0;
	[bflag:$0x0] =	sbarrier.arrive $0xFFFF  }
0x75: {  	[hbm:s9], [sflag:s0] =	dma.local [spmem:s24], $0x2700  }
0x76: {  	_ =	swait.ge [sflag:s23], $0x2700  }
0x77: {  	s29 =	sadd.s32 $0x1, s29;
	[sflag:s23] =	ssyncset.done $0x0  }
0x78: {  	p2 =	sne.s32 s29, s11;
	[sflag:s23] =	ssyncadd.s32 $0xFFFFD900  }
0x79: {  	[hbm:s10], [sflag:s0] =	dma.local @!p1 [spmem:s25], $0x100  }
.Ltmp1:
0x7a: {  	_ = 	snop;
	(pc) =	sbr.rel @p2 .LBB2_1-.Ltmp1, $4  }
0x7b: {  	s0 =	simm.s32 @!p1 $0x5  }
0x7c: {  	_ =	swait.ge @!p1 [sflag:s0], $0x100  }
0x7d: {  	[sflag:s0] =	ssyncset.done @!p1 $0x0  }
0x7e: {  	[sflag:s0] =	ssyncadd.s32 @!p1 $0xFFFFFF00  }
0x7f: {  	_ =	sfence.sel $0x180000  }
0x80: {  	[bflag:$0x0] =	sbarrier.arrive $0xFFFF  }
0x81: {  	_ =	strace $0x9000004D  }
0x82: {  	[bflag:$0x2] =	sbarrier.arrive $0xFFFF  }
0x83: {  	s0 =	rddreg [dreg:$0x2]  }
0x84: {  	s0 =	sadd.s32 @!p1 $0x100000, s0  }
0x85: {  	[sflag:s0] =	ssyncadd.tile.s32 @!p1 $0x1;
	_ =	shalt  }
.Lfunc_end2:
_tile_overlayer_lowered:
.L_overlay_start_2:
0x86: {  	(tag) =	ssettag $0x2  }
0x87: {  	s0 =	rddreg [dreg:$0x0];
	s2 =	stileid.u32  }
0x88: {  	s1 =	rddreg [dreg:$0x1];
	p0 =	sne.s32 s2, $0x0  }
0x89: {  	s3 =	rddreg [dreg:$0x2];
	[bflag:$0x3] =	sbarrier.arrive $0xFFFF;
	s2 =	simm.s32 @!p0 $0x1C05  }
0x8a: {  	[timem:s3], [sflag:s2] =	dma.local @!p0 [hbm:s0], s1  }
0x8b: {  	s0 =	simm.s32 @!p0 $0x5  }
0x8c: {  	_ =	swait.ge @!p0 [sflag:s0], s1  }
0x8d: {  	s1 =	ssub.s32 @!p0 $0x0, s1;
	[sflag:s0] =	ssyncset.done @!p0 $0x0  }
0x8e: {  	[sflag:s0] =	ssyncadd.s32 @!p0 s1  }
0x8f: {  	[bflag:$0x3] =	sbarrier.arrive $0xFFFF  }
0x90: {  	_ =	shalt  }

// kernel: kernel.31.cloned.1.call-start
scs
__scs_entry_jumppad:
0x0: {  	(pc) =	sbr.rel $0x88, $3  }
0x1: {  	(tag) =	ssettag $0x0;
	lr =	simm.s32 $0x1  }
0x2: {  	[smem:$0x3F98] =	sst lr;
	_ =	strace $0xD0000000  }
0x3: {  	_ = 	snop  }
0x4: {  	_ = 	snop  }
0x5: {  	_ = 	snop  }
0x6: {  	_ = 	snop  }
0x7: {  	_ = 	snop  }
__scs_overlays_trampoline_lowered:
0x8: {  	[smem:$0x3FA7] =	sst s0  }
0x9: {  	[smem:$0x3FA8] =	sst s1  }
0xa: {  	[smem:$0x3FA9] =	sst s2  }
0xb: {  	[smem:$0x3FAA] =	sst s3  }
0xc: {  	[smem:$0x3FAB] =	sst s4  }
0xd: {  	[smem:$0x3FAC] =	sst s5  }
0xe: {  	[smem:$0x3FAD] =	sst s6  }
0xf: {  	[smem:$0x3FAE] =	sst s7  }
0x10: {  	[smem:$0x3FAF] =	sst s8  }
0x11: {  	[smem:$0x3FB0] =	sst s9;
	s0 =	simm.s32 @!p0 $0x0  }
0x12: {  	s1 =	sld [smem:$0x3F96];
	s0 =	simm.s32 @p0 $0x1  }
0x13: {  	[smem:$0x3FB1] =	sst s0;
	s0 =	simm.s32 @!p1 $0x0  }
0x14: {  	s2 =	sld [smem:$0x3F95];
	s0 =	simm.s32 @p1 $0x1  }
0x15: {  	[smem:$0x3FB2] =	sst s0;
	s0 =	simm.s32 @!p2 $0x0  }
0x16: {  	s3 =	sld [smem:$0x3FDB];
	s0 =	simm.s32 @p2 $0x1  }
0x17: {  	s4 =	simm.s32 $0x1BF5;
	[smem:$0x3FB4] =	sst s0  }
0x18: {  	s0 =	sld [smem:$0x3F97];
	_ =	swait.ge [sflag:s4], $0x0  }
0x19: {  	s7 =	sld [smem:$0x3F98]  }
0x1a: {  	s8 =	sadd.s32 $0xFFFFE003, lr  }
0x1b: {  	s9 =	sadd.s32 $0xFFFFFEF7, lr;
	s5 =	simm.s32 $0xFFFFFFFF;
	p2 =	slt.u32 s8, $0xFFFFF086  }
0x1c: {  	p1 =	slt.u32 s9, $0xF7A;
	s5 =	simm.s32 @!p2 $0x0  }
0x1d: {  	s5 =	simm.s32 @p1 $0x1;
	p0 =	seq.s32 s7, s2  }
0x1e: {  	s7 =	smul.u32 @!p0 $0xF7A, s2;
	p2 =	seq.s32 @!p0 s5, $0x0  }
0x1f: {  	s9 =	smul.u32 $0xF7A, s1;
	s8 =	simm.s32 @!p0 $0x1BF5;
	p2 =	por !p2, p0  }
0x20: {  	[sflag:s8] =	ssyncset.s32 @!p0 $0xFFFFF086;
	s6 =	sadd.s32 @!p0 s3, s7;
	s7 =	simm.s32 @!p0 $0x108  }
0x21: {  	s3 =	sadd.s32 s3, s9;
	s6 =	sadd.s32 @!p0 $0x88, s6;
	s7 =	simm.s32 @p2 $0x1082  }
0x22: {  	[simem:s7], [sflag:s8] =	dma.local @!p0 [hbm:s6], $0xF7A  }
0x23: {  	s9 =	sor.u32 $0xD0000000, s2;
	s6 =	simm.s32 $0x108;
	_ =	swait.ge @!p0 [sflag:s8], $0x0  }
0x24: {  	s3 =	sadd.s32 $0x88, s3;
	s6 =	simm.s32 @!p1 $0x1082;
	[sflag:s4] =	ssyncset.s32 $0xFFFFF086  }
0x25: {  	[simem:s6], [sflag:s4] =	dma.local [hbm:s3], $0xF7A  }
0x26: {  	[smem:$0x3F98] =	sst s1;
	(tag) =	ssettag s2;
	_ =	strace s9  }
0x27: {  	s1 =	sld [smem:$0x3FA8]  }
0x28: {  	s2 =	sld [smem:$0x3FA9]  }
0x29: {  	s4 =	sld [smem:$0x3FAB]  }
0x2a: {  	p0 =	seq.s32 s5, $0x0;
	s5 =	sld [smem:$0x3FAC]  }
0x2b: {  	s6 =	sld [smem:$0x3FAD]  }
0x2c: {  	s7 =	sld [smem:$0x3FAE]  }
0x2d: {  	s3 =	simm.s32 $0x108;
	s8 =	sld [smem:$0x3FAF]  }
0x2e: {  	s3 =	simm.s32 @!p0 $0x1082;
	s9 =	sld [smem:$0x3FB0]  }
0x2f: {  	lr =	sadd.s32 s0, s3;
	s0 =	sld [smem:$0x3FA7]  }
0x30: {  	s3 =	sld [smem:$0x3FAA]  }
0x31: {  	[smem:$0x3FB3] =	sst s10  }
0x32: {  	s10 =	sld [smem:$0x3FB1];
	_ =	sdelay $0x3  }
0x33: {  	p0 =	seq.s32 s10, $0x1;
	s10 =	sld [smem:$0x3FB3];
	_ =	sdelay $0x3  }
0x34: {  	[smem:$0x3FB3] =	sst s10  }
0x35: {  	s10 =	sld [smem:$0x3FB2];
	_ =	sdelay $0x3  }
0x36: {  	p1 =	seq.s32 s10, $0x1;
	s10 =	sld [smem:$0x3FB3];
	_ =	sdelay $0x3  }
0x37: {  	[smem:$0x3FB3] =	sst s10  }
0x38: {  	s10 =	sld [smem:$0x3FB4]  }
0x39: {  	_ = 	snop;
	(pc) =	sbr.ind lr, $3  }
0x3a: {  	_ = 	snop  }
0x3b: {  	_ = 	snop  }
0x3c: {  	p2 =	seq.s32 s10, $0x1;
	s10 =	sld [smem:$0x3FB3]  }
0x3d: {  	_ =	shalt  }
0x3e: {  	_ =	shalt  }
0x3f: {  	_ =	shalt  }
0x40: {  	_ =	shalt  }
0x41: {  	_ =	shalt  }
0x42: {  	_ =	shalt  }
0x43: {  	_ =	shalt  }
0x44: {  	_ =	shalt  }
0x45: {  	_ =	shalt  }
0x46: {  	_ =	shalt  }
0x47: {  	_ =	shalt  }
0x48: {  	_ =	shalt  }
0x49: {  	_ =	shalt  }
0x4a: {  	_ =	shalt  }
0x4b: {  	_ =	shalt  }
0x4c: {  	_ =	shalt  }
0x4d: {  	_ =	shalt  }
0x4e: {  	_ =	shalt  }
0x4f: {  	_ =	shalt  }
0x50: {  	_ =	shalt  }
0x51: {  	_ =	shalt  }
0x52: {  	_ =	shalt  }
0x53: {  	_ =	shalt  }
0x54: {  	_ =	shalt  }
0x55: {  	_ =	shalt  }
0x56: {  	_ =	shalt  }
0x57: {  	_ =	shalt  }
0x58: {  	_ =	shalt  }
0x59: {  	_ =	shalt  }
0x5a: {  	_ =	shalt  }
0x5b: {  	_ =	shalt  }
0x5c: {  	_ =	shalt  }
0x5d: {  	_ =	shalt  }
0x5e: {  	_ =	shalt  }
0x5f: {  	_ =	shalt  }
0x60: {  	_ =	shalt  }
0x61: {  	_ =	shalt  }
0x62: {  	_ =	shalt  }
0x63: {  	_ =	shalt  }
0x64: {  	_ =	shalt  }
0x65: {  	_ =	shalt  }
0x66: {  	_ =	shalt  }
0x67: {  	_ =	shalt  }
0x68: {  	_ =	shalt  }
0x69: {  	_ =	shalt  }
0x6a: {  	_ =	shalt  }
0x6b: {  	_ =	shalt  }
0x6c: {  	_ =	shalt  }
0x6d: {  	_ =	shalt  }
0x6e: {  	_ =	shalt  }
0x6f: {  	_ =	shalt  }
0x70: {  	_ =	shalt  }
0x71: {  	_ =	shalt  }
0x72: {  	_ =	shalt  }
0x73: {  	_ =	shalt  }
0x74: {  	_ =	shalt  }
0x75: {  	_ =	shalt  }
0x76: {  	_ =	shalt  }
0x77: {  	_ =	shalt  }
0x78: {  	_ =	shalt  }
0x79: {  	_ =	shalt  }
0x7a: {  	_ =	shalt  }
0x7b: {  	_ =	shalt  }
0x7c: {  	_ =	shalt  }
0x7d: {  	_ =	shalt  }
0x7e: {  	_ =	shalt  }
0x7f: {  	_ =	shalt  }
0x80: {  	_ =	shalt  }
0x81: {  	_ =	shalt  }
0x82: {  	_ =	shalt  }
0x83: {  	_ =	shalt  }
0x84: {  	_ =	shalt  }
0x85: {  	_ =	shalt  }
0x86: {  	_ =	shalt  }
0x87: {  	_ =	shalt  }
.Lfunc_end0:
.L_simem_size_0:
called_computation.3_lowered:
.L_overlay_start_0:
0x88: {  	s2 =	sld [smem:$0x3FD9]  }
0x89: {  	s3 =	sld [smem:$0x3FFE];
	_ =	sdelay $0x1  }
0x8a: {  	s1 =	srdreg.scid  }
0x8b: {  	s0 =	sand.u32 $0x1, s1  }
0x8c: {  	s16 =	sshll.u32 s0, $0xA;
	s2 =	sadd.s32 s3, s2  }
0x8d: {  	s2 =	sadd.s32 s2, s16  }
0x8e: {  	[smem:$0x3FBF] =	sst s2  }
0x8f: {  	_ = 	snop  }
0x90: {  	(tm) =	ssettm $0x1  }
0x91: {  	s17 =	sld [smem:$0x3FFB];
	_ =	sdelay $0x3  }
0x92: {  	_ =	strace s17  }
0x93: {  	s2 =	sld [smem:$0x3FFC];
	_ =	sdelay $0x3  }
0x94: {  	_ =	strace s2  }
0x95: {  	s2 =	sld [smem:$0x3FFD];
	_ =	sdelay $0x3  }
0x96: {  	_ =	strace s2  }
0x97: {  	_ =	strace $0x8FFFFFFF  }
0x98: {  	s18 =	sld [smem:$0x3FDB];
	_ =	sdelay $0x1  }
0x99: {  	s19 =	simm.s32 $_scs_section_size  }
0x9a: {  	s4 =	simm.s32 $_size__tile_overlayer_lowered;
	s5 =	simm.s32 $_tile_overlayer_lowered  }
0x9b: {  	s22 =	simm.s32 $0x1BFF;
	s21 =	sshll.u32 s5, $0x1;
	s2 =	sadd.s32 s19, s18  }
0x9c: {  	s6 =	simm.s32 $0x0;
	s20 =	sshll.u32 s4, $0x1;
	s4 =	sadd.s32 s21, s2  }
0x9d: {  	[timem:s6], [sflag:s22] =	dma.local [hbm:s4], s20  }
0x9e: {  	_ =	swait.ge [sflag:s22], s20  }
0x9f: {  	s3 =	ssub.s32 $0x0, s20;
	[sflag:s22] =	ssyncset.done $0x0  }
0xa0: {  	[sflag:s22] =	ssyncadd.s32 s3;
	_ =	sdelay $0x1  }
0xa1: {  	s23 =	simm.s32 $0x1B8B  }
0xa2: {  	_ =	swait.ge [sflag:s23], $0x1  }
0xa3: {  	[sflag:s23] =	ssyncset.done $0x0  }
0xa4: {  	s25 =	simm.s32 $0x1B8E;
	s24 =	sld [smem:$0x3FFE];
	[sflag:s23] =	ssyncadd.s32 $0xFFFFFFFF  }
0xa5: {  	s26 =	simm.s32 $execute0_lowered;
	[smem:$0x3FD2] =	sst s25  }
0xa6: {  	s4 =	sshll.u32 s26, $0x1;
	_ =	strace $0x8000004F;
	[dreg:$0x1] =	wrdreg $0xFFFFFFFF  }
0xa7: {  	s28 =	simm.s32 $_size_execute0_lowered;
	s2 =	sadd.s32 s2, s4;
	[dreg:$0x0] =	wrdreg $0x0  }
0xa8: {  	s4 =	sshll.u32 s28, $0x1;
	[dreg:$0x2] =	wrdreg s2  }
0xa9: {  	[dreg:$0x3] =	wrdreg s4  }
0xaa: {  	[dreg:$0x4] =	wrdreg $0xC0  }
0xab: {  	_ =	task [dreg:s6], $0x5FFFF  }
0xac: {  	[dreg:$0x1] =	wrdreg $0xFFFFFFFF  }
0xad: {  	[dreg:$0x0] =	wrdreg $0x60  }
0xae: {  	[dreg:$0x2] =	wrdreg s24  }
0xaf: {  	[dreg:$0x3] =	wrdreg $0xA9000  }
0xb0: {  	[dreg:$0x4] =	wrdreg $0x9  }
0xb1: {  	_ =	task.clear_ibuf [dreg:s6], $0x5FFFF;
	_ =	strace $0x9000004F  }
0xb2: {  	s29 =	simm.s32 $0x9;
	_ =	strace $0x80000051  }
0xb3: {  	_ =	swait.ge [sflag:s29], $0x1  }
0xb4: {  	[sflag:s29] =	ssyncadd.s32 $0xFFFFFFFF  }
0xb5: {  	_ =	strace $0x90000051  }
0xb6: {  	_ =	sfence  }
0xb7: {  	s30 =	sld [smem:$0x0];
	_ =	sdelay $0x2  }
0xb8: {  	s31 =	sshll.u32 s1, $0xD;
	s1 =	sshrl.u32 s1, $0x2  }
0xb9: {  	s3 =	sand.u32 $0x4000, s31;
	s1 =	sadd.s32 s1, s30  }
0xba: {  	s0 =	sor.u32 s3, s0;
	s1 =	sshll.u32 s1, $0x11  }
0xbb: {  	s0 =	sor.u32 s1, s0  }
0xbc: {  	s0 =	sadd.s32 $0x8F2B, s0  }
0xbd: {  	[sflag:s0] =	ssyncadd.remote.s32 $0x1  }
0xbe: {  	_ =	sfence.sel $0xFFFF  }
0xbf: {  	[dreg:$0x0] =	wrdreg $0xFFFFFFFF;
	(pc) =	sbr.abs _section_cstart, $3  }
0xc0: {  	[dreg:$0x1] =	wrdreg $0xFFFFFFFF  }
0xc1: {  	_ =	task.clear_ibuf [dreg:s6], $0x2FFFF;
	_ =	strace $0x9FFFFFFF  }
0xc2: {  	(tm) =	ssettm $0x7FFFFFFF  }
0xc3: {  	_ =	shalt  }
tec
execute0_lowered:
.L_overlay_start_1:
0x0: {  	(tag) =	ssettag $0x1  }
0x1: {  	s0 =	srdreg.scid;
	s6 =	rddreg [dreg:$0x0]  }
0x2: {  	s1 =	rddreg [dreg:$0x1];
	s2 =	stileid.u32;
	s3 =	simm.s32 $0x0  }
0x3: {  	s17 =	simm.s32 $0x80;
	s18 =	simm.s32 $0x2900;
	s19 =	simm.s32 $0x2800  }
0x4: {  	s20 =	simm.s32 $0x6900;
	s21 =	simm.s32 $0x2880;
	s9 =	smul.u32 $0x4F000, s2  }
0x5: {  	s28 =	simm.s32 $0x2;
	s29 =	simm.s32 $0x0;
	s11 =	smul.u32 $0x2800, s2  }
0x6: {  	s0 =	sand.u32 $0x1, s0;
	[smem:$0x7FF] =	sst s3;
	s24 =	smul.u32 $0x4E000, s2  }
0x7: {  	s12 =	sadd.s32 $0xC800, s6;
	s10 =	sadd.s32 $0x14C800, s6;
	s26 =	smul.u32 $0x2700, s2  }
0x8: {  	s16 =	sadd.s32 $0x128400, s1;
	s31 =	smul.u32 $0x500, s2;
	p0 =	seq.s32 s2, $0xF  }
0x9: {  	p1 =	sne.s32 s2, $0x0;
	s4 =	sshll.u32 s0, $0x4;
	s14 =	smul.u32 $0x27100, s0  }
0xa: {  	_ =	strace $0x80000050;
	s8 =	ssub.s32 $0x2, s0;
	s0 =	smul.u32 $0x138800, s0  }
0xb: {  	s4 =	sor.u32 s2, s4;
	s22 =	sshrl.u32 s8, $0x1;
	s23 =	sshrl.u32 s9, $0x2  }
0xc: {  	s25 =	sshrl.u32 s11, $0x3;
	s9 =	sshrl.u32 s24, $0x2;
	s5 =	smul.u32 $0x500, s4  }
0xd: {  	s4 =	sadd.s32 $0x11800, s6;
	s13 =	ssub.s32 s8, s22;
	s15 =	sadd.s32 s23, s1  }
0xe: {  	s24 =	sadd.s32 s9, s1;
	s30 =	sadd.s32 s26, s14;
	s0 =	sshrl.u32 s0, $0x3  }
0xf: {  	s22 =	simm.s32 $0x3;
	s23 =	simm.s32 $0x5;
	s26 =	simm.s32 $0x4  }
0x10: {  	s9 =	sadd.s32 s10, s30;
	s0 =	sadd.s32 s10, s0;
	s11 =	smax.u32 s13, $0x1  }
0x11: {  	s13 =	sshrl.u32 @p0 s16, $0x3;
	s15 =	sshrl.u32 @!p0 s15, $0x3;
	s16 =	simm.s32 $0x1  }
0x12: {  	s24 =	sshrl.u32 s24, $0x3;
	s7 =	sadd.s32 s5, s6;
	s5 =	sadd.s32 $0x14A000, s6  }
0x13: {  	s10 =	sadd.s32 $0x27000, s0;
	s0 =	sshll.u32 @!p0 s2, $0x6;
	s6 =	sadd.s32 $0x2800, s7  }
0x14: {  	s7 =	sadd.s32 s12, s25;
	s25 =	sadd.s32 $0x138000, s1;
	s12 =	sadd.s32 s31, s12  }
0x15: {  	s14 =	sor.u32 @!p0 $0x1C05, s0;
	s8 =	sadd.s32 $0x10, s7;
	s25 =	sshrl.u32 @!p1 s25, $0x3  }
.LBB2_1:
0x16: {  	[tilespmem:s3], [sflag:$0x1] =	stream.linear.gather [hbm4b:s6+s3], $0x2800, $0x38;
	[tilespmem:$0x1E1C0] =	vst v63  }
0x17: {  	s0 =	simm.s32 @p0 $0x1FC5  }
0x18: {  	[spmem:s13], [sflag:s0] =	dma.local @p0 [hbm:s5], $0x2100  }
0x19: {  	s0 =	simm.s32 @p0 $0x5  }
0x1a: {  	_ =	swait.ge @p0 [sflag:s0], $0x2100  }
0x1b: {  	[sflag:s0] =	ssyncset.done @p0 $0x0  }
0x1c: {  	[sflag:s0] =	ssyncadd.s32 @p0 $0xFFFFDF00;
	s0 =	simm.s32 @!p0 $0x5  }
0x1d: {  	[spmem:s15], [sflag:s14] =	dma.local @!p0 [hbm:s5], $0x2780  }
0x1e: {  	_ =	swait.ge @!p0 [sflag:s0], $0x2780  }
0x1f: {  	[sflag:s0] =	ssyncset.done @!p0 $0x0  }
0x20: {  	[sflag:s0] =	ssyncadd.s32 @!p0 $0xFFFFD880  }
0x21: {  	_ =	swait.ge [sflag:s16], $0x2800  }
0x22: {  	[sflag:s16] =	ssyncset.done $0x0  }
0x23: {  	[sflag:s16] =	ssyncadd.s32 $0xFFFFD800  }
0x24: {  	[bflag:$0x0] =	sbarrier.arrive $0xFFFF  }
0x25: {  	[tilespmem:s18], [sflag:$0x1] =	stream.indirect.gather [hbm4b:s4+s17], $0x80, s3, s17, $0xb8;
	[tilespmem:$0x1E1C0] =	vst v63  }
0x26: {  	_ = 	snop  }
0x27: {  	[tilespmem:s19], [sflag:$0x3] =	stream.linear.gather [hbm4b:s7+s3], $0x80, $0x38;
	[tilespmem:$0x1E1C0] =	vst v63  }
0x28: {  	_ = 	snop  }
0x29: {  	[tilespmem:s20], [sflag:$0x2] =	stream.indirect.gather [hbm4b:s4+s17], $0x80, s17, s17, $0xb8;
	[tilespmem:$0x1E1C0] =	vst v63  }
0x2a: {  	_ = 	snop  }
0x2b: {  	[tilespmem:s21], [sflag:$0x4] =	stream.linear.gather [hbm4b:s8+s3], $0x80, $0x38;
	[tilespmem:$0x1E1C0] =	vst v63  }
0x2c: {  	_ =	swait.ge [sflag:s22], $0x80  }
0x2d: {  	[sflag:s22] =	ssyncset.done $0x0  }
0x2e: {  	[sflag:s22] =	ssyncadd.s32 $0xFFFFFF80  }
0x2f: {  	_ =	swait.ge [sflag:s16], $0x4000  }
0x30: {  	[sflag:s16] =	ssyncset.done $0x0  }
0x31: {  	[sflag:s16] =	ssyncadd.s32 $0xFFFFC000  }
0x32: {  	[spmem:s1] =	stream.indirect.scatter.add.f32 [tilespmem:s18], [sflag:$0x5], $0x80, s19, s17, $0xb8;
	[tilespmem:$0x1E1C0] =	vst v63  }
0x33: {  	_ =	swait.ge [sflag:s23], $0x4000  }
0x34: {  	[sflag:s23] =	ssyncset.done $0x0  }
0x35: {  	s2 =	simm.s32 $0x100;
	s31 =	sadd.s32 $0xFFFFFB20, s12;
	[sflag:s23] =	ssyncadd.s32 $0xFFFFC000  }
0x36: {  	[tilespmem:s18], [sflag:$0x1] =	stream.indirect.gather [hbm4b:s4+s17], $0x80, s2, s17, $0xb8;
	[tilespmem:$0x1E1C0] =	vst v63  }
0x37: {  	s2 =	sadd.s32 $0x500, s31  }
0x38: {  	[tilespmem:s19], [sflag:$0x3] =	stream.linear.gather [hbm4b:s2+s3], $0x80, $0x38;
	[tilespmem:$0x1E1C0] =	vst v63  }
0x39: {  	_ =	swait.ge [sflag:s26], $0x80  }
0x3a: {  	[sflag:s26] =	ssyncset.done $0x0  }
0x3b: {  	[sflag:s26] =	ssyncadd.s32 $0xFFFFFF80  }
0x3c: {  	_ =	swait.ge [sflag:s28], $0x4000  }
0x3d: {  	[sflag:s28] =	ssyncset.done $0x0  }
0x3e: {  	[sflag:s28] =	ssyncadd.s32 $0xFFFFC000  }
0x3f: {  	[spmem:s1] =	stream.indirect.scatter.add.f32 [tilespmem:s20], [sflag:$0x5], $0x80, s21, s17, $0xb8;
	[tilespmem:$0x1E1C0] =	vst v63  }
0x40: {  	_ =	swait.ge [sflag:s23], $0x4000  }
0x41: {  	s30 =	simm.s32 $0xFFFFFB40;
	s0 =	sadd.s32 $0x510, s31;
	[sflag:s23] =	ssyncset.done $0x0  }
0x42: {  	s31 =	simm.s32 $0x200;
	s2 =	simm.s32 $0x180;
	[sflag:s23] =	ssyncadd.s32 $0xFFFFC000  }
0x43: {  	[tilespmem:s20], [sflag:$0x2] =	stream.indirect.gather [hbm4b:s4+s17], $0x80, s2, s17, $0xb8;
	[tilespmem:$0x1E1C0] =	vst v63  }
.LBB2_2:
0x44: {  	[tilespmem:s21], [sflag:$0x4] =	stream.linear.gather [hbm4b:s0+s3], $0x80, $0x38;
	[tilespmem:$0x1E1C0] =	vst v63  }
0x45: {  	s0 =	smov.u32 s30  }
0x46: {  	p2 =	sne.s32 s30, $0xFFFFFFE0;
	s30 =	sadd.s32 $0x20, s30;
	_ =	swait.ge [sflag:s22], $0x80  }
0x47: {  	[sflag:s22] =	ssyncset.done $0x0  }
0x48: {  	[sflag:s22] =	ssyncadd.s32 $0xFFFFFF80  }
0x49: {  	_ =	swait.ge [sflag:s16], $0x4000  }
0x4a: {  	[sflag:s16] =	ssyncset.done $0x0  }
0x4b: {  	[sflag:s16] =	ssyncadd.s32 $0xFFFFC000  }
0x4c: {  	[spmem:s1] =	stream.indirect.scatter.add.f32 [tilespmem:s18], [sflag:$0x5], $0x80, s19, s17, $0xb8;
	[tilespmem:$0x1E1C0] =	vst v63  }
0x4d: {  	_ =	swait.ge [sflag:s23], $0x4000  }
0x4e: {  	[sflag:s23] =	ssyncset.done $0x0  }
0x4f: {  	s0 =	sadd.s32 s0, s12;
	[sflag:s23] =	ssyncadd.s32 $0xFFFFC000  }
0x50: {  	[tilespmem:s18], [sflag:$0x1] =	stream.indirect.gather [hbm4b:s4+s17], $0x80, s31, s17, $0xb8;
	[tilespmem:$0x1E1C0] =	vst v63  }
0x51: {  	s2 =	sadd.s32 $0x500, s0  }
0x52: {  	[tilespmem:s19], [sflag:$0x3] =	stream.linear.gather [hbm4b:s2+s3], $0x80, $0x38;
	[tilespmem:$0x1E1C0] =	vst v63  }
0x53: {  	_ =	swait.ge [sflag:s26], $0x80  }
0x54: {  	[sflag:s26] =	ssyncset.done $0x0  }
0x55: {  	[sflag:s26] =	ssyncadd.s32 $0xFFFFFF80  }
0x56: {  	_ =	swait.ge [sflag:s28], $0x4000  }
0x57: {  	[sflag:s28] =	ssyncset.done $0x0  }
0x58: {  	[sflag:s28] =	ssyncadd.s32 $0xFFFFC000  }
0x59: {  	[spmem:s1] =	stream.indirect.scatter.add.f32 [tilespmem:s20], [sflag:$0x5], $0x80, s21, s17, $0xb8;
	[tilespmem:$0x1E1C0] =	vst v63  }
.Ltmp0:
0x5a: {  	_ =	swait.ge [sflag:s23], $0x4000;
	(pc) =	sbr.rel @p2 .LBB2_2-.Ltmp0, $4  }
0x5b: {  	[sflag:s23] =	ssyncset.done $0x0  }
0x5c: {  	s2 =	sadd.s32 $0x80, s31;
	[sflag:s23] =	ssyncadd.s32 $0xFFFFC000  }
0x5d: {  	[tilespmem:s20], [sflag:$0x2] =	stream.indirect.gather [hbm4b:s4+s17], $0x80, s2, s17, $0xb8;
	[tilespmem:$0x1E1C0] =	vst v63  }
0x5e: {  	s0 =	sadd.s32 $0x510, s0;
	s31 =	sadd.s32 $0x100, s31  }
0x5f: {  	[tilespmem:s21], [sflag:$0x4] =	stream.linear.gather [hbm4b:s0+s3], $0x80, $0x38;
	[tilespmem:$0x1E1C0] =	vst v63  }
0x60: {  	_ =	swait.ge [sflag:s22], $0x80  }
0x61: {  	[sflag:s22] =	ssyncset.done $0x0  }
0x62: {  	[sflag:s22] =	ssyncadd.s32 $0xFFFFFF80  }
0x63: {  	_ =	swait.ge [sflag:s16], $0x4000  }
0x64: {  	[sflag:s16] =	ssyncset.done $0x0  }
0x65: {  	[sflag:s16] =	ssyncadd.s32 $0xFFFFC000  }
0x66: {  	[spmem:s1] =	stream.indirect.scatter.add.f32 [tilespmem:s18], [sflag:$0x5], $0x80, s19, s17, $0xb8;
	[tilespmem:$0x1E1C0] =	vst v63  }
0x67: {  	_ =	swait.ge [sflag:s23], $0x4000  }
0x68: {  	[sflag:s23] =	ssyncset.done $0x0  }
0x69: {  	[sflag:s23] =	ssyncadd.s32 $0xFFFFC000  }
0x6a: {  	_ =	swait.ge [sflag:s26], $0x80  }
0x6b: {  	[sflag:s26] =	ssyncset.done $0x0  }
0x6c: {  	[sflag:s26] =	ssyncadd.s32 $0xFFFFFF80  }
0x6d: {  	_ =	swait.ge [sflag:s28], $0x4000  }
0x6e: {  	[sflag:s28] =	ssyncset.done $0x0  }
0x6f: {  	[sflag:s28] =	ssyncadd.s32 $0xFFFFC000  }
0x70: {  	[spmem:s1] =	stream.indirect.scatter.add.f32 [tilespmem:s20], [sflag:$0x5], $0x80, s21, s17, $0xb8;
	[tilespmem:$0x1E1C0] =	vst v63  }
0x71: {  	_ =	swait.ge [sflag:s23], $0x4000  }
0x72: {  	s31 =	stileid.u32;
	[sflag:s23] =	ssyncset.done $0x0  }
0x73: {  	s0 =	sshll.u32 s31, $0x6;
	[sflag:s23] =	ssyncadd.s32 $0xFFFFC000  }
0x74: {  	s0 =	sor.u32 $0x1C05, s0;
	[bflag:$0x0] =	sbarrier.arrive $0xFFFF  }
0x75: {  	[hbm:s9], [sflag:s0] =	dma.local [spmem:s24], $0x2700  }
0x76: {  	_ =	swait.ge [sflag:s23], $0x2700  }
0x77: {  	s29 =	sadd.s32 $0x1, s29;
	[sflag:s23] =	ssyncset.done $0x0  }
0x78: {  	p2 =	sne.s32 s29, s11;
	[sflag:s23] =	ssyncadd.s32 $0xFFFFD900  }
0x79: {  	[hbm:s10], [sflag:s0] =	dma.local @!p1 [spmem:s25], $0x100  }
.Ltmp1:
0x7a: {  	_ = 	snop;
	(pc) =	sbr.rel @p2 .LBB2_1-.Ltmp1, $4  }
0x7b: {  	s0 =	simm.s32 @!p1 $0x5  }
0x7c: {  	_ =	swait.ge @!p1 [sflag:s0], $0x100  }
0x7d: {  	[sflag:s0] =	ssyncset.done @!p1 $0x0  }
0x7e: {  	[sflag:s0] =	ssyncadd.s32 @!p1 $0xFFFFFF00  }
0x7f: {  	_ =	sfence.sel $0x180000  }
0x80: {  	[bflag:$0x0] =	sbarrier.arrive $0xFFFF  }
0x81: {  	_ =	strace $0x90000050  }
0x82: {  	[bflag:$0x2] =	sbarrier.arrive $0xFFFF  }
0x83: {  	s0 =	rddreg [dreg:$0x2]  }
0x84: {  	s0 =	sadd.s32 @!p1 $0x100000, s0  }
0x85: {  	[sflag:s0] =	ssyncadd.tile.s32 @!p1 $0x1;
	_ =	shalt  }
.Lfunc_end2:
_tile_overlayer_lowered:
.L_overlay_start_2:
0x86: {  	(tag) =	ssettag $0x2  }
0x87: {  	s0 =	rddreg [dreg:$0x0];
	s2 =	stileid.u32  }
0x88: {  	s1 =	rddreg [dreg:$0x1];
	p0 =	sne.s32 s2, $0x0  }
0x89: {  	s3 =	rddreg [dreg:$0x2];
	[bflag:$0x3] =	sbarrier.arrive $0xFFFF;
	s2 =	simm.s32 @!p0 $0x1C05  }
0x8a: {  	[timem:s3], [sflag:s2] =	dma.local @!p0 [hbm:s0], s1  }
0x8b: {  	s0 =	simm.s32 @!p0 $0x5  }
0x8c: {  	_ =	swait.ge @!p0 [sflag:s0], s1  }
0x8d: {  	s1 =	ssub.s32 @!p0 $0x0, s1;
	[sflag:s0] =	ssyncset.done @!p0 $0x0  }
0x8e: {  	[sflag:s0] =	ssyncadd.s32 @!p0 s1  }
0x8f: {  	[bflag:$0x3] =	sbarrier.arrive $0xFFFF  }
0x90: {  	_ =	shalt  }

// kernel: kernel.34.cloned.1.call-start
scs
__scs_entry_jumppad:
0x0: {  	(pc) =	sbr.rel $0x88, $3  }
0x1: {  	(tag) =	ssettag $0x0;
	lr =	simm.s32 $0x1  }
0x2: {  	[smem:$0x3F98] =	sst lr;
	_ =	strace $0xD0000000  }
0x3: {  	_ = 	snop  }
0x4: {  	_ = 	snop  }
0x5: {  	_ = 	snop  }
0x6: {  	_ = 	snop  }
0x7: {  	_ = 	snop  }
__scs_overlays_trampoline_lowered:
0x8: {  	[smem:$0x3FA7] =	sst s0  }
0x9: {  	[smem:$0x3FA8] =	sst s1  }
0xa: {  	[smem:$0x3FA9] =	sst s2  }
0xb: {  	[smem:$0x3FAA] =	sst s3  }
0xc: {  	[smem:$0x3FAB] =	sst s4  }
0xd: {  	[smem:$0x3FAC] =	sst s5  }
0xe: {  	[smem:$0x3FAD] =	sst s6  }
0xf: {  	[smem:$0x3FAE] =	sst s7  }
0x10: {  	[smem:$0x3FAF] =	sst s8  }
0x11: {  	[smem:$0x3FB0] =	sst s9;
	s0 =	simm.s32 @!p0 $0x0  }
0x12: {  	s1 =	sld [smem:$0x3F96];
	s0 =	simm.s32 @p0 $0x1  }
0x13: {  	[smem:$0x3FB1] =	sst s0;
	s0 =	simm.s32 @!p1 $0x0  }
0x14: {  	s2 =	sld [smem:$0x3F95];
	s0 =	simm.s32 @p1 $0x1  }
0x15: {  	[smem:$0x3FB2] =	sst s0;
	s0 =	simm.s32 @!p2 $0x0  }
0x16: {  	s3 =	sld [smem:$0x3FDB];
	s0 =	simm.s32 @p2 $0x1  }
0x17: {  	s4 =	simm.s32 $0x1BF5;
	[smem:$0x3FB4] =	sst s0  }
0x18: {  	s0 =	sld [smem:$0x3F97];
	_ =	swait.ge [sflag:s4], $0x0  }
0x19: {  	s7 =	sld [smem:$0x3F98]  }
0x1a: {  	s8 =	sadd.s32 $0xFFFFE003, lr  }
0x1b: {  	s9 =	sadd.s32 $0xFFFFFEF7, lr;
	s5 =	simm.s32 $0xFFFFFFFF;
	p2 =	slt.u32 s8, $0xFFFFF086  }
0x1c: {  	p1 =	slt.u32 s9, $0xF7A;
	s5 =	simm.s32 @!p2 $0x0  }
0x1d: {  	s5 =	simm.s32 @p1 $0x1;
	p0 =	seq.s32 s7, s2  }
0x1e: {  	s7 =	smul.u32 @!p0 $0xF7A, s2;
	p2 =	seq.s32 @!p0 s5, $0x0  }
0x1f: {  	s9 =	smul.u32 $0xF7A, s1;
	s8 =	simm.s32 @!p0 $0x1BF5;
	p2 =	por !p2, p0  }
0x20: {  	[sflag:s8] =	ssyncset.s32 @!p0 $0xFFFFF086;
	s6 =	sadd.s32 @!p0 s3, s7;
	s7 =	simm.s32 @!p0 $0x108  }
0x21: {  	s3 =	sadd.s32 s3, s9;
	s6 =	sadd.s32 @!p0 $0x88, s6;
	s7 =	simm.s32 @p2 $0x1082  }
0x22: {  	[simem:s7], [sflag:s8] =	dma.local @!p0 [hbm:s6], $0xF7A  }
0x23: {  	s9 =	sor.u32 $0xD0000000, s2;
	s6 =	simm.s32 $0x108;
	_ =	swait.ge @!p0 [sflag:s8], $0x0  }
0x24: {  	s3 =	sadd.s32 $0x88, s3;
	s6 =	simm.s32 @!p1 $0x1082;
	[sflag:s4] =	ssyncset.s32 $0xFFFFF086  }
0x25: {  	[simem:s6], [sflag:s4] =	dma.local [hbm:s3], $0xF7A  }
0x26: {  	[smem:$0x3F98] =	sst s1;
	(tag) =	ssettag s2;
	_ =	strace s9  }
0x27: {  	s1 =	sld [smem:$0x3FA8]  }
0x28: {  	s2 =	sld [smem:$0x3FA9]  }
0x29: {  	s4 =	sld [smem:$0x3FAB]  }
0x2a: {  	p0 =	seq.s32 s5, $0x0;
	s5 =	sld [smem:$0x3FAC]  }
0x2b: {  	s6 =	sld [smem:$0x3FAD]  }
0x2c: {  	s7 =	sld [smem:$0x3FAE]  }
0x2d: {  	s3 =	simm.s32 $0x108;
	s8 =	sld [smem:$0x3FAF]  }
0x2e: {  	s3 =	simm.s32 @!p0 $0x1082;
	s9 =	sld [smem:$0x3FB0]  }
0x2f: {  	lr =	sadd.s32 s0, s3;
	s0 =	sld [smem:$0x3FA7]  }
0x30: {  	s3 =	sld [smem:$0x3FAA]  }
0x31: {  	[smem:$0x3FB3] =	sst s10  }
0x32: {  	s10 =	sld [smem:$0x3FB1];
	_ =	sdelay $0x3  }
0x33: {  	p0 =	seq.s32 s10, $0x1;
	s10 =	sld [smem:$0x3FB3];
	_ =	sdelay $0x3  }
0x34: {  	[smem:$0x3FB3] =	sst s10  }
0x35: {  	s10 =	sld [smem:$0x3FB2];
	_ =	sdelay $0x3  }
0x36: {  	p1 =	seq.s32 s10, $0x1;
	s10 =	sld [smem:$0x3FB3];
	_ =	sdelay $0x3  }
0x37: {  	[smem:$0x3FB3] =	sst s10  }
0x38: {  	s10 =	sld [smem:$0x3FB4]  }
0x39: {  	_ = 	snop;
	(pc) =	sbr.ind lr, $3  }
0x3a: {  	_ = 	snop  }
0x3b: {  	_ = 	snop  }
0x3c: {  	p2 =	seq.s32 s10, $0x1;
	s10 =	sld [smem:$0x3FB3]  }
0x3d: {  	_ =	shalt  }
0x3e: {  	_ =	shalt  }
0x3f: {  	_ =	shalt  }
0x40: {  	_ =	shalt  }
0x41: {  	_ =	shalt  }
0x42: {  	_ =	shalt  }
0x43: {  	_ =	shalt  }
0x44: {  	_ =	shalt  }
0x45: {  	_ =	shalt  }
0x46: {  	_ =	shalt  }
0x47: {  	_ =	shalt  }
0x48: {  	_ =	shalt  }
0x49: {  	_ =	shalt  }
0x4a: {  	_ =	shalt  }
0x4b: {  	_ =	shalt  }
0x4c: {  	_ =	shalt  }
0x4d: {  	_ =	shalt  }
0x4e: {  	_ =	shalt  }
0x4f: {  	_ =	shalt  }
0x50: {  	_ =	shalt  }
0x51: {  	_ =	shalt  }
0x52: {  	_ =	shalt  }
0x53: {  	_ =	shalt  }
0x54: {  	_ =	shalt  }
0x55: {  	_ =	shalt  }
0x56: {  	_ =	shalt  }
0x57: {  	_ =	shalt  }
0x58: {  	_ =	shalt  }
0x59: {  	_ =	shalt  }
0x5a: {  	_ =	shalt  }
0x5b: {  	_ =	shalt  }
0x5c: {  	_ =	shalt  }
0x5d: {  	_ =	shalt  }
0x5e: {  	_ =	shalt  }
0x5f: {  	_ =	shalt  }
0x60: {  	_ =	shalt  }
0x61: {  	_ =	shalt  }
0x62: {  	_ =	shalt  }
0x63: {  	_ =	shalt  }
0x64: {  	_ =	shalt  }
0x65: {  	_ =	shalt  }
0x66: {  	_ =	shalt  }
0x67: {  	_ =	shalt  }
0x68: {  	_ =	shalt  }
0x69: {  	_ =	shalt  }
0x6a: {  	_ =	shalt  }
0x6b: {  	_ =	shalt  }
0x6c: {  	_ =	shalt  }
0x6d: {  	_ =	shalt  }
0x6e: {  	_ =	shalt  }
0x6f: {  	_ =	shalt  }
0x70: {  	_ =	shalt  }
0x71: {  	_ =	shalt  }
0x72: {  	_ =	shalt  }
0x73: {  	_ =	shalt  }
0x74: {  	_ =	shalt  }
0x75: {  	_ =	shalt  }
0x76: {  	_ =	shalt  }
0x77: {  	_ =	shalt  }
0x78: {  	_ =	shalt  }
0x79: {  	_ =	shalt  }
0x7a: {  	_ =	shalt  }
0x7b: {  	_ =	shalt  }
0x7c: {  	_ =	shalt  }
0x7d: {  	_ =	shalt  }
0x7e: {  	_ =	shalt  }
0x7f: {  	_ =	shalt  }
0x80: {  	_ =	shalt  }
0x81: {  	_ =	shalt  }
0x82: {  	_ =	shalt  }
0x83: {  	_ =	shalt  }
0x84: {  	_ =	shalt  }
0x85: {  	_ =	shalt  }
0x86: {  	_ =	shalt  }
0x87: {  	_ =	shalt  }
.Lfunc_end0:
.L_simem_size_0:
called_computation.4_lowered:
.L_overlay_start_0:
0x88: {  	s2 =	sld [smem:$0x3FD9]  }
0x89: {  	s3 =	sld [smem:$0x3FFE];
	_ =	sdelay $0x1  }
0x8a: {  	s1 =	srdreg.scid  }
0x8b: {  	s0 =	sand.u32 $0x1, s1  }
0x8c: {  	s17 =	sshll.u32 s0, $0xA;
	s2 =	sadd.s32 s3, s2  }
0x8d: {  	s2 =	sadd.s32 s2, s17  }
0x8e: {  	[smem:$0x3FBF] =	sst s2  }
0x8f: {  	_ = 	snop  }
0x90: {  	s2 =	sld [smem:$0x3FD0];
	(tm) =	ssettm $0x1  }
0x91: {  	s18 =	sld [smem:$0x3FFB];
	_ =	sdelay $0x3  }
0x92: {  	_ =	strace s18  }
0x93: {  	s3 =	sld [smem:$0x3FFC];
	_ =	sdelay $0x3  }
0x94: {  	_ =	strace s3  }
0x95: {  	s3 =	sld [smem:$0x3FFD];
	_ =	sdelay $0x3  }
0x96: {  	_ =	strace s3  }
0x97: {  	_ =	strace $0x8FFFFFFF  }
0x98: {  	s19 =	sld [smem:$0x3FDB];
	_ =	sdelay $0x1  }
0x99: {  	s4 =	simm.s32 $_scs_section_size  }
0x9a: {  	s5 =	simm.s32 $_size__tile_overlayer_lowered;
	s6 =	simm.s32 $_tile_overlayer_lowered  }
0x9b: {  	s22 =	simm.s32 $0x1BFF;
	s21 =	sshll.u32 s6, $0x1;
	s3 =	sadd.s32 s4, s19  }
0x9c: {  	s7 =	simm.s32 $0x0;
	s20 =	sshll.u32 s5, $0x1;
	s5 =	sadd.s32 s21, s3  }
0x9d: {  	[timem:s7], [sflag:s22] =	dma.local [hbm:s5], s20  }
0x9e: {  	_ =	swait.ge [sflag:s22], s20  }
0x9f: {  	s4 =	ssub.s32 $0x0, s20;
	[sflag:s22] =	ssyncset.done $0x0  }
0xa0: {  	[sflag:s22] =	ssyncadd.s32 s4;
	_ =	sdelay $0x1  }
0xa1: {  	s23 =	simm.s32 $0x1B8B  }
0xa2: {  	_ =	swait.ge [sflag:s23], $0x1  }
0xa3: {  	[sflag:s23] =	ssyncset.done $0x0  }
0xa4: {  	s25 =	simm.s32 $0x1B8E;
	s24 =	sld [smem:$0x3FFE];
	[sflag:s23] =	ssyncadd.s32 $0xFFFFFFFF  }
0xa5: {  	s26 =	simm.s32 $execute0_lowered;
	[smem:$0x3FD2] =	sst s25  }
0xa6: {  	s5 =	sshll.u32 s26, $0x1;
	_ =	strace $0x80000052;
	[dreg:$0x1] =	wrdreg $0xFFFFFFFF  }
0xa7: {  	s28 =	simm.s32 $_size_execute0_lowered;
	s3 =	sadd.s32 s3, s5;
	[dreg:$0x0] =	wrdreg $0x0  }
0xa8: {  	s5 =	sshll.u32 s28, $0x1;
	[dreg:$0x2] =	wrdreg s3  }
0xa9: {  	[dreg:$0x3] =	wrdreg s5  }
0xaa: {  	[dreg:$0x4] =	wrdreg $0xC0  }
0xab: {  	_ =	task [dreg:s7], $0x5FFFF  }
0xac: {  	[dreg:$0x1] =	wrdreg $0xFFFFFFFF  }
0xad: {  	[dreg:$0x0] =	wrdreg $0x60  }
0xae: {  	[dreg:$0x2] =	wrdreg s24  }
0xaf: {  	[dreg:$0x3] =	wrdreg s2  }
0xb0: {  	[dreg:$0x4] =	wrdreg $0xA9000  }
0xb1: {  	[dreg:$0x5] =	wrdreg $0x9  }
0xb2: {  	_ =	task.clear_ibuf [dreg:s7], $0x6FFFF;
	_ =	strace $0x90000052  }
0xb3: {  	s29 =	simm.s32 $0x9;
	_ =	strace $0x80000054  }
0xb4: {  	_ =	swait.ge [sflag:s29], $0x1  }
0xb5: {  	[sflag:s29] =	ssyncadd.s32 $0xFFFFFFFF  }
0xb6: {  	_ =	strace $0x90000054  }
0xb7: {  	_ =	sfence  }
0xb8: {  	s30 =	sld [smem:$0x0];
	_ =	sdelay $0x2  }
0xb9: {  	s31 =	sshll.u32 s1, $0xD;
	s1 =	sshrl.u32 s1, $0x2  }
0xba: {  	s3 =	sand.u32 $0x4000, s31;
	s1 =	sadd.s32 s1, s30  }
0xbb: {  	s0 =	sor.u32 s3, s0;
	s1 =	sshll.u32 s1, $0x11  }
0xbc: {  	s0 =	sor.u32 s1, s0  }
0xbd: {  	s0 =	sadd.s32 $0x8F2B, s0  }
0xbe: {  	[sflag:s0] =	ssyncadd.remote.s32 $0x1  }
0xbf: {  	_ =	sfence.sel $0xFFFF  }
0xc0: {  	[dreg:$0x0] =	wrdreg $0xFFFFFFFF;
	(pc) =	sbr.abs _section_cstart, $3  }
0xc1: {  	[dreg:$0x1] =	wrdreg $0xFFFFFFFF  }
0xc2: {  	_ =	task.clear_ibuf [dreg:s7], $0x2FFFF;
	_ =	strace $0x9FFFFFFF  }
0xc3: {  	(tm) =	ssettm $0x7FFFFFFF  }
tec
execute0_lowered:
.L_overlay_start_1:
0x0: {  	(tag) =	ssettag $0x1  }
0x1: {  	s5 =	rddreg [dreg:$0x0]  }
0x2: {  	s0 =	srdreg.scid;
	s10 =	rddreg [dreg:$0x1]  }
0x3: {  	s1 =	stileid.u32;
	s2 =	rddreg [dreg:$0x2]  }
0x4: {  	s17 =	simm.s32 $0x80;
	s18 =	simm.s32 $0x2900;
	s19 =	simm.s32 $0x2800  }
0x5: {  	s20 =	simm.s32 $0x6900;
	s21 =	simm.s32 $0x2880;
	s8 =	smul.u32 $0x4F000, s1  }
0x6: {  	s22 =	simm.s32 $0x3;
	s28 =	simm.s32 $0x2;
	s11 =	smul.u32 $0x2800, s1  }
0x7: {  	s29 =	simm.s32 $0x0;
	s0 =	sand.u32 $0x1, s0;
	s24 =	smul.u32 $0x4E000, s1  }
0x8: {  	s12 =	sadd.s32 $0xC800, s5;
	s14 =	sadd.s32 $0x128400, s2;
	s30 =	smul.u32 $0x2700, s1  }
0x9: {  	s31 =	smul.u32 $0x500, s1;
	p0 =	seq.s32 s1, $0xF;
	p1 =	sne.s32 s1, $0x0  }
0xa: {  	s3 =	sshll.u32 s0, $0x4;
	s7 =	ssub.s32 $0x2, s0;
	s25 =	smul.u32 $0x27100, s0  }
0xb: {  	s0 =	smul.u32 $0x138800, s0;
	s4 =	sor.u32 s1, s3;
	s3 =	simm.s32 $0x0  }
0xc: {  	s9 =	sshrl.u32 s7, $0x1;
	s23 =	sshrl.u32 s8, $0x2;
	s26 =	sshrl.u32 s11, $0x3  }
0xd: {  	s16 =	sshrl.u32 s24, $0x2;
	s6 =	smul.u32 $0x500, s4;
	[smem:$0x7FF] =	sst s3  }
0xe: {  	s4 =	sadd.s32 $0x11800, s5;
	s13 =	ssub.s32 s7, s9;
	s15 =	sadd.s32 s23, s2  }
0xf: {  	s7 =	sadd.s32 s12, s26;
	s24 =	sadd.s32 s16, s2;
	s9 =	sadd.s32 s30, s25  }
0x10: {  	s25 =	sadd.s32 $0x138000, s2;
	s0 =	sshrl.u32 s0, $0x3;
	s12 =	sadd.s32 s31, s12  }
0x11: {  	s16 =	simm.s32 $0x1;
	s23 =	simm.s32 $0x5;
	s26 =	simm.s32 $0x4  }
0x12: {  	_ =	strace $0x80000053;
	s8 =	sadd.s32 $0x10, s7;
	s9 =	sadd.s32 s10, s9  }
0x13: {  	s0 =	sadd.s32 s10, s0;
	s11 =	smax.u32 s13, $0x1;
	s13 =	sshrl.u32 @p0 s14, $0x3  }
0x14: {  	s15 =	sshrl.u32 @!p0 s15, $0x3;
	s24 =	sshrl.u32 s24, $0x3;
	s25 =	sshrl.u32 @!p1 s25, $0x3  }
0x15: {  	s6 =	sadd.s32 s6, s5;
	s10 =	sadd.s32 $0x27000, s0;
	s0 =	sshll.u32 @!p0 s1, $0x6  }
0x16: {  	s5 =	sadd.s32 $0x14A000, s5;
	s6 =	sadd.s32 $0x2800, s6;
	s14 =	sor.u32 @!p0 $0x1C05, s0  }
.LBB2_1:
0x17: {  	[tilespmem:s3], [sflag:$0x1] =	stream.linear.gather [hbm4b:s6+s3], $0x2800, $0x38;
	[tilespmem:$0x1E1C0] =	vst v63  }
0x18: {  	s0 =	simm.s32 @p0 $0x1FC5  }
0x19: {  	[spmem:s13], [sflag:s0] =	dma.local @p0 [hbm:s5], $0x2100  }
0x1a: {  	s0 =	simm.s32 @p0 $0x5  }
0x1b: {  	_ =	swait.ge @p0 [sflag:s0], $0x2100  }
0x1c: {  	[sflag:s0] =	ssyncset.done @p0 $0x0  }
0x1d: {  	[sflag:s0] =	ssyncadd.s32 @p0 $0xFFFFDF00;
	s0 =	simm.s32 @!p0 $0x5  }
0x1e: {  	[spmem:s15], [sflag:s14] =	dma.local @!p0 [hbm:s5], $0x2780  }
0x1f: {  	_ =	swait.ge @!p0 [sflag:s0], $0x2780  }
0x20: {  	[sflag:s0] =	ssyncset.done @!p0 $0x0  }
0x21: {  	[sflag:s0] =	ssyncadd.s32 @!p0 $0xFFFFD880  }
0x22: {  	_ =	swait.ge [sflag:s16], $0x2800  }
0x23: {  	[sflag:s16] =	ssyncset.done $0x0  }
0x24: {  	[sflag:s16] =	ssyncadd.s32 $0xFFFFD800  }
0x25: {  	[bflag:$0x0] =	sbarrier.arrive $0xFFFF  }
0x26: {  	[tilespmem:s18], [sflag:$0x1] =	stream.indirect.gather [hbm4b:s4+s17], $0x80, s3, s17, $0xb8;
	[tilespmem:$0x1E1C0] =	vst v63  }
0x27: {  	_ = 	snop  }
0x28: {  	[tilespmem:s19], [sflag:$0x3] =	stream.linear.gather [hbm4b:s7+s3], $0x80, $0x38;
	[tilespmem:$0x1E1C0] =	vst v63  }
0x29: {  	_ = 	snop  }
0x2a: {  	[tilespmem:s20], [sflag:$0x2] =	stream.indirect.gather [hbm4b:s4+s17], $0x80, s17, s17, $0xb8;
	[tilespmem:$0x1E1C0] =	vst v63  }
0x2b: {  	_ = 	snop  }
0x2c: {  	[tilespmem:s21], [sflag:$0x4] =	stream.linear.gather [hbm4b:s8+s3], $0x80, $0x38;
	[tilespmem:$0x1E1C0] =	vst v63  }
0x2d: {  	_ =	swait.ge [sflag:s22], $0x80  }
0x2e: {  	[sflag:s22] =	ssyncset.done $0x0  }
0x2f: {  	[sflag:s22] =	ssyncadd.s32 $0xFFFFFF80  }
0x30: {  	_ =	swait.ge [sflag:s16], $0x4000  }
0x31: {  	[sflag:s16] =	ssyncset.done $0x0  }
0x32: {  	[sflag:s16] =	ssyncadd.s32 $0xFFFFC000  }
0x33: {  	[spmem:s2] =	stream.indirect.scatter.add.f32 [tilespmem:s18], [sflag:$0x5], $0x80, s19, s17, $0xb8;
	[tilespmem:$0x1E1C0] =	vst v63  }
0x34: {  	_ =	swait.ge [sflag:s23], $0x4000  }
0x35: {  	[sflag:s23] =	ssyncset.done $0x0  }
0x36: {  	s1 =	simm.s32 $0x100;
	s31 =	sadd.s32 $0xFFFFFB20, s12;
	[sflag:s23] =	ssyncadd.s32 $0xFFFFC000  }
0x37: {  	[tilespmem:s18], [sflag:$0x1] =	stream.indirect.gather [hbm4b:s4+s17], $0x80, s1, s17, $0xb8;
	[tilespmem:$0x1E1C0] =	vst v63  }
0x38: {  	s1 =	sadd.s32 $0x500, s31  }
0x39: {  	[tilespmem:s19], [sflag:$0x3] =	stream.linear.gather [hbm4b:s1+s3], $0x80, $0x38;
	[tilespmem:$0x1E1C0] =	vst v63  }
0x3a: {  	_ =	swait.ge [sflag:s26], $0x80  }
0x3b: {  	[sflag:s26] =	ssyncset.done $0x0  }
0x3c: {  	[sflag:s26] =	ssyncadd.s32 $0xFFFFFF80  }
0x3d: {  	_ =	swait.ge [sflag:s28], $0x4000  }
0x3e: {  	[sflag:s28] =	ssyncset.done $0x0  }
0x3f: {  	[sflag:s28] =	ssyncadd.s32 $0xFFFFC000  }
0x40: {  	[spmem:s2] =	stream.indirect.scatter.add.f32 [tilespmem:s20], [sflag:$0x5], $0x80, s21, s17, $0xb8;
	[tilespmem:$0x1E1C0] =	vst v63  }
0x41: {  	_ =	swait.ge [sflag:s23], $0x4000  }
0x42: {  	s30 =	simm.s32 $0xFFFFFB40;
	s0 =	sadd.s32 $0x510, s31;
	[sflag:s23] =	ssyncset.done $0x0  }
0x43: {  	s31 =	simm.s32 $0x200;
	s1 =	simm.s32 $0x180;
	[sflag:s23] =	ssyncadd.s32 $0xFFFFC000  }
0x44: {  	[tilespmem:s20], [sflag:$0x2] =	stream.indirect.gather [hbm4b:s4+s17], $0x80, s1, s17, $0xb8;
	[tilespmem:$0x1E1C0] =	vst v63  }
.LBB2_2:
0x45: {  	[tilespmem:s21], [sflag:$0x4] =	stream.linear.gather [hbm4b:s0+s3], $0x80, $0x38;
	[tilespmem:$0x1E1C0] =	vst v63  }
0x46: {  	s0 =	smov.u32 s30  }
0x47: {  	p2 =	sne.s32 s30, $0xFFFFFFE0;
	s30 =	sadd.s32 $0x20, s30;
	_ =	swait.ge [sflag:s22], $0x80  }
0x48: {  	[sflag:s22] =	ssyncset.done $0x0  }
0x49: {  	[sflag:s22] =	ssyncadd.s32 $0xFFFFFF80  }
0x4a: {  	_ =	swait.ge [sflag:s16], $0x4000  }
0x4b: {  	[sflag:s16] =	ssyncset.done $0x0  }
0x4c: {  	[sflag:s16] =	ssyncadd.s32 $0xFFFFC000  }
0x4d: {  	[spmem:s2] =	stream.indirect.scatter.add.f32 [tilespmem:s18], [sflag:$0x5], $0x80, s19, s17, $0xb8;
	[tilespmem:$0x1E1C0] =	vst v63  }
0x4e: {  	_ =	swait.ge [sflag:s23], $0x4000  }
0x4f: {  	[sflag:s23] =	ssyncset.done $0x0  }
0x50: {  	s0 =	sadd.s32 s0, s12;
	[sflag:s23] =	ssyncadd.s32 $0xFFFFC000  }
0x51: {  	[tilespmem:s18], [sflag:$0x1] =	stream.indirect.gather [hbm4b:s4+s17], $0x80, s31, s17, $0xb8;
	[tilespmem:$0x1E1C0] =	vst v63  }
0x52: {  	s1 =	sadd.s32 $0x500, s0  }
0x53: {  	[tilespmem:s19], [sflag:$0x3] =	stream.linear.gather [hbm4b:s1+s3], $0x80, $0x38;
	[tilespmem:$0x1E1C0] =	vst v63  }
0x54: {  	_ =	swait.ge [sflag:s26], $0x80  }
0x55: {  	[sflag:s26] =	ssyncset.done $0x0  }
0x56: {  	[sflag:s26] =	ssyncadd.s32 $0xFFFFFF80  }
0x57: {  	_ =	swait.ge [sflag:s28], $0x4000  }
0x58: {  	[sflag:s28] =	ssyncset.done $0x0  }
0x59: {  	[sflag:s28] =	ssyncadd.s32 $0xFFFFC000  }
0x5a: {  	[spmem:s2] =	stream.indirect.scatter.add.f32 [tilespmem:s20], [sflag:$0x5], $0x80, s21, s17, $0xb8;
	[tilespmem:$0x1E1C0] =	vst v63  }
.Ltmp0:
0x5b: {  	_ =	swait.ge [sflag:s23], $0x4000;
	(pc) =	sbr.rel @p2 .LBB2_2-.Ltmp0, $4  }
0x5c: {  	[sflag:s23] =	ssyncset.done $0x0  }
0x5d: {  	s1 =	sadd.s32 $0x80, s31;
	[sflag:s23] =	ssyncadd.s32 $0xFFFFC000  }
0x5e: {  	[tilespmem:s20], [sflag:$0x2] =	stream.indirect.gather [hbm4b:s4+s17], $0x80, s1, s17, $0xb8;
	[tilespmem:$0x1E1C0] =	vst v63  }
0x5f: {  	s0 =	sadd.s32 $0x510, s0;
	s31 =	sadd.s32 $0x100, s31  }
0x60: {  	[tilespmem:s21], [sflag:$0x4] =	stream.linear.gather [hbm4b:s0+s3], $0x80, $0x38;
	[tilespmem:$0x1E1C0] =	vst v63  }
0x61: {  	_ =	swait.ge [sflag:s22], $0x80  }
0x62: {  	[sflag:s22] =	ssyncset.done $0x0  }
0x63: {  	[sflag:s22] =	ssyncadd.s32 $0xFFFFFF80  }
0x64: {  	_ =	swait.ge [sflag:s16], $0x4000  }
0x65: {  	[sflag:s16] =	ssyncset.done $0x0  }
0x66: {  	[sflag:s16] =	ssyncadd.s32 $0xFFFFC000  }
0x67: {  	[spmem:s2] =	stream.indirect.scatter.add.f32 [tilespmem:s18], [sflag:$0x5], $0x80, s19, s17, $0xb8;
	[tilespmem:$0x1E1C0] =	vst v63  }
0x68: {  	_ =	swait.ge [sflag:s23], $0x4000  }
0x69: {  	[sflag:s23] =	ssyncset.done $0x0  }
0x6a: {  	[sflag:s23] =	ssyncadd.s32 $0xFFFFC000  }
0x6b: {  	_ =	swait.ge [sflag:s26], $0x80  }
0x6c: {  	[sflag:s26] =	ssyncset.done $0x0  }
0x6d: {  	[sflag:s26] =	ssyncadd.s32 $0xFFFFFF80  }
0x6e: {  	_ =	swait.ge [sflag:s28], $0x4000  }
0x6f: {  	[sflag:s28] =	ssyncset.done $0x0  }
0x70: {  	[sflag:s28] =	ssyncadd.s32 $0xFFFFC000  }
0x71: {  	[spmem:s2] =	stream.indirect.scatter.add.f32 [tilespmem:s20], [sflag:$0x5], $0x80, s21, s17, $0xb8;
	[tilespmem:$0x1E1C0] =	vst v63  }
0x72: {  	_ =	swait.ge [sflag:s23], $0x4000  }
0x73: {  	s31 =	stileid.u32;
	[sflag:s23] =	ssyncset.done $0x0  }
0x74: {  	s0 =	sshll.u32 s31, $0x6;
	[sflag:s23] =	ssyncadd.s32 $0xFFFFC000  }
0x75: {  	s0 =	sor.u32 $0x1C05, s0;
	[bflag:$0x0] =	sbarrier.arrive $0xFFFF  }
0x76: {  	[hbm:s9], [sflag:s0] =	dma.local [spmem:s24], $0x2700  }
0x77: {  	_ =	swait.ge [sflag:s23], $0x2700  }
0x78: {  	s29 =	sadd.s32 $0x1, s29;
	[sflag:s23] =	ssyncset.done $0x0  }
0x79: {  	p2 =	sne.s32 s29, s11;
	[sflag:s23] =	ssyncadd.s32 $0xFFFFD900  }
0x7a: {  	[hbm:s10], [sflag:s0] =	dma.local @!p1 [spmem:s25], $0x100  }
.Ltmp1:
0x7b: {  	_ = 	snop;
	(pc) =	sbr.rel @p2 .LBB2_1-.Ltmp1, $4  }
0x7c: {  	s0 =	simm.s32 @!p1 $0x5  }
0x7d: {  	_ =	swait.ge @!p1 [sflag:s0], $0x100  }
0x7e: {  	[sflag:s0] =	ssyncset.done @!p1 $0x0  }
0x7f: {  	[sflag:s0] =	ssyncadd.s32 @!p1 $0xFFFFFF00  }
0x80: {  	_ =	sfence.sel $0x180000  }
0x81: {  	[bflag:$0x0] =	sbarrier.arrive $0xFFFF  }
0x82: {  	_ =	strace $0x90000053  }
0x83: {  	[bflag:$0x2] =	sbarrier.arrive $0xFFFF  }
0x84: {  	s0 =	rddreg [dreg:$0x3]  }
0x85: {  	s0 =	sadd.s32 @!p1 $0x100000, s0  }
0x86: {  	[sflag:s0] =	ssyncadd.tile.s32 @!p1 $0x1;
	_ =	shalt  }
.Lfunc_end2:
_tile_overlayer_lowered:
.L_overlay_start_2:
0x87: {  	(tag) =	ssettag $0x2  }
0x88: {  	s0 =	rddreg [dreg:$0x0];
	s2 =	stileid.u32  }
0x89: {  	s1 =	rddreg [dreg:$0x1];
	p0 =	sne.s32 s2, $0x0  }
0x8a: {  	s3 =	rddreg [dreg:$0x2];
	[bflag:$0x3] =	sbarrier.arrive $0xFFFF;
	s2 =	simm.s32 @!p0 $0x1C05  }
0x8b: {  	[timem:s3], [sflag:s2] =	dma.local @!p0 [hbm:s0], s1  }
0x8c: {  	s0 =	simm.s32 @!p0 $0x5  }
0x8d: {  	_ =	swait.ge @!p0 [sflag:s0], s1  }
0x8e: {  	s1 =	ssub.s32 @!p0 $0x0, s1;
	[sflag:s0] =	ssyncset.done @!p0 $0x0  }
0x8f: {  	[sflag:s0] =	ssyncadd.s32 @!p0 s1  }
0x90: {  	[bflag:$0x3] =	sbarrier.arrive $0xFFFF  }
0x91: {  	_ =	shalt  }

</sc_bundles>
